<compile_context>
chip_gen: v7x
topology: tpu7x:2x2x1
jax: 0.10.2.dev20260603
libtpu: 0.0.44.dev20260713+nightly
codegen_flags: <defaults>
</compile_context>

<pallas_src>
import jax
import jax.numpy as jnp
from jax import lax
from jax.experimental import pallas as pl
from jax.experimental.pallas import tpu as pltpu
from jax.experimental.pallas import tpu_sc as plsc

N_AGENTS = 10000
N_ROWS = 10240
EMB = 128
FEAT = 16
POS = 2
ORIG = 18
MAXOBJ = 16
HSLOT = 8
E_OA = 160000
E_AA = 160000
THRES = 0.02
NEG = -1e9

NC, NS = 2, 16
QW = HSLOT * EMB

K1 = 128
EPS1 = 10240
E_PAD1 = EPS1 * NS
HR = N_ROWS // NC
ACC1 = 5184
ZCH1 = 54
RPTZ1 = ACC1 // NS
RPTC1 = HR // NS
K2 = 32
EPS2 = 10048
E_PAD2 = EPS2 * NS
MROWS = 10112

ZCH = 8
RPT = MROWS // NS



def _prep_obj_body(x_ref, p_ref, w1f_ref, w1p_ref, b1_ref, u_ref):
    u_ref[...] = (jnp.dot(x_ref[...], w1f_ref[...],
                          preferred_element_type=jnp.float32)
                  + jnp.dot(p_ref[...], w1p_ref[...],
                            preferred_element_type=jnp.float32)
                  + b1_ref[...])


def _prep_agent_body(ap_ref, w1p_ref, wm1p_ref, v_ref, v2_ref):
    ap = ap_ref[...]
    v_ref[...] = jnp.dot(ap, w1p_ref[...], preferred_element_type=jnp.float32)
    v2_ref[...] = jnp.dot(ap, wm1p_ref[...], preferred_element_type=jnp.float32)


def _prep_w_body(wd3_ref, wm1_ref, bd2_ref, bm1_ref, wq_ref, bq_ref):
    wm1 = wm1_ref[...]
    for s in range(MAXOBJ):
        wq_ref[:, s, :] = jnp.dot(wd3_ref[:, s, :], wm1,
                                  preferred_element_type=jnp.float32)
    bq_ref[...] = jnp.dot(bd2_ref[...], wm1,
                          preferred_element_type=jnp.float32) + bm1_ref[...]


def _stage_b_body(part_ref, v2_ref, w2_ref, b2_ref, wdpx_ref, bdpx_ref,
                  wdpy_ref, bdpy_ref, wq_ref, bq_ref, q_ref):
    a = part_ref.shape[0]
    pooled = part_ref[...]
    enc = jnp.dot(pooled, w2_ref[...],
                  preferred_element_type=jnp.float32) + b2_ref[...]
    p0x = jnp.dot(enc, wdpx_ref[...],
                  preferred_element_type=jnp.float32) + bdpx_ref[...]
    p0y = jnp.dot(enc, wdpy_ref[...],
                  preferred_element_type=jnp.float32) + bdpy_ref[...]
    t2 = THRES * THRES
    v2t = v2_ref[...]
    for s in range(MAXOBJ):
        qs = (jnp.dot(enc, wq_ref[:, s, :],
                      preferred_element_type=jnp.float32)
              + bq_ref[s:s + 1, :] + v2t)
        if s > 0:
            dxj = p0x[:, :s] - p0x[:, s:s + 1]
            dyj = p0y[:, :s] - p0y[:, s:s + 1]
            near = jnp.maximum(jnp.sign(t2 - (dxj * dxj + dyj * dyj)), 0.0)
            cnt = jnp.sum(near, axis=1, keepdims=True)
            m = jnp.maximum(jnp.sign(0.5 - cnt), 0.0)
            qs = qs * m + (1.0 - m) * NEG
        q_ref[:, s // HSLOT, s % HSLOT, :] = qs


def _stage_d_body(part_ref, wm2_ref, bm2_ref, wfd_ref, bfd_ref,
                  dec_ref, batch_ref):
    a = part_ref.shape[1]
    pooled2 = part_ref[0] + part_ref[1]
    merged = jnp.dot(pooled2, wm2_ref[...],
                     preferred_element_type=jnp.float32) + bm2_ref[...]
    dec_ref[...] = jnp.dot(merged, wfd_ref[...],
                           preferred_element_type=jnp.float32) + bfd_ref[...]
    batch_ref[...] = (lax.broadcasted_iota(jnp.int32, (a, MAXOBJ), 0)
                      + pl.program_id(0) * a)



def _zero_acc(sid, zbuf, acc, width, chunk, rows_per_sub):
    def zrow(r, carry):
        for k in range(width // 16):
            zbuf[r, pl.ds(k * 16, 16)] = jnp.zeros((16,), jnp.float32)
        return carry

    lax.fori_loop(0, chunk, zrow, 0)

    def zcp(t, carry):
        pltpu.sync_copy(zbuf, acc.at[pl.ds(sid * rows_per_sub + t * chunk,
                                           chunk)])
        return carry

    lax.fori_loop(0, rows_per_sub // chunk, zcp, 0)


def _encode_sc_body(u_hbm, v_hbm, src_hbm, dst_hbm, out_hbm,
                    idxs, idxd, buf_u, buf_v, zbuf, acc,
                    sem_u, sem_v):
    cid = lax.axis_index("c")
    sid = lax.axis_index("s")
    lo = cid * HR

    _zero_acc(sid, zbuf, acc, EMB, ZCH1, RPTZ1)
    plsc.subcore_barrier()

    def chunk(t, carry):
        base = pl.multiple_of(sid * EPS1 + t * K1, K1)
        pltpu.sync_copy(src_hbm.at[pl.ds(base, K1)], idxs)
        pltpu.sync_copy(dst_hbm.at[pl.ds(base, K1)], idxd)
        cp1 = pltpu.async_copy(u_hbm.at[idxs], buf_u, sem_u)
        cp2 = pltpu.async_copy(v_hbm.at[idxd], buf_v, sem_v)
        cp1.wait()
        cp2.wait()

        def edge(r, c2):
            for k in range(EMB // 16):
                sl = pl.ds(k * 16, 16)
                buf_u[r, sl] = jnp.maximum(buf_u[r, sl] - buf_v[r, sl], 0.0)
            return c2

        lax.fori_loop(0, K1, edge, 0)
        for k in range(K1 // 16):
            sl = pl.ds(k * 16, 16)
            d = idxd[sl] - lo
            ok = (d >= 0) & (d < HR)
            idxd[sl] = jnp.where(ok, d, HR)
        pltpu.sync_copy(buf_u, acc.at[idxd], add=True)
        return carry

    lax.fori_loop(0, EPS1 // K1, chunk, 0)
    plsc.subcore_barrier()
    pltpu.sync_copy(acc.at[pl.ds(sid * RPTC1, RPTC1)],
                    out_hbm.at[pl.ds(cid * HR + sid * RPTC1, RPTC1)])


def _merge_sc_body(q_hbm, v2_hbm, src_hbm, dst_hbm, out_hbm,
                   idxs, idxd, idx2s, buf_q, buf_v, buf_h, zbuf, acc,
                   sem_q, sem_v):
    cid = lax.axis_index("c")
    sid = lax.axis_index("s")

    _zero_acc(sid, zbuf, acc, EMB, ZCH, RPT)
    plsc.subcore_barrier()

    def chunk(t, carry):
        base = pl.multiple_of(sid * EPS2 + t * K2, K2)
        pltpu.sync_copy(src_hbm.at[pl.ds(base, K2)], idxs)
        pltpu.sync_copy(dst_hbm.at[pl.ds(base, K2)], idxd)
        for k in range(K2 // 16):
            sl = pl.ds(k * 16, 16)
            idx2s[sl] = idxs[sl] * 2 + cid
        cp1 = pltpu.async_copy(q_hbm.at[idx2s], buf_q, sem_q)
        cp2 = pltpu.async_copy(v2_hbm.at[idxd], buf_v, sem_v)
        cp1.wait()
        cp2.wait()

        def edge(r, c2):
            vv = [buf_v[r, pl.ds(k * 16, 16)] for k in range(EMB // 16)]
            hh = [jnp.zeros((16,), jnp.float32) for _ in range(EMB // 16)]
            for s in range(HSLOT):
                for k in range(EMB // 16):
                    q = buf_q[r, pl.ds(s * EMB + k * 16, 16)]
                    hh[k] = hh[k] + jnp.maximum(q, vv[k])
            for k in range(EMB // 16):
                buf_h[r, pl.ds(k * 16, 16)] = hh[k] - float(HSLOT) * vv[k]
            return c2

        lax.fori_loop(0, K2, edge, 0)
        pltpu.sync_copy(buf_h, acc.at[idxd], add=True)
        return carry

    lax.fori_loop(0, EPS2 // K2, chunk, 0)
    plsc.subcore_barrier()
    pltpu.sync_copy(acc.at[pl.ds(sid * RPT, RPT)],
                    out_hbm.at[cid, pl.ds(sid * RPT, RPT)])



def _full(shape):
    return pl.BlockSpec(shape, lambda i: tuple(0 for _ in shape))


def kernel(obj_x, obj_pos, agent_pos, obj_agent_edge_index, agent_edge_index,
           W1, b1, W2, b2, Wd, bd, Wm1, bm1, Wm2, bm2, Wfd, bfd):
    n_obj = obj_x.shape[0]
    f32 = jnp.float32

    W1f, W1p = W1[:FEAT], W1[FEAT:]
    Wm1p = Wm1[FEAT:]
    Wd3 = Wd.reshape(EMB, MAXOBJ, ORIG)
    bd2 = bd.reshape(MAXOBJ, ORIG)
    Wdpx, Wdpy = Wd3[:, :, FEAT], Wd3[:, :, FEAT + 1]
    bdpx = bd2[:, FEAT].reshape(1, MAXOBJ)
    bdpy = bd2[:, FEAT + 1].reshape(1, MAXOBJ)
    b1r = b1.reshape(1, EMB)
    b2r = b2.reshape(1, EMB)
    bm1r = bm1.reshape(1, EMB)
    bm2r = bm2.reshape(1, EMB)
    bfdr = bfd.reshape(1, MAXOBJ * ORIG)
    ap_pad = jnp.pad(agent_pos, ((0, N_ROWS - N_AGENTS), (0, 0)))

    oa = obj_agent_edge_index.astype(jnp.int32)
    aa = agent_edge_index.astype(jnp.int32)
    pad1 = E_PAD1 - E_OA
    src1 = jnp.concatenate([oa[1], jnp.zeros((pad1,), jnp.int32)])
    dst1 = jnp.concatenate([oa[0], jnp.full((pad1,), N_AGENTS, jnp.int32)])
    pad2 = E_PAD2 - E_AA
    src2 = jnp.concatenate([aa[0], jnp.zeros((pad2,), jnp.int32)])
    dst2 = jnp.concatenate([aa[1], jnp.full((pad2,), N_AGENTS, jnp.int32)])

    a_obj = 400
    u = pl.pallas_call(
        _prep_obj_body,
        grid=(n_obj // a_obj,),
        in_specs=[pl.BlockSpec((a_obj, FEAT), lambda i: (i, 0)),
                  pl.BlockSpec((a_obj, POS), lambda i: (i, 0)),
                  _full((FEAT, EMB)), _full((POS, EMB)), _full((1, EMB))],
        out_specs=pl.BlockSpec((a_obj, EMB), lambda i: (i, 0)),
        out_shape=jax.ShapeDtypeStruct((n_obj, EMB), f32),
    )(obj_x, obj_pos, W1f, W1p, b1r)

    a_ag = 512
    v, v2 = pl.pallas_call(
        _prep_agent_body,
        grid=(N_ROWS // a_ag,),
        in_specs=[pl.BlockSpec((a_ag, POS), lambda i: (i, 0)),
                  _full((POS, EMB)), _full((POS, EMB))],
        out_specs=[pl.BlockSpec((a_ag, EMB), lambda i: (i, 0)),
                   pl.BlockSpec((a_ag, EMB), lambda i: (i, 0))],
        out_shape=[jax.ShapeDtypeStruct((N_ROWS, EMB), f32),
                   jax.ShapeDtypeStruct((N_ROWS, EMB), f32)],
    )(ap_pad, W1p, Wm1p)

    Wq, bq = pl.pallas_call(
        _prep_w_body,
        out_shape=[jax.ShapeDtypeStruct((EMB, MAXOBJ, EMB), f32),
                   jax.ShapeDtypeStruct((MAXOBJ, EMB), f32)],
    )(Wd3, Wm1, bd2, bm1r)

    mesh = plsc.VectorSubcoreMesh(core_axis_name="c", subcore_axis_name="s",
                                  num_cores=NC, num_subcores=NS)
    pooled = pl.kernel(
        _encode_sc_body,
        out_type=jax.ShapeDtypeStruct((N_ROWS, EMB), f32),
        mesh=mesh,
        scratch_types=[
            pltpu.VMEM((K1,), jnp.int32),
            pltpu.VMEM((K1,), jnp.int32),
            pltpu.VMEM((K1, EMB), f32),
            pltpu.VMEM((K1, EMB), f32),
            pltpu.VMEM((ZCH1, EMB), f32),
            pltpu.VMEM_SHARED((ACC1, EMB), f32),
            pltpu.SemaphoreType.DMA,
            pltpu.SemaphoreType.DMA,
        ],
    )(u, v, src1, dst1)

    a_b = 400
    q4 = pl.pallas_call(
        _stage_b_body,
        grid=(N_AGENTS // a_b,),
        in_specs=[pl.BlockSpec((a_b, EMB), lambda i: (i, 0)),
                  pl.BlockSpec((a_b, EMB), lambda i: (i, 0)),
                  _full((EMB, EMB)), _full((1, EMB)),
                  _full((EMB, MAXOBJ)), _full((1, MAXOBJ)),
                  _full((EMB, MAXOBJ)), _full((1, MAXOBJ)),
                  _full((EMB, MAXOBJ, EMB)), _full((MAXOBJ, EMB))],
        out_specs=pl.BlockSpec((a_b, NC, HSLOT, EMB), lambda i: (i, 0, 0, 0)),
        out_shape=jax.ShapeDtypeStruct((N_AGENTS, NC, HSLOT, EMB),
                                       jnp.float32),
    )(pooled, v2, W2, b2r, Wdpx, bdpx, Wdpy, bdpy, Wq, bq)
    q2 = q4.reshape(N_AGENTS * NC, QW)

    part2 = pl.kernel(
        _merge_sc_body,
        out_type=jax.ShapeDtypeStruct((NC, MROWS, EMB), f32),
        mesh=mesh,
        scratch_types=[
            pltpu.VMEM((K2,), jnp.int32),
            pltpu.VMEM((K2,), jnp.int32),
            pltpu.VMEM((K2,), jnp.int32),
            pltpu.VMEM((K2, QW), jnp.float32),
            pltpu.VMEM((K2, EMB), f32),
            pltpu.VMEM((K2, EMB), f32),
            pltpu.VMEM((ZCH, EMB), f32),
            pltpu.VMEM_SHARED((MROWS, EMB), f32),
            pltpu.SemaphoreType.DMA,
            pltpu.SemaphoreType.DMA,
        ],
    )(q2, v2, src2, dst2)
    part2 = part2[:, :N_AGENTS]

    a_d = 400
    dec, batch2 = pl.pallas_call(
        _stage_d_body,
        grid=(N_AGENTS // a_d,),
        in_specs=[pl.BlockSpec((NC, a_d, EMB), lambda i: (0, i, 0)),
                  _full((EMB, EMB)), _full((1, EMB)),
                  _full((EMB, MAXOBJ * ORIG)), _full((1, MAXOBJ * ORIG))],
        out_specs=[pl.BlockSpec((a_d, MAXOBJ * ORIG), lambda i: (i, 0)),
                   pl.BlockSpec((a_d, MAXOBJ), lambda i: (i, 0))],
        out_shape=[jax.ShapeDtypeStruct((N_AGENTS, MAXOBJ * ORIG), f32),
                   jax.ShapeDtypeStruct((N_AGENTS, MAXOBJ), jnp.int32)],
    )(part2, Wm2, bm2r, Wfd, bfdr)

    decoded = dec.reshape(N_AGENTS * MAXOBJ, ORIG)
    batch = batch2.reshape(N_AGENTS * MAXOBJ)
    return decoded, batch

# --- scband reference (transcript-rebuilt; emitter-appended) ---
"""Pipeline reference for scband-fusion-model-34041910788395 (READ-ONLY COPY).

The authoritative reference and input builder live on the scoring server;
editing this copy changes nothing except your own understanding.
"""

import jax, jax.numpy as jnp
import numpy as np


def setup_inputs(seed: int = 0):
    key = jax.random.key(seed)
    ks = jax.random.split(key, 12)
    n_obj, n_agents, E_oa, E_aa = 50000, 10000, 160000, 160000
    input_dim, emb, max_obj, pos_dim = 16, 128, 16, 2
    orig = input_dim + pos_dim
    s = 0.05
    inp = {}
    inp['obj_x'] = jax.random.normal(ks[0], (n_obj, input_dim), jnp.float32)
    inp['obj_pos'] = jax.random.uniform(ks[1], (n_obj, pos_dim), dtype=jnp.float32)
    inp['agent_pos'] = jax.random.uniform(ks[2], (n_agents, pos_dim), dtype=jnp.float32)
    inp['obj_agent_edge_index'] = jax.random.randint(ks[3], (2, E_oa), 0, n_agents)
    inp['agent_edge_index'] = jax.random.randint(ks[4], (2, E_aa), 0, n_agents)
    inp['W1'] = jax.random.normal(ks[5], (orig, emb), jnp.float32) * s
    inp['b1'] = jnp.zeros((emb,), jnp.float32)
    inp['W2'] = jax.random.normal(ks[6], (emb, emb), jnp.float32) * s
    inp['b2'] = jnp.zeros((emb,), jnp.float32)
    inp['Wd'] = jax.random.normal(ks[7], (emb, max_obj * orig), jnp.float32) * s
    inp['bd'] = jnp.zeros((max_obj * orig,), jnp.float32)
    inp['Wm1'] = jax.random.normal(ks[8], (orig, emb), jnp.float32) * s
    inp['bm1'] = jnp.zeros((emb,), jnp.float32)
    inp['Wm2'] = jax.random.normal(ks[9], (emb, emb), jnp.float32) * s
    inp['bm2'] = jnp.zeros((emb,), jnp.float32)
    inp['Wfd'] = jax.random.normal(ks[10], (emb, max_obj * orig), jnp.float32) * s
    inp['bfd'] = jnp.zeros((max_obj * orig,), jnp.float32)
    return inp


def _forward(obj_x, obj_pos, agent_pos, obj_agent_edge_index, agent_edge_index,
             W1, b1, W2, b2, Wd, bd, Wm1, bm1, Wm2, bm2, Wfd, bfd):
    max_obj = 16
    pos_dim = 2
    thres = 0.02
    n_agents = agent_pos.shape[0]
    orig = obj_x.shape[1] + pos_dim
    # --- EncodeGNN: edge_index.flip(0) => src=objects (orig row1), dst=agents (orig row0)
    src_o = obj_agent_edge_index[1]
    dst_a = obj_agent_edge_index[0]
    pos_rel = obj_pos[src_o] - agent_pos[dst_a]  # position='rel'
    msg = jnp.concatenate([obj_x[src_o], pos_rel], axis=-1)
    h = jax.nn.relu(msg @ W1 + b1)
    pooled = jax.ops.segment_sum(h, dst_a, num_segments=n_agents)
    enc = pooled @ W2 + b2
    # --- MergeGNN (1 layer): decode source agent embedding into max_obj slots per edge
    src = agent_edge_index[0]
    dst = agent_edge_index[1]
    slots = (enc[src] @ Wd + bd).reshape(-1, max_obj, orig)
    relp = (agent_pos[src] - agent_pos[dst])[:, None, :]
    slots = jnp.concatenate([slots[..., :-pos_dim], slots[..., -pos_dim:] + relp], axis=-1)
    # filter_duplicates (pos_only): pairwise distance, mask later duplicates (triu)
    p = slots[..., -pos_dim:]
    disp = jnp.linalg.norm(p[:, :, None, :] - p[:, None, :, :], axis=-1)
    dup = jnp.triu((disp < thres).astype(jnp.int32), k=1)
    mask = (jnp.sum(dup, axis=1) == 0).astype(slots.dtype)
    flat = slots.reshape(-1, orig)
    mflat = mask.reshape(-1)
    idx = jnp.repeat(dst, max_obj)
    h2 = jax.nn.relu(flat @ Wm1 + bm1) * mflat[:, None]
    pooled2 = jax.ops.segment_sum(h2, idx, num_segments=n_agents)
    merged = pooled2 @ Wm2 + bm2
    # --- final decoder: max_obj slots per agent
    decoded = (merged @ Wfd + bfd).reshape(n_agents * max_obj, orig)
    batch = jnp.repeat(jnp.arange(n_agents), max_obj)
    return decoded, batch


def reference(obj_x, obj_pos, agent_pos, obj_agent_edge_index, agent_edge_index,
              W1, b1, W2, b2, Wd, bd, Wm1, bm1, Wm2, bm2, Wfd, bfd):
    return _forward(obj_x, obj_pos, agent_pos,
                    obj_agent_edge_index, agent_edge_index,
                    W1, b1, W2, b2, Wd, bd,
                    Wm1, bm1, Wm2, bm2, Wfd, bfd)

if __name__ == "__main__":
    import jax
    _d = setup_inputs()
    print(jax.jit(kernel)(*tuple(_d.values())))

</pallas_src>

<mosaic_0001>
#map = affine_map<(d0, d1) -> (0, 0)>
#map1 = affine_map<(d0, d1) -> (0)>
module attributes {stable_mosaic.version = 14 : i64} {
  func.func @_encode_sc_body(%arg0: i32, %arg1: i32, %arg2: memref<50000x128xf32, #tpu.memory_space<hbm>>, %arg3: memref<10240x128xf32, #tpu.memory_space<hbm>>, %arg4: memref<163840xi32, #tpu.memory_space<hbm>>, %arg5: memref<163840xi32, #tpu.memory_space<hbm>>, %arg6: memref<10240x128xf32, #tpu.memory_space<hbm>>, %arg7: memref<128xi32, #tpu.memory_space<vmem>>, %arg8: memref<128xi32, #tpu.memory_space<vmem>>, %arg9: memref<128x128xf32, #tpu.memory_space<vmem>>, %arg10: memref<128x128xf32, #tpu.memory_space<vmem>>, %arg11: memref<54x128xf32, #tpu.memory_space<vmem>>, %arg12: memref<5184x128xf32, #tpu.memory_space<vmem_shared>>, %arg13: memref<!tpu.dma_semaphore, #tpu.memory_space<semaphore_mem>>, %arg14: memref<!tpu.dma_semaphore, #tpu.memory_space<semaphore_mem>>) attributes {dimension_semantics = [#tpu.dimension_semantics<core_parallel>, #tpu.dimension_semantics<subcore_parallel>], iteration_bounds = array<i64: 2, 16>, scalar_prefetch = 0 : i64, scratch_operands = 8 : i64, tpu.core_type = #tpu.core_type<sc_vector_subcore>, window_params = [{transform_indices = #map}, {transform_indices = #map}, {transform_indices = #map1}, {transform_indices = #map1}, {transform_indices = #map}]} {
    %mul3A = arith.constant 5120 : i32
    %mul3A_0 = arith.muli %arg0, %mul3A : i32
    %scan3A = arith.constant 0 : i32
    %scan3A_1 = arith.constant 0 : i32
    %scan3A_2 = arith.constant 54 : i32
    %scan3A_3 = arith.addi %scan3A_1, %scan3A_2 : i32
    %scan3A_4 = arith.constant 1 : i32
    scf.for %scan3A_25 = %scan3A_1 to %scan3A_3 step %scan3A_4  : i32 {
      %broadcast_in_dim3A = arith.constant 0.000000e+00 : f32
      %broadcast_in_dim3A_26 = vector.broadcast %broadcast_in_dim3A : f32 to vector<16xf32>
      %swap3A = arith.index_cast %scan3A_25 : i32 to index
      %swap3A_27 = arith.constant 0 : index
      %swap3A_28 = tpu.vector_load %arg11[%swap3A, %swap3A_27] {strides = array<i32>} : memref<54x128xf32, #tpu.memory_space<vmem>>, vector<1x16xf32>,
      %swap3A_29 = vector.shape_cast %swap3A_28 : vector<1x16xf32> to vector<16xf32>
      %swap3A_30 = vector.shape_cast %broadcast_in_dim3A_26 : vector<16xf32> to vector<1x16xf32>
      tpu.vector_store %arg11[%swap3A, %swap3A_27], %swap3A_30 {strides = array<i32>} : memref<54x128xf32, #tpu.memory_space<vmem>>, vector<1x16xf32>,
      %broadcast_in_dim3A_31 = arith.constant 0.000000e+00 : f32
      %broadcast_in_dim3A_32 = vector.broadcast %broadcast_in_dim3A_31 : f32 to vector<16xf32>
      %swap3A_33 = arith.index_cast %scan3A_25 : i32 to index
      %swap3A_34 = arith.constant 16 : index
      %swap3A_35 = tpu.vector_load %arg11[%swap3A_33, %swap3A_34] {strides = array<i32>} : memref<54x128xf32, #tpu.memory_space<vmem>>, vector<1x16xf32>,
      %swap3A_36 = vector.shape_cast %swap3A_35 : vector<1x16xf32> to vector<16xf32>
      %swap3A_37 = vector.shape_cast %broadcast_in_dim3A_32 : vector<16xf32> to vector<1x16xf32>
      tpu.vector_store %arg11[%swap3A_33, %swap3A_34], %swap3A_37 {strides = array<i32>} : memref<54x128xf32, #tpu.memory_space<vmem>>, vector<1x16xf32>,
      %broadcast_in_dim3A_38 = arith.constant 0.000000e+00 : f32
      %broadcast_in_dim3A_39 = vector.broadcast %broadcast_in_dim3A_38 : f32 to vector<16xf32>
      %swap3A_40 = arith.index_cast %scan3A_25 : i32 to index
      %swap3A_41 = arith.constant 32 : index
      %swap3A_42 = tpu.vector_load %arg11[%swap3A_40, %swap3A_41] {strides = array<i32>} : memref<54x128xf32, #tpu.memory_space<vmem>>, vector<1x16xf32>,
      %swap3A_43 = vector.shape_cast %swap3A_42 : vector<1x16xf32> to vector<16xf32>
      %swap3A_44 = vector.shape_cast %broadcast_in_dim3A_39 : vector<16xf32> to vector<1x16xf32>
      tpu.vector_store %arg11[%swap3A_40, %swap3A_41], %swap3A_44 {strides = array<i32>} : memref<54x128xf32, #tpu.memory_space<vmem>>, vector<1x16xf32>,
      %broadcast_in_dim3A_45 = arith.constant 0.000000e+00 : f32
      %broadcast_in_dim3A_46 = vector.broadcast %broadcast_in_dim3A_45 : f32 to vector<16xf32>
      %swap3A_47 = arith.index_cast %scan3A_25 : i32 to index
      %swap3A_48 = arith.constant 48 : index
      %swap3A_49 = tpu.vector_load %arg11[%swap3A_47, %swap3A_48] {strides = array<i32>} : memref<54x128xf32, #tpu.memory_space<vmem>>, vector<1x16xf32>,
      %swap3A_50 = vector.shape_cast %swap3A_49 : vector<1x16xf32> to vector<16xf32>
      %swap3A_51 = vector.shape_cast %broadcast_in_dim3A_46 : vector<16xf32> to vector<1x16xf32>
      tpu.vector_store %arg11[%swap3A_47, %swap3A_48], %swap3A_51 {strides = array<i32>} : memref<54x128xf32, #tpu.memory_space<vmem>>, vector<1x16xf32>,
      %broadcast_in_dim3A_52 = arith.constant 0.000000e+00 : f32
      %broadcast_in_dim3A_53 = vector.broadcast %broadcast_in_dim3A_52 : f32 to vector<16xf32>
      %swap3A_54 = arith.index_cast %scan3A_25 : i32 to index
      %swap3A_55 = arith.constant 64 : index
      %swap3A_56 = tpu.vector_load %arg11[%swap3A_54, %swap3A_55] {strides = array<i32>} : memref<54x128xf32, #tpu.memory_space<vmem>>, vector<1x16xf32>,
      %swap3A_57 = vector.shape_cast %swap3A_56 : vector<1x16xf32> to vector<16xf32>
      %swap3A_58 = vector.shape_cast %broadcast_in_dim3A_53 : vector<16xf32> to vector<1x16xf32>
      tpu.vector_store %arg11[%swap3A_54, %swap3A_55], %swap3A_58 {strides = array<i32>} : memref<54x128xf32, #tpu.memory_space<vmem>>, vector<1x16xf32>,
      %broadcast_in_dim3A_59 = arith.constant 0.000000e+00 : f32
      %broadcast_in_dim3A_60 = vector.broadcast %broadcast_in_dim3A_59 : f32 to vector<16xf32>
      %swap3A_61 = arith.index_cast %scan3A_25 : i32 to index
      %swap3A_62 = arith.constant 80 : index
      %swap3A_63 = tpu.vector_load %arg11[%swap3A_61, %swap3A_62] {strides = array<i32>} : memref<54x128xf32, #tpu.memory_space<vmem>>, vector<1x16xf32>,
      %swap3A_64 = vector.shape_cast %swap3A_63 : vector<1x16xf32> to vector<16xf32>
      %swap3A_65 = vector.shape_cast %broadcast_in_dim3A_60 : vector<16xf32> to vector<1x16xf32>
      tpu.vector_store %arg11[%swap3A_61, %swap3A_62], %swap3A_65 {strides = array<i32>} : memref<54x128xf32, #tpu.memory_space<vmem>>, vector<1x16xf32>,
      %broadcast_in_dim3A_66 = arith.constant 0.000000e+00 : f32
      %broadcast_in_dim3A_67 = vector.broadcast %broadcast_in_dim3A_66 : f32 to vector<16xf32>
      %swap3A_68 = arith.index_cast %scan3A_25 : i32 to index
      %swap3A_69 = arith.constant 96 : index
      %swap3A_70 = tpu.vector_load %arg11[%swap3A_68, %swap3A_69] {strides = array<i32>} : memref<54x128xf32, #tpu.memory_space<vmem>>, vector<1x16xf32>,
      %swap3A_71 = vector.shape_cast %swap3A_70 : vector<1x16xf32> to vector<16xf32>
      %swap3A_72 = vector.shape_cast %broadcast_in_dim3A_67 : vector<16xf32> to vector<1x16xf32>
      tpu.vector_store %arg11[%swap3A_68, %swap3A_69], %swap3A_72 {strides = array<i32>} : memref<54x128xf32, #tpu.memory_space<vmem>>, vector<1x16xf32>,
      %broadcast_in_dim3A_73 = arith.constant 0.000000e+00 : f32
      %broadcast_in_dim3A_74 = vector.broadcast %broadcast_in_dim3A_73 : f32 to vector<16xf32>
      %swap3A_75 = arith.index_cast %scan3A_25 : i32 to index
      %swap3A_76 = arith.constant 112 : index
      %swap3A_77 = tpu.vector_load %arg11[%swap3A_75, %swap3A_76] {strides = array<i32>} : memref<54x128xf32, #tpu.memory_space<vmem>>, vector<1x16xf32>,
      %swap3A_78 = vector.shape_cast %swap3A_77 : vector<1x16xf32> to vector<16xf32>
      %swap3A_79 = vector.shape_cast %broadcast_in_dim3A_74 : vector<16xf32> to vector<1x16xf32>
      tpu.vector_store %arg11[%swap3A_75, %swap3A_76], %swap3A_79 {strides = array<i32>} : memref<54x128xf32, #tpu.memory_space<vmem>>, vector<1x16xf32>,
    }
    %scan3A_5 = arith.constant 54 : i32
    %scan3A_6 = arith.constant 0 : i32
    %scan3A_7 = arith.constant 0 : i32
    %scan3A_8 = arith.constant 6 : i32
    %scan3A_9 = arith.addi %scan3A_7, %scan3A_8 : i32
    %scan3A_10 = arith.constant 1 : i32
    scf.for %scan3A_25 = %scan3A_7 to %scan3A_9 step %scan3A_10  : i32 {
      %mul3A_26 = arith.constant 324 : i32
      %mul3A_27 = arith.muli %arg1, %mul3A_26 : i32
      %mul3A_28 = arith.constant 54 : i32
      %mul3A_29 = arith.muli %scan3A_25, %mul3A_28 : i32
      %add3A_30 = arith.addi %mul3A_27, %mul3A_29 : i32
      "tpu.region"() ({
        %run_scoped3A = tpu.sem_alloc : memref<!tpu.dma_semaphore, #tpu.memory_space<semaphore_mem>>
        %dma_start3A = arith.constant 0 : i32
        %dma_start3A_31 = tpu.memref_slice %arg12[%add3A_30, %dma_start3A] : memref<5184x128xf32, #tpu.memory_space<vmem_shared>> -> memref<54x128xf32, #tpu.memory_space<vmem_shared>>
        %dma_start3A_32 = arith.constant 0 : i32
        %dma_start3A_33 = tpu.memref_slice %arg12[%add3A_30, %dma_start3A_32] : memref<5184x128xf32, #tpu.memory_space<vmem_shared>> -> memref<54x128xf32, #tpu.memory_space<vmem_shared>>
        tpu.enqueue_dma source(%arg11 : memref<54x128xf32, #tpu.memory_space<vmem>>) target(%dma_start3A_33 : memref<54x128xf32, #tpu.memory_space<vmem_shared>>) target_semaphore(%run_scoped3A : memref<!tpu.dma_semaphore, #tpu.memory_space<semaphore_mem>>)
        %dma_wait3A = arith.constant 0 : i32
        %dma_wait3A_34 = tpu.memref_slice %arg12[%add3A_30, %dma_wait3A] : memref<5184x128xf32, #tpu.memory_space<vmem_shared>> -> memref<54x128xf32, #tpu.memory_space<vmem_shared>>
        %dma_wait3A_35 = arith.constant 0 : i32
        %dma_wait3A_36 = tpu.memref_slice %arg12[%add3A_30, %dma_wait3A_35] : memref<5184x128xf32, #tpu.memory_space<vmem_shared>> -> memref<54x128xf32, #tpu.memory_space<vmem_shared>>
        tpu.wait_dma2 semaphore(%run_scoped3A : memref<!tpu.dma_semaphore, #tpu.memory_space<semaphore_mem>>) src(%arg11 : memref<54x128xf32, #tpu.memory_space<vmem>>) dst(%dma_wait3A_36 : memref<54x128xf32, #tpu.memory_space<vmem_shared>>)
        tpu.yield
      }) : () -> ()
    }
    %scan3A_11 = arith.constant 6 : i32
    %barrier3A = arith.constant 0 : index
    tpu.barrier barrier_id(%barrier3A)
    %scan3A_12 = arith.constant 0 : i32
    %scan3A_13 = arith.constant 0 : i32
    %scan3A_14 = arith.constant 80 : i32
    %scan3A_15 = arith.addi %scan3A_13, %scan3A_14 : i32
    %scan3A_16 = arith.constant 1 : i32
    scf.for %scan3A_25 = %scan3A_13 to %scan3A_15 step %scan3A_16  : i32 {
      %mul3A_26 = arith.constant 10240 : i32
      %mul3A_27 = arith.muli %arg1, %mul3A_26 : i32
      %mul3A_28 = arith.constant 128 : i32
      %mul3A_29 = arith.muli %scan3A_25, %mul3A_28 : i32
      %add3A_30 = arith.addi %mul3A_27, %mul3A_29 : i32
      %multiple_of3A = tpu.assume_multiple %add3A_30, 128 : i32
      "tpu.region"() ({
        %run_scoped3A = tpu.sem_alloc : memref<!tpu.dma_semaphore, #tpu.memory_space<semaphore_mem>>
        %dma_start3A_190 = tpu.memref_slice %arg4[%multiple_of3A] : memref<163840xi32, #tpu.memory_space<hbm>> -> memref<128xi32, #tpu.memory_space<hbm>>
        %dma_start3A_191 = tpu.memref_slice %arg4[%multiple_of3A] : memref<163840xi32, #tpu.memory_space<hbm>> -> memref<128xi32, #tpu.memory_space<hbm>>
        tpu.enqueue_dma source(%dma_start3A_191 : memref<128xi32, #tpu.memory_space<hbm>>) target(%arg7 : memref<128xi32, #tpu.memory_space<vmem>>) target_semaphore(%run_scoped3A : memref<!tpu.dma_semaphore, #tpu.memory_space<semaphore_mem>>)
        %dma_wait3A_192 = tpu.memref_slice %arg4[%multiple_of3A] : memref<163840xi32, #tpu.memory_space<hbm>> -> memref<128xi32, #tpu.memory_space<hbm>>
        %dma_wait3A_193 = tpu.memref_slice %arg4[%multiple_of3A] : memref<163840xi32, #tpu.memory_space<hbm>> -> memref<128xi32, #tpu.memory_space<hbm>>
        tpu.wait_dma2 semaphore(%run_scoped3A : memref<!tpu.dma_semaphore, #tpu.memory_space<semaphore_mem>>) src(%dma_wait3A_193 : memref<128xi32, #tpu.memory_space<hbm>>) dst(%arg7 : memref<128xi32, #tpu.memory_space<vmem>>)
        tpu.yield
      }) : () -> ()
      "tpu.region"() ({
        %run_scoped3A = tpu.sem_alloc : memref<!tpu.dma_semaphore, #tpu.memory_space<semaphore_mem>>
        %dma_start3A_190 = tpu.memref_slice %arg5[%multiple_of3A] : memref<163840xi32, #tpu.memory_space<hbm>> -> memref<128xi32, #tpu.memory_space<hbm>>
        %dma_start3A_191 = tpu.memref_slice %arg5[%multiple_of3A] : memref<163840xi32, #tpu.memory_space<hbm>> -> memref<128xi32, #tpu.memory_space<hbm>>
        tpu.enqueue_dma source(%dma_start3A_191 : memref<128xi32, #tpu.memory_space<hbm>>) target(%arg8 : memref<128xi32, #tpu.memory_space<vmem>>) target_semaphore(%run_scoped3A : memref<!tpu.dma_semaphore, #tpu.memory_space<semaphore_mem>>)
        %dma_wait3A_192 = tpu.memref_slice %arg5[%multiple_of3A] : memref<163840xi32, #tpu.memory_space<hbm>> -> memref<128xi32, #tpu.memory_space<hbm>>
        %dma_wait3A_193 = tpu.memref_slice %arg5[%multiple_of3A] : memref<163840xi32, #tpu.memory_space<hbm>> -> memref<128xi32, #tpu.memory_space<hbm>>
        tpu.wait_dma2 semaphore(%run_scoped3A : memref<!tpu.dma_semaphore, #tpu.memory_space<semaphore_mem>>) src(%dma_wait3A_193 : memref<128xi32, #tpu.memory_space<hbm>>) dst(%arg8 : memref<128xi32, #tpu.memory_space<vmem>>)
        tpu.yield
      }) : () -> ()
      %dma_start3A = arith.constant 0 : i32
      %dma_start3A_31 = arith.constant 0 : i32
      %dma_start3A_32 = tpu.memref_slice %arg2[%dma_start3A, %dma_start3A_31] : memref<50000x128xf32, #tpu.memory_space<hbm>> -> memref<50000x128xf32, #tpu.memory_space<hbm>>
      tpu.enqueue_indirect_dma source(%dma_start3A_32 : memref<50000x128xf32, #tpu.memory_space<hbm>>) target(%arg9 : memref<128x128xf32, #tpu.memory_space<vmem>>) offsets(%arg7 : memref<128xi32, #tpu.memory_space<vmem>>) semaphore(%arg13 : memref<!tpu.dma_semaphore, #tpu.memory_space<semaphore_mem>>)
      %dma_start3A_33 = arith.constant 0 : i32
      %dma_start3A_34 = arith.constant 0 : i32
      %dma_start3A_35 = tpu.memref_slice %arg3[%dma_start3A_33, %dma_start3A_34] : memref<10240x128xf32, #tpu.memory_space<hbm>> -> memref<10240x128xf32, #tpu.memory_space<hbm>>
      tpu.enqueue_indirect_dma source(%dma_start3A_35 : memref<10240x128xf32, #tpu.memory_space<hbm>>) target(%arg10 : memref<128x128xf32, #tpu.memory_space<vmem>>) offsets(%arg8 : memref<128xi32, #tpu.memory_space<vmem>>) semaphore(%arg14 : memref<!tpu.dma_semaphore, #tpu.memory_space<semaphore_mem>>)
      %dma_wait3A = arith.constant 0 : i32
      %dma_wait3A_36 = arith.constant 0 : i32
      %dma_wait3A_37 = tpu.memref_slice %arg2[%dma_wait3A, %dma_wait3A_36] : memref<50000x128xf32, #tpu.memory_space<hbm>> -> memref<50000x128xf32, #tpu.memory_space<hbm>>
      tpu.wait_indirect_dma semaphore(%arg13 : memref<!tpu.dma_semaphore, #tpu.memory_space<semaphore_mem>>) src(%dma_wait3A_37 : memref<50000x128xf32, #tpu.memory_space<hbm>>) dst(%arg9 : memref<128x128xf32, #tpu.memory_space<vmem>>)
      %dma_wait3A_38 = arith.constant 0 : i32
      %dma_wait3A_39 = arith.constant 0 : i32
      %dma_wait3A_40 = tpu.memref_slice %arg3[%dma_wait3A_38, %dma_wait3A_39] : memref<10240x128xf32, #tpu.memory_space<hbm>> -> memref<10240x128xf32, #tpu.memory_space<hbm>>
      tpu.wait_indirect_dma semaphore(%arg14 : memref<!tpu.dma_semaphore, #tpu.memory_space<semaphore_mem>>) src(%dma_wait3A_40 : memref<10240x128xf32, #tpu.memory_space<hbm>>) dst(%arg10 : memref<128x128xf32, #tpu.memory_space<vmem>>)
      %scan3A_41 = arith.constant 0 : i32
      %scan3A_42 = arith.constant 0 : i32
      %scan3A_43 = arith.constant 128 : i32
      %scan3A_44 = arith.addi %scan3A_42, %scan3A_43 : i32
      %scan3A_45 = arith.constant 1 : i32
      scf.for %scan3A_190 = %scan3A_42 to %scan3A_44 step %scan3A_45  : i32 {
        %get3A_191 = arith.index_cast %scan3A_190 : i32 to index
        %get3A_192 = arith.constant 0 : index
        %get3A_193 = tpu.vector_load %arg9[%get3A_191, %get3A_192] {strides = array<i32>} : memref<128x128xf32, #tpu.memory_space<vmem>>, vector<1x16xf32>,
        %get3A_194 = vector.shape_cast %get3A_193 : vector<1x16xf32> to vector<16xf32>
        %get3A_195 = arith.index_cast %scan3A_190 : i32 to index
        %get3A_196 = arith.constant 0 : index
        %get3A_197 = tpu.vector_load %arg10[%get3A_195, %get3A_196] {strides = array<i32>} : memref<128x128xf32, #tpu.memory_space<vmem>>, vector<1x16xf32>,
        %get3A_198 = vector.shape_cast %get3A_197 : vector<1x16xf32> to vector<16xf32>
        %sub3A_199 = arith.subf %get3A_194, %get3A_198 : vector<16xf32>
        %max3A = arith.constant 0.000000e+00 : f32
        %max3A_200 = vector.broadcast %max3A : f32 to vector<16xf32>
        %max3A_201 = arith.maximumf %sub3A_199, %max3A_200 : vector<16xf32>
        %swap3A_202 = arith.index_cast %scan3A_190 : i32 to index
        %swap3A_203 = arith.constant 0 : index
        %swap3A_204 = tpu.vector_load %arg9[%swap3A_202, %swap3A_203] {strides = array<i32>} : memref<128x128xf32, #tpu.memory_space<vmem>>, vector<1x16xf32>,
        %swap3A_205 = vector.shape_cast %swap3A_204 : vector<1x16xf32> to vector<16xf32>
        %swap3A_206 = vector.shape_cast %max3A_201 : vector<16xf32> to vector<1x16xf32>
        tpu.vector_store %arg9[%swap3A_202, %swap3A_203], %swap3A_206 {strides = array<i32>} : memref<128x128xf32, #tpu.memory_space<vmem>>, vector<1x16xf32>,
        %get3A_207 = arith.index_cast %scan3A_190 : i32 to index
        %get3A_208 = arith.constant 16 : index
        %get3A_209 = tpu.vector_load %arg9[%get3A_207, %get3A_208] {strides = array<i32>} : memref<128x128xf32, #tpu.memory_space<vmem>>, vector<1x16xf32>,
        %get3A_210 = vector.shape_cast %get3A_209 : vector<1x16xf32> to vector<16xf32>
        %get3A_211 = arith.index_cast %scan3A_190 : i32 to index
        %get3A_212 = arith.constant 16 : index
        %get3A_213 = tpu.vector_load %arg10[%get3A_211, %get3A_212] {strides = array<i32>} : memref<128x128xf32, #tpu.memory_space<vmem>>, vector<1x16xf32>,
        %get3A_214 = vector.shape_cast %get3A_213 : vector<1x16xf32> to vector<16xf32>
        %sub3A_215 = arith.subf %get3A_210, %get3A_214 : vector<16xf32>
        %max3A_216 = arith.constant 0.000000e+00 : f32
        %max3A_217 = vector.broadcast %max3A_216 : f32 to vector<16xf32>
        %max3A_218 = arith.maximumf %sub3A_215, %max3A_217 : vector<16xf32>
        %swap3A_219 = arith.index_cast %scan3A_190 : i32 to index
        %swap3A_220 = arith.constant 16 : index
        %swap3A_221 = tpu.vector_load %arg9[%swap3A_219, %swap3A_220] {strides = array<i32>} : memref<128x128xf32, #tpu.memory_space<vmem>>, vector<1x16xf32>,
        %swap3A_222 = vector.shape_cast %swap3A_221 : vector<1x16xf32> to vector<16xf32>
        %swap3A_223 = vector.shape_cast %max3A_218 : vector<16xf32> to vector<1x16xf32>
        tpu.vector_store %arg9[%swap3A_219, %swap3A_220], %swap3A_223 {strides = array<i32>} : memref<128x128xf32, #tpu.memory_space<vmem>>, vector<1x16xf32>,
        %get3A_224 = arith.index_cast %scan3A_190 : i32 to index
        %get3A_225 = arith.constant 32 : index
        %get3A_226 = tpu.vector_load %arg9[%get3A_224, %get3A_225] {strides = array<i32>} : memref<128x128xf32, #tpu.memory_space<vmem>>, vector<1x16xf32>,
        %get3A_227 = vector.shape_cast %get3A_226 : vector<1x16xf32> to vector<16xf32>
        %get3A_228 = arith.index_cast %scan3A_190 : i32 to index
        %get3A_229 = arith.constant 32 : index
        %get3A_230 = tpu.vector_load %arg10[%get3A_228, %get3A_229] {strides = array<i32>} : memref<128x128xf32, #tpu.memory_space<vmem>>, vector<1x16xf32>,
        %get3A_231 = vector.shape_cast %get3A_230 : vector<1x16xf32> to vector<16xf32>
        %sub3A_232 = arith.subf %get3A_227, %get3A_231 : vector<16xf32>
        %max3A_233 = arith.constant 0.000000e+00 : f32
        %max3A_234 = vector.broadcast %max3A_233 : f32 to vector<16xf32>
        %max3A_235 = arith.maximumf %sub3A_232, %max3A_234 : vector<16xf32>
        %swap3A_236 = arith.index_cast %scan3A_190 : i32 to index
        %swap3A_237 = arith.constant 32 : index
        %swap3A_238 = tpu.vector_load %arg9[%swap3A_236, %swap3A_237] {strides = array<i32>} : memref<128x128xf32, #tpu.memory_space<vmem>>, vector<1x16xf32>,
        %swap3A_239 = vector.shape_cast %swap3A_238 : vector<1x16xf32> to vector<16xf32>
        %swap3A_240 = vector.shape_cast %max3A_235 : vector<16xf32> to vector<1x16xf32>
        tpu.vector_store %arg9[%swap3A_236, %swap3A_237], %swap3A_240 {strides = array<i32>} : memref<128x128xf32, #tpu.memory_space<vmem>>, vector<1x16xf32>,
        %get3A_241 = arith.index_cast %scan3A_190 : i32 to index
        %get3A_242 = arith.constant 48 : index
        %get3A_243 = tpu.vector_load %arg9[%get3A_241, %get3A_242] {strides = array<i32>} : memref<128x128xf32, #tpu.memory_space<vmem>>, vector<1x16xf32>,
        %get3A_244 = vector.shape_cast %get3A_243 : vector<1x16xf32> to vector<16xf32>
        %get3A_245 = arith.index_cast %scan3A_190 : i32 to index
        %get3A_246 = arith.constant 48 : index
        %get3A_247 = tpu.vector_load %arg10[%get3A_245, %get3A_246] {strides = array<i32>} : memref<128x128xf32, #tpu.memory_space<vmem>>, vector<1x16xf32>,
        %get3A_248 = vector.shape_cast %get3A_247 : vector<1x16xf32> to vector<16xf32>
        %sub3A_249 = arith.subf %get3A_244, %get3A_248 : vector<16xf32>
        %max3A_250 = arith.constant 0.000000e+00 : f32
        %max3A_251 = vector.broadcast %max3A_250 : f32 to vector<16xf32>
        %max3A_252 = arith.maximumf %sub3A_249, %max3A_251 : vector<16xf32>
        %swap3A_253 = arith.index_cast %scan3A_190 : i32 to index
        %swap3A_254 = arith.constant 48 : index
        %swap3A_255 = tpu.vector_load %arg9[%swap3A_253, %swap3A_254] {strides = array<i32>} : memref<128x128xf32, #tpu.memory_space<vmem>>, vector<1x16xf32>,
        %swap3A_256 = vector.shape_cast %swap3A_255 : vector<1x16xf32> to vector<16xf32>
        %swap3A_257 = vector.shape_cast %max3A_252 : vector<16xf32> to vector<1x16xf32>
        tpu.vector_store %arg9[%swap3A_253, %swap3A_254], %swap3A_257 {strides = array<i32>} : memref<128x128xf32, #tpu.memory_space<vmem>>, vector<1x16xf32>,
        %get3A_258 = arith.index_cast %scan3A_190 : i32 to index
        %get3A_259 = arith.constant 64 : index
        %get3A_260 = tpu.vector_load %arg9[%get3A_258, %get3A_259] {strides = array<i32>} : memref<128x128xf32, #tpu.memory_space<vmem>>, vector<1x16xf32>,
        %get3A_261 = vector.shape_cast %get3A_260 : vector<1x16xf32> to vector<16xf32>
        %get3A_262 = arith.index_cast %scan3A_190 : i32 to index
        %get3A_263 = arith.constant 64 : index
        %get3A_264 = tpu.vector_load %arg10[%get3A_262, %get3A_263] {strides = array<i32>} : memref<128x128xf32, #tpu.memory_space<vmem>>, vector<1x16xf32>,
        %get3A_265 = vector.shape_cast %get3A_264 : vector<1x16xf32> to vector<16xf32>
        %sub3A_266 = arith.subf %get3A_261, %get3A_265 : vector<16xf32>
        %max3A_267 = arith.constant 0.000000e+00 : f32
        %max3A_268 = vector.broadcast %max3A_267 : f32 to vector<16xf32>
        %max3A_269 = arith.maximumf %sub3A_266, %max3A_268 : vector<16xf32>
        %swap3A_270 = arith.index_cast %scan3A_190 : i32 to index
        %swap3A_271 = arith.constant 64 : index
        %swap3A_272 = tpu.vector_load %arg9[%swap3A_270, %swap3A_271] {strides = array<i32>} : memref<128x128xf32, #tpu.memory_space<vmem>>, vector<1x16xf32>,
        %swap3A_273 = vector.shape_cast %swap3A_272 : vector<1x16xf32> to vector<16xf32>
        %swap3A_274 = vector.shape_cast %max3A_269 : vector<16xf32> to vector<1x16xf32>
        tpu.vector_store %arg9[%swap3A_270, %swap3A_271], %swap3A_274 {strides = array<i32>} : memref<128x128xf32, #tpu.memory_space<vmem>>, vector<1x16xf32>,
        %get3A_275 = arith.index_cast %scan3A_190 : i32 to index
        %get3A_276 = arith.constant 80 : index
        %get3A_277 = tpu.vector_load %arg9[%get3A_275, %get3A_276] {strides = array<i32>} : memref<128x128xf32, #tpu.memory_space<vmem>>, vector<1x16xf32>,
        %get3A_278 = vector.shape_cast %get3A_277 : vector<1x16xf32> to vector<16xf32>
        %get3A_279 = arith.index_cast %scan3A_190 : i32 to index
        %get3A_280 = arith.constant 80 : index
        %get3A_281 = tpu.vector_load %arg10[%get3A_279, %get3A_280] {strides = array<i32>} : memref<128x128xf32, #tpu.memory_space<vmem>>, vector<1x16xf32>,
        %get3A_282 = vector.shape_cast %get3A_281 : vector<1x16xf32> to vector<16xf32>
        %sub3A_283 = arith.subf %get3A_278, %get3A_282 : vector<16xf32>
        %max3A_284 = arith.constant 0.000000e+00 : f32
        %max3A_285 = vector.broadcast %max3A_284 : f32 to vector<16xf32>
        %max3A_286 = arith.maximumf %sub3A_283, %max3A_285 : vector<16xf32>
        %swap3A_287 = arith.index_cast %scan3A_190 : i32 to index
        %swap3A_288 = arith.constant 80 : index
        %swap3A_289 = tpu.vector_load %arg9[%swap3A_287, %swap3A_288] {strides = array<i32>} : memref<128x128xf32, #tpu.memory_space<vmem>>, vector<1x16xf32>,
        %swap3A_290 = vector.shape_cast %swap3A_289 : vector<1x16xf32> to vector<16xf32>
        %swap3A_291 = vector.shape_cast %max3A_286 : vector<16xf32> to vector<1x16xf32>
        tpu.vector_store %arg9[%swap3A_287, %swap3A_288], %swap3A_291 {strides = array<i32>} : memref<128x128xf32, #tpu.memory_space<vmem>>, vector<1x16xf32>,
        %get3A_292 = arith.index_cast %scan3A_190 : i32 to index
        %get3A_293 = arith.constant 96 : index
        %get3A_294 = tpu.vector_load %arg9[%get3A_292, %get3A_293] {strides = array<i32>} : memref<128x128xf32, #tpu.memory_space<vmem>>, vector<1x16xf32>,
        %get3A_295 = vector.shape_cast %get3A_294 : vector<1x16xf32> to vector<16xf32>
        %get3A_296 = arith.index_cast %scan3A_190 : i32 to index
        %get3A_297 = arith.constant 96 : index
        %get3A_298 = tpu.vector_load %arg10[%get3A_296, %get3A_297] {strides = array<i32>} : memref<128x128xf32, #tpu.memory_space<vmem>>, vector<1x16xf32>,
        %get3A_299 = vector.shape_cast %get3A_298 : vector<1x16xf32> to vector<16xf32>
        %sub3A_300 = arith.subf %get3A_295, %get3A_299 : vector<16xf32>
        %max3A_301 = arith.constant 0.000000e+00 : f32
        %max3A_302 = vector.broadcast %max3A_301 : f32 to vector<16xf32>
        %max3A_303 = arith.maximumf %sub3A_300, %max3A_302 : vector<16xf32>
        %swap3A_304 = arith.index_cast %scan3A_190 : i32 to index
        %swap3A_305 = arith.constant 96 : index
        %swap3A_306 = tpu.vector_load %arg9[%swap3A_304, %swap3A_305] {strides = array<i32>} : memref<128x128xf32, #tpu.memory_space<vmem>>, vector<1x16xf32>,
        %swap3A_307 = vector.shape_cast %swap3A_306 : vector<1x16xf32> to vector<16xf32>
        %swap3A_308 = vector.shape_cast %max3A_303 : vector<16xf32> to vector<1x16xf32>
        tpu.vector_store %arg9[%swap3A_304, %swap3A_305], %swap3A_308 {strides = array<i32>} : memref<128x128xf32, #tpu.memory_space<vmem>>, vector<1x16xf32>,
        %get3A_309 = arith.index_cast %scan3A_190 : i32 to index
        %get3A_310 = arith.constant 112 : index
        %get3A_311 = tpu.vector_load %arg9[%get3A_309, %get3A_310] {strides = array<i32>} : memref<128x128xf32, #tpu.memory_space<vmem>>, vector<1x16xf32>,
        %get3A_312 = vector.shape_cast %get3A_311 : vector<1x16xf32> to vector<16xf32>
        %get3A_313 = arith.index_cast %scan3A_190 : i32 to index
        %get3A_314 = arith.constant 112 : index
        %get3A_315 = tpu.vector_load %arg10[%get3A_313, %get3A_314] {strides = array<i32>} : memref<128x128xf32, #tpu.memory_space<vmem>>, vector<1x16xf32>,
        %get3A_316 = vector.shape_cast %get3A_315 : vector<1x16xf32> to vector<16xf32>
        %sub3A_317 = arith.subf %get3A_312, %get3A_316 : vector<16xf32>
        %max3A_318 = arith.constant 0.000000e+00 : f32
        %max3A_319 = vector.broadcast %max3A_318 : f32 to vector<16xf32>
        %max3A_320 = arith.maximumf %sub3A_317, %max3A_319 : vector<16xf32>
        %swap3A_321 = arith.index_cast %scan3A_190 : i32 to index
        %swap3A_322 = arith.constant 112 : index
        %swap3A_323 = tpu.vector_load %arg9[%swap3A_321, %swap3A_322] {strides = array<i32>} : memref<128x128xf32, #tpu.memory_space<vmem>>, vector<1x16xf32>,
        %swap3A_324 = vector.shape_cast %swap3A_323 : vector<1x16xf32> to vector<16xf32>
        %swap3A_325 = vector.shape_cast %max3A_320 : vector<16xf32> to vector<1x16xf32>
        tpu.vector_store %arg9[%swap3A_321, %swap3A_322], %swap3A_325 {strides = array<i32>} : memref<128x128xf32, #tpu.memory_space<vmem>>, vector<1x16xf32>,
      }
      %scan3A_46 = arith.constant 128 : i32
      %get3A = arith.constant 0 : index
      %get3A_47 = tpu.vector_load %arg8[%get3A] {strides = array<i32>} : memref<128xi32, #tpu.memory_space<vmem>>, vector<16xi32>,
      %get3A_48 = vector.shape_cast %get3A_47 : vector<16xi32> to vector<16xi32>
      %sub3A = vector.broadcast %mul3A_0 : i32 to vector<16xi32>
      %sub3A_49 = arith.subi %get3A_48, %sub3A : vector<16xi32>
      %ge3A = arith.constant 0 : i32
      %ge3A_50 = vector.broadcast %ge3A : i32 to vector<16xi32>
      %ge3A_51 = arith.cmpi sge, %sub3A_49, %ge3A_50 : vector<16xi32>
      %lt3A = arith.constant 5120 : i32
      %lt3A_52 = vector.broadcast %lt3A : i32 to vector<16xi32>
      %lt3A_53 = arith.cmpi slt, %sub3A_49, %lt3A_52 : vector<16xi32>
      %and3A = arith.andi %ge3A_51, %lt3A_53 : vector<16xi1>
      %jit3A = arith.constant 5120 : i32
      %broadcast_in_dim3A = vector.broadcast %jit3A : i32 to vector<16xi32>
      %select_n3A = arith.select %and3A, %sub3A_49, %broadcast_in_dim3A : vector<16xi1>, vector<16xi32>
      %swap3A = arith.constant 0 : index
      %swap3A_54 = tpu.vector_load %arg8[%swap3A] {strides = array<i32>} : memref<128xi32, #tpu.memory_space<vmem>>, vector<16xi32>,
      %swap3A_55 = vector.shape_cast %swap3A_54 : vector<16xi32> to vector<16xi32>
      %swap3A_56 = vector.shape_cast %select_n3A : vector<16xi32> to vector<16xi32>
      tpu.vector_store %arg8[%swap3A], %swap3A_56 {strides = array<i32>} : memref<128xi32, #tpu.memory_space<vmem>>, vector<16xi32>,
      %get3A_57 = arith.constant 16 : index
      %get3A_58 = tpu.vector_load %arg8[%get3A_57] {strides = array<i32>} : memref<128xi32, #tpu.memory_space<vmem>>, vector<16xi32>,
      %get3A_59 = vector.shape_cast %get3A_58 : vector<16xi32> to vector<16xi32>
      %sub3A_60 = vector.broadcast %mul3A_0 : i32 to vector<16xi32>
      %sub3A_61 = arith.subi %get3A_59, %sub3A_60 : vector<16xi32>
      %ge3A_62 = arith.constant 0 : i32
      %ge3A_63 = vector.broadcast %ge3A_62 : i32 to vector<16xi32>
      %ge3A_64 = arith.cmpi sge, %sub3A_61, %ge3A_63 : vector<16xi32>
      %lt3A_65 = arith.constant 5120 : i32
      %lt3A_66 = vector.broadcast %lt3A_65 : i32 to vector<16xi32>
      %lt3A_67 = arith.cmpi slt, %sub3A_61, %lt3A_66 : vector<16xi32>
      %and3A_68 = arith.andi %ge3A_64, %lt3A_67 : vector<16xi1>
      %jit3A_69 = arith.constant 5120 : i32
      %broadcast_in_dim3A_70 = vector.broadcast %jit3A_69 : i32 to vector<16xi32>
      %select_n3A_71 = arith.select %and3A_68, %sub3A_61, %broadcast_in_dim3A_70 : vector<16xi1>, vector<16xi32>
      %swap3A_72 = arith.constant 16 : index
      %swap3A_73 = tpu.vector_load %arg8[%swap3A_72] {strides = array<i32>} : memref<128xi32, #tpu.memory_space<vmem>>, vector<16xi32>,
      %swap3A_74 = vector.shape_cast %swap3A_73 : vector<16xi32> to vector<16xi32>
      %swap3A_75 = vector.shape_cast %select_n3A_71 : vector<16xi32> to vector<16xi32>
      tpu.vector_store %arg8[%swap3A_72], %swap3A_75 {strides = array<i32>} : memref<128xi32, #tpu.memory_space<vmem>>, vector<16xi32>,
      %get3A_76 = arith.constant 32 : index
      %get3A_77 = tpu.vector_load %arg8[%get3A_76] {strides = array<i32>} : memref<128xi32, #tpu.memory_space<vmem>>, vector<16xi32>,
      %get3A_78 = vector.shape_cast %get3A_77 : vector<16xi32> to vector<16xi32>
      %sub3A_79 = vector.broadcast %mul3A_0 : i32 to vector<16xi32>
      %sub3A_80 = arith.subi %get3A_78, %sub3A_79 : vector<16xi32>
      %ge3A_81 = arith.constant 0 : i32
      %ge3A_82 = vector.broadcast %ge3A_81 : i32 to vector<16xi32>
      %ge3A_83 = arith.cmpi sge, %sub3A_80, %ge3A_82 : vector<16xi32>
      %lt3A_84 = arith.constant 5120 : i32
      %lt3A_85 = vector.broadcast %lt3A_84 : i32 to vector<16xi32>
      %lt3A_86 = arith.cmpi slt, %sub3A_80, %lt3A_85 : vector<16xi32>
      %and3A_87 = arith.andi %ge3A_83, %lt3A_86 : vector<16xi1>
      %jit3A_88 = arith.constant 5120 : i32
      %broadcast_in_dim3A_89 = vector.broadcast %jit3A_88 : i32 to vector<16xi32>
      %select_n3A_90 = arith.select %and3A_87, %sub3A_80, %broadcast_in_dim3A_89 : vector<16xi1>, vector<16xi32>
      %swap3A_91 = arith.constant 32 : index
      %swap3A_92 = tpu.vector_load %arg8[%swap3A_91] {strides = array<i32>} : memref<128xi32, #tpu.memory_space<vmem>>, vector<16xi32>,
      %swap3A_93 = vector.shape_cast %swap3A_92 : vector<16xi32> to vector<16xi32>
      %swap3A_94 = vector.shape_cast %select_n3A_90 : vector<16xi32> to vector<16xi32>
      tpu.vector_store %arg8[%swap3A_91], %swap3A_94 {strides = array<i32>} : memref<128xi32, #tpu.memory_space<vmem>>, vector<16xi32>,
      %get3A_95 = arith.constant 48 : index
      %get3A_96 = tpu.vector_load %arg8[%get3A_95] {strides = array<i32>} : memref<128xi32, #tpu.memory_space<vmem>>, vector<16xi32>,
      %get3A_97 = vector.shape_cast %get3A_96 : vector<16xi32> to vector<16xi32>
      %sub3A_98 = vector.broadcast %mul3A_0 : i32 to vector<16xi32>
      %sub3A_99 = arith.subi %get3A_97, %sub3A_98 : vector<16xi32>
      %ge3A_100 = arith.constant 0 : i32
      %ge3A_101 = vector.broadcast %ge3A_100 : i32 to vector<16xi32>
      %ge3A_102 = arith.cmpi sge, %sub3A_99, %ge3A_101 : vector<16xi32>
      %lt3A_103 = arith.constant 5120 : i32
      %lt3A_104 = vector.broadcast %lt3A_103 : i32 to vector<16xi32>
      %lt3A_105 = arith.cmpi slt, %sub3A_99, %lt3A_104 : vector<16xi32>
      %and3A_106 = arith.andi %ge3A_102, %lt3A_105 : vector<16xi1>
      %jit3A_107 = arith.constant 5120 : i32
      %broadcast_in_dim3A_108 = vector.broadcast %jit3A_107 : i32 to vector<16xi32>
      %select_n3A_109 = arith.select %and3A_106, %sub3A_99, %broadcast_in_dim3A_108 : vector<16xi1>, vector<16xi32>
      %swap3A_110 = arith.constant 48 : index
      %swap3A_111 = tpu.vector_load %arg8[%swap3A_110] {strides = array<i32>} : memref<128xi32, #tpu.memory_space<vmem>>, vector<16xi32>,
      %swap3A_112 = vector.shape_cast %swap3A_111 : vector<16xi32> to vector<16xi32>
      %swap3A_113 = vector.shape_cast %select_n3A_109 : vector<16xi32> to vector<16xi32>
      tpu.vector_store %arg8[%swap3A_110], %swap3A_113 {strides = array<i32>} : memref<128xi32, #tpu.memory_space<vmem>>, vector<16xi32>,
      %get3A_114 = arith.constant 64 : index
      %get3A_115 = tpu.vector_load %arg8[%get3A_114] {strides = array<i32>} : memref<128xi32, #tpu.memory_space<vmem>>, vector<16xi32>,
      %get3A_116 = vector.shape_cast %get3A_115 : vector<16xi32> to vector<16xi32>
      %sub3A_117 = vector.broadcast %mul3A_0 : i32 to vector<16xi32>
      %sub3A_118 = arith.subi %get3A_116, %sub3A_117 : vector<16xi32>
      %ge3A_119 = arith.constant 0 : i32
      %ge3A_120 = vector.broadcast %ge3A_119 : i32 to vector<16xi32>
      %ge3A_121 = arith.cmpi sge, %sub3A_118, %ge3A_120 : vector<16xi32>
      %lt3A_122 = arith.constant 5120 : i32
      %lt3A_123 = vector.broadcast %lt3A_122 : i32 to vector<16xi32>
      %lt3A_124 = arith.cmpi slt, %sub3A_118, %lt3A_123 : vector<16xi32>
      %and3A_125 = arith.andi %ge3A_121, %lt3A_124 : vector<16xi1>
      %jit3A_126 = arith.constant 5120 : i32
      %broadcast_in_dim3A_127 = vector.broadcast %jit3A_126 : i32 to vector<16xi32>
      %select_n3A_128 = arith.select %and3A_125, %sub3A_118, %broadcast_in_dim3A_127 : vector<16xi1>, vector<16xi32>
      %swap3A_129 = arith.constant 64 : index
      %swap3A_130 = tpu.vector_load %arg8[%swap3A_129] {strides = array<i32>} : memref<128xi32, #tpu.memory_space<vmem>>, vector<16xi32>,
      %swap3A_131 = vector.shape_cast %swap3A_130 : vector<16xi32> to vector<16xi32>
      %swap3A_132 = vector.shape_cast %select_n3A_128 : vector<16xi32> to vector<16xi32>
      tpu.vector_store %arg8[%swap3A_129], %swap3A_132 {strides = array<i32>} : memref<128xi32, #tpu.memory_space<vmem>>, vector<16xi32>,
      %get3A_133 = arith.constant 80 : index
      %get3A_134 = tpu.vector_load %arg8[%get3A_133] {strides = array<i32>} : memref<128xi32, #tpu.memory_space<vmem>>, vector<16xi32>,
      %get3A_135 = vector.shape_cast %get3A_134 : vector<16xi32> to vector<16xi32>
      %sub3A_136 = vector.broadcast %mul3A_0 : i32 to vector<16xi32>
      %sub3A_137 = arith.subi %get3A_135, %sub3A_136 : vector<16xi32>
      %ge3A_138 = arith.constant 0 : i32
      %ge3A_139 = vector.broadcast %ge3A_138 : i32 to vector<16xi32>
      %ge3A_140 = arith.cmpi sge, %sub3A_137, %ge3A_139 : vector<16xi32>
      %lt3A_141 = arith.constant 5120 : i32
      %lt3A_142 = vector.broadcast %lt3A_141 : i32 to vector<16xi32>
      %lt3A_143 = arith.cmpi slt, %sub3A_137, %lt3A_142 : vector<16xi32>
      %and3A_144 = arith.andi %ge3A_140, %lt3A_143 : vector<16xi1>
      %jit3A_145 = arith.constant 5120 : i32
      %broadcast_in_dim3A_146 = vector.broadcast %jit3A_145 : i32 to vector<16xi32>
      %select_n3A_147 = arith.select %and3A_144, %sub3A_137, %broadcast_in_dim3A_146 : vector<16xi1>, vector<16xi32>
      %swap3A_148 = arith.constant 80 : index
      %swap3A_149 = tpu.vector_load %arg8[%swap3A_148] {strides = array<i32>} : memref<128xi32, #tpu.memory_space<vmem>>, vector<16xi32>,
      %swap3A_150 = vector.shape_cast %swap3A_149 : vector<16xi32> to vector<16xi32>
      %swap3A_151 = vector.shape_cast %select_n3A_147 : vector<16xi32> to vector<16xi32>
      tpu.vector_store %arg8[%swap3A_148], %swap3A_151 {strides = array<i32>} : memref<128xi32, #tpu.memory_space<vmem>>, vector<16xi32>,
      %get3A_152 = arith.constant 96 : index
      %get3A_153 = tpu.vector_load %arg8[%get3A_152] {strides = array<i32>} : memref<128xi32, #tpu.memory_space<vmem>>, vector<16xi32>,
      %get3A_154 = vector.shape_cast %get3A_153 : vector<16xi32> to vector<16xi32>
      %sub3A_155 = vector.broadcast %mul3A_0 : i32 to vector<16xi32>
      %sub3A_156 = arith.subi %get3A_154, %sub3A_155 : vector<16xi32>
      %ge3A_157 = arith.constant 0 : i32
      %ge3A_158 = vector.broadcast %ge3A_157 : i32 to vector<16xi32>
      %ge3A_159 = arith.cmpi sge, %sub3A_156, %ge3A_158 : vector<16xi32>
      %lt3A_160 = arith.constant 5120 : i32
      %lt3A_161 = vector.broadcast %lt3A_160 : i32 to vector<16xi32>
      %lt3A_162 = arith.cmpi slt, %sub3A_156, %lt3A_161 : vector<16xi32>
      %and3A_163 = arith.andi %ge3A_159, %lt3A_162 : vector<16xi1>
      %jit3A_164 = arith.constant 5120 : i32
      %broadcast_in_dim3A_165 = vector.broadcast %jit3A_164 : i32 to vector<16xi32>
      %select_n3A_166 = arith.select %and3A_163, %sub3A_156, %broadcast_in_dim3A_165 : vector<16xi1>, vector<16xi32>
      %swap3A_167 = arith.constant 96 : index
      %swap3A_168 = tpu.vector_load %arg8[%swap3A_167] {strides = array<i32>} : memref<128xi32, #tpu.memory_space<vmem>>, vector<16xi32>,
      %swap3A_169 = vector.shape_cast %swap3A_168 : vector<16xi32> to vector<16xi32>
      %swap3A_170 = vector.shape_cast %select_n3A_166 : vector<16xi32> to vector<16xi32>
      tpu.vector_store %arg8[%swap3A_167], %swap3A_170 {strides = array<i32>} : memref<128xi32, #tpu.memory_space<vmem>>, vector<16xi32>,
      %get3A_171 = arith.constant 112 : index
      %get3A_172 = tpu.vector_load %arg8[%get3A_171] {strides = array<i32>} : memref<128xi32, #tpu.memory_space<vmem>>, vector<16xi32>,
      %get3A_173 = vector.shape_cast %get3A_172 : vector<16xi32> to vector<16xi32>
      %sub3A_174 = vector.broadcast %mul3A_0 : i32 to vector<16xi32>
      %sub3A_175 = arith.subi %get3A_173, %sub3A_174 : vector<16xi32>
      %ge3A_176 = arith.constant 0 : i32
      %ge3A_177 = vector.broadcast %ge3A_176 : i32 to vector<16xi32>
      %ge3A_178 = arith.cmpi sge, %sub3A_175, %ge3A_177 : vector<16xi32>
      %lt3A_179 = arith.constant 5120 : i32
      %lt3A_180 = vector.broadcast %lt3A_179 : i32 to vector<16xi32>
      %lt3A_181 = arith.cmpi slt, %sub3A_175, %lt3A_180 : vector<16xi32>
      %and3A_182 = arith.andi %ge3A_178, %lt3A_181 : vector<16xi1>
      %jit3A_183 = arith.constant 5120 : i32
      %broadcast_in_dim3A_184 = vector.broadcast %jit3A_183 : i32 to vector<16xi32>
      %select_n3A_185 = arith.select %and3A_182, %sub3A_175, %broadcast_in_dim3A_184 : vector<16xi1>, vector<16xi32>
      %swap3A_186 = arith.constant 112 : index
      %swap3A_187 = tpu.vector_load %arg8[%swap3A_186] {strides = array<i32>} : memref<128xi32, #tpu.memory_space<vmem>>, vector<16xi32>,
      %swap3A_188 = vector.shape_cast %swap3A_187 : vector<16xi32> to vector<16xi32>
      %swap3A_189 = vector.shape_cast %select_n3A_185 : vector<16xi32> to vector<16xi32>
      tpu.vector_store %arg8[%swap3A_186], %swap3A_189 {strides = array<i32>} : memref<128xi32, #tpu.memory_space<vmem>>, vector<16xi32>,
      "tpu.region"() ({
        %run_scoped3A = tpu.sem_alloc : memref<!tpu.dma_semaphore, #tpu.memory_space<semaphore_mem>>
        %dma_start3A_190 = arith.constant 0 : i32
        %dma_start3A_191 = arith.constant 0 : i32
        %dma_start3A_192 = tpu.memref_slice %arg12[%dma_start3A_190, %dma_start3A_191] : memref<5184x128xf32, #tpu.memory_space<vmem_shared>> -> memref<5184x128xf32, #tpu.memory_space<vmem_shared>>
        tpu.enqueue_indirect_dma source(%arg9 : memref<128x128xf32, #tpu.memory_space<vmem>>) target(%dma_start3A_192 : memref<5184x128xf32, #tpu.memory_space<vmem_shared>>) offsets(%arg8 : memref<128xi32, #tpu.memory_space<vmem>>) semaphore(%run_scoped3A : memref<!tpu.dma_semaphore, #tpu.memory_space<semaphore_mem>>) {add = true}
        %dma_wait3A_193 = arith.constant 0 : i32
        %dma_wait3A_194 = arith.constant 0 : i32
        %dma_wait3A_195 = tpu.memref_slice %arg12[%dma_wait3A_193, %dma_wait3A_194] : memref<5184x128xf32, #tpu.memory_space<vmem_shared>> -> memref<5184x128xf32, #tpu.memory_space<vmem_shared>>
        tpu.wait_indirect_dma semaphore(%run_scoped3A : memref<!tpu.dma_semaphore, #tpu.memory_space<semaphore_mem>>) src(%arg9 : memref<128x128xf32, #tpu.memory_space<vmem>>) dst(%dma_wait3A_195 : memref<5184x128xf32, #tpu.memory_space<vmem_shared>>)
        tpu.yield
      }) : () -> ()
    }
    %scan3A_17 = arith.constant 80 : i32
    %barrier3A_18 = arith.constant 0 : index
    tpu.barrier barrier_id(%barrier3A_18)
    %mul3A_19 = arith.constant 320 : i32
    %mul3A_20 = arith.muli %arg1, %mul3A_19 : i32
    %mul3A_21 = arith.constant 5120 : i32
    %mul3A_22 = arith.muli %arg0, %mul3A_21 : i32
    %mul3A_23 = arith.constant 320 : i32
    %mul3A_24 = arith.muli %arg1, %mul3A_23 : i32
    %add3A = arith.addi %mul3A_22, %mul3A_24 : i32
    "tpu.region"() ({
      %run_scoped3A = tpu.sem_alloc : memref<!tpu.dma_semaphore, #tpu.memory_space<semaphore_mem>>
      %dma_start3A = arith.constant 0 : i32
      %dma_start3A_25 = tpu.memref_slice %arg6[%add3A, %dma_start3A] : memref<10240x128xf32, #tpu.memory_space<hbm>> -> memref<320x128xf32, #tpu.memory_space<hbm>>
      %dma_start3A_26 = arith.constant 0 : i32
      %dma_start3A_27 = tpu.memref_slice %arg12[%mul3A_20, %dma_start3A_26] : memref<5184x128xf32, #tpu.memory_space<vmem_shared>> -> memref<320x128xf32, #tpu.memory_space<vmem_shared>>
      tpu.enqueue_dma source(%dma_start3A_27 : memref<320x128xf32, #tpu.memory_space<vmem_shared>>) target(%dma_start3A_25 : memref<320x128xf32, #tpu.memory_space<hbm>>) target_semaphore(%run_scoped3A : memref<!tpu.dma_semaphore, #tpu.memory_space<semaphore_mem>>)
      %dma_wait3A = arith.constant 0 : i32
      %dma_wait3A_28 = tpu.memref_slice %arg6[%add3A, %dma_wait3A] : memref<10240x128xf32, #tpu.memory_space<hbm>> -> memref<320x128xf32, #tpu.memory_space<hbm>>
      %dma_wait3A_29 = arith.constant 0 : i32
      %dma_wait3A_30 = tpu.memref_slice %arg12[%mul3A_20, %dma_wait3A_29] : memref<5184x128xf32, #tpu.memory_space<vmem_shared>> -> memref<320x128xf32, #tpu.memory_space<vmem_shared>>
      tpu.wait_dma2 semaphore(%run_scoped3A : memref<!tpu.dma_semaphore, #tpu.memory_space<semaphore_mem>>) src(%dma_wait3A_30 : memref<320x128xf32, #tpu.memory_space<vmem_shared>>) dst(%dma_wait3A_28 : memref<320x128xf32, #tpu.memory_space<hbm>>)
      tpu.yield
    }) : () -> ()
    return
  }
}

#map = affine_map<(d0, d1) -> (0, 0)>
#map1 = affine_map<(d0, d1) -> (0)>
#map2 = affine_map<(d0, d1) -> (0, 0, 0)>
module attributes {stable_mosaic.version = 14 : i64} {
  func.func @_merge_sc_body(%arg0: i32, %arg1: i32, %arg2: memref<20000x1024xf32, #tpu.memory_space<hbm>>, %arg3: memref<10240x128xf32, #tpu.memory_space<hbm>>, %arg4: memref<160768xi32, #tpu.memory_space<hbm>>, %arg5: memref<160768xi32, #tpu.memory_space<hbm>>, %arg6: memref<2x10112x128xf32, #tpu.memory_space<hbm>>, %arg7: memref<32xi32, #tpu.memory_space<vmem>>, %arg8: memref<32xi32, #tpu.memory_space<vmem>>, %arg9: memref<32xi32, #tpu.memory_space<vmem>>, %arg10: memref<32x1024xf32, #tpu.memory_space<vmem>>, %arg11: memref<32x128xf32, #tpu.memory_space<vmem>>, %arg12: memref<32x128xf32, #tpu.memory_space<vmem>>, %arg13: memref<8x128xf32, #tpu.memory_space<vmem>>, %arg14: memref<10112x128xf32, #tpu.memory_space<vmem_shared>>, %arg15: memref<!tpu.dma_semaphore, #tpu.memory_space<semaphore_mem>>, %arg16: memref<!tpu.dma_semaphore, #tpu.memory_space<semaphore_mem>>) attributes {dimension_semantics = [#tpu.dimension_semantics<core_parallel>, #tpu.dimension_semantics<subcore_parallel>], iteration_bounds = array<i64: 2, 16>, scalar_prefetch = 0 : i64, scratch_operands = 10 : i64, tpu.core_type = #tpu.core_type<sc_vector_subcore>, window_params = [{transform_indices = #map}, {transform_indices = #map}, {transform_indices = #map1}, {transform_indices = #map1}, {transform_indices = #map2}]} {
    %scan3A = arith.constant 0 : i32
    %scan3A_0 = arith.constant 0 : i32
    %scan3A_1 = arith.constant 8 : i32
    %scan3A_2 = arith.addi %scan3A_0, %scan3A_1 : i32
    %scan3A_3 = arith.constant 1 : i32
    scf.for %scan3A_21 = %scan3A_0 to %scan3A_2 step %scan3A_3  : i32 {
      %broadcast_in_dim3A = arith.constant 0.000000e+00 : f32
      %broadcast_in_dim3A_22 = vector.broadcast %broadcast_in_dim3A : f32 to vector<16xf32>
      %swap3A = arith.index_cast %scan3A_21 : i32 to index
      %swap3A_23 = arith.constant 0 : index
      %swap3A_24 = tpu.vector_load %arg13[%swap3A, %swap3A_23] {strides = array<i32>} : memref<8x128xf32, #tpu.memory_space<vmem>>, vector<1x16xf32>,
      %swap3A_25 = vector.shape_cast %swap3A_24 : vector<1x16xf32> to vector<16xf32>
      %swap3A_26 = vector.shape_cast %broadcast_in_dim3A_22 : vector<16xf32> to vector<1x16xf32>
      tpu.vector_store %arg13[%swap3A, %swap3A_23], %swap3A_26 {strides = array<i32>} : memref<8x128xf32, #tpu.memory_space<vmem>>, vector<1x16xf32>,
      %broadcast_in_dim3A_27 = arith.constant 0.000000e+00 : f32
      %broadcast_in_dim3A_28 = vector.broadcast %broadcast_in_dim3A_27 : f32 to vector<16xf32>
      %swap3A_29 = arith.index_cast %scan3A_21 : i32 to index
      %swap3A_30 = arith.constant 16 : index
      %swap3A_31 = tpu.vector_load %arg13[%swap3A_29, %swap3A_30] {strides = array<i32>} : memref<8x128xf32, #tpu.memory_space<vmem>>, vector<1x16xf32>,
      %swap3A_32 = vector.shape_cast %swap3A_31 : vector<1x16xf32> to vector<16xf32>
      %swap3A_33 = vector.shape_cast %broadcast_in_dim3A_28 : vector<16xf32> to vector<1x16xf32>
      tpu.vector_store %arg13[%swap3A_29, %swap3A_30], %swap3A_33 {strides = array<i32>} : memref<8x128xf32, #tpu.memory_space<vmem>>, vector<1x16xf32>,
      %broadcast_in_dim3A_34 = arith.constant 0.000000e+00 : f32
      %broadcast_in_dim3A_35 = vector.broadcast %broadcast_in_dim3A_34 : f32 to vector<16xf32>
      %swap3A_36 = arith.index_cast %scan3A_21 : i32 to index
      %swap3A_37 = arith.constant 32 : index
      %swap3A_38 = tpu.vector_load %arg13[%swap3A_36, %swap3A_37] {strides = array<i32>} : memref<8x128xf32, #tpu.memory_space<vmem>>, vector<1x16xf32>,
      %swap3A_39 = vector.shape_cast %swap3A_38 : vector<1x16xf32> to vector<16xf32>
      %swap3A_40 = vector.shape_cast %broadcast_in_dim3A_35 : vector<16xf32> to vector<1x16xf32>
      tpu.vector_store %arg13[%swap3A_36, %swap3A_37], %swap3A_40 {strides = array<i32>} : memref<8x128xf32, #tpu.memory_space<vmem>>, vector<1x16xf32>,
      %broadcast_in_dim3A_41 = arith.constant 0.000000e+00 : f32
      %broadcast_in_dim3A_42 = vector.broadcast %broadcast_in_dim3A_41 : f32 to vector<16xf32>
      %swap3A_43 = arith.index_cast %scan3A_21 : i32 to index
      %swap3A_44 = arith.constant 48 : index
      %swap3A_45 = tpu.vector_load %arg13[%swap3A_43, %swap3A_44] {strides = array<i32>} : memref<8x128xf32, #tpu.memory_space<vmem>>, vector<1x16xf32>,
      %swap3A_46 = vector.shape_cast %swap3A_45 : vector<1x16xf32> to vector<16xf32>
      %swap3A_47 = vector.shape_cast %broadcast_in_dim3A_42 : vector<16xf32> to vector<1x16xf32>
      tpu.vector_store %arg13[%swap3A_43, %swap3A_44], %swap3A_47 {strides = array<i32>} : memref<8x128xf32, #tpu.memory_space<vmem>>, vector<1x16xf32>,
      %broadcast_in_dim3A_48 = arith.constant 0.000000e+00 : f32
      %broadcast_in_dim3A_49 = vector.broadcast %broadcast_in_dim3A_48 : f32 to vector<16xf32>
      %swap3A_50 = arith.index_cast %scan3A_21 : i32 to index
      %swap3A_51 = arith.constant 64 : index
      %swap3A_52 = tpu.vector_load %arg13[%swap3A_50, %swap3A_51] {strides = array<i32>} : memref<8x128xf32, #tpu.memory_space<vmem>>, vector<1x16xf32>,
      %swap3A_53 = vector.shape_cast %swap3A_52 : vector<1x16xf32> to vector<16xf32>
      %swap3A_54 = vector.shape_cast %broadcast_in_dim3A_49 : vector<16xf32> to vector<1x16xf32>
      tpu.vector_store %arg13[%swap3A_50, %swap3A_51], %swap3A_54 {strides = array<i32>} : memref<8x128xf32, #tpu.memory_space<vmem>>, vector<1x16xf32>,
      %broadcast_in_dim3A_55 = arith.constant 0.000000e+00 : f32
      %broadcast_in_dim3A_56 = vector.broadcast %broadcast_in_dim3A_55 : f32 to vector<16xf32>
      %swap3A_57 = arith.index_cast %scan3A_21 : i32 to index
      %swap3A_58 = arith.constant 80 : index
      %swap3A_59 = tpu.vector_load %arg13[%swap3A_57, %swap3A_58] {strides = array<i32>} : memref<8x128xf32, #tpu.memory_space<vmem>>, vector<1x16xf32>,
      %swap3A_60 = vector.shape_cast %swap3A_59 : vector<1x16xf32> to vector<16xf32>
      %swap3A_61 = vector.shape_cast %broadcast_in_dim3A_56 : vector<16xf32> to vector<1x16xf32>
      tpu.vector_store %arg13[%swap3A_57, %swap3A_58], %swap3A_61 {strides = array<i32>} : memref<8x128xf32, #tpu.memory_space<vmem>>, vector<1x16xf32>,
      %broadcast_in_dim3A_62 = arith.constant 0.000000e+00 : f32
      %broadcast_in_dim3A_63 = vector.broadcast %broadcast_in_dim3A_62 : f32 to vector<16xf32>
      %swap3A_64 = arith.index_cast %scan3A_21 : i32 to index
      %swap3A_65 = arith.constant 96 : index
      %swap3A_66 = tpu.vector_load %arg13[%swap3A_64, %swap3A_65] {strides = array<i32>} : memref<8x128xf32, #tpu.memory_space<vmem>>, vector<1x16xf32>,
      %swap3A_67 = vector.shape_cast %swap3A_66 : vector<1x16xf32> to vector<16xf32>
      %swap3A_68 = vector.shape_cast %broadcast_in_dim3A_63 : vector<16xf32> to vector<1x16xf32>
      tpu.vector_store %arg13[%swap3A_64, %swap3A_65], %swap3A_68 {strides = array<i32>} : memref<8x128xf32, #tpu.memory_space<vmem>>, vector<1x16xf32>,
      %broadcast_in_dim3A_69 = arith.constant 0.000000e+00 : f32
      %broadcast_in_dim3A_70 = vector.broadcast %broadcast_in_dim3A_69 : f32 to vector<16xf32>
      %swap3A_71 = arith.index_cast %scan3A_21 : i32 to index
      %swap3A_72 = arith.constant 112 : index
      %swap3A_73 = tpu.vector_load %arg13[%swap3A_71, %swap3A_72] {strides = array<i32>} : memref<8x128xf32, #tpu.memory_space<vmem>>, vector<1x16xf32>,
      %swap3A_74 = vector.shape_cast %swap3A_73 : vector<1x16xf32> to vector<16xf32>
      %swap3A_75 = vector.shape_cast %broadcast_in_dim3A_70 : vector<16xf32> to vector<1x16xf32>
      tpu.vector_store %arg13[%swap3A_71, %swap3A_72], %swap3A_75 {strides = array<i32>} : memref<8x128xf32, #tpu.memory_space<vmem>>, vector<1x16xf32>,
    }
    %scan3A_4 = arith.constant 8 : i32
    %scan3A_5 = arith.constant 0 : i32
    %scan3A_6 = arith.constant 0 : i32
    %scan3A_7 = arith.constant 79 : i32
    %scan3A_8 = arith.addi %scan3A_6, %scan3A_7 : i32
    %scan3A_9 = arith.constant 1 : i32
    scf.for %scan3A_21 = %scan3A_6 to %scan3A_8 step %scan3A_9  : i32 {
      %mul3A_22 = arith.constant 632 : i32
      %mul3A_23 = arith.muli %arg1, %mul3A_22 : i32
      %mul3A_24 = arith.constant 8 : i32
      %mul3A_25 = arith.muli %scan3A_21, %mul3A_24 : i32
      %add3A = arith.addi %mul3A_23, %mul3A_25 : i32
      "tpu.region"() ({
        %run_scoped3A = tpu.sem_alloc : memref<!tpu.dma_semaphore, #tpu.memory_space<semaphore_mem>>
        %dma_start3A = arith.constant 0 : i32
        %dma_start3A_26 = tpu.memref_slice %arg14[%add3A, %dma_start3A] : memref<10112x128xf32, #tpu.memory_space<vmem_shared>> -> memref<8x128xf32, #tpu.memory_space<vmem_shared>>
        %dma_start3A_27 = arith.constant 0 : i32
        %dma_start3A_28 = tpu.memref_slice %arg14[%add3A, %dma_start3A_27] : memref<10112x128xf32, #tpu.memory_space<vmem_shared>> -> memref<8x128xf32, #tpu.memory_space<vmem_shared>>
        tpu.enqueue_dma source(%arg13 : memref<8x128xf32, #tpu.memory_space<vmem>>) target(%dma_start3A_28 : memref<8x128xf32, #tpu.memory_space<vmem_shared>>) target_semaphore(%run_scoped3A : memref<!tpu.dma_semaphore, #tpu.memory_space<semaphore_mem>>)
        %dma_wait3A = arith.constant 0 : i32
        %dma_wait3A_29 = tpu.memref_slice %arg14[%add3A, %dma_wait3A] : memref<10112x128xf32, #tpu.memory_space<vmem_shared>> -> memref<8x128xf32, #tpu.memory_space<vmem_shared>>
        %dma_wait3A_30 = arith.constant 0 : i32
        %dma_wait3A_31 = tpu.memref_slice %arg14[%add3A, %dma_wait3A_30] : memref<10112x128xf32, #tpu.memory_space<vmem_shared>> -> memref<8x128xf32, #tpu.memory_space<vmem_shared>>
        tpu.wait_dma2 semaphore(%run_scoped3A : memref<!tpu.dma_semaphore, #tpu.memory_space<semaphore_mem>>) src(%arg13 : memref<8x128xf32, #tpu.memory_space<vmem>>) dst(%dma_wait3A_31 : memref<8x128xf32, #tpu.memory_space<vmem_shared>>)
        tpu.yield
      }) : () -> ()
    }
    %scan3A_10 = arith.constant 79 : i32
    %barrier3A = arith.constant 0 : index
    tpu.barrier barrier_id(%barrier3A)
    %scan3A_11 = arith.constant 0 : i32
    %scan3A_12 = arith.constant 0 : i32
    %scan3A_13 = arith.constant 314 : i32
    %scan3A_14 = arith.addi %scan3A_12, %scan3A_13 : i32
    %scan3A_15 = arith.constant 1 : i32
    scf.for %scan3A_21 = %scan3A_12 to %scan3A_14 step %scan3A_15  : i32 {
      %mul3A_22 = arith.constant 10048 : i32
      %mul3A_23 = arith.muli %arg1, %mul3A_22 : i32
      %mul3A_24 = arith.constant 32 : i32
      %mul3A_25 = arith.muli %scan3A_21, %mul3A_24 : i32
      %add3A = arith.addi %mul3A_23, %mul3A_25 : i32
      %multiple_of3A = tpu.assume_multiple %add3A, 32 : i32
      "tpu.region"() ({
        %run_scoped3A = tpu.sem_alloc : memref<!tpu.dma_semaphore, #tpu.memory_space<semaphore_mem>>
        %dma_start3A_64 = tpu.memref_slice %arg4[%multiple_of3A] : memref<160768xi32, #tpu.memory_space<hbm>> -> memref<32xi32, #tpu.memory_space<hbm>>
        %dma_start3A_65 = tpu.memref_slice %arg4[%multiple_of3A] : memref<160768xi32, #tpu.memory_space<hbm>> -> memref<32xi32, #tpu.memory_space<hbm>>
        tpu.enqueue_dma source(%dma_start3A_65 : memref<32xi32, #tpu.memory_space<hbm>>) target(%arg7 : memref<32xi32, #tpu.memory_space<vmem>>) target_semaphore(%run_scoped3A : memref<!tpu.dma_semaphore, #tpu.memory_space<semaphore_mem>>)
        %dma_wait3A_66 = tpu.memref_slice %arg4[%multiple_of3A] : memref<160768xi32, #tpu.memory_space<hbm>> -> memref<32xi32, #tpu.memory_space<hbm>>
        %dma_wait3A_67 = tpu.memref_slice %arg4[%multiple_of3A] : memref<160768xi32, #tpu.memory_space<hbm>> -> memref<32xi32, #tpu.memory_space<hbm>>
        tpu.wait_dma2 semaphore(%run_scoped3A : memref<!tpu.dma_semaphore, #tpu.memory_space<semaphore_mem>>) src(%dma_wait3A_67 : memref<32xi32, #tpu.memory_space<hbm>>) dst(%arg7 : memref<32xi32, #tpu.memory_space<vmem>>)
        tpu.yield
      }) : () -> ()
      "tpu.region"() ({
        %run_scoped3A = tpu.sem_alloc : memref<!tpu.dma_semaphore, #tpu.memory_space<semaphore_mem>>
        %dma_start3A_64 = tpu.memref_slice %arg5[%multiple_of3A] : memref<160768xi32, #tpu.memory_space<hbm>> -> memref<32xi32, #tpu.memory_space<hbm>>
        %dma_start3A_65 = tpu.memref_slice %arg5[%multiple_of3A] : memref<160768xi32, #tpu.memory_space<hbm>> -> memref<32xi32, #tpu.memory_space<hbm>>
        tpu.enqueue_dma source(%dma_start3A_65 : memref<32xi32, #tpu.memory_space<hbm>>) target(%arg8 : memref<32xi32, #tpu.memory_space<vmem>>) target_semaphore(%run_scoped3A : memref<!tpu.dma_semaphore, #tpu.memory_space<semaphore_mem>>)
        %dma_wait3A_66 = tpu.memref_slice %arg5[%multiple_of3A] : memref<160768xi32, #tpu.memory_space<hbm>> -> memref<32xi32, #tpu.memory_space<hbm>>
        %dma_wait3A_67 = tpu.memref_slice %arg5[%multiple_of3A] : memref<160768xi32, #tpu.memory_space<hbm>> -> memref<32xi32, #tpu.memory_space<hbm>>
        tpu.wait_dma2 semaphore(%run_scoped3A : memref<!tpu.dma_semaphore, #tpu.memory_space<semaphore_mem>>) src(%dma_wait3A_67 : memref<32xi32, #tpu.memory_space<hbm>>) dst(%arg8 : memref<32xi32, #tpu.memory_space<vmem>>)
        tpu.yield
      }) : () -> ()
      %get3A = arith.constant 0 : index
      %get3A_26 = tpu.vector_load %arg7[%get3A] {strides = array<i32>} : memref<32xi32, #tpu.memory_space<vmem>>, vector<16xi32>,
      %get3A_27 = vector.shape_cast %get3A_26 : vector<16xi32> to vector<16xi32>
      %mul3A_28 = arith.constant 2 : i32
      %mul3A_29 = vector.broadcast %mul3A_28 : i32 to vector<16xi32>
      %mul3A_30 = arith.muli %get3A_27, %mul3A_29 : vector<16xi32>
      %add3A_31 = vector.broadcast %arg0 : i32 to vector<16xi32>
      %add3A_32 = arith.addi %mul3A_30, %add3A_31 : vector<16xi32>
      %swap3A = arith.constant 0 : index
      %swap3A_33 = tpu.vector_load %arg9[%swap3A] {strides = array<i32>} : memref<32xi32, #tpu.memory_space<vmem>>, vector<16xi32>,
      %swap3A_34 = vector.shape_cast %swap3A_33 : vector<16xi32> to vector<16xi32>
      %swap3A_35 = vector.shape_cast %add3A_32 : vector<16xi32> to vector<16xi32>
      tpu.vector_store %arg9[%swap3A], %swap3A_35 {strides = array<i32>} : memref<32xi32, #tpu.memory_space<vmem>>, vector<16xi32>,
      %get3A_36 = arith.constant 16 : index
      %get3A_37 = tpu.vector_load %arg7[%get3A_36] {strides = array<i32>} : memref<32xi32, #tpu.memory_space<vmem>>, vector<16xi32>,
      %get3A_38 = vector.shape_cast %get3A_37 : vector<16xi32> to vector<16xi32>
      %mul3A_39 = arith.constant 2 : i32
      %mul3A_40 = vector.broadcast %mul3A_39 : i32 to vector<16xi32>
      %mul3A_41 = arith.muli %get3A_38, %mul3A_40 : vector<16xi32>
      %add3A_42 = vector.broadcast %arg0 : i32 to vector<16xi32>
      %add3A_43 = arith.addi %mul3A_41, %add3A_42 : vector<16xi32>
      %swap3A_44 = arith.constant 16 : index
      %swap3A_45 = tpu.vector_load %arg9[%swap3A_44] {strides = array<i32>} : memref<32xi32, #tpu.memory_space<vmem>>, vector<16xi32>,
      %swap3A_46 = vector.shape_cast %swap3A_45 : vector<16xi32> to vector<16xi32>
      %swap3A_47 = vector.shape_cast %add3A_43 : vector<16xi32> to vector<16xi32>
      tpu.vector_store %arg9[%swap3A_44], %swap3A_47 {strides = array<i32>} : memref<32xi32, #tpu.memory_space<vmem>>, vector<16xi32>,
      %dma_start3A = arith.constant 0 : i32
      %dma_start3A_48 = arith.constant 0 : i32
      %dma_start3A_49 = tpu.memref_slice %arg2[%dma_start3A, %dma_start3A_48] : memref<20000x1024xf32, #tpu.memory_space<hbm>> -> memref<20000x1024xf32, #tpu.memory_space<hbm>>
      tpu.enqueue_indirect_dma source(%dma_start3A_49 : memref<20000x1024xf32, #tpu.memory_space<hbm>>) target(%arg10 : memref<32x1024xf32, #tpu.memory_space<vmem>>) offsets(%arg9 : memref<32xi32, #tpu.memory_space<vmem>>) semaphore(%arg15 : memref<!tpu.dma_semaphore, #tpu.memory_space<semaphore_mem>>)
      %dma_start3A_50 = arith.constant 0 : i32
      %dma_start3A_51 = arith.constant 0 : i32
      %dma_start3A_52 = tpu.memref_slice %arg3[%dma_start3A_50, %dma_start3A_51] : memref<10240x128xf32, #tpu.memory_space<hbm>> -> memref<10240x128xf32, #tpu.memory_space<hbm>>
      tpu.enqueue_indirect_dma source(%dma_start3A_52 : memref<10240x128xf32, #tpu.memory_space<hbm>>) target(%arg11 : memref<32x128xf32, #tpu.memory_space<vmem>>) offsets(%arg8 : memref<32xi32, #tpu.memory_space<vmem>>) semaphore(%arg16 : memref<!tpu.dma_semaphore, #tpu.memory_space<semaphore_mem>>)
      %dma_wait3A = arith.constant 0 : i32
      %dma_wait3A_53 = arith.constant 0 : i32
      %dma_wait3A_54 = tpu.memref_slice %arg2[%dma_wait3A, %dma_wait3A_53] : memref<20000x1024xf32, #tpu.memory_space<hbm>> -> memref<20000x1024xf32, #tpu.memory_space<hbm>>
      tpu.wait_indirect_dma semaphore(%arg15 : memref<!tpu.dma_semaphore, #tpu.memory_space<semaphore_mem>>) src(%dma_wait3A_54 : memref<20000x1024xf32, #tpu.memory_space<hbm>>) dst(%arg10 : memref<32x1024xf32, #tpu.memory_space<vmem>>)
      %dma_wait3A_55 = arith.constant 0 : i32
      %dma_wait3A_56 = arith.constant 0 : i32
      %dma_wait3A_57 = tpu.memref_slice %arg3[%dma_wait3A_55, %dma_wait3A_56] : memref<10240x128xf32, #tpu.memory_space<hbm>> -> memref<10240x128xf32, #tpu.memory_space<hbm>>
      tpu.wait_indirect_dma semaphore(%arg16 : memref<!tpu.dma_semaphore, #tpu.memory_space<semaphore_mem>>) src(%dma_wait3A_57 : memref<10240x128xf32, #tpu.memory_space<hbm>>) dst(%arg11 : memref<32x128xf32, #tpu.memory_space<vmem>>)
      %scan3A_58 = arith.constant 0 : i32
      %scan3A_59 = arith.constant 0 : i32
      %scan3A_60 = arith.constant 32 : i32
      %scan3A_61 = arith.addi %scan3A_59, %scan3A_60 : i32
      %scan3A_62 = arith.constant 1 : i32
      scf.for %scan3A_64 = %scan3A_59 to %scan3A_61 step %scan3A_62  : i32 {
        %get3A_65 = arith.index_cast %scan3A_64 : i32 to index
        %get3A_66 = arith.constant 0 : index
        %get3A_67 = tpu.vector_load %arg11[%get3A_65, %get3A_66] {strides = array<i32>} : memref<32x128xf32, #tpu.memory_space<vmem>>, vector<1x16xf32>,
        %get3A_68 = vector.shape_cast %get3A_67 : vector<1x16xf32> to vector<16xf32>
        %get3A_69 = arith.index_cast %scan3A_64 : i32 to index
        %get3A_70 = arith.constant 16 : index
        %get3A_71 = tpu.vector_load %arg11[%get3A_69, %get3A_70] {strides = array<i32>} : memref<32x128xf32, #tpu.memory_space<vmem>>, vector<1x16xf32>,
        %get3A_72 = vector.shape_cast %get3A_71 : vector<1x16xf32> to vector<16xf32>
        %get3A_73 = arith.index_cast %scan3A_64 : i32 to index
        %get3A_74 = arith.constant 32 : index
        %get3A_75 = tpu.vector_load %arg11[%get3A_73, %get3A_74] {strides = array<i32>} : memref<32x128xf32, #tpu.memory_space<vmem>>, vector<1x16xf32>,
        %get3A_76 = vector.shape_cast %get3A_75 : vector<1x16xf32> to vector<16xf32>
        %get3A_77 = arith.index_cast %scan3A_64 : i32 to index
        %get3A_78 = arith.constant 48 : index
        %get3A_79 = tpu.vector_load %arg11[%get3A_77, %get3A_78] {strides = array<i32>} : memref<32x128xf32, #tpu.memory_space<vmem>>, vector<1x16xf32>,
        %get3A_80 = vector.shape_cast %get3A_79 : vector<1x16xf32> to vector<16xf32>
        %get3A_81 = arith.index_cast %scan3A_64 : i32 to index
        %get3A_82 = arith.constant 64 : index
        %get3A_83 = tpu.vector_load %arg11[%get3A_81, %get3A_82] {strides = array<i32>} : memref<32x128xf32, #tpu.memory_space<vmem>>, vector<1x16xf32>,
        %get3A_84 = vector.shape_cast %get3A_83 : vector<1x16xf32> to vector<16xf32>
        %get3A_85 = arith.index_cast %scan3A_64 : i32 to index
        %get3A_86 = arith.constant 80 : index
        %get3A_87 = tpu.vector_load %arg11[%get3A_85, %get3A_86] {strides = array<i32>} : memref<32x128xf32, #tpu.memory_space<vmem>>, vector<1x16xf32>,
        %get3A_88 = vector.shape_cast %get3A_87 : vector<1x16xf32> to vector<16xf32>
        %get3A_89 = arith.index_cast %scan3A_64 : i32 to index
        %get3A_90 = arith.constant 96 : index
        %get3A_91 = tpu.vector_load %arg11[%get3A_89, %get3A_90] {strides = array<i32>} : memref<32x128xf32, #tpu.memory_space<vmem>>, vector<1x16xf32>,
        %get3A_92 = vector.shape_cast %get3A_91 : vector<1x16xf32> to vector<16xf32>
        %get3A_93 = arith.index_cast %scan3A_64 : i32 to index
        %get3A_94 = arith.constant 112 : index
        %get3A_95 = tpu.vector_load %arg11[%get3A_93, %get3A_94] {strides = array<i32>} : memref<32x128xf32, #tpu.memory_space<vmem>>, vector<1x16xf32>,
        %get3A_96 = vector.shape_cast %get3A_95 : vector<1x16xf32> to vector<16xf32>
        %broadcast_in_dim3A = arith.constant 0.000000e+00 : f32
        %broadcast_in_dim3A_97 = vector.broadcast %broadcast_in_dim3A : f32 to vector<16xf32>
        %broadcast_in_dim3A_98 = arith.constant 0.000000e+00 : f32
        %broadcast_in_dim3A_99 = vector.broadcast %broadcast_in_dim3A_98 : f32 to vector<16xf32>
        %broadcast_in_dim3A_100 = arith.constant 0.000000e+00 : f32
        %broadcast_in_dim3A_101 = vector.broadcast %broadcast_in_dim3A_100 : f32 to vector<16xf32>
        %broadcast_in_dim3A_102 = arith.constant 0.000000e+00 : f32
        %broadcast_in_dim3A_103 = vector.broadcast %broadcast_in_dim3A_102 : f32 to vector<16xf32>
        %broadcast_in_dim3A_104 = arith.constant 0.000000e+00 : f32
        %broadcast_in_dim3A_105 = vector.broadcast %broadcast_in_dim3A_104 : f32 to vector<16xf32>
        %broadcast_in_dim3A_106 = arith.constant 0.000000e+00 : f32
        %broadcast_in_dim3A_107 = vector.broadcast %broadcast_in_dim3A_106 : f32 to vector<16xf32>
        %broadcast_in_dim3A_108 = arith.constant 0.000000e+00 : f32
        %broadcast_in_dim3A_109 = vector.broadcast %broadcast_in_dim3A_108 : f32 to vector<16xf32>
        %broadcast_in_dim3A_110 = arith.constant 0.000000e+00 : f32
        %broadcast_in_dim3A_111 = vector.broadcast %broadcast_in_dim3A_110 : f32 to vector<16xf32>
        %get3A_112 = arith.index_cast %scan3A_64 : i32 to index
        %get3A_113 = arith.constant 0 : index
        %get3A_114 = tpu.vector_load %arg10[%get3A_112, %get3A_113] {strides = array<i32>} : memref<32x1024xf32, #tpu.memory_space<vmem>>, vector<1x16xf32>,
        %get3A_115 = vector.shape_cast %get3A_114 : vector<1x16xf32> to vector<16xf32>
        %max3A = arith.maximumf %get3A_115, %get3A_68 : vector<16xf32>
        %add3A_116 = arith.addf %broadcast_in_dim3A_97, %max3A : vector<16xf32>
        %get3A_117 = arith.index_cast %scan3A_64 : i32 to index
        %get3A_118 = arith.constant 16 : index
        %get3A_119 = tpu.vector_load %arg10[%get3A_117, %get3A_118] {strides = array<i32>} : memref<32x1024xf32, #tpu.memory_space<vmem>>, vector<1x16xf32>,
        %get3A_120 = vector.shape_cast %get3A_119 : vector<1x16xf32> to vector<16xf32>
        %max3A_121 = arith.maximumf %get3A_120, %get3A_72 : vector<16xf32>
        %add3A_122 = arith.addf %broadcast_in_dim3A_99, %max3A_121 : vector<16xf32>
        %get3A_123 = arith.index_cast %scan3A_64 : i32 to index
        %get3A_124 = arith.constant 32 : index
        %get3A_125 = tpu.vector_load %arg10[%get3A_123, %get3A_124] {strides = array<i32>} : memref<32x1024xf32, #tpu.memory_space<vmem>>, vector<1x16xf32>,
        %get3A_126 = vector.shape_cast %get3A_125 : vector<1x16xf32> to vector<16xf32>
        %max3A_127 = arith.maximumf %get3A_126, %get3A_76 : vector<16xf32>
        %add3A_128 = arith.addf %broadcast_in_dim3A_101, %max3A_127 : vector<16xf32>
        %get3A_129 = arith.index_cast %scan3A_64 : i32 to index
        %get3A_130 = arith.constant 48 : index
        %get3A_131 = tpu.vector_load %arg10[%get3A_129, %get3A_130] {strides = array<i32>} : memref<32x1024xf32, #tpu.memory_space<vmem>>, vector<1x16xf32>,
        %get3A_132 = vector.shape_cast %get3A_131 : vector<1x16xf32> to vector<16xf32>
        %max3A_133 = arith.maximumf %get3A_132, %get3A_80 : vector<16xf32>
        %add3A_134 = arith.addf %broadcast_in_dim3A_103, %max3A_133 : vector<16xf32>
        %get3A_135 = arith.index_cast %scan3A_64 : i32 to index
        %get3A_136 = arith.constant 64 : index
        %get3A_137 = tpu.vector_load %arg10[%get3A_135, %get3A_136] {strides = array<i32>} : memref<32x1024xf32, #tpu.memory_space<vmem>>, vector<1x16xf32>,
        %get3A_138 = vector.shape_cast %get3A_137 : vector<1x16xf32> to vector<16xf32>
        %max3A_139 = arith.maximumf %get3A_138, %get3A_84 : vector<16xf32>
        %add3A_140 = arith.addf %broadcast_in_dim3A_105, %max3A_139 : vector<16xf32>
        %get3A_141 = arith.index_cast %scan3A_64 : i32 to index
        %get3A_142 = arith.constant 80 : index
        %get3A_143 = tpu.vector_load %arg10[%get3A_141, %get3A_142] {strides = array<i32>} : memref<32x1024xf32, #tpu.memory_space<vmem>>, vector<1x16xf32>,
        %get3A_144 = vector.shape_cast %get3A_143 : vector<1x16xf32> to vector<16xf32>
        %max3A_145 = arith.maximumf %get3A_144, %get3A_88 : vector<16xf32>
        %add3A_146 = arith.addf %broadcast_in_dim3A_107, %max3A_145 : vector<16xf32>
        %get3A_147 = arith.index_cast %scan3A_64 : i32 to index
        %get3A_148 = arith.constant 96 : index
        %get3A_149 = tpu.vector_load %arg10[%get3A_147, %get3A_148] {strides = array<i32>} : memref<32x1024xf32, #tpu.memory_space<vmem>>, vector<1x16xf32>,
        %get3A_150 = vector.shape_cast %get3A_149 : vector<1x16xf32> to vector<16xf32>
        %max3A_151 = arith.maximumf %get3A_150, %get3A_92 : vector<16xf32>
        %add3A_152 = arith.addf %broadcast_in_dim3A_109, %max3A_151 : vector<16xf32>
        %get3A_153 = arith.index_cast %scan3A_64 : i32 to index
        %get3A_154 = arith.constant 112 : index
        %get3A_155 = tpu.vector_load %arg10[%get3A_153, %get3A_154] {strides = array<i32>} : memref<32x1024xf32, #tpu.memory_space<vmem>>, vector<1x16xf32>,
        %get3A_156 = vector.shape_cast %get3A_155 : vector<1x16xf32> to vector<16xf32>
        %max3A_157 = arith.maximumf %get3A_156, %get3A_96 : vector<16xf32>
        %add3A_158 = arith.addf %broadcast_in_dim3A_111, %max3A_157 : vector<16xf32>
        %get3A_159 = arith.index_cast %scan3A_64 : i32 to index
        %get3A_160 = arith.constant 128 : index
        %get3A_161 = tpu.vector_load %arg10[%get3A_159, %get3A_160] {strides = array<i32>} : memref<32x1024xf32, #tpu.memory_space<vmem>>, vector<1x16xf32>,
        %get3A_162 = vector.shape_cast %get3A_161 : vector<1x16xf32> to vector<16xf32>
        %max3A_163 = arith.maximumf %get3A_162, %get3A_68 : vector<16xf32>
        %add3A_164 = arith.addf %add3A_116, %max3A_163 : vector<16xf32>
        %get3A_165 = arith.index_cast %scan3A_64 : i32 to index
        %get3A_166 = arith.constant 144 : index
        %get3A_167 = tpu.vector_load %arg10[%get3A_165, %get3A_166] {strides = array<i32>} : memref<32x1024xf32, #tpu.memory_space<vmem>>, vector<1x16xf32>,
        %get3A_168 = vector.shape_cast %get3A_167 : vector<1x16xf32> to vector<16xf32>
        %max3A_169 = arith.maximumf %get3A_168, %get3A_72 : vector<16xf32>
        %add3A_170 = arith.addf %add3A_122, %max3A_169 : vector<16xf32>
        %get3A_171 = arith.index_cast %scan3A_64 : i32 to index
        %get3A_172 = arith.constant 160 : index
        %get3A_173 = tpu.vector_load %arg10[%get3A_171, %get3A_172] {strides = array<i32>} : memref<32x1024xf32, #tpu.memory_space<vmem>>, vector<1x16xf32>,
        %get3A_174 = vector.shape_cast %get3A_173 : vector<1x16xf32> to vector<16xf32>
        %max3A_175 = arith.maximumf %get3A_174, %get3A_76 : vector<16xf32>
        %add3A_176 = arith.addf %add3A_128, %max3A_175 : vector<16xf32>
        %get3A_177 = arith.index_cast %scan3A_64 : i32 to index
        %get3A_178 = arith.constant 176 : index
        %get3A_179 = tpu.vector_load %arg10[%get3A_177, %get3A_178] {strides = array<i32>} : memref<32x1024xf32, #tpu.memory_space<vmem>>, vector<1x16xf32>,
        %get3A_180 = vector.shape_cast %get3A_179 : vector<1x16xf32> to vector<16xf32>
        %max3A_181 = arith.maximumf %get3A_180, %get3A_80 : vector<16xf32>
        %add3A_182 = arith.addf %add3A_134, %max3A_181 : vector<16xf32>
        %get3A_183 = arith.index_cast %scan3A_64 : i32 to index
        %get3A_184 = arith.constant 192 : index
        %get3A_185 = tpu.vector_load %arg10[%get3A_183, %get3A_184] {strides = array<i32>} : memref<32x1024xf32, #tpu.memory_space<vmem>>, vector<1x16xf32>,
        %get3A_186 = vector.shape_cast %get3A_185 : vector<1x16xf32> to vector<16xf32>
        %max3A_187 = arith.maximumf %get3A_186, %get3A_84 : vector<16xf32>
        %add3A_188 = arith.addf %add3A_140, %max3A_187 : vector<16xf32>
        %get3A_189 = arith.index_cast %scan3A_64 : i32 to index
        %get3A_190 = arith.constant 208 : index
        %get3A_191 = tpu.vector_load %arg10[%get3A_189, %get3A_190] {strides = array<i32>} : memref<32x1024xf32, #tpu.memory_space<vmem>>, vector<1x16xf32>,
        %get3A_192 = vector.shape_cast %get3A_191 : vector<1x16xf32> to vector<16xf32>
        %max3A_193 = arith.maximumf %get3A_192, %get3A_88 : vector<16xf32>
        %add3A_194 = arith.addf %add3A_146, %max3A_193 : vector<16xf32>
        %get3A_195 = arith.index_cast %scan3A_64 : i32 to index
        %get3A_196 = arith.constant 224 : index
        %get3A_197 = tpu.vector_load %arg10[%get3A_195, %get3A_196] {strides = array<i32>} : memref<32x1024xf32, #tpu.memory_space<vmem>>, vector<1x16xf32>,
        %get3A_198 = vector.shape_cast %get3A_197 : vector<1x16xf32> to vector<16xf32>
        %max3A_199 = arith.maximumf %get3A_198, %get3A_92 : vector<16xf32>
        %add3A_200 = arith.addf %add3A_152, %max3A_199 : vector<16xf32>
        %get3A_201 = arith.index_cast %scan3A_64 : i32 to index
        %get3A_202 = arith.constant 240 : index
        %get3A_203 = tpu.vector_load %arg10[%get3A_201, %get3A_202] {strides = array<i32>} : memref<32x1024xf32, #tpu.memory_space<vmem>>, vector<1x16xf32>,
        %get3A_204 = vector.shape_cast %get3A_203 : vector<1x16xf32> to vector<16xf32>
        %max3A_205 = arith.maximumf %get3A_204, %get3A_96 : vector<16xf32>
        %add3A_206 = arith.addf %add3A_158, %max3A_205 : vector<16xf32>
        %get3A_207 = arith.index_cast %scan3A_64 : i32 to index
        %get3A_208 = arith.constant 256 : index
        %get3A_209 = tpu.vector_load %arg10[%get3A_207, %get3A_208] {strides = array<i32>} : memref<32x1024xf32, #tpu.memory_space<vmem>>, vector<1x16xf32>,
        %get3A_210 = vector.shape_cast %get3A_209 : vector<1x16xf32> to vector<16xf32>
        %max3A_211 = arith.maximumf %get3A_210, %get3A_68 : vector<16xf32>
        %add3A_212 = arith.addf %add3A_164, %max3A_211 : vector<16xf32>
        %get3A_213 = arith.index_cast %scan3A_64 : i32 to index
        %get3A_214 = arith.constant 272 : index
        %get3A_215 = tpu.vector_load %arg10[%get3A_213, %get3A_214] {strides = array<i32>} : memref<32x1024xf32, #tpu.memory_space<vmem>>, vector<1x16xf32>,
        %get3A_216 = vector.shape_cast %get3A_215 : vector<1x16xf32> to vector<16xf32>
        %max3A_217 = arith.maximumf %get3A_216, %get3A_72 : vector<16xf32>
        %add3A_218 = arith.addf %add3A_170, %max3A_217 : vector<16xf32>
        %get3A_219 = arith.index_cast %scan3A_64 : i32 to index
        %get3A_220 = arith.constant 288 : index
        %get3A_221 = tpu.vector_load %arg10[%get3A_219, %get3A_220] {strides = array<i32>} : memref<32x1024xf32, #tpu.memory_space<vmem>>, vector<1x16xf32>,
        %get3A_222 = vector.shape_cast %get3A_221 : vector<1x16xf32> to vector<16xf32>
        %max3A_223 = arith.maximumf %get3A_222, %get3A_76 : vector<16xf32>
        %add3A_224 = arith.addf %add3A_176, %max3A_223 : vector<16xf32>
        %get3A_225 = arith.index_cast %scan3A_64 : i32 to index
        %get3A_226 = arith.constant 304 : index
        %get3A_227 = tpu.vector_load %arg10[%get3A_225, %get3A_226] {strides = array<i32>} : memref<32x1024xf32, #tpu.memory_space<vmem>>, vector<1x16xf32>,
        %get3A_228 = vector.shape_cast %get3A_227 : vector<1x16xf32> to vector<16xf32>
        %max3A_229 = arith.maximumf %get3A_228, %get3A_80 : vector<16xf32>
        %add3A_230 = arith.addf %add3A_182, %max3A_229 : vector<16xf32>
        %get3A_231 = arith.index_cast %scan3A_64 : i32 to index
        %get3A_232 = arith.constant 320 : index
        %get3A_233 = tpu.vector_load %arg10[%get3A_231, %get3A_232] {strides = array<i32>} : memref<32x1024xf32, #tpu.memory_space<vmem>>, vector<1x16xf32>,
        %get3A_234 = vector.shape_cast %get3A_233 : vector<1x16xf32> to vector<16xf32>
        %max3A_235 = arith.maximumf %get3A_234, %get3A_84 : vector<16xf32>
        %add3A_236 = arith.addf %add3A_188, %max3A_235 : vector<16xf32>
        %get3A_237 = arith.index_cast %scan3A_64 : i32 to index
        %get3A_238 = arith.constant 336 : index
        %get3A_239 = tpu.vector_load %arg10[%get3A_237, %get3A_238] {strides = array<i32>} : memref<32x1024xf32, #tpu.memory_space<vmem>>, vector<1x16xf32>,
        %get3A_240 = vector.shape_cast %get3A_239 : vector<1x16xf32> to vector<16xf32>
        %max3A_241 = arith.maximumf %get3A_240, %get3A_88 : vector<16xf32>
        %add3A_242 = arith.addf %add3A_194, %max3A_241 : vector<16xf32>
        %get3A_243 = arith.index_cast %scan3A_64 : i32 to index
        %get3A_244 = arith.constant 352 : index
        %get3A_245 = tpu.vector_load %arg10[%get3A_243, %get3A_244] {strides = array<i32>} : memref<32x1024xf32, #tpu.memory_space<vmem>>, vector<1x16xf32>,
        %get3A_246 = vector.shape_cast %get3A_245 : vector<1x16xf32> to vector<16xf32>
        %max3A_247 = arith.maximumf %get3A_246, %get3A_92 : vector<16xf32>
        %add3A_248 = arith.addf %add3A_200, %max3A_247 : vector<16xf32>
        %get3A_249 = arith.index_cast %scan3A_64 : i32 to index
        %get3A_250 = arith.constant 368 : index
        %get3A_251 = tpu.vector_load %arg10[%get3A_249, %get3A_250] {strides = array<i32>} : memref<32x1024xf32, #tpu.memory_space<vmem>>, vector<1x16xf32>,
        %get3A_252 = vector.shape_cast %get3A_251 : vector<1x16xf32> to vector<16xf32>
        %max3A_253 = arith.maximumf %get3A_252, %get3A_96 : vector<16xf32>
        %add3A_254 = arith.addf %add3A_206, %max3A_253 : vector<16xf32>
        %get3A_255 = arith.index_cast %scan3A_64 : i32 to index
        %get3A_256 = arith.constant 384 : index
        %get3A_257 = tpu.vector_load %arg10[%get3A_255, %get3A_256] {strides = array<i32>} : memref<32x1024xf32, #tpu.memory_space<vmem>>, vector<1x16xf32>,
        %get3A_258 = vector.shape_cast %get3A_257 : vector<1x16xf32> to vector<16xf32>
        %max3A_259 = arith.maximumf %get3A_258, %get3A_68 : vector<16xf32>
        %add3A_260 = arith.addf %add3A_212, %max3A_259 : vector<16xf32>
        %get3A_261 = arith.index_cast %scan3A_64 : i32 to index
        %get3A_262 = arith.constant 400 : index
        %get3A_263 = tpu.vector_load %arg10[%get3A_261, %get3A_262] {strides = array<i32>} : memref<32x1024xf32, #tpu.memory_space<vmem>>, vector<1x16xf32>,
        %get3A_264 = vector.shape_cast %get3A_263 : vector<1x16xf32> to vector<16xf32>
        %max3A_265 = arith.maximumf %get3A_264, %get3A_72 : vector<16xf32>
        %add3A_266 = arith.addf %add3A_218, %max3A_265 : vector<16xf32>
        %get3A_267 = arith.index_cast %scan3A_64 : i32 to index
        %get3A_268 = arith.constant 416 : index
        %get3A_269 = tpu.vector_load %arg10[%get3A_267, %get3A_268] {strides = array<i32>} : memref<32x1024xf32, #tpu.memory_space<vmem>>, vector<1x16xf32>,
        %get3A_270 = vector.shape_cast %get3A_269 : vector<1x16xf32> to vector<16xf32>
        %max3A_271 = arith.maximumf %get3A_270, %get3A_76 : vector<16xf32>
        %add3A_272 = arith.addf %add3A_224, %max3A_271 : vector<16xf32>
        %get3A_273 = arith.index_cast %scan3A_64 : i32 to index
        %get3A_274 = arith.constant 432 : index
        %get3A_275 = tpu.vector_load %arg10[%get3A_273, %get3A_274] {strides = array<i32>} : memref<32x1024xf32, #tpu.memory_space<vmem>>, vector<1x16xf32>,
        %get3A_276 = vector.shape_cast %get3A_275 : vector<1x16xf32> to vector<16xf32>
        %max3A_277 = arith.maximumf %get3A_276, %get3A_80 : vector<16xf32>
        %add3A_278 = arith.addf %add3A_230, %max3A_277 : vector<16xf32>
        %get3A_279 = arith.index_cast %scan3A_64 : i32 to index
        %get3A_280 = arith.constant 448 : index
        %get3A_281 = tpu.vector_load %arg10[%get3A_279, %get3A_280] {strides = array<i32>} : memref<32x1024xf32, #tpu.memory_space<vmem>>, vector<1x16xf32>,
        %get3A_282 = vector.shape_cast %get3A_281 : vector<1x16xf32> to vector<16xf32>
        %max3A_283 = arith.maximumf %get3A_282, %get3A_84 : vector<16xf32>
        %add3A_284 = arith.addf %add3A_236, %max3A_283 : vector<16xf32>
        %get3A_285 = arith.index_cast %scan3A_64 : i32 to index
        %get3A_286 = arith.constant 464 : index
        %get3A_287 = tpu.vector_load %arg10[%get3A_285, %get3A_286] {strides = array<i32>} : memref<32x1024xf32, #tpu.memory_space<vmem>>, vector<1x16xf32>,
        %get3A_288 = vector.shape_cast %get3A_287 : vector<1x16xf32> to vector<16xf32>
        %max3A_289 = arith.maximumf %get3A_288, %get3A_88 : vector<16xf32>
        %add3A_290 = arith.addf %add3A_242, %max3A_289 : vector<16xf32>
        %get3A_291 = arith.index_cast %scan3A_64 : i32 to index
        %get3A_292 = arith.constant 480 : index
        %get3A_293 = tpu.vector_load %arg10[%get3A_291, %get3A_292] {strides = array<i32>} : memref<32x1024xf32, #tpu.memory_space<vmem>>, vector<1x16xf32>,
        %get3A_294 = vector.shape_cast %get3A_293 : vector<1x16xf32> to vector<16xf32>
        %max3A_295 = arith.maximumf %get3A_294, %get3A_92 : vector<16xf32>
        %add3A_296 = arith.addf %add3A_248, %max3A_295 : vector<16xf32>
        %get3A_297 = arith.index_cast %scan3A_64 : i32 to index
        %get3A_298 = arith.constant 496 : index
        %get3A_299 = tpu.vector_load %arg10[%get3A_297, %get3A_298] {strides = array<i32>} : memref<32x1024xf32, #tpu.memory_space<vmem>>, vector<1x16xf32>,
        %get3A_300 = vector.shape_cast %get3A_299 : vector<1x16xf32> to vector<16xf32>
        %max3A_301 = arith.maximumf %get3A_300, %get3A_96 : vector<16xf32>
        %add3A_302 = arith.addf %add3A_254, %max3A_301 : vector<16xf32>
        %get3A_303 = arith.index_cast %scan3A_64 : i32 to index
        %get3A_304 = arith.constant 512 : index
        %get3A_305 = tpu.vector_load %arg10[%get3A_303, %get3A_304] {strides = array<i32>} : memref<32x1024xf32, #tpu.memory_space<vmem>>, vector<1x16xf32>,
        %get3A_306 = vector.shape_cast %get3A_305 : vector<1x16xf32> to vector<16xf32>
        %max3A_307 = arith.maximumf %get3A_306, %get3A_68 : vector<16xf32>
        %add3A_308 = arith.addf %add3A_260, %max3A_307 : vector<16xf32>
        %get3A_309 = arith.index_cast %scan3A_64 : i32 to index
        %get3A_310 = arith.constant 528 : index
        %get3A_311 = tpu.vector_load %arg10[%get3A_309, %get3A_310] {strides = array<i32>} : memref<32x1024xf32, #tpu.memory_space<vmem>>, vector<1x16xf32>,
        %get3A_312 = vector.shape_cast %get3A_311 : vector<1x16xf32> to vector<16xf32>
        %max3A_313 = arith.maximumf %get3A_312, %get3A_72 : vector<16xf32>
        %add3A_314 = arith.addf %add3A_266, %max3A_313 : vector<16xf32>
        %get3A_315 = arith.index_cast %scan3A_64 : i32 to index
        %get3A_316 = arith.constant 544 : index
        %get3A_317 = tpu.vector_load %arg10[%get3A_315, %get3A_316] {strides = array<i32>} : memref<32x1024xf32, #tpu.memory_space<vmem>>, vector<1x16xf32>,
        %get3A_318 = vector.shape_cast %get3A_317 : vector<1x16xf32> to vector<16xf32>
        %max3A_319 = arith.maximumf %get3A_318, %get3A_76 : vector<16xf32>
        %add3A_320 = arith.addf %add3A_272, %max3A_319 : vector<16xf32>
        %get3A_321 = arith.index_cast %scan3A_64 : i32 to index
        %get3A_322 = arith.constant 560 : index
        %get3A_323 = tpu.vector_load %arg10[%get3A_321, %get3A_322] {strides = array<i32>} : memref<32x1024xf32, #tpu.memory_space<vmem>>, vector<1x16xf32>,
        %get3A_324 = vector.shape_cast %get3A_323 : vector<1x16xf32> to vector<16xf32>
        %max3A_325 = arith.maximumf %get3A_324, %get3A_80 : vector<16xf32>
        %add3A_326 = arith.addf %add3A_278, %max3A_325 : vector<16xf32>
        %get3A_327 = arith.index_cast %scan3A_64 : i32 to index
        %get3A_328 = arith.constant 576 : index
        %get3A_329 = tpu.vector_load %arg10[%get3A_327, %get3A_328] {strides = array<i32>} : memref<32x1024xf32, #tpu.memory_space<vmem>>, vector<1x16xf32>,
        %get3A_330 = vector.shape_cast %get3A_329 : vector<1x16xf32> to vector<16xf32>
        %max3A_331 = arith.maximumf %get3A_330, %get3A_84 : vector<16xf32>
        %add3A_332 = arith.addf %add3A_284, %max3A_331 : vector<16xf32>
        %get3A_333 = arith.index_cast %scan3A_64 : i32 to index
        %get3A_334 = arith.constant 592 : index
        %get3A_335 = tpu.vector_load %arg10[%get3A_333, %get3A_334] {strides = array<i32>} : memref<32x1024xf32, #tpu.memory_space<vmem>>, vector<1x16xf32>,
        %get3A_336 = vector.shape_cast %get3A_335 : vector<1x16xf32> to vector<16xf32>
        %max3A_337 = arith.maximumf %get3A_336, %get3A_88 : vector<16xf32>
        %add3A_338 = arith.addf %add3A_290, %max3A_337 : vector<16xf32>
        %get3A_339 = arith.index_cast %scan3A_64 : i32 to index
        %get3A_340 = arith.constant 608 : index
        %get3A_341 = tpu.vector_load %arg10[%get3A_339, %get3A_340] {strides = array<i32>} : memref<32x1024xf32, #tpu.memory_space<vmem>>, vector<1x16xf32>,
        %get3A_342 = vector.shape_cast %get3A_341 : vector<1x16xf32> to vector<16xf32>
        %max3A_343 = arith.maximumf %get3A_342, %get3A_92 : vector<16xf32>
        %add3A_344 = arith.addf %add3A_296, %max3A_343 : vector<16xf32>
        %get3A_345 = arith.index_cast %scan3A_64 : i32 to index
        %get3A_346 = arith.constant 624 : index
        %get3A_347 = tpu.vector_load %arg10[%get3A_345, %get3A_346] {strides = array<i32>} : memref<32x1024xf32, #tpu.memory_space<vmem>>, vector<1x16xf32>,
        %get3A_348 = vector.shape_cast %get3A_347 : vector<1x16xf32> to vector<16xf32>
        %max3A_349 = arith.maximumf %get3A_348, %get3A_96 : vector<16xf32>
        %add3A_350 = arith.addf %add3A_302, %max3A_349 : vector<16xf32>
        %get3A_351 = arith.index_cast %scan3A_64 : i32 to index
        %get3A_352 = arith.constant 640 : index
        %get3A_353 = tpu.vector_load %arg10[%get3A_351, %get3A_352] {strides = array<i32>} : memref<32x1024xf32, #tpu.memory_space<vmem>>, vector<1x16xf32>,
        %get3A_354 = vector.shape_cast %get3A_353 : vector<1x16xf32> to vector<16xf32>
        %max3A_355 = arith.maximumf %get3A_354, %get3A_68 : vector<16xf32>
        %add3A_356 = arith.addf %add3A_308, %max3A_355 : vector<16xf32>
        %get3A_357 = arith.index_cast %scan3A_64 : i32 to index
        %get3A_358 = arith.constant 656 : index
        %get3A_359 = tpu.vector_load %arg10[%get3A_357, %get3A_358] {strides = array<i32>} : memref<32x1024xf32, #tpu.memory_space<vmem>>, vector<1x16xf32>,
        %get3A_360 = vector.shape_cast %get3A_359 : vector<1x16xf32> to vector<16xf32>
        %max3A_361 = arith.maximumf %get3A_360, %get3A_72 : vector<16xf32>
        %add3A_362 = arith.addf %add3A_314, %max3A_361 : vector<16xf32>
        %get3A_363 = arith.index_cast %scan3A_64 : i32 to index
        %get3A_364 = arith.constant 672 : index
        %get3A_365 = tpu.vector_load %arg10[%get3A_363, %get3A_364] {strides = array<i32>} : memref<32x1024xf32, #tpu.memory_space<vmem>>, vector<1x16xf32>,
        %get3A_366 = vector.shape_cast %get3A_365 : vector<1x16xf32> to vector<16xf32>
        %max3A_367 = arith.maximumf %get3A_366, %get3A_76 : vector<16xf32>
        %add3A_368 = arith.addf %add3A_320, %max3A_367 : vector<16xf32>
        %get3A_369 = arith.index_cast %scan3A_64 : i32 to index
        %get3A_370 = arith.constant 688 : index
        %get3A_371 = tpu.vector_load %arg10[%get3A_369, %get3A_370] {strides = array<i32>} : memref<32x1024xf32, #tpu.memory_space<vmem>>, vector<1x16xf32>,
        %get3A_372 = vector.shape_cast %get3A_371 : vector<1x16xf32> to vector<16xf32>
        %max3A_373 = arith.maximumf %get3A_372, %get3A_80 : vector<16xf32>
        %add3A_374 = arith.addf %add3A_326, %max3A_373 : vector<16xf32>
        %get3A_375 = arith.index_cast %scan3A_64 : i32 to index
        %get3A_376 = arith.constant 704 : index
        %get3A_377 = tpu.vector_load %arg10[%get3A_375, %get3A_376] {strides = array<i32>} : memref<32x1024xf32, #tpu.memory_space<vmem>>, vector<1x16xf32>,
        %get3A_378 = vector.shape_cast %get3A_377 : vector<1x16xf32> to vector<16xf32>
        %max3A_379 = arith.maximumf %get3A_378, %get3A_84 : vector<16xf32>
        %add3A_380 = arith.addf %add3A_332, %max3A_379 : vector<16xf32>
        %get3A_381 = arith.index_cast %scan3A_64 : i32 to index
        %get3A_382 = arith.constant 720 : index
        %get3A_383 = tpu.vector_load %arg10[%get3A_381, %get3A_382] {strides = array<i32>} : memref<32x1024xf32, #tpu.memory_space<vmem>>, vector<1x16xf32>,
        %get3A_384 = vector.shape_cast %get3A_383 : vector<1x16xf32> to vector<16xf32>
        %max3A_385 = arith.maximumf %get3A_384, %get3A_88 : vector<16xf32>
        %add3A_386 = arith.addf %add3A_338, %max3A_385 : vector<16xf32>
        %get3A_387 = arith.index_cast %scan3A_64 : i32 to index
        %get3A_388 = arith.constant 736 : index
        %get3A_389 = tpu.vector_load %arg10[%get3A_387, %get3A_388] {strides = array<i32>} : memref<32x1024xf32, #tpu.memory_space<vmem>>, vector<1x16xf32>,
        %get3A_390 = vector.shape_cast %get3A_389 : vector<1x16xf32> to vector<16xf32>
        %max3A_391 = arith.maximumf %get3A_390, %get3A_92 : vector<16xf32>
        %add3A_392 = arith.addf %add3A_344, %max3A_391 : vector<16xf32>
        %get3A_393 = arith.index_cast %scan3A_64 : i32 to index
        %get3A_394 = arith.constant 752 : index
        %get3A_395 = tpu.vector_load %arg10[%get3A_393, %get3A_394] {strides = array<i32>} : memref<32x1024xf32, #tpu.memory_space<vmem>>, vector<1x16xf32>,
        %get3A_396 = vector.shape_cast %get3A_395 : vector<1x16xf32> to vector<16xf32>
        %max3A_397 = arith.maximumf %get3A_396, %get3A_96 : vector<16xf32>
        %add3A_398 = arith.addf %add3A_350, %max3A_397 : vector<16xf32>
        %get3A_399 = arith.index_cast %scan3A_64 : i32 to index
        %get3A_400 = arith.constant 768 : index
        %get3A_401 = tpu.vector_load %arg10[%get3A_399, %get3A_400] {strides = array<i32>} : memref<32x1024xf32, #tpu.memory_space<vmem>>, vector<1x16xf32>,
        %get3A_402 = vector.shape_cast %get3A_401 : vector<1x16xf32> to vector<16xf32>
        %max3A_403 = arith.maximumf %get3A_402, %get3A_68 : vector<16xf32>
        %add3A_404 = arith.addf %add3A_356, %max3A_403 : vector<16xf32>
        %get3A_405 = arith.index_cast %scan3A_64 : i32 to index
        %get3A_406 = arith.constant 784 : index
        %get3A_407 = tpu.vector_load %arg10[%get3A_405, %get3A_406] {strides = array<i32>} : memref<32x1024xf32, #tpu.memory_space<vmem>>, vector<1x16xf32>,
        %get3A_408 = vector.shape_cast %get3A_407 : vector<1x16xf32> to vector<16xf32>
        %max3A_409 = arith.maximumf %get3A_408, %get3A_72 : vector<16xf32>
        %add3A_410 = arith.addf %add3A_362, %max3A_409 : vector<16xf32>
        %get3A_411 = arith.index_cast %scan3A_64 : i32 to index
        %get3A_412 = arith.constant 800 : index
        %get3A_413 = tpu.vector_load %arg10[%get3A_411, %get3A_412] {strides = array<i32>} : memref<32x1024xf32, #tpu.memory_space<vmem>>, vector<1x16xf32>,
        %get3A_414 = vector.shape_cast %get3A_413 : vector<1x16xf32> to vector<16xf32>
        %max3A_415 = arith.maximumf %get3A_414, %get3A_76 : vector<16xf32>
        %add3A_416 = arith.addf %add3A_368, %max3A_415 : vector<16xf32>
        %get3A_417 = arith.index_cast %scan3A_64 : i32 to index
        %get3A_418 = arith.constant 816 : index
        %get3A_419 = tpu.vector_load %arg10[%get3A_417, %get3A_418] {strides = array<i32>} : memref<32x1024xf32, #tpu.memory_space<vmem>>, vector<1x16xf32>,
        %get3A_420 = vector.shape_cast %get3A_419 : vector<1x16xf32> to vector<16xf32>
        %max3A_421 = arith.maximumf %get3A_420, %get3A_80 : vector<16xf32>
        %add3A_422 = arith.addf %add3A_374, %max3A_421 : vector<16xf32>
        %get3A_423 = arith.index_cast %scan3A_64 : i32 to index
        %get3A_424 = arith.constant 832 : index
        %get3A_425 = tpu.vector_load %arg10[%get3A_423, %get3A_424] {strides = array<i32>} : memref<32x1024xf32, #tpu.memory_space<vmem>>, vector<1x16xf32>,
        %get3A_426 = vector.shape_cast %get3A_425 : vector<1x16xf32> to vector<16xf32>
        %max3A_427 = arith.maximumf %get3A_426, %get3A_84 : vector<16xf32>
        %add3A_428 = arith.addf %add3A_380, %max3A_427 : vector<16xf32>
        %get3A_429 = arith.index_cast %scan3A_64 : i32 to index
        %get3A_430 = arith.constant 848 : index
        %get3A_431 = tpu.vector_load %arg10[%get3A_429, %get3A_430] {strides = array<i32>} : memref<32x1024xf32, #tpu.memory_space<vmem>>, vector<1x16xf32>,
        %get3A_432 = vector.shape_cast %get3A_431 : vector<1x16xf32> to vector<16xf32>
        %max3A_433 = arith.maximumf %get3A_432, %get3A_88 : vector<16xf32>
        %add3A_434 = arith.addf %add3A_386, %max3A_433 : vector<16xf32>
        %get3A_435 = arith.index_cast %scan3A_64 : i32 to index
        %get3A_436 = arith.constant 864 : index
        %get3A_437 = tpu.vector_load %arg10[%get3A_435, %get3A_436] {strides = array<i32>} : memref<32x1024xf32, #tpu.memory_space<vmem>>, vector<1x16xf32>,
        %get3A_438 = vector.shape_cast %get3A_437 : vector<1x16xf32> to vector<16xf32>
        %max3A_439 = arith.maximumf %get3A_438, %get3A_92 : vector<16xf32>
        %add3A_440 = arith.addf %add3A_392, %max3A_439 : vector<16xf32>
        %get3A_441 = arith.index_cast %scan3A_64 : i32 to index
        %get3A_442 = arith.constant 880 : index
        %get3A_443 = tpu.vector_load %arg10[%get3A_441, %get3A_442] {strides = array<i32>} : memref<32x1024xf32, #tpu.memory_space<vmem>>, vector<1x16xf32>,
        %get3A_444 = vector.shape_cast %get3A_443 : vector<1x16xf32> to vector<16xf32>
        %max3A_445 = arith.maximumf %get3A_444, %get3A_96 : vector<16xf32>
        %add3A_446 = arith.addf %add3A_398, %max3A_445 : vector<16xf32>
        %get3A_447 = arith.index_cast %scan3A_64 : i32 to index
        %get3A_448 = arith.constant 896 : index
        %get3A_449 = tpu.vector_load %arg10[%get3A_447, %get3A_448] {strides = array<i32>} : memref<32x1024xf32, #tpu.memory_space<vmem>>, vector<1x16xf32>,
        %get3A_450 = vector.shape_cast %get3A_449 : vector<1x16xf32> to vector<16xf32>
        %max3A_451 = arith.maximumf %get3A_450, %get3A_68 : vector<16xf32>
        %add3A_452 = arith.addf %add3A_404, %max3A_451 : vector<16xf32>
        %get3A_453 = arith.index_cast %scan3A_64 : i32 to index
        %get3A_454 = arith.constant 912 : index
        %get3A_455 = tpu.vector_load %arg10[%get3A_453, %get3A_454] {strides = array<i32>} : memref<32x1024xf32, #tpu.memory_space<vmem>>, vector<1x16xf32>,
        %get3A_456 = vector.shape_cast %get3A_455 : vector<1x16xf32> to vector<16xf32>
        %max3A_457 = arith.maximumf %get3A_456, %get3A_72 : vector<16xf32>
        %add3A_458 = arith.addf %add3A_410, %max3A_457 : vector<16xf32>
        %get3A_459 = arith.index_cast %scan3A_64 : i32 to index
        %get3A_460 = arith.constant 928 : index
        %get3A_461 = tpu.vector_load %arg10[%get3A_459, %get3A_460] {strides = array<i32>} : memref<32x1024xf32, #tpu.memory_space<vmem>>, vector<1x16xf32>,
        %get3A_462 = vector.shape_cast %get3A_461 : vector<1x16xf32> to vector<16xf32>
        %max3A_463 = arith.maximumf %get3A_462, %get3A_76 : vector<16xf32>
        %add3A_464 = arith.addf %add3A_416, %max3A_463 : vector<16xf32>
        %get3A_465 = arith.index_cast %scan3A_64 : i32 to index
        %get3A_466 = arith.constant 944 : index
        %get3A_467 = tpu.vector_load %arg10[%get3A_465, %get3A_466] {strides = array<i32>} : memref<32x1024xf32, #tpu.memory_space<vmem>>, vector<1x16xf32>,
        %get3A_468 = vector.shape_cast %get3A_467 : vector<1x16xf32> to vector<16xf32>
        %max3A_469 = arith.maximumf %get3A_468, %get3A_80 : vector<16xf32>
        %add3A_470 = arith.addf %add3A_422, %max3A_469 : vector<16xf32>
        %get3A_471 = arith.index_cast %scan3A_64 : i32 to index
        %get3A_472 = arith.constant 960 : index
        %get3A_473 = tpu.vector_load %arg10[%get3A_471, %get3A_472] {strides = array<i32>} : memref<32x1024xf32, #tpu.memory_space<vmem>>, vector<1x16xf32>,
        %get3A_474 = vector.shape_cast %get3A_473 : vector<1x16xf32> to vector<16xf32>
        %max3A_475 = arith.maximumf %get3A_474, %get3A_84 : vector<16xf32>
        %add3A_476 = arith.addf %add3A_428, %max3A_475 : vector<16xf32>
        %get3A_477 = arith.index_cast %scan3A_64 : i32 to index
        %get3A_478 = arith.constant 976 : index
        %get3A_479 = tpu.vector_load %arg10[%get3A_477, %get3A_478] {strides = array<i32>} : memref<32x1024xf32, #tpu.memory_space<vmem>>, vector<1x16xf32>,
        %get3A_480 = vector.shape_cast %get3A_479 : vector<1x16xf32> to vector<16xf32>
        %max3A_481 = arith.maximumf %get3A_480, %get3A_88 : vector<16xf32>
        %add3A_482 = arith.addf %add3A_434, %max3A_481 : vector<16xf32>
        %get3A_483 = arith.index_cast %scan3A_64 : i32 to index
        %get3A_484 = arith.constant 992 : index
        %get3A_485 = tpu.vector_load %arg10[%get3A_483, %get3A_484] {strides = array<i32>} : memref<32x1024xf32, #tpu.memory_space<vmem>>, vector<1x16xf32>,
        %get3A_486 = vector.shape_cast %get3A_485 : vector<1x16xf32> to vector<16xf32>
        %max3A_487 = arith.maximumf %get3A_486, %get3A_92 : vector<16xf32>
        %add3A_488 = arith.addf %add3A_440, %max3A_487 : vector<16xf32>
        %get3A_489 = arith.index_cast %scan3A_64 : i32 to index
        %get3A_490 = arith.constant 1008 : index
        %get3A_491 = tpu.vector_load %arg10[%get3A_489, %get3A_490] {strides = array<i32>} : memref<32x1024xf32, #tpu.memory_space<vmem>>, vector<1x16xf32>,
        %get3A_492 = vector.shape_cast %get3A_491 : vector<1x16xf32> to vector<16xf32>
        %max3A_493 = arith.maximumf %get3A_492, %get3A_96 : vector<16xf32>
        %add3A_494 = arith.addf %add3A_446, %max3A_493 : vector<16xf32>
        %mul3A_495 = arith.constant 8.000000e+00 : f32
        %mul3A_496 = vector.broadcast %mul3A_495 : f32 to vector<16xf32>
        %mul3A_497 = arith.mulf %mul3A_496, %get3A_68 : vector<16xf32>
        %sub3A = arith.subf %add3A_452, %mul3A_497 : vector<16xf32>
        %swap3A_498 = arith.index_cast %scan3A_64 : i32 to index
        %swap3A_499 = arith.constant 0 : index
        %swap3A_500 = tpu.vector_load %arg12[%swap3A_498, %swap3A_499] {strides = array<i32>} : memref<32x128xf32, #tpu.memory_space<vmem>>, vector<1x16xf32>,
        %swap3A_501 = vector.shape_cast %swap3A_500 : vector<1x16xf32> to vector<16xf32>
        %swap3A_502 = vector.shape_cast %sub3A : vector<16xf32> to vector<1x16xf32>
        tpu.vector_store %arg12[%swap3A_498, %swap3A_499], %swap3A_502 {strides = array<i32>} : memref<32x128xf32, #tpu.memory_space<vmem>>, vector<1x16xf32>,
        %mul3A_503 = arith.constant 8.000000e+00 : f32
        %mul3A_504 = vector.broadcast %mul3A_503 : f32 to vector<16xf32>
        %mul3A_505 = arith.mulf %mul3A_504, %get3A_72 : vector<16xf32>
        %sub3A_506 = arith.subf %add3A_458, %mul3A_505 : vector<16xf32>
        %swap3A_507 = arith.index_cast %scan3A_64 : i32 to index
        %swap3A_508 = arith.constant 16 : index
        %swap3A_509 = tpu.vector_load %arg12[%swap3A_507, %swap3A_508] {strides = array<i32>} : memref<32x128xf32, #tpu.memory_space<vmem>>, vector<1x16xf32>,
        %swap3A_510 = vector.shape_cast %swap3A_509 : vector<1x16xf32> to vector<16xf32>
        %swap3A_511 = vector.shape_cast %sub3A_506 : vector<16xf32> to vector<1x16xf32>
        tpu.vector_store %arg12[%swap3A_507, %swap3A_508], %swap3A_511 {strides = array<i32>} : memref<32x128xf32, #tpu.memory_space<vmem>>, vector<1x16xf32>,
        %mul3A_512 = arith.constant 8.000000e+00 : f32
        %mul3A_513 = vector.broadcast %mul3A_512 : f32 to vector<16xf32>
        %mul3A_514 = arith.mulf %mul3A_513, %get3A_76 : vector<16xf32>
        %sub3A_515 = arith.subf %add3A_464, %mul3A_514 : vector<16xf32>
        %swap3A_516 = arith.index_cast %scan3A_64 : i32 to index
        %swap3A_517 = arith.constant 32 : index
        %swap3A_518 = tpu.vector_load %arg12[%swap3A_516, %swap3A_517] {strides = array<i32>} : memref<32x128xf32, #tpu.memory_space<vmem>>, vector<1x16xf32>,
        %swap3A_519 = vector.shape_cast %swap3A_518 : vector<1x16xf32> to vector<16xf32>
        %swap3A_520 = vector.shape_cast %sub3A_515 : vector<16xf32> to vector<1x16xf32>
        tpu.vector_store %arg12[%swap3A_516, %swap3A_517], %swap3A_520 {strides = array<i32>} : memref<32x128xf32, #tpu.memory_space<vmem>>, vector<1x16xf32>,
        %mul3A_521 = arith.constant 8.000000e+00 : f32
        %mul3A_522 = vector.broadcast %mul3A_521 : f32 to vector<16xf32>
        %mul3A_523 = arith.mulf %mul3A_522, %get3A_80 : vector<16xf32>
        %sub3A_524 = arith.subf %add3A_470, %mul3A_523 : vector<16xf32>
        %swap3A_525 = arith.index_cast %scan3A_64 : i32 to index
        %swap3A_526 = arith.constant 48 : index
        %swap3A_527 = tpu.vector_load %arg12[%swap3A_525, %swap3A_526] {strides = array<i32>} : memref<32x128xf32, #tpu.memory_space<vmem>>, vector<1x16xf32>,
        %swap3A_528 = vector.shape_cast %swap3A_527 : vector<1x16xf32> to vector<16xf32>
        %swap3A_529 = vector.shape_cast %sub3A_524 : vector<16xf32> to vector<1x16xf32>
        tpu.vector_store %arg12[%swap3A_525, %swap3A_526], %swap3A_529 {strides = array<i32>} : memref<32x128xf32, #tpu.memory_space<vmem>>, vector<1x16xf32>,
        %mul3A_530 = arith.constant 8.000000e+00 : f32
        %mul3A_531 = vector.broadcast %mul3A_530 : f32 to vector<16xf32>
        %mul3A_532 = arith.mulf %mul3A_531, %get3A_84 : vector<16xf32>
        %sub3A_533 = arith.subf %add3A_476, %mul3A_532 : vector<16xf32>
        %swap3A_534 = arith.index_cast %scan3A_64 : i32 to index
        %swap3A_535 = arith.constant 64 : index
        %swap3A_536 = tpu.vector_load %arg12[%swap3A_534, %swap3A_535] {strides = array<i32>} : memref<32x128xf32, #tpu.memory_space<vmem>>, vector<1x16xf32>,
        %swap3A_537 = vector.shape_cast %swap3A_536 : vector<1x16xf32> to vector<16xf32>
        %swap3A_538 = vector.shape_cast %sub3A_533 : vector<16xf32> to vector<1x16xf32>
        tpu.vector_store %arg12[%swap3A_534, %swap3A_535], %swap3A_538 {strides = array<i32>} : memref<32x128xf32, #tpu.memory_space<vmem>>, vector<1x16xf32>,
        %mul3A_539 = arith.constant 8.000000e+00 : f32
        %mul3A_540 = vector.broadcast %mul3A_539 : f32 to vector<16xf32>
        %mul3A_541 = arith.mulf %mul3A_540, %get3A_88 : vector<16xf32>
        %sub3A_542 = arith.subf %add3A_482, %mul3A_541 : vector<16xf32>
        %swap3A_543 = arith.index_cast %scan3A_64 : i32 to index
        %swap3A_544 = arith.constant 80 : index
        %swap3A_545 = tpu.vector_load %arg12[%swap3A_543, %swap3A_544] {strides = array<i32>} : memref<32x128xf32, #tpu.memory_space<vmem>>, vector<1x16xf32>,
        %swap3A_546 = vector.shape_cast %swap3A_545 : vector<1x16xf32> to vector<16xf32>
        %swap3A_547 = vector.shape_cast %sub3A_542 : vector<16xf32> to vector<1x16xf32>
        tpu.vector_store %arg12[%swap3A_543, %swap3A_544], %swap3A_547 {strides = array<i32>} : memref<32x128xf32, #tpu.memory_space<vmem>>, vector<1x16xf32>,
        %mul3A_548 = arith.constant 8.000000e+00 : f32
        %mul3A_549 = vector.broadcast %mul3A_548 : f32 to vector<16xf32>
        %mul3A_550 = arith.mulf %mul3A_549, %get3A_92 : vector<16xf32>
        %sub3A_551 = arith.subf %add3A_488, %mul3A_550 : vector<16xf32>
        %swap3A_552 = arith.index_cast %scan3A_64 : i32 to index
        %swap3A_553 = arith.constant 96 : index
        %swap3A_554 = tpu.vector_load %arg12[%swap3A_552, %swap3A_553] {strides = array<i32>} : memref<32x128xf32, #tpu.memory_space<vmem>>, vector<1x16xf32>,
        %swap3A_555 = vector.shape_cast %swap3A_554 : vector<1x16xf32> to vector<16xf32>
        %swap3A_556 = vector.shape_cast %sub3A_551 : vector<16xf32> to vector<1x16xf32>
        tpu.vector_store %arg12[%swap3A_552, %swap3A_553], %swap3A_556 {strides = array<i32>} : memref<32x128xf32, #tpu.memory_space<vmem>>, vector<1x16xf32>,
        %mul3A_557 = arith.constant 8.000000e+00 : f32
        %mul3A_558 = vector.broadcast %mul3A_557 : f32 to vector<16xf32>
        %mul3A_559 = arith.mulf %mul3A_558, %get3A_96 : vector<16xf32>
        %sub3A_560 = arith.subf %add3A_494, %mul3A_559 : vector<16xf32>
        %swap3A_561 = arith.index_cast %scan3A_64 : i32 to index
        %swap3A_562 = arith.constant 112 : index
        %swap3A_563 = tpu.vector_load %arg12[%swap3A_561, %swap3A_562] {strides = array<i32>} : memref<32x128xf32, #tpu.memory_space<vmem>>, vector<1x16xf32>,
        %swap3A_564 = vector.shape_cast %swap3A_563 : vector<1x16xf32> to vector<16xf32>
        %swap3A_565 = vector.shape_cast %sub3A_560 : vector<16xf32> to vector<1x16xf32>
        tpu.vector_store %arg12[%swap3A_561, %swap3A_562], %swap3A_565 {strides = array<i32>} : memref<32x128xf32, #tpu.memory_space<vmem>>, vector<1x16xf32>,
      }
      %scan3A_63 = arith.constant 32 : i32
      "tpu.region"() ({
        %run_scoped3A = tpu.sem_alloc : memref<!tpu.dma_semaphore, #tpu.memory_space<semaphore_mem>>
        %dma_start3A_64 = arith.constant 0 : i32
        %dma_start3A_65 = arith.constant 0 : i32
        %dma_start3A_66 = tpu.memref_slice %arg14[%dma_start3A_64, %dma_start3A_65] : memref<10112x128xf32, #tpu.memory_space<vmem_shared>> -> memref<10112x128xf32, #tpu.memory_space<vmem_shared>>
        tpu.enqueue_indirect_dma source(%arg12 : memref<32x128xf32, #tpu.memory_space<vmem>>) target(%dma_start3A_66 : memref<10112x128xf32, #tpu.memory_space<vmem_shared>>) offsets(%arg8 : memref<32xi32, #tpu.memory_space<vmem>>) semaphore(%run_scoped3A : memref<!tpu.dma_semaphore, #tpu.memory_space<semaphore_mem>>) {add = true}
        %dma_wait3A_67 = arith.constant 0 : i32
        %dma_wait3A_68 = arith.constant 0 : i32
        %dma_wait3A_69 = tpu.memref_slice %arg14[%dma_wait3A_67, %dma_wait3A_68] : memref<10112x128xf32, #tpu.memory_space<vmem_shared>> -> memref<10112x128xf32, #tpu.memory_space<vmem_shared>>
        tpu.wait_indirect_dma semaphore(%run_scoped3A : memref<!tpu.dma_semaphore, #tpu.memory_space<semaphore_mem>>) src(%arg12 : memref<32x128xf32, #tpu.memory_space<vmem>>) dst(%dma_wait3A_69 : memref<10112x128xf32, #tpu.memory_space<vmem_shared>>)
        tpu.yield
      }) : () -> ()
    }
    %scan3A_16 = arith.constant 314 : i32
    %barrier3A_17 = arith.constant 0 : index
    tpu.barrier barrier_id(%barrier3A_17)
    %mul3A = arith.constant 632 : i32
    %mul3A_18 = arith.muli %arg1, %mul3A : i32
    %mul3A_19 = arith.constant 632 : i32
    %mul3A_20 = arith.muli %arg1, %mul3A_19 : i32
    "tpu.region"() ({
      %run_scoped3A = tpu.sem_alloc : memref<!tpu.dma_semaphore, #tpu.memory_space<semaphore_mem>>
      %dma_start3A = arith.constant 0 : i32
      %dma_start3A_21 = tpu.memref_slice %arg6[%arg0, %mul3A_20, %dma_start3A] : memref<2x10112x128xf32, #tpu.memory_space<hbm>> -> memref<1x632x128xf32, #tpu.memory_space<hbm>>
      %dma_start3A_22 = tpu.memref_squeeze %dma_start3A_21 : memref<1x632x128xf32, #tpu.memory_space<hbm>> -> memref<632x128xf32, #tpu.memory_space<hbm>>
      %dma_start3A_23 = arith.constant 0 : i32
      %dma_start3A_24 = tpu.memref_slice %arg14[%mul3A_18, %dma_start3A_23] : memref<10112x128xf32, #tpu.memory_space<vmem_shared>> -> memref<632x128xf32, #tpu.memory_space<vmem_shared>>
      tpu.enqueue_dma source(%dma_start3A_24 : memref<632x128xf32, #tpu.memory_space<vmem_shared>>) target(%dma_start3A_22 : memref<632x128xf32, #tpu.memory_space<hbm>>) target_semaphore(%run_scoped3A : memref<!tpu.dma_semaphore, #tpu.memory_space<semaphore_mem>>)
      %dma_wait3A = arith.constant 0 : i32
      %dma_wait3A_25 = tpu.memref_slice %arg6[%arg0, %mul3A_20, %dma_wait3A] : memref<2x10112x128xf32, #tpu.memory_space<hbm>> -> memref<1x632x128xf32, #tpu.memory_space<hbm>>
      %dma_wait3A_26 = tpu.memref_squeeze %dma_wait3A_25 : memref<1x632x128xf32, #tpu.memory_space<hbm>> -> memref<632x128xf32, #tpu.memory_space<hbm>>
      %dma_wait3A_27 = arith.constant 0 : i32
      %dma_wait3A_28 = tpu.memref_slice %arg14[%mul3A_18, %dma_wait3A_27] : memref<10112x128xf32, #tpu.memory_space<vmem_shared>> -> memref<632x128xf32, #tpu.memory_space<vmem_shared>>
      tpu.wait_dma2 semaphore(%run_scoped3A : memref<!tpu.dma_semaphore, #tpu.memory_space<semaphore_mem>>) src(%dma_wait3A_28 : memref<632x128xf32, #tpu.memory_space<vmem_shared>>) dst(%dma_wait3A_26 : memref<632x128xf32, #tpu.memory_space<hbm>>)
      tpu.yield
    }) : () -> ()
    return
  }
}

module attributes {stable_mosaic.version = 14 : i64} {
  func.func @_prep_agent_body(%arg0: i32, %arg1: memref<512x2xf32, #tpu.memory_space<vmem>>, %arg2: memref<2x128xf32, #tpu.memory_space<vmem>>, %arg3: memref<2x128xf32, #tpu.memory_space<vmem>>, %arg4: memref<512x128xf32, #tpu.memory_space<vmem>>, %arg5: memref<512x128xf32, #tpu.memory_space<vmem>>) attributes {dimension_semantics = [#tpu.dimension_semantics<arbitrary>], iteration_bounds = array<i64: 20>, scalar_prefetch = 0 : i64, scratch_operands = 0 : i64, tpu.core_type = #tpu.core_type<tc>, window_params = [{transform_indices = @transform_0, window_bounds = array<i64: 512, 2>}, {pipeline_mode = #tpu.pipeline_mode<synchronous>, transform_indices = @transform_1, window_bounds = array<i64: 2, 128>}, {pipeline_mode = #tpu.pipeline_mode<synchronous>, transform_indices = @transform_2, window_bounds = array<i64: 2, 128>}, {transform_indices = @transform_3, window_bounds = array<i64: 512, 128>}, {transform_indices = @transform_4, window_bounds = array<i64: 512, 128>}]} {
    %get3A = arith.constant 0 : index
    %get3A_0 = arith.constant 0 : index
    %get3A_1 = vector.load %arg1[%get3A, %get3A_0] : memref<512x2xf32, #tpu.memory_space<vmem>>, vector<512x2xf32>
    %get3A_2 = arith.constant 0 : index
    %get3A_3 = arith.constant 0 : index
    %get3A_4 = vector.load %arg2[%get3A_2, %get3A_3] : memref<2x128xf32, #tpu.memory_space<vmem>>, vector<2x128xf32>
    %dot_general3A = arith.constant dense<0.000000e+00> : vector<512x128xf32>
    %dot_general3A_5 = tpu.matmul %get3A_1, %get3A_4, %dot_general3A {dimension_numbers = #tpu.dot_dimension_numbers<[1], [0], [0], [1], [0, 0, 1, 1], [], []>, transpose_lhs_hint = false} : vector<512x2xf32>, vector<2x128xf32>, vector<512x128xf32> -> vector<512x128xf32>
    %swap3A = arith.constant 0 : index
    %swap3A_6 = arith.constant 0 : index
    %swap3A_7 = vector.load %arg4[%swap3A, %swap3A_6] : memref<512x128xf32, #tpu.memory_space<vmem>>, vector<512x128xf32>
    tpu.vector_store %arg4[%swap3A, %swap3A_6], %dot_general3A_5 {strides = array<i32>} : memref<512x128xf32, #tpu.memory_space<vmem>>, vector<512x128xf32>,
    %get3A_8 = arith.constant 0 : index
    %get3A_9 = arith.constant 0 : index
    %get3A_10 = vector.load %arg3[%get3A_8, %get3A_9] : memref<2x128xf32, #tpu.memory_space<vmem>>, vector<2x128xf32>
    %dot_general3A_11 = arith.constant dense<0.000000e+00> : vector<512x128xf32>
    %dot_general3A_12 = tpu.matmul %get3A_1, %get3A_10, %dot_general3A_11 {dimension_numbers = #tpu.dot_dimension_numbers<[1], [0], [0], [1], [0, 0, 1, 1], [], []>, transpose_lhs_hint = false} : vector<512x2xf32>, vector<2x128xf32>, vector<512x128xf32> -> vector<512x128xf32>
    %swap3A_13 = arith.constant 0 : index
    %swap3A_14 = arith.constant 0 : index
    %swap3A_15 = vector.load %arg5[%swap3A_13, %swap3A_14] : memref<512x128xf32, #tpu.memory_space<vmem>>, vector<512x128xf32>
    tpu.vector_store %arg5[%swap3A_13, %swap3A_14], %dot_general3A_12 {strides = array<i32>} : memref<512x128xf32, #tpu.memory_space<vmem>>, vector<512x128xf32>,
    return
  }
  func.func @transform_0(%arg0: i32) -> (i32, i32) {
    %c0_i32 = arith.constant 0 : i32
    %c0_i32_0 = arith.constant 0 : i32
    return %arg0, %c0_i32 : i32, i32
  }
  func.func @transform_1(%arg0: i32) -> (i32, i32) {
    %c0_i32 = arith.constant 0 : i32
    %c0_i32_0 = arith.constant 0 : i32
    %c0_i32_1 = arith.constant 0 : i32
    return %c0_i32, %c0_i32_0 : i32, i32
  }
  func.func @transform_2(%arg0: i32) -> (i32, i32) {
    %c0_i32 = arith.constant 0 : i32
    %c0_i32_0 = arith.constant 0 : i32
    %c0_i32_1 = arith.constant 0 : i32
    return %c0_i32, %c0_i32_0 : i32, i32
  }
  func.func @transform_3(%arg0: i32) -> (i32, i32) {
    %c0_i32 = arith.constant 0 : i32
    %c0_i32_0 = arith.constant 0 : i32
    return %arg0, %c0_i32 : i32, i32
  }
  func.func @transform_4(%arg0: i32) -> (i32, i32) {
    %c0_i32 = arith.constant 0 : i32
    %c0_i32_0 = arith.constant 0 : i32
    return %arg0, %c0_i32 : i32, i32
  }
}

module attributes {stable_mosaic.version = 14 : i64} {
  func.func @_prep_obj_body(%arg0: i32, %arg1: memref<400x16xf32, #tpu.memory_space<vmem>>, %arg2: memref<400x2xf32, #tpu.memory_space<vmem>>, %arg3: memref<16x128xf32, #tpu.memory_space<vmem>>, %arg4: memref<2x128xf32, #tpu.memory_space<vmem>>, %arg5: memref<1x128xf32, #tpu.memory_space<vmem>>, %arg6: memref<400x128xf32, #tpu.memory_space<vmem>>) attributes {dimension_semantics = [#tpu.dimension_semantics<arbitrary>], iteration_bounds = array<i64: 125>, scalar_prefetch = 0 : i64, scratch_operands = 0 : i64, tpu.core_type = #tpu.core_type<tc>, window_params = [{transform_indices = @transform_0, window_bounds = array<i64: 400, 16>}, {transform_indices = @transform_1, window_bounds = array<i64: 400, 2>}, {pipeline_mode = #tpu.pipeline_mode<synchronous>, transform_indices = @transform_2, window_bounds = array<i64: 16, 128>}, {pipeline_mode = #tpu.pipeline_mode<synchronous>, transform_indices = @transform_3, window_bounds = array<i64: 2, 128>}, {pipeline_mode = #tpu.pipeline_mode<synchronous>, transform_indices = @transform_4, window_bounds = array<i64: 1, 128>}, {transform_indices = @transform_5, window_bounds = array<i64: 400, 128>}]} {
    %get3A = arith.constant 0 : index
    %get3A_0 = arith.constant 0 : index
    %get3A_1 = vector.load %arg1[%get3A, %get3A_0] : memref<400x16xf32, #tpu.memory_space<vmem>>, vector<400x16xf32>
    %get3A_2 = arith.constant 0 : index
    %get3A_3 = arith.constant 0 : index
    %get3A_4 = vector.load %arg3[%get3A_2, %get3A_3] : memref<16x128xf32, #tpu.memory_space<vmem>>, vector<16x128xf32>
    %dot_general3A = arith.constant dense<0.000000e+00> : vector<400x128xf32>
    %dot_general3A_5 = tpu.matmul %get3A_1, %get3A_4, %dot_general3A {dimension_numbers = #tpu.dot_dimension_numbers<[1], [0], [0], [1], [0, 0, 1, 1], [], []>, transpose_lhs_hint = false} : vector<400x16xf32>, vector<16x128xf32>, vector<400x128xf32> -> vector<400x128xf32>
    %get3A_6 = arith.constant 0 : index
    %get3A_7 = arith.constant 0 : index
    %get3A_8 = vector.load %arg2[%get3A_6, %get3A_7] : memref<400x2xf32, #tpu.memory_space<vmem>>, vector<400x2xf32>
    %get3A_9 = arith.constant 0 : index
    %get3A_10 = arith.constant 0 : index
    %get3A_11 = vector.load %arg4[%get3A_9, %get3A_10] : memref<2x128xf32, #tpu.memory_space<vmem>>, vector<2x128xf32>
    %dot_general3A_12 = arith.constant dense<0.000000e+00> : vector<400x128xf32>
    %dot_general3A_13 = tpu.matmul %get3A_8, %get3A_11, %dot_general3A_12 {dimension_numbers = #tpu.dot_dimension_numbers<[1], [0], [0], [1], [0, 0, 1, 1], [], []>, transpose_lhs_hint = false} : vector<400x2xf32>, vector<2x128xf32>, vector<400x128xf32> -> vector<400x128xf32>
    %add3A = arith.addf %dot_general3A_5, %dot_general3A_13 : vector<400x128xf32>
    %get3A_14 = arith.constant 0 : index
    %get3A_15 = arith.constant 0 : index
    %get3A_16 = vector.load %arg5[%get3A_14, %get3A_15] : memref<1x128xf32, #tpu.memory_space<vmem>>, vector<1x128xf32>
    %add3A_17 = vector.broadcast %get3A_16 : vector<1x128xf32> to vector<400x128xf32>
    %add3A_18 = arith.addf %add3A, %add3A_17 : vector<400x128xf32>
    %swap3A = arith.constant 0 : index
    %swap3A_19 = arith.constant 0 : index
    %swap3A_20 = vector.load %arg6[%swap3A, %swap3A_19] : memref<400x128xf32, #tpu.memory_space<vmem>>, vector<400x128xf32>
    tpu.vector_store %arg6[%swap3A, %swap3A_19], %add3A_18 {strides = array<i32>} : memref<400x128xf32, #tpu.memory_space<vmem>>, vector<400x128xf32>,
    return
  }
  func.func @transform_0(%arg0: i32) -> (i32, i32) {
    %c0_i32 = arith.constant 0 : i32
    %c0_i32_0 = arith.constant 0 : i32
    return %arg0, %c0_i32 : i32, i32
  }
  func.func @transform_1(%arg0: i32) -> (i32, i32) {
    %c0_i32 = arith.constant 0 : i32
    %c0_i32_0 = arith.constant 0 : i32
    return %arg0, %c0_i32 : i32, i32
  }
  func.func @transform_2(%arg0: i32) -> (i32, i32) {
    %c0_i32 = arith.constant 0 : i32
    %c0_i32_0 = arith.constant 0 : i32
    %c0_i32_1 = arith.constant 0 : i32
    return %c0_i32, %c0_i32_0 : i32, i32
  }
  func.func @transform_3(%arg0: i32) -> (i32, i32) {
    %c0_i32 = arith.constant 0 : i32
    %c0_i32_0 = arith.constant 0 : i32
    %c0_i32_1 = arith.constant 0 : i32
    return %c0_i32, %c0_i32_0 : i32, i32
  }
  func.func @transform_4(%arg0: i32) -> (i32, i32) {
    %c0_i32 = arith.constant 0 : i32
    %c0_i32_0 = arith.constant 0 : i32
    %c0_i32_1 = arith.constant 0 : i32
    return %c0_i32, %c0_i32_0 : i32, i32
  }
  func.func @transform_5(%arg0: i32) -> (i32, i32) {
    %c0_i32 = arith.constant 0 : i32
    %c0_i32_0 = arith.constant 0 : i32
    return %arg0, %c0_i32 : i32, i32
  }
}

module attributes {stable_mosaic.version = 14 : i64} {
  func.func @_prep_w_body(%arg0: memref<128x16x18xf32, #tpu.memory_space<vmem>>, %arg1: memref<18x128xf32, #tpu.memory_space<vmem>>, %arg2: memref<16x18xf32, #tpu.memory_space<vmem>>, %arg3: memref<1x128xf32, #tpu.memory_space<vmem>>, %arg4: memref<128x16x128xf32, #tpu.memory_space<vmem>>, %arg5: memref<16x128xf32, #tpu.memory_space<vmem>>) attributes {dimension_semantics = [], scalar_prefetch = 0 : i64, scratch_operands = 0 : i64, tpu.core_type = #tpu.core_type<tc>} {
    %get3A = arith.constant 0 : index
    %get3A_0 = arith.constant 0 : index
    %get3A_1 = vector.load %arg1[%get3A, %get3A_0] : memref<18x128xf32, #tpu.memory_space<vmem>>, vector<18x128xf32>
    %get3A_2 = arith.constant 0 : index
    %get3A_3 = arith.constant 0 : index
    %get3A_4 = arith.constant 0 : index
    %get3A_5 = vector.load %arg0[%get3A_2, %get3A_3, %get3A_4] : memref<128x16x18xf32, #tpu.memory_space<vmem>>, vector<128x1x18xf32>
    %get3A_6 = vector.shape_cast %get3A_5 : vector<128x1x18xf32> to vector<128x18xf32>
    %dot_general3A = arith.constant dense<0.000000e+00> : vector<128x128xf32>
    %dot_general3A_7 = tpu.matmul %get3A_6, %get3A_1, %dot_general3A {dimension_numbers = #tpu.dot_dimension_numbers<[1], [0], [0], [1], [0, 0, 1, 1], [], []>, transpose_lhs_hint = false} : vector<128x18xf32>, vector<18x128xf32>, vector<128x128xf32> -> vector<128x128xf32>
    %swap3A = arith.constant 0 : index
    %swap3A_8 = arith.constant 0 : index
    %swap3A_9 = arith.constant 0 : index
    %swap3A_10 = vector.load %arg4[%swap3A, %swap3A_8, %swap3A_9] : memref<128x16x128xf32, #tpu.memory_space<vmem>>, vector<128x1x128xf32>
    %swap3A_11 = vector.shape_cast %swap3A_10 : vector<128x1x128xf32> to vector<128x128xf32>
    %swap3A_12 = vector.shape_cast %dot_general3A_7 : vector<128x128xf32> to vector<128x1x128xf32>
    tpu.vector_store %arg4[%swap3A, %swap3A_8, %swap3A_9], %swap3A_12 {strides = array<i32>} : memref<128x16x128xf32, #tpu.memory_space<vmem>>, vector<128x1x128xf32>,
    %get3A_13 = arith.constant 0 : index
    %get3A_14 = arith.constant 1 : index
    %get3A_15 = arith.constant 0 : index
    %get3A_16 = vector.load %arg0[%get3A_13, %get3A_14, %get3A_15] : memref<128x16x18xf32, #tpu.memory_space<vmem>>, vector<128x1x18xf32>
    %get3A_17 = vector.shape_cast %get3A_16 : vector<128x1x18xf32> to vector<128x18xf32>
    %dot_general3A_18 = arith.constant dense<0.000000e+00> : vector<128x128xf32>
    %dot_general3A_19 = tpu.matmul %get3A_17, %get3A_1, %dot_general3A_18 {dimension_numbers = #tpu.dot_dimension_numbers<[1], [0], [0], [1], [0, 0, 1, 1], [], []>, transpose_lhs_hint = false} : vector<128x18xf32>, vector<18x128xf32>, vector<128x128xf32> -> vector<128x128xf32>
    %swap3A_20 = arith.constant 0 : index
    %swap3A_21 = arith.constant 1 : index
    %swap3A_22 = arith.constant 0 : index
    %swap3A_23 = vector.load %arg4[%swap3A_20, %swap3A_21, %swap3A_22] : memref<128x16x128xf32, #tpu.memory_space<vmem>>, vector<128x1x128xf32>
    %swap3A_24 = vector.shape_cast %swap3A_23 : vector<128x1x128xf32> to vector<128x128xf32>
    %swap3A_25 = vector.shape_cast %dot_general3A_19 : vector<128x128xf32> to vector<128x1x128xf32>
    tpu.vector_store %arg4[%swap3A_20, %swap3A_21, %swap3A_22], %swap3A_25 {strides = array<i32>} : memref<128x16x128xf32, #tpu.memory_space<vmem>>, vector<128x1x128xf32>,
    %get3A_26 = arith.constant 0 : index
    %get3A_27 = arith.constant 2 : index
    %get3A_28 = arith.constant 0 : index
    %get3A_29 = vector.load %arg0[%get3A_26, %get3A_27, %get3A_28] : memref<128x16x18xf32, #tpu.memory_space<vmem>>, vector<128x1x18xf32>
    %get3A_30 = vector.shape_cast %get3A_29 : vector<128x1x18xf32> to vector<128x18xf32>
    %dot_general3A_31 = arith.constant dense<0.000000e+00> : vector<128x128xf32>
    %dot_general3A_32 = tpu.matmul %get3A_30, %get3A_1, %dot_general3A_31 {dimension_numbers = #tpu.dot_dimension_numbers<[1], [0], [0], [1], [0, 0, 1, 1], [], []>, transpose_lhs_hint = false} : vector<128x18xf32>, vector<18x128xf32>, vector<128x128xf32> -> vector<128x128xf32>
    %swap3A_33 = arith.constant 0 : index
    %swap3A_34 = arith.constant 2 : index
    %swap3A_35 = arith.constant 0 : index
    %swap3A_36 = vector.load %arg4[%swap3A_33, %swap3A_34, %swap3A_35] : memref<128x16x128xf32, #tpu.memory_space<vmem>>, vector<128x1x128xf32>
    %swap3A_37 = vector.shape_cast %swap3A_36 : vector<128x1x128xf32> to vector<128x128xf32>
    %swap3A_38 = vector.shape_cast %dot_general3A_32 : vector<128x128xf32> to vector<128x1x128xf32>
    tpu.vector_store %arg4[%swap3A_33, %swap3A_34, %swap3A_35], %swap3A_38 {strides = array<i32>} : memref<128x16x128xf32, #tpu.memory_space<vmem>>, vector<128x1x128xf32>,
    %get3A_39 = arith.constant 0 : index
    %get3A_40 = arith.constant 3 : index
    %get3A_41 = arith.constant 0 : index
    %get3A_42 = vector.load %arg0[%get3A_39, %get3A_40, %get3A_41] : memref<128x16x18xf32, #tpu.memory_space<vmem>>, vector<128x1x18xf32>
    %get3A_43 = vector.shape_cast %get3A_42 : vector<128x1x18xf32> to vector<128x18xf32>
    %dot_general3A_44 = arith.constant dense<0.000000e+00> : vector<128x128xf32>
    %dot_general3A_45 = tpu.matmul %get3A_43, %get3A_1, %dot_general3A_44 {dimension_numbers = #tpu.dot_dimension_numbers<[1], [0], [0], [1], [0, 0, 1, 1], [], []>, transpose_lhs_hint = false} : vector<128x18xf32>, vector<18x128xf32>, vector<128x128xf32> -> vector<128x128xf32>
    %swap3A_46 = arith.constant 0 : index
    %swap3A_47 = arith.constant 3 : index
    %swap3A_48 = arith.constant 0 : index
    %swap3A_49 = vector.load %arg4[%swap3A_46, %swap3A_47, %swap3A_48] : memref<128x16x128xf32, #tpu.memory_space<vmem>>, vector<128x1x128xf32>
    %swap3A_50 = vector.shape_cast %swap3A_49 : vector<128x1x128xf32> to vector<128x128xf32>
    %swap3A_51 = vector.shape_cast %dot_general3A_45 : vector<128x128xf32> to vector<128x1x128xf32>
    tpu.vector_store %arg4[%swap3A_46, %swap3A_47, %swap3A_48], %swap3A_51 {strides = array<i32>} : memref<128x16x128xf32, #tpu.memory_space<vmem>>, vector<128x1x128xf32>,
    %get3A_52 = arith.constant 0 : index
    %get3A_53 = arith.constant 4 : index
    %get3A_54 = arith.constant 0 : index
    %get3A_55 = vector.load %arg0[%get3A_52, %get3A_53, %get3A_54] : memref<128x16x18xf32, #tpu.memory_space<vmem>>, vector<128x1x18xf32>
    %get3A_56 = vector.shape_cast %get3A_55 : vector<128x1x18xf32> to vector<128x18xf32>
    %dot_general3A_57 = arith.constant dense<0.000000e+00> : vector<128x128xf32>
    %dot_general3A_58 = tpu.matmul %get3A_56, %get3A_1, %dot_general3A_57 {dimension_numbers = #tpu.dot_dimension_numbers<[1], [0], [0], [1], [0, 0, 1, 1], [], []>, transpose_lhs_hint = false} : vector<128x18xf32>, vector<18x128xf32>, vector<128x128xf32> -> vector<128x128xf32>
    %swap3A_59 = arith.constant 0 : index
    %swap3A_60 = arith.constant 4 : index
    %swap3A_61 = arith.constant 0 : index
    %swap3A_62 = vector.load %arg4[%swap3A_59, %swap3A_60, %swap3A_61] : memref<128x16x128xf32, #tpu.memory_space<vmem>>, vector<128x1x128xf32>
    %swap3A_63 = vector.shape_cast %swap3A_62 : vector<128x1x128xf32> to vector<128x128xf32>
    %swap3A_64 = vector.shape_cast %dot_general3A_58 : vector<128x128xf32> to vector<128x1x128xf32>
    tpu.vector_store %arg4[%swap3A_59, %swap3A_60, %swap3A_61], %swap3A_64 {strides = array<i32>} : memref<128x16x128xf32, #tpu.memory_space<vmem>>, vector<128x1x128xf32>,
    %get3A_65 = arith.constant 0 : index
    %get3A_66 = arith.constant 5 : index
    %get3A_67 = arith.constant 0 : index
    %get3A_68 = vector.load %arg0[%get3A_65, %get3A_66, %get3A_67] : memref<128x16x18xf32, #tpu.memory_space<vmem>>, vector<128x1x18xf32>
    %get3A_69 = vector.shape_cast %get3A_68 : vector<128x1x18xf32> to vector<128x18xf32>
    %dot_general3A_70 = arith.constant dense<0.000000e+00> : vector<128x128xf32>
    %dot_general3A_71 = tpu.matmul %get3A_69, %get3A_1, %dot_general3A_70 {dimension_numbers = #tpu.dot_dimension_numbers<[1], [0], [0], [1], [0, 0, 1, 1], [], []>, transpose_lhs_hint = false} : vector<128x18xf32>, vector<18x128xf32>, vector<128x128xf32> -> vector<128x128xf32>
    %swap3A_72 = arith.constant 0 : index
    %swap3A_73 = arith.constant 5 : index
    %swap3A_74 = arith.constant 0 : index
    %swap3A_75 = vector.load %arg4[%swap3A_72, %swap3A_73, %swap3A_74] : memref<128x16x128xf32, #tpu.memory_space<vmem>>, vector<128x1x128xf32>
    %swap3A_76 = vector.shape_cast %swap3A_75 : vector<128x1x128xf32> to vector<128x128xf32>
    %swap3A_77 = vector.shape_cast %dot_general3A_71 : vector<128x128xf32> to vector<128x1x128xf32>
    tpu.vector_store %arg4[%swap3A_72, %swap3A_73, %swap3A_74], %swap3A_77 {strides = array<i32>} : memref<128x16x128xf32, #tpu.memory_space<vmem>>, vector<128x1x128xf32>,
    %get3A_78 = arith.constant 0 : index
    %get3A_79 = arith.constant 6 : index
    %get3A_80 = arith.constant 0 : index
    %get3A_81 = vector.load %arg0[%get3A_78, %get3A_79, %get3A_80] : memref<128x16x18xf32, #tpu.memory_space<vmem>>, vector<128x1x18xf32>
    %get3A_82 = vector.shape_cast %get3A_81 : vector<128x1x18xf32> to vector<128x18xf32>
    %dot_general3A_83 = arith.constant dense<0.000000e+00> : vector<128x128xf32>
    %dot_general3A_84 = tpu.matmul %get3A_82, %get3A_1, %dot_general3A_83 {dimension_numbers = #tpu.dot_dimension_numbers<[1], [0], [0], [1], [0, 0, 1, 1], [], []>, transpose_lhs_hint = false} : vector<128x18xf32>, vector<18x128xf32>, vector<128x128xf32> -> vector<128x128xf32>
    %swap3A_85 = arith.constant 0 : index
    %swap3A_86 = arith.constant 6 : index
    %swap3A_87 = arith.constant 0 : index
    %swap3A_88 = vector.load %arg4[%swap3A_85, %swap3A_86, %swap3A_87] : memref<128x16x128xf32, #tpu.memory_space<vmem>>, vector<128x1x128xf32>
    %swap3A_89 = vector.shape_cast %swap3A_88 : vector<128x1x128xf32> to vector<128x128xf32>
    %swap3A_90 = vector.shape_cast %dot_general3A_84 : vector<128x128xf32> to vector<128x1x128xf32>
    tpu.vector_store %arg4[%swap3A_85, %swap3A_86, %swap3A_87], %swap3A_90 {strides = array<i32>} : memref<128x16x128xf32, #tpu.memory_space<vmem>>, vector<128x1x128xf32>,
    %get3A_91 = arith.constant 0 : index
    %get3A_92 = arith.constant 7 : index
    %get3A_93 = arith.constant 0 : index
    %get3A_94 = vector.load %arg0[%get3A_91, %get3A_92, %get3A_93] : memref<128x16x18xf32, #tpu.memory_space<vmem>>, vector<128x1x18xf32>
    %get3A_95 = vector.shape_cast %get3A_94 : vector<128x1x18xf32> to vector<128x18xf32>
    %dot_general3A_96 = arith.constant dense<0.000000e+00> : vector<128x128xf32>
    %dot_general3A_97 = tpu.matmul %get3A_95, %get3A_1, %dot_general3A_96 {dimension_numbers = #tpu.dot_dimension_numbers<[1], [0], [0], [1], [0, 0, 1, 1], [], []>, transpose_lhs_hint = false} : vector<128x18xf32>, vector<18x128xf32>, vector<128x128xf32> -> vector<128x128xf32>
    %swap3A_98 = arith.constant 0 : index
    %swap3A_99 = arith.constant 7 : index
    %swap3A_100 = arith.constant 0 : index
    %swap3A_101 = vector.load %arg4[%swap3A_98, %swap3A_99, %swap3A_100] : memref<128x16x128xf32, #tpu.memory_space<vmem>>, vector<128x1x128xf32>
    %swap3A_102 = vector.shape_cast %swap3A_101 : vector<128x1x128xf32> to vector<128x128xf32>
    %swap3A_103 = vector.shape_cast %dot_general3A_97 : vector<128x128xf32> to vector<128x1x128xf32>
    tpu.vector_store %arg4[%swap3A_98, %swap3A_99, %swap3A_100], %swap3A_103 {strides = array<i32>} : memref<128x16x128xf32, #tpu.memory_space<vmem>>, vector<128x1x128xf32>,
    %get3A_104 = arith.constant 0 : index
    %get3A_105 = arith.constant 8 : index
    %get3A_106 = arith.constant 0 : index
    %get3A_107 = vector.load %arg0[%get3A_104, %get3A_105, %get3A_106] : memref<128x16x18xf32, #tpu.memory_space<vmem>>, vector<128x1x18xf32>
    %get3A_108 = vector.shape_cast %get3A_107 : vector<128x1x18xf32> to vector<128x18xf32>
    %dot_general3A_109 = arith.constant dense<0.000000e+00> : vector<128x128xf32>
    %dot_general3A_110 = tpu.matmul %get3A_108, %get3A_1, %dot_general3A_109 {dimension_numbers = #tpu.dot_dimension_numbers<[1], [0], [0], [1], [0, 0, 1, 1], [], []>, transpose_lhs_hint = false} : vector<128x18xf32>, vector<18x128xf32>, vector<128x128xf32> -> vector<128x128xf32>
    %swap3A_111 = arith.constant 0 : index
    %swap3A_112 = arith.constant 8 : index
    %swap3A_113 = arith.constant 0 : index
    %swap3A_114 = vector.load %arg4[%swap3A_111, %swap3A_112, %swap3A_113] : memref<128x16x128xf32, #tpu.memory_space<vmem>>, vector<128x1x128xf32>
    %swap3A_115 = vector.shape_cast %swap3A_114 : vector<128x1x128xf32> to vector<128x128xf32>
    %swap3A_116 = vector.shape_cast %dot_general3A_110 : vector<128x128xf32> to vector<128x1x128xf32>
    tpu.vector_store %arg4[%swap3A_111, %swap3A_112, %swap3A_113], %swap3A_116 {strides = array<i32>} : memref<128x16x128xf32, #tpu.memory_space<vmem>>, vector<128x1x128xf32>,
    %get3A_117 = arith.constant 0 : index
    %get3A_118 = arith.constant 9 : index
    %get3A_119 = arith.constant 0 : index
    %get3A_120 = vector.load %arg0[%get3A_117, %get3A_118, %get3A_119] : memref<128x16x18xf32, #tpu.memory_space<vmem>>, vector<128x1x18xf32>
    %get3A_121 = vector.shape_cast %get3A_120 : vector<128x1x18xf32> to vector<128x18xf32>
    %dot_general3A_122 = arith.constant dense<0.000000e+00> : vector<128x128xf32>
    %dot_general3A_123 = tpu.matmul %get3A_121, %get3A_1, %dot_general3A_122 {dimension_numbers = #tpu.dot_dimension_numbers<[1], [0], [0], [1], [0, 0, 1, 1], [], []>, transpose_lhs_hint = false} : vector<128x18xf32>, vector<18x128xf32>, vector<128x128xf32> -> vector<128x128xf32>
    %swap3A_124 = arith.constant 0 : index
    %swap3A_125 = arith.constant 9 : index
    %swap3A_126 = arith.constant 0 : index
    %swap3A_127 = vector.load %arg4[%swap3A_124, %swap3A_125, %swap3A_126] : memref<128x16x128xf32, #tpu.memory_space<vmem>>, vector<128x1x128xf32>
    %swap3A_128 = vector.shape_cast %swap3A_127 : vector<128x1x128xf32> to vector<128x128xf32>
    %swap3A_129 = vector.shape_cast %dot_general3A_123 : vector<128x128xf32> to vector<128x1x128xf32>
    tpu.vector_store %arg4[%swap3A_124, %swap3A_125, %swap3A_126], %swap3A_129 {strides = array<i32>} : memref<128x16x128xf32, #tpu.memory_space<vmem>>, vector<128x1x128xf32>,
    %get3A_130 = arith.constant 0 : index
    %get3A_131 = arith.constant 10 : index
    %get3A_132 = arith.constant 0 : index
    %get3A_133 = vector.load %arg0[%get3A_130, %get3A_131, %get3A_132] : memref<128x16x18xf32, #tpu.memory_space<vmem>>, vector<128x1x18xf32>
    %get3A_134 = vector.shape_cast %get3A_133 : vector<128x1x18xf32> to vector<128x18xf32>
    %dot_general3A_135 = arith.constant dense<0.000000e+00> : vector<128x128xf32>
    %dot_general3A_136 = tpu.matmul %get3A_134, %get3A_1, %dot_general3A_135 {dimension_numbers = #tpu.dot_dimension_numbers<[1], [0], [0], [1], [0, 0, 1, 1], [], []>, transpose_lhs_hint = false} : vector<128x18xf32>, vector<18x128xf32>, vector<128x128xf32> -> vector<128x128xf32>
    %swap3A_137 = arith.constant 0 : index
    %swap3A_138 = arith.constant 10 : index
    %swap3A_139 = arith.constant 0 : index
    %swap3A_140 = vector.load %arg4[%swap3A_137, %swap3A_138, %swap3A_139] : memref<128x16x128xf32, #tpu.memory_space<vmem>>, vector<128x1x128xf32>
    %swap3A_141 = vector.shape_cast %swap3A_140 : vector<128x1x128xf32> to vector<128x128xf32>
    %swap3A_142 = vector.shape_cast %dot_general3A_136 : vector<128x128xf32> to vector<128x1x128xf32>
    tpu.vector_store %arg4[%swap3A_137, %swap3A_138, %swap3A_139], %swap3A_142 {strides = array<i32>} : memref<128x16x128xf32, #tpu.memory_space<vmem>>, vector<128x1x128xf32>,
    %get3A_143 = arith.constant 0 : index
    %get3A_144 = arith.constant 11 : index
    %get3A_145 = arith.constant 0 : index
    %get3A_146 = vector.load %arg0[%get3A_143, %get3A_144, %get3A_145] : memref<128x16x18xf32, #tpu.memory_space<vmem>>, vector<128x1x18xf32>
    %get3A_147 = vector.shape_cast %get3A_146 : vector<128x1x18xf32> to vector<128x18xf32>
    %dot_general3A_148 = arith.constant dense<0.000000e+00> : vector<128x128xf32>
    %dot_general3A_149 = tpu.matmul %get3A_147, %get3A_1, %dot_general3A_148 {dimension_numbers = #tpu.dot_dimension_numbers<[1], [0], [0], [1], [0, 0, 1, 1], [], []>, transpose_lhs_hint = false} : vector<128x18xf32>, vector<18x128xf32>, vector<128x128xf32> -> vector<128x128xf32>
    %swap3A_150 = arith.constant 0 : index
    %swap3A_151 = arith.constant 11 : index
    %swap3A_152 = arith.constant 0 : index
    %swap3A_153 = vector.load %arg4[%swap3A_150, %swap3A_151, %swap3A_152] : memref<128x16x128xf32, #tpu.memory_space<vmem>>, vector<128x1x128xf32>
    %swap3A_154 = vector.shape_cast %swap3A_153 : vector<128x1x128xf32> to vector<128x128xf32>
    %swap3A_155 = vector.shape_cast %dot_general3A_149 : vector<128x128xf32> to vector<128x1x128xf32>
    tpu.vector_store %arg4[%swap3A_150, %swap3A_151, %swap3A_152], %swap3A_155 {strides = array<i32>} : memref<128x16x128xf32, #tpu.memory_space<vmem>>, vector<128x1x128xf32>,
    %get3A_156 = arith.constant 0 : index
    %get3A_157 = arith.constant 12 : index
    %get3A_158 = arith.constant 0 : index
    %get3A_159 = vector.load %arg0[%get3A_156, %get3A_157, %get3A_158] : memref<128x16x18xf32, #tpu.memory_space<vmem>>, vector<128x1x18xf32>
    %get3A_160 = vector.shape_cast %get3A_159 : vector<128x1x18xf32> to vector<128x18xf32>
    %dot_general3A_161 = arith.constant dense<0.000000e+00> : vector<128x128xf32>
    %dot_general3A_162 = tpu.matmul %get3A_160, %get3A_1, %dot_general3A_161 {dimension_numbers = #tpu.dot_dimension_numbers<[1], [0], [0], [1], [0, 0, 1, 1], [], []>, transpose_lhs_hint = false} : vector<128x18xf32>, vector<18x128xf32>, vector<128x128xf32> -> vector<128x128xf32>
    %swap3A_163 = arith.constant 0 : index
    %swap3A_164 = arith.constant 12 : index
    %swap3A_165 = arith.constant 0 : index
    %swap3A_166 = vector.load %arg4[%swap3A_163, %swap3A_164, %swap3A_165] : memref<128x16x128xf32, #tpu.memory_space<vmem>>, vector<128x1x128xf32>
    %swap3A_167 = vector.shape_cast %swap3A_166 : vector<128x1x128xf32> to vector<128x128xf32>
    %swap3A_168 = vector.shape_cast %dot_general3A_162 : vector<128x128xf32> to vector<128x1x128xf32>
    tpu.vector_store %arg4[%swap3A_163, %swap3A_164, %swap3A_165], %swap3A_168 {strides = array<i32>} : memref<128x16x128xf32, #tpu.memory_space<vmem>>, vector<128x1x128xf32>,
    %get3A_169 = arith.constant 0 : index
    %get3A_170 = arith.constant 13 : index
    %get3A_171 = arith.constant 0 : index
    %get3A_172 = vector.load %arg0[%get3A_169, %get3A_170, %get3A_171] : memref<128x16x18xf32, #tpu.memory_space<vmem>>, vector<128x1x18xf32>
    %get3A_173 = vector.shape_cast %get3A_172 : vector<128x1x18xf32> to vector<128x18xf32>
    %dot_general3A_174 = arith.constant dense<0.000000e+00> : vector<128x128xf32>
    %dot_general3A_175 = tpu.matmul %get3A_173, %get3A_1, %dot_general3A_174 {dimension_numbers = #tpu.dot_dimension_numbers<[1], [0], [0], [1], [0, 0, 1, 1], [], []>, transpose_lhs_hint = false} : vector<128x18xf32>, vector<18x128xf32>, vector<128x128xf32> -> vector<128x128xf32>
    %swap3A_176 = arith.constant 0 : index
    %swap3A_177 = arith.constant 13 : index
    %swap3A_178 = arith.constant 0 : index
    %swap3A_179 = vector.load %arg4[%swap3A_176, %swap3A_177, %swap3A_178] : memref<128x16x128xf32, #tpu.memory_space<vmem>>, vector<128x1x128xf32>
    %swap3A_180 = vector.shape_cast %swap3A_179 : vector<128x1x128xf32> to vector<128x128xf32>
    %swap3A_181 = vector.shape_cast %dot_general3A_175 : vector<128x128xf32> to vector<128x1x128xf32>
    tpu.vector_store %arg4[%swap3A_176, %swap3A_177, %swap3A_178], %swap3A_181 {strides = array<i32>} : memref<128x16x128xf32, #tpu.memory_space<vmem>>, vector<128x1x128xf32>,
    %get3A_182 = arith.constant 0 : index
    %get3A_183 = arith.constant 14 : index
    %get3A_184 = arith.constant 0 : index
    %get3A_185 = vector.load %arg0[%get3A_182, %get3A_183, %get3A_184] : memref<128x16x18xf32, #tpu.memory_space<vmem>>, vector<128x1x18xf32>
    %get3A_186 = vector.shape_cast %get3A_185 : vector<128x1x18xf32> to vector<128x18xf32>
    %dot_general3A_187 = arith.constant dense<0.000000e+00> : vector<128x128xf32>
    %dot_general3A_188 = tpu.matmul %get3A_186, %get3A_1, %dot_general3A_187 {dimension_numbers = #tpu.dot_dimension_numbers<[1], [0], [0], [1], [0, 0, 1, 1], [], []>, transpose_lhs_hint = false} : vector<128x18xf32>, vector<18x128xf32>, vector<128x128xf32> -> vector<128x128xf32>
    %swap3A_189 = arith.constant 0 : index
    %swap3A_190 = arith.constant 14 : index
    %swap3A_191 = arith.constant 0 : index
    %swap3A_192 = vector.load %arg4[%swap3A_189, %swap3A_190, %swap3A_191] : memref<128x16x128xf32, #tpu.memory_space<vmem>>, vector<128x1x128xf32>
    %swap3A_193 = vector.shape_cast %swap3A_192 : vector<128x1x128xf32> to vector<128x128xf32>
    %swap3A_194 = vector.shape_cast %dot_general3A_188 : vector<128x128xf32> to vector<128x1x128xf32>
    tpu.vector_store %arg4[%swap3A_189, %swap3A_190, %swap3A_191], %swap3A_194 {strides = array<i32>} : memref<128x16x128xf32, #tpu.memory_space<vmem>>, vector<128x1x128xf32>,
    %get3A_195 = arith.constant 0 : index
    %get3A_196 = arith.constant 15 : index
    %get3A_197 = arith.constant 0 : index
    %get3A_198 = vector.load %arg0[%get3A_195, %get3A_196, %get3A_197] : memref<128x16x18xf32, #tpu.memory_space<vmem>>, vector<128x1x18xf32>
    %get3A_199 = vector.shape_cast %get3A_198 : vector<128x1x18xf32> to vector<128x18xf32>
    %dot_general3A_200 = arith.constant dense<0.000000e+00> : vector<128x128xf32>
    %dot_general3A_201 = tpu.matmul %get3A_199, %get3A_1, %dot_general3A_200 {dimension_numbers = #tpu.dot_dimension_numbers<[1], [0], [0], [1], [0, 0, 1, 1], [], []>, transpose_lhs_hint = false} : vector<128x18xf32>, vector<18x128xf32>, vector<128x128xf32> -> vector<128x128xf32>
    %swap3A_202 = arith.constant 0 : index
    %swap3A_203 = arith.constant 15 : index
    %swap3A_204 = arith.constant 0 : index
    %swap3A_205 = vector.load %arg4[%swap3A_202, %swap3A_203, %swap3A_204] : memref<128x16x128xf32, #tpu.memory_space<vmem>>, vector<128x1x128xf32>
    %swap3A_206 = vector.shape_cast %swap3A_205 : vector<128x1x128xf32> to vector<128x128xf32>
    %swap3A_207 = vector.shape_cast %dot_general3A_201 : vector<128x128xf32> to vector<128x1x128xf32>
    tpu.vector_store %arg4[%swap3A_202, %swap3A_203, %swap3A_204], %swap3A_207 {strides = array<i32>} : memref<128x16x128xf32, #tpu.memory_space<vmem>>, vector<128x1x128xf32>,
    %get3A_208 = arith.constant 0 : index
    %get3A_209 = arith.constant 0 : index
    %get3A_210 = vector.load %arg2[%get3A_208, %get3A_209] : memref<16x18xf32, #tpu.memory_space<vmem>>, vector<16x18xf32>
    %dot_general3A_211 = arith.constant dense<0.000000e+00> : vector<16x128xf32>
    %dot_general3A_212 = tpu.matmul %get3A_210, %get3A_1, %dot_general3A_211 {dimension_numbers = #tpu.dot_dimension_numbers<[1], [0], [0], [1], [0, 0, 1, 1], [], []>, transpose_lhs_hint = false} : vector<16x18xf32>, vector<18x128xf32>, vector<16x128xf32> -> vector<16x128xf32>
    %get3A_213 = arith.constant 0 : index
    %get3A_214 = arith.constant 0 : index
    %get3A_215 = vector.load %arg3[%get3A_213, %get3A_214] : memref<1x128xf32, #tpu.memory_space<vmem>>, vector<1x128xf32>
    %add3A = vector.broadcast %get3A_215 : vector<1x128xf32> to vector<16x128xf32>
    %add3A_216 = arith.addf %dot_general3A_212, %add3A : vector<16x128xf32>
    %swap3A_217 = arith.constant 0 : index
    %swap3A_218 = arith.constant 0 : index
    %swap3A_219 = vector.load %arg5[%swap3A_217, %swap3A_218] : memref<16x128xf32, #tpu.memory_space<vmem>>, vector<16x128xf32>
    tpu.vector_store %arg5[%swap3A_217, %swap3A_218], %add3A_216 {strides = array<i32>} : memref<16x128xf32, #tpu.memory_space<vmem>>, vector<16x128xf32>,
    return
  }
}

module attributes {stable_mosaic.version = 14 : i64} {
  func.func @_stage_b_body(%arg0: i32, %arg1: memref<400x128xf32, #tpu.memory_space<vmem>>, %arg2: memref<400x128xf32, #tpu.memory_space<vmem>>, %arg3: memref<128x128xf32, #tpu.memory_space<vmem>>, %arg4: memref<1x128xf32, #tpu.memory_space<vmem>>, %arg5: memref<128x16xf32, #tpu.memory_space<vmem>>, %arg6: memref<1x16xf32, #tpu.memory_space<vmem>>, %arg7: memref<128x16xf32, #tpu.memory_space<vmem>>, %arg8: memref<1x16xf32, #tpu.memory_space<vmem>>, %arg9: memref<128x16x128xf32, #tpu.memory_space<vmem>>, %arg10: memref<16x128xf32, #tpu.memory_space<vmem>>, %arg11: memref<400x2x8x128xf32, #tpu.memory_space<vmem>>) attributes {dimension_semantics = [#tpu.dimension_semantics<arbitrary>], iteration_bounds = array<i64: 25>, scalar_prefetch = 0 : i64, scratch_operands = 0 : i64, tpu.core_type = #tpu.core_type<tc>, window_params = [{transform_indices = @transform_0, window_bounds = array<i64: 400, 128>}, {transform_indices = @transform_1, window_bounds = array<i64: 400, 128>}, {pipeline_mode = #tpu.pipeline_mode<synchronous>, transform_indices = @transform_2, window_bounds = array<i64: 128, 128>}, {pipeline_mode = #tpu.pipeline_mode<synchronous>, transform_indices = @transform_3, window_bounds = array<i64: 1, 128>}, {pipeline_mode = #tpu.pipeline_mode<synchronous>, transform_indices = @transform_4, window_bounds = array<i64: 128, 16>}, {pipeline_mode = #tpu.pipeline_mode<synchronous>, transform_indices = @transform_5, window_bounds = array<i64: 1, 16>}, {pipeline_mode = #tpu.pipeline_mode<synchronous>, transform_indices = @transform_6, window_bounds = array<i64: 128, 16>}, {pipeline_mode = #tpu.pipeline_mode<synchronous>, transform_indices = @transform_7, window_bounds = array<i64: 1, 16>}, {pipeline_mode = #tpu.pipeline_mode<synchronous>, transform_indices = @transform_8, window_bounds = array<i64: 128, 16, 128>}, {pipeline_mode = #tpu.pipeline_mode<synchronous>, transform_indices = @transform_9, window_bounds = array<i64: 16, 128>}, {transform_indices = @transform_10, window_bounds = array<i64: 400, 2, 8, 128>}]} {
    %get3A = arith.constant 0 : index
    %get3A_0 = arith.constant 0 : index
    %get3A_1 = vector.load %arg1[%get3A, %get3A_0] : memref<400x128xf32, #tpu.memory_space<vmem>>, vector<400x128xf32>
    %get3A_2 = arith.constant 0 : index
    %get3A_3 = arith.constant 0 : index
    %get3A_4 = vector.load %arg3[%get3A_2, %get3A_3] : memref<128x128xf32, #tpu.memory_space<vmem>>, vector<128x128xf32>
    %dot_general3A = arith.constant dense<0.000000e+00> : vector<400x128xf32>
    %dot_general3A_5 = tpu.matmul %get3A_1, %get3A_4, %dot_general3A {dimension_numbers = #tpu.dot_dimension_numbers<[1], [0], [0], [1], [0, 0, 1, 1], [], []>, transpose_lhs_hint = false} : vector<400x128xf32>, vector<128x128xf32>, vector<400x128xf32> -> vector<400x128xf32>
    %get3A_6 = arith.constant 0 : index
    %get3A_7 = arith.constant 0 : index
    %get3A_8 = vector.load %arg4[%get3A_6, %get3A_7] : memref<1x128xf32, #tpu.memory_space<vmem>>, vector<1x128xf32>
    %add3A = vector.broadcast %get3A_8 : vector<1x128xf32> to vector<400x128xf32>
    %add3A_9 = arith.addf %dot_general3A_5, %add3A : vector<400x128xf32>
    %get3A_10 = arith.constant 0 : index
    %get3A_11 = arith.constant 0 : index
    %get3A_12 = vector.load %arg5[%get3A_10, %get3A_11] : memref<128x16xf32, #tpu.memory_space<vmem>>, vector<128x16xf32>
    %dot_general3A_13 = arith.constant dense<0.000000e+00> : vector<400x16xf32>
    %dot_general3A_14 = tpu.matmul %add3A_9, %get3A_12, %dot_general3A_13 {dimension_numbers = #tpu.dot_dimension_numbers<[1], [0], [0], [1], [0, 0, 1, 1], [], []>, transpose_lhs_hint = false} : vector<400x128xf32>, vector<128x16xf32>, vector<400x16xf32> -> vector<400x16xf32>
    %get3A_15 = arith.constant 0 : index
    %get3A_16 = arith.constant 0 : index
    %get3A_17 = vector.load %arg6[%get3A_15, %get3A_16] : memref<1x16xf32, #tpu.memory_space<vmem>>, vector<1x16xf32>
    %add3A_18 = vector.broadcast %get3A_17 : vector<1x16xf32> to vector<400x16xf32>
    %add3A_19 = arith.addf %dot_general3A_14, %add3A_18 : vector<400x16xf32>
    %get3A_20 = arith.constant 0 : index
    %get3A_21 = arith.constant 0 : index
    %get3A_22 = vector.load %arg7[%get3A_20, %get3A_21] : memref<128x16xf32, #tpu.memory_space<vmem>>, vector<128x16xf32>
    %dot_general3A_23 = arith.constant dense<0.000000e+00> : vector<400x16xf32>
    %dot_general3A_24 = tpu.matmul %add3A_9, %get3A_22, %dot_general3A_23 {dimension_numbers = #tpu.dot_dimension_numbers<[1], [0], [0], [1], [0, 0, 1, 1], [], []>, transpose_lhs_hint = false} : vector<400x128xf32>, vector<128x16xf32>, vector<400x16xf32> -> vector<400x16xf32>
    %get3A_25 = arith.constant 0 : index
    %get3A_26 = arith.constant 0 : index
    %get3A_27 = vector.load %arg8[%get3A_25, %get3A_26] : memref<1x16xf32, #tpu.memory_space<vmem>>, vector<1x16xf32>
    %add3A_28 = vector.broadcast %get3A_27 : vector<1x16xf32> to vector<400x16xf32>
    %add3A_29 = arith.addf %dot_general3A_24, %add3A_28 : vector<400x16xf32>
    %get3A_30 = arith.constant 0 : index
    %get3A_31 = arith.constant 0 : index
    %get3A_32 = vector.load %arg2[%get3A_30, %get3A_31] : memref<400x128xf32, #tpu.memory_space<vmem>>, vector<400x128xf32>
    %get3A_33 = arith.constant 0 : index
    %get3A_34 = arith.constant 0 : index
    %get3A_35 = arith.constant 0 : index
    %get3A_36 = vector.load %arg9[%get3A_33, %get3A_34, %get3A_35] : memref<128x16x128xf32, #tpu.memory_space<vmem>>, vector<128x1x128xf32>
    %get3A_37 = vector.shape_cast %get3A_36 : vector<128x1x128xf32> to vector<128x128xf32>
    %dot_general3A_38 = arith.constant dense<0.000000e+00> : vector<400x128xf32>
    %dot_general3A_39 = tpu.matmul %add3A_9, %get3A_37, %dot_general3A_38 {dimension_numbers = #tpu.dot_dimension_numbers<[1], [0], [0], [1], [0, 0, 1, 1], [], []>, transpose_lhs_hint = false} : vector<400x128xf32>, vector<128x128xf32>, vector<400x128xf32> -> vector<400x128xf32>
    %get3A_40 = arith.constant 0 : index
    %get3A_41 = arith.constant 0 : index
    %get3A_42 = vector.load %arg10[%get3A_40, %get3A_41] : memref<16x128xf32, #tpu.memory_space<vmem>>, vector<1x128xf32>
    %add3A_43 = vector.broadcast %get3A_42 : vector<1x128xf32> to vector<400x128xf32>
    %add3A_44 = arith.addf %dot_general3A_39, %add3A_43 : vector<400x128xf32>
    %add3A_45 = arith.addf %add3A_44, %get3A_32 : vector<400x128xf32>
    %swap3A = arith.constant 0 : index
    %swap3A_46 = arith.constant 0 : index
    %swap3A_47 = arith.constant 0 : index
    %swap3A_48 = arith.constant 0 : index
    %swap3A_49 = vector.load %arg11[%swap3A, %swap3A_46, %swap3A_47, %swap3A_48] : memref<400x2x8x128xf32, #tpu.memory_space<vmem>>, vector<400x1x1x128xf32>
    %swap3A_50 = vector.shape_cast %swap3A_49 : vector<400x1x1x128xf32> to vector<400x128xf32>
    %swap3A_51 = vector.shape_cast %add3A_45 : vector<400x128xf32> to vector<400x1x1x128xf32>
    tpu.vector_store %arg11[%swap3A, %swap3A_46, %swap3A_47, %swap3A_48], %swap3A_51 {strides = array<i32>} : memref<400x2x8x128xf32, #tpu.memory_space<vmem>>, vector<400x1x1x128xf32>,
    %get3A_52 = arith.constant 0 : index
    %get3A_53 = arith.constant 1 : index
    %get3A_54 = arith.constant 0 : index
    %get3A_55 = vector.load %arg9[%get3A_52, %get3A_53, %get3A_54] : memref<128x16x128xf32, #tpu.memory_space<vmem>>, vector<128x1x128xf32>
    %get3A_56 = vector.shape_cast %get3A_55 : vector<128x1x128xf32> to vector<128x128xf32>
    %dot_general3A_57 = arith.constant dense<0.000000e+00> : vector<400x128xf32>
    %dot_general3A_58 = tpu.matmul %add3A_9, %get3A_56, %dot_general3A_57 {dimension_numbers = #tpu.dot_dimension_numbers<[1], [0], [0], [1], [0, 0, 1, 1], [], []>, transpose_lhs_hint = false} : vector<400x128xf32>, vector<128x128xf32>, vector<400x128xf32> -> vector<400x128xf32>
    %get3A_59 = arith.constant 1 : index
    %get3A_60 = arith.constant 0 : index
    %get3A_61 = vector.load %arg10[%get3A_59, %get3A_60] : memref<16x128xf32, #tpu.memory_space<vmem>>, vector<1x128xf32>
    %add3A_62 = vector.broadcast %get3A_61 : vector<1x128xf32> to vector<400x128xf32>
    %add3A_63 = arith.addf %dot_general3A_58, %add3A_62 : vector<400x128xf32>
    %add3A_64 = arith.addf %add3A_63, %get3A_32 : vector<400x128xf32>
    %slice3A = vector.extract_strided_slice %add3A_19 {offsets = [0, 0], sizes = [400, 1], strides = [1, 1]} : vector<400x16xf32> to vector<400x1xf32>
    %slice3A_65 = vector.extract_strided_slice %add3A_19 {offsets = [0, 1], sizes = [400, 1], strides = [1, 1]} : vector<400x16xf32> to vector<400x1xf32>
    %sub3A = arith.subf %slice3A, %slice3A_65 : vector<400x1xf32>
    %slice3A_66 = vector.extract_strided_slice %add3A_29 {offsets = [0, 0], sizes = [400, 1], strides = [1, 1]} : vector<400x16xf32> to vector<400x1xf32>
    %slice3A_67 = vector.extract_strided_slice %add3A_29 {offsets = [0, 1], sizes = [400, 1], strides = [1, 1]} : vector<400x16xf32> to vector<400x1xf32>
    %sub3A_68 = arith.subf %slice3A_66, %slice3A_67 : vector<400x1xf32>
    %mul3A = arith.mulf %sub3A, %sub3A : vector<400x1xf32>
    %mul3A_69 = arith.mulf %sub3A_68, %sub3A_68 : vector<400x1xf32>
    %add3A_70 = arith.addf %mul3A, %mul3A_69 : vector<400x1xf32>
    %sub3A_71 = arith.constant 4.000000e-04 : f32
    %sub3A_72 = vector.broadcast %sub3A_71 : f32 to vector<400x1xf32>
    %sub3A_73 = arith.subf %sub3A_72, %add3A_70 : vector<400x1xf32>
    %sign3A = tpu.bitcast %sub3A_73 : vector<400x1xf32> -> vector<400x1xi32>
    %sign3A_74 = arith.constant -2147483648 : i32
    %sign3A_75 = vector.broadcast %sign3A_74 : i32 to vector<400x1xi32>
    %sign3A_76 = arith.andi %sign3A, %sign3A_75 : vector<400x1xi32>
    %sign3A_77 = arith.constant 1065353216 : i32
    %sign3A_78 = vector.broadcast %sign3A_77 : i32 to vector<400x1xi32>
    %sign3A_79 = arith.ori %sign3A_78, %sign3A_76 : vector<400x1xi32>
    %sign3A_80 = tpu.bitcast %sign3A_79 : vector<400x1xi32> -> vector<400x1xf32>
    %sign3A_81 = math.absf %sub3A_73 : vector<400x1xf32>
    %sign3A_82 = arith.constant 0.000000e+00 : f32
    %sign3A_83 = vector.broadcast %sign3A_82 : f32 to vector<400x1xf32>
    %sign3A_84 = arith.cmpf ogt, %sign3A_81, %sign3A_83 : vector<400x1xf32>
    %sign3A_85 = arith.select %sign3A_84, %sign3A_80, %sub3A_73 : vector<400x1xi1>, vector<400x1xf32>
    %max3A = arith.constant 0.000000e+00 : f32
    %max3A_86 = vector.broadcast %max3A : f32 to vector<400x1xf32>
    %max3A_87 = arith.maximumf %sign3A_85, %max3A_86 : vector<400x1xf32>
    %reduce_sum3A = arith.constant dense<0.000000e+00> : vector<400xf32>
    %reduce_sum3A_88 = vector.multi_reduction <add>, %max3A_87, %reduce_sum3A [1] : vector<400x1xf32> to vector<400xf32>
    %broadcast_in_dim3A = vector.shape_cast %reduce_sum3A_88 : vector<400xf32> to vector<400x1xf32>
    %sub3A_89 = arith.constant 5.000000e-01 : f32
    %sub3A_90 = vector.broadcast %sub3A_89 : f32 to vector<400x1xf32>
    %sub3A_91 = arith.subf %sub3A_90, %broadcast_in_dim3A : vector<400x1xf32>
    %sign3A_92 = tpu.bitcast %sub3A_91 : vector<400x1xf32> -> vector<400x1xi32>
    %sign3A_93 = arith.constant -2147483648 : i32
    %sign3A_94 = vector.broadcast %sign3A_93 : i32 to vector<400x1xi32>
    %sign3A_95 = arith.andi %sign3A_92, %sign3A_94 : vector<400x1xi32>
    %sign3A_96 = arith.constant 1065353216 : i32
    %sign3A_97 = vector.broadcast %sign3A_96 : i32 to vector<400x1xi32>
    %sign3A_98 = arith.ori %sign3A_97, %sign3A_95 : vector<400x1xi32>
    %sign3A_99 = tpu.bitcast %sign3A_98 : vector<400x1xi32> -> vector<400x1xf32>
    %sign3A_100 = math.absf %sub3A_91 : vector<400x1xf32>
    %sign3A_101 = arith.constant 0.000000e+00 : f32
    %sign3A_102 = vector.broadcast %sign3A_101 : f32 to vector<400x1xf32>
    %sign3A_103 = arith.cmpf ogt, %sign3A_100, %sign3A_102 : vector<400x1xf32>
    %sign3A_104 = arith.select %sign3A_103, %sign3A_99, %sub3A_91 : vector<400x1xi1>, vector<400x1xf32>
    %max3A_105 = arith.constant 0.000000e+00 : f32
    %max3A_106 = vector.broadcast %max3A_105 : f32 to vector<400x1xf32>
    %max3A_107 = arith.maximumf %sign3A_104, %max3A_106 : vector<400x1xf32>
    %mul3A_108 = vector.broadcast %max3A_107 : vector<400x1xf32> to vector<400x128xf32>
    %mul3A_109 = arith.mulf %add3A_64, %mul3A_108 : vector<400x128xf32>
    %sub3A_110 = arith.constant 1.000000e+00 : f32
    %sub3A_111 = vector.broadcast %sub3A_110 : f32 to vector<400x1xf32>
    %sub3A_112 = arith.subf %sub3A_111, %max3A_107 : vector<400x1xf32>
    %mul3A_113 = arith.constant -1.000000e+09 : f32
    %mul3A_114 = vector.broadcast %mul3A_113 : f32 to vector<400x1xf32>
    %mul3A_115 = arith.mulf %sub3A_112, %mul3A_114 : vector<400x1xf32>
    %add3A_116 = vector.broadcast %mul3A_115 : vector<400x1xf32> to vector<400x128xf32>
    %add3A_117 = arith.addf %mul3A_109, %add3A_116 : vector<400x128xf32>
    %swap3A_118 = arith.constant 0 : index
    %swap3A_119 = arith.constant 0 : index
    %swap3A_120 = arith.constant 1 : index
    %swap3A_121 = arith.constant 0 : index
    %swap3A_122 = vector.load %arg11[%swap3A_118, %swap3A_119, %swap3A_120, %swap3A_121] : memref<400x2x8x128xf32, #tpu.memory_space<vmem>>, vector<400x1x1x128xf32>
    %swap3A_123 = vector.shape_cast %swap3A_122 : vector<400x1x1x128xf32> to vector<400x128xf32>
    %swap3A_124 = vector.shape_cast %add3A_117 : vector<400x128xf32> to vector<400x1x1x128xf32>
    tpu.vector_store %arg11[%swap3A_118, %swap3A_119, %swap3A_120, %swap3A_121], %swap3A_124 {strides = array<i32>} : memref<400x2x8x128xf32, #tpu.memory_space<vmem>>, vector<400x1x1x128xf32>,
    %get3A_125 = arith.constant 0 : index
    %get3A_126 = arith.constant 2 : index
    %get3A_127 = arith.constant 0 : index
    %get3A_128 = vector.load %arg9[%get3A_125, %get3A_126, %get3A_127] : memref<128x16x128xf32, #tpu.memory_space<vmem>>, vector<128x1x128xf32>
    %get3A_129 = vector.shape_cast %get3A_128 : vector<128x1x128xf32> to vector<128x128xf32>
    %dot_general3A_130 = arith.constant dense<0.000000e+00> : vector<400x128xf32>
    %dot_general3A_131 = tpu.matmul %add3A_9, %get3A_129, %dot_general3A_130 {dimension_numbers = #tpu.dot_dimension_numbers<[1], [0], [0], [1], [0, 0, 1, 1], [], []>, transpose_lhs_hint = false} : vector<400x128xf32>, vector<128x128xf32>, vector<400x128xf32> -> vector<400x128xf32>
    %get3A_132 = arith.constant 2 : index
    %get3A_133 = arith.constant 0 : index
    %get3A_134 = vector.load %arg10[%get3A_132, %get3A_133] : memref<16x128xf32, #tpu.memory_space<vmem>>, vector<1x128xf32>
    %add3A_135 = vector.broadcast %get3A_134 : vector<1x128xf32> to vector<400x128xf32>
    %add3A_136 = arith.addf %dot_general3A_131, %add3A_135 : vector<400x128xf32>
    %add3A_137 = arith.addf %add3A_136, %get3A_32 : vector<400x128xf32>
    %slice3A_138 = vector.extract_strided_slice %add3A_19 {offsets = [0, 0], sizes = [400, 2], strides = [1, 1]} : vector<400x16xf32> to vector<400x2xf32>
    %slice3A_139 = vector.extract_strided_slice %add3A_19 {offsets = [0, 2], sizes = [400, 1], strides = [1, 1]} : vector<400x16xf32> to vector<400x1xf32>
    %sub3A_140 = vector.broadcast %slice3A_139 : vector<400x1xf32> to vector<400x2xf32>
    %sub3A_141 = arith.subf %slice3A_138, %sub3A_140 : vector<400x2xf32>
    %slice3A_142 = vector.extract_strided_slice %add3A_29 {offsets = [0, 0], sizes = [400, 2], strides = [1, 1]} : vector<400x16xf32> to vector<400x2xf32>
    %slice3A_143 = vector.extract_strided_slice %add3A_29 {offsets = [0, 2], sizes = [400, 1], strides = [1, 1]} : vector<400x16xf32> to vector<400x1xf32>
    %sub3A_144 = vector.broadcast %slice3A_143 : vector<400x1xf32> to vector<400x2xf32>
    %sub3A_145 = arith.subf %slice3A_142, %sub3A_144 : vector<400x2xf32>
    %mul3A_146 = arith.mulf %sub3A_141, %sub3A_141 : vector<400x2xf32>
    %mul3A_147 = arith.mulf %sub3A_145, %sub3A_145 : vector<400x2xf32>
    %add3A_148 = arith.addf %mul3A_146, %mul3A_147 : vector<400x2xf32>
    %sub3A_149 = arith.constant 4.000000e-04 : f32
    %sub3A_150 = vector.broadcast %sub3A_149 : f32 to vector<400x2xf32>
    %sub3A_151 = arith.subf %sub3A_150, %add3A_148 : vector<400x2xf32>
    %sign3A_152 = tpu.bitcast %sub3A_151 : vector<400x2xf32> -> vector<400x2xi32>
    %sign3A_153 = arith.constant -2147483648 : i32
    %sign3A_154 = vector.broadcast %sign3A_153 : i32 to vector<400x2xi32>
    %sign3A_155 = arith.andi %sign3A_152, %sign3A_154 : vector<400x2xi32>
    %sign3A_156 = arith.constant 1065353216 : i32
    %sign3A_157 = vector.broadcast %sign3A_156 : i32 to vector<400x2xi32>
    %sign3A_158 = arith.ori %sign3A_157, %sign3A_155 : vector<400x2xi32>
    %sign3A_159 = tpu.bitcast %sign3A_158 : vector<400x2xi32> -> vector<400x2xf32>
    %sign3A_160 = math.absf %sub3A_151 : vector<400x2xf32>
    %sign3A_161 = arith.constant 0.000000e+00 : f32
    %sign3A_162 = vector.broadcast %sign3A_161 : f32 to vector<400x2xf32>
    %sign3A_163 = arith.cmpf ogt, %sign3A_160, %sign3A_162 : vector<400x2xf32>
    %sign3A_164 = arith.select %sign3A_163, %sign3A_159, %sub3A_151 : vector<400x2xi1>, vector<400x2xf32>
    %max3A_165 = arith.constant 0.000000e+00 : f32
    %max3A_166 = vector.broadcast %max3A_165 : f32 to vector<400x2xf32>
    %max3A_167 = arith.maximumf %sign3A_164, %max3A_166 : vector<400x2xf32>
    %reduce_sum3A_168 = arith.constant dense<0.000000e+00> : vector<400xf32>
    %reduce_sum3A_169 = vector.multi_reduction <add>, %max3A_167, %reduce_sum3A_168 [1] : vector<400x2xf32> to vector<400xf32>
    %broadcast_in_dim3A_170 = vector.shape_cast %reduce_sum3A_169 : vector<400xf32> to vector<400x1xf32>
    %sub3A_171 = arith.constant 5.000000e-01 : f32
    %sub3A_172 = vector.broadcast %sub3A_171 : f32 to vector<400x1xf32>
    %sub3A_173 = arith.subf %sub3A_172, %broadcast_in_dim3A_170 : vector<400x1xf32>
    %sign3A_174 = tpu.bitcast %sub3A_173 : vector<400x1xf32> -> vector<400x1xi32>
    %sign3A_175 = arith.constant -2147483648 : i32
    %sign3A_176 = vector.broadcast %sign3A_175 : i32 to vector<400x1xi32>
    %sign3A_177 = arith.andi %sign3A_174, %sign3A_176 : vector<400x1xi32>
    %sign3A_178 = arith.constant 1065353216 : i32
    %sign3A_179 = vector.broadcast %sign3A_178 : i32 to vector<400x1xi32>
    %sign3A_180 = arith.ori %sign3A_179, %sign3A_177 : vector<400x1xi32>
    %sign3A_181 = tpu.bitcast %sign3A_180 : vector<400x1xi32> -> vector<400x1xf32>
    %sign3A_182 = math.absf %sub3A_173 : vector<400x1xf32>
    %sign3A_183 = arith.constant 0.000000e+00 : f32
    %sign3A_184 = vector.broadcast %sign3A_183 : f32 to vector<400x1xf32>
    %sign3A_185 = arith.cmpf ogt, %sign3A_182, %sign3A_184 : vector<400x1xf32>
    %sign3A_186 = arith.select %sign3A_185, %sign3A_181, %sub3A_173 : vector<400x1xi1>, vector<400x1xf32>
    %max3A_187 = arith.constant 0.000000e+00 : f32
    %max3A_188 = vector.broadcast %max3A_187 : f32 to vector<400x1xf32>
    %max3A_189 = arith.maximumf %sign3A_186, %max3A_188 : vector<400x1xf32>
    %mul3A_190 = vector.broadcast %max3A_189 : vector<400x1xf32> to vector<400x128xf32>
    %mul3A_191 = arith.mulf %add3A_137, %mul3A_190 : vector<400x128xf32>
    %sub3A_192 = arith.constant 1.000000e+00 : f32
    %sub3A_193 = vector.broadcast %sub3A_192 : f32 to vector<400x1xf32>
    %sub3A_194 = arith.subf %sub3A_193, %max3A_189 : vector<400x1xf32>
    %mul3A_195 = arith.constant -1.000000e+09 : f32
    %mul3A_196 = vector.broadcast %mul3A_195 : f32 to vector<400x1xf32>
    %mul3A_197 = arith.mulf %sub3A_194, %mul3A_196 : vector<400x1xf32>
    %add3A_198 = vector.broadcast %mul3A_197 : vector<400x1xf32> to vector<400x128xf32>
    %add3A_199 = arith.addf %mul3A_191, %add3A_198 : vector<400x128xf32>
    %swap3A_200 = arith.constant 0 : index
    %swap3A_201 = arith.constant 0 : index
    %swap3A_202 = arith.constant 2 : index
    %swap3A_203 = arith.constant 0 : index
    %swap3A_204 = vector.load %arg11[%swap3A_200, %swap3A_201, %swap3A_202, %swap3A_203] : memref<400x2x8x128xf32, #tpu.memory_space<vmem>>, vector<400x1x1x128xf32>
    %swap3A_205 = vector.shape_cast %swap3A_204 : vector<400x1x1x128xf32> to vector<400x128xf32>
    %swap3A_206 = vector.shape_cast %add3A_199 : vector<400x128xf32> to vector<400x1x1x128xf32>
    tpu.vector_store %arg11[%swap3A_200, %swap3A_201, %swap3A_202, %swap3A_203], %swap3A_206 {strides = array<i32>} : memref<400x2x8x128xf32, #tpu.memory_space<vmem>>, vector<400x1x1x128xf32>,
    %get3A_207 = arith.constant 0 : index
    %get3A_208 = arith.constant 3 : index
    %get3A_209 = arith.constant 0 : index
    %get3A_210 = vector.load %arg9[%get3A_207, %get3A_208, %get3A_209] : memref<128x16x128xf32, #tpu.memory_space<vmem>>, vector<128x1x128xf32>
    %get3A_211 = vector.shape_cast %get3A_210 : vector<128x1x128xf32> to vector<128x128xf32>
    %dot_general3A_212 = arith.constant dense<0.000000e+00> : vector<400x128xf32>
    %dot_general3A_213 = tpu.matmul %add3A_9, %get3A_211, %dot_general3A_212 {dimension_numbers = #tpu.dot_dimension_numbers<[1], [0], [0], [1], [0, 0, 1, 1], [], []>, transpose_lhs_hint = false} : vector<400x128xf32>, vector<128x128xf32>, vector<400x128xf32> -> vector<400x128xf32>
    %get3A_214 = arith.constant 3 : index
    %get3A_215 = arith.constant 0 : index
    %get3A_216 = vector.load %arg10[%get3A_214, %get3A_215] : memref<16x128xf32, #tpu.memory_space<vmem>>, vector<1x128xf32>
    %add3A_217 = vector.broadcast %get3A_216 : vector<1x128xf32> to vector<400x128xf32>
    %add3A_218 = arith.addf %dot_general3A_213, %add3A_217 : vector<400x128xf32>
    %add3A_219 = arith.addf %add3A_218, %get3A_32 : vector<400x128xf32>
    %slice3A_220 = vector.extract_strided_slice %add3A_19 {offsets = [0, 0], sizes = [400, 3], strides = [1, 1]} : vector<400x16xf32> to vector<400x3xf32>
    %slice3A_221 = vector.extract_strided_slice %add3A_19 {offsets = [0, 3], sizes = [400, 1], strides = [1, 1]} : vector<400x16xf32> to vector<400x1xf32>
    %sub3A_222 = vector.broadcast %slice3A_221 : vector<400x1xf32> to vector<400x3xf32>
    %sub3A_223 = arith.subf %slice3A_220, %sub3A_222 : vector<400x3xf32>
    %slice3A_224 = vector.extract_strided_slice %add3A_29 {offsets = [0, 0], sizes = [400, 3], strides = [1, 1]} : vector<400x16xf32> to vector<400x3xf32>
    %slice3A_225 = vector.extract_strided_slice %add3A_29 {offsets = [0, 3], sizes = [400, 1], strides = [1, 1]} : vector<400x16xf32> to vector<400x1xf32>
    %sub3A_226 = vector.broadcast %slice3A_225 : vector<400x1xf32> to vector<400x3xf32>
    %sub3A_227 = arith.subf %slice3A_224, %sub3A_226 : vector<400x3xf32>
    %mul3A_228 = arith.mulf %sub3A_223, %sub3A_223 : vector<400x3xf32>
    %mul3A_229 = arith.mulf %sub3A_227, %sub3A_227 : vector<400x3xf32>
    %add3A_230 = arith.addf %mul3A_228, %mul3A_229 : vector<400x3xf32>
    %sub3A_231 = arith.constant 4.000000e-04 : f32
    %sub3A_232 = vector.broadcast %sub3A_231 : f32 to vector<400x3xf32>
    %sub3A_233 = arith.subf %sub3A_232, %add3A_230 : vector<400x3xf32>
    %sign3A_234 = tpu.bitcast %sub3A_233 : vector<400x3xf32> -> vector<400x3xi32>
    %sign3A_235 = arith.constant -2147483648 : i32
    %sign3A_236 = vector.broadcast %sign3A_235 : i32 to vector<400x3xi32>
    %sign3A_237 = arith.andi %sign3A_234, %sign3A_236 : vector<400x3xi32>
    %sign3A_238 = arith.constant 1065353216 : i32
    %sign3A_239 = vector.broadcast %sign3A_238 : i32 to vector<400x3xi32>
    %sign3A_240 = arith.ori %sign3A_239, %sign3A_237 : vector<400x3xi32>
    %sign3A_241 = tpu.bitcast %sign3A_240 : vector<400x3xi32> -> vector<400x3xf32>
    %sign3A_242 = math.absf %sub3A_233 : vector<400x3xf32>
    %sign3A_243 = arith.constant 0.000000e+00 : f32
    %sign3A_244 = vector.broadcast %sign3A_243 : f32 to vector<400x3xf32>
    %sign3A_245 = arith.cmpf ogt, %sign3A_242, %sign3A_244 : vector<400x3xf32>
    %sign3A_246 = arith.select %sign3A_245, %sign3A_241, %sub3A_233 : vector<400x3xi1>, vector<400x3xf32>
    %max3A_247 = arith.constant 0.000000e+00 : f32
    %max3A_248 = vector.broadcast %max3A_247 : f32 to vector<400x3xf32>
    %max3A_249 = arith.maximumf %sign3A_246, %max3A_248 : vector<400x3xf32>
    %reduce_sum3A_250 = arith.constant dense<0.000000e+00> : vector<400xf32>
    %reduce_sum3A_251 = vector.multi_reduction <add>, %max3A_249, %reduce_sum3A_250 [1] : vector<400x3xf32> to vector<400xf32>
    %broadcast_in_dim3A_252 = vector.shape_cast %reduce_sum3A_251 : vector<400xf32> to vector<400x1xf32>
    %sub3A_253 = arith.constant 5.000000e-01 : f32
    %sub3A_254 = vector.broadcast %sub3A_253 : f32 to vector<400x1xf32>
    %sub3A_255 = arith.subf %sub3A_254, %broadcast_in_dim3A_252 : vector<400x1xf32>
    %sign3A_256 = tpu.bitcast %sub3A_255 : vector<400x1xf32> -> vector<400x1xi32>
    %sign3A_257 = arith.constant -2147483648 : i32
    %sign3A_258 = vector.broadcast %sign3A_257 : i32 to vector<400x1xi32>
    %sign3A_259 = arith.andi %sign3A_256, %sign3A_258 : vector<400x1xi32>
    %sign3A_260 = arith.constant 1065353216 : i32
    %sign3A_261 = vector.broadcast %sign3A_260 : i32 to vector<400x1xi32>
    %sign3A_262 = arith.ori %sign3A_261, %sign3A_259 : vector<400x1xi32>
    %sign3A_263 = tpu.bitcast %sign3A_262 : vector<400x1xi32> -> vector<400x1xf32>
    %sign3A_264 = math.absf %sub3A_255 : vector<400x1xf32>
    %sign3A_265 = arith.constant 0.000000e+00 : f32
    %sign3A_266 = vector.broadcast %sign3A_265 : f32 to vector<400x1xf32>
    %sign3A_267 = arith.cmpf ogt, %sign3A_264, %sign3A_266 : vector<400x1xf32>
    %sign3A_268 = arith.select %sign3A_267, %sign3A_263, %sub3A_255 : vector<400x1xi1>, vector<400x1xf32>
    %max3A_269 = arith.constant 0.000000e+00 : f32
    %max3A_270 = vector.broadcast %max3A_269 : f32 to vector<400x1xf32>
    %max3A_271 = arith.maximumf %sign3A_268, %max3A_270 : vector<400x1xf32>
    %mul3A_272 = vector.broadcast %max3A_271 : vector<400x1xf32> to vector<400x128xf32>
    %mul3A_273 = arith.mulf %add3A_219, %mul3A_272 : vector<400x128xf32>
    %sub3A_274 = arith.constant 1.000000e+00 : f32
    %sub3A_275 = vector.broadcast %sub3A_274 : f32 to vector<400x1xf32>
    %sub3A_276 = arith.subf %sub3A_275, %max3A_271 : vector<400x1xf32>
    %mul3A_277 = arith.constant -1.000000e+09 : f32
    %mul3A_278 = vector.broadcast %mul3A_277 : f32 to vector<400x1xf32>
    %mul3A_279 = arith.mulf %sub3A_276, %mul3A_278 : vector<400x1xf32>
    %add3A_280 = vector.broadcast %mul3A_279 : vector<400x1xf32> to vector<400x128xf32>
    %add3A_281 = arith.addf %mul3A_273, %add3A_280 : vector<400x128xf32>
    %swap3A_282 = arith.constant 0 : index
    %swap3A_283 = arith.constant 0 : index
    %swap3A_284 = arith.constant 3 : index
    %swap3A_285 = arith.constant 0 : index
    %swap3A_286 = vector.load %arg11[%swap3A_282, %swap3A_283, %swap3A_284, %swap3A_285] : memref<400x2x8x128xf32, #tpu.memory_space<vmem>>, vector<400x1x1x128xf32>
    %swap3A_287 = vector.shape_cast %swap3A_286 : vector<400x1x1x128xf32> to vector<400x128xf32>
    %swap3A_288 = vector.shape_cast %add3A_281 : vector<400x128xf32> to vector<400x1x1x128xf32>
    tpu.vector_store %arg11[%swap3A_282, %swap3A_283, %swap3A_284, %swap3A_285], %swap3A_288 {strides = array<i32>} : memref<400x2x8x128xf32, #tpu.memory_space<vmem>>, vector<400x1x1x128xf32>,
    %get3A_289 = arith.constant 0 : index
    %get3A_290 = arith.constant 4 : index
    %get3A_291 = arith.constant 0 : index
    %get3A_292 = vector.load %arg9[%get3A_289, %get3A_290, %get3A_291] : memref<128x16x128xf32, #tpu.memory_space<vmem>>, vector<128x1x128xf32>
    %get3A_293 = vector.shape_cast %get3A_292 : vector<128x1x128xf32> to vector<128x128xf32>
    %dot_general3A_294 = arith.constant dense<0.000000e+00> : vector<400x128xf32>
    %dot_general3A_295 = tpu.matmul %add3A_9, %get3A_293, %dot_general3A_294 {dimension_numbers = #tpu.dot_dimension_numbers<[1], [0], [0], [1], [0, 0, 1, 1], [], []>, transpose_lhs_hint = false} : vector<400x128xf32>, vector<128x128xf32>, vector<400x128xf32> -> vector<400x128xf32>
    %get3A_296 = arith.constant 4 : index
    %get3A_297 = arith.constant 0 : index
    %get3A_298 = vector.load %arg10[%get3A_296, %get3A_297] : memref<16x128xf32, #tpu.memory_space<vmem>>, vector<1x128xf32>
    %add3A_299 = vector.broadcast %get3A_298 : vector<1x128xf32> to vector<400x128xf32>
    %add3A_300 = arith.addf %dot_general3A_295, %add3A_299 : vector<400x128xf32>
    %add3A_301 = arith.addf %add3A_300, %get3A_32 : vector<400x128xf32>
    %slice3A_302 = vector.extract_strided_slice %add3A_19 {offsets = [0, 0], sizes = [400, 4], strides = [1, 1]} : vector<400x16xf32> to vector<400x4xf32>
    %slice3A_303 = vector.extract_strided_slice %add3A_19 {offsets = [0, 4], sizes = [400, 1], strides = [1, 1]} : vector<400x16xf32> to vector<400x1xf32>
    %sub3A_304 = vector.broadcast %slice3A_303 : vector<400x1xf32> to vector<400x4xf32>
    %sub3A_305 = arith.subf %slice3A_302, %sub3A_304 : vector<400x4xf32>
    %slice3A_306 = vector.extract_strided_slice %add3A_29 {offsets = [0, 0], sizes = [400, 4], strides = [1, 1]} : vector<400x16xf32> to vector<400x4xf32>
    %slice3A_307 = vector.extract_strided_slice %add3A_29 {offsets = [0, 4], sizes = [400, 1], strides = [1, 1]} : vector<400x16xf32> to vector<400x1xf32>
    %sub3A_308 = vector.broadcast %slice3A_307 : vector<400x1xf32> to vector<400x4xf32>
    %sub3A_309 = arith.subf %slice3A_306, %sub3A_308 : vector<400x4xf32>
    %mul3A_310 = arith.mulf %sub3A_305, %sub3A_305 : vector<400x4xf32>
    %mul3A_311 = arith.mulf %sub3A_309, %sub3A_309 : vector<400x4xf32>
    %add3A_312 = arith.addf %mul3A_310, %mul3A_311 : vector<400x4xf32>
    %sub3A_313 = arith.constant 4.000000e-04 : f32
    %sub3A_314 = vector.broadcast %sub3A_313 : f32 to vector<400x4xf32>
    %sub3A_315 = arith.subf %sub3A_314, %add3A_312 : vector<400x4xf32>
    %sign3A_316 = tpu.bitcast %sub3A_315 : vector<400x4xf32> -> vector<400x4xi32>
    %sign3A_317 = arith.constant -2147483648 : i32
    %sign3A_318 = vector.broadcast %sign3A_317 : i32 to vector<400x4xi32>
    %sign3A_319 = arith.andi %sign3A_316, %sign3A_318 : vector<400x4xi32>
    %sign3A_320 = arith.constant 1065353216 : i32
    %sign3A_321 = vector.broadcast %sign3A_320 : i32 to vector<400x4xi32>
    %sign3A_322 = arith.ori %sign3A_321, %sign3A_319 : vector<400x4xi32>
    %sign3A_323 = tpu.bitcast %sign3A_322 : vector<400x4xi32> -> vector<400x4xf32>
    %sign3A_324 = math.absf %sub3A_315 : vector<400x4xf32>
    %sign3A_325 = arith.constant 0.000000e+00 : f32
    %sign3A_326 = vector.broadcast %sign3A_325 : f32 to vector<400x4xf32>
    %sign3A_327 = arith.cmpf ogt, %sign3A_324, %sign3A_326 : vector<400x4xf32>
    %sign3A_328 = arith.select %sign3A_327, %sign3A_323, %sub3A_315 : vector<400x4xi1>, vector<400x4xf32>
    %max3A_329 = arith.constant 0.000000e+00 : f32
    %max3A_330 = vector.broadcast %max3A_329 : f32 to vector<400x4xf32>
    %max3A_331 = arith.maximumf %sign3A_328, %max3A_330 : vector<400x4xf32>
    %reduce_sum3A_332 = arith.constant dense<0.000000e+00> : vector<400xf32>
    %reduce_sum3A_333 = vector.multi_reduction <add>, %max3A_331, %reduce_sum3A_332 [1] : vector<400x4xf32> to vector<400xf32>
    %broadcast_in_dim3A_334 = vector.shape_cast %reduce_sum3A_333 : vector<400xf32> to vector<400x1xf32>
    %sub3A_335 = arith.constant 5.000000e-01 : f32
    %sub3A_336 = vector.broadcast %sub3A_335 : f32 to vector<400x1xf32>
    %sub3A_337 = arith.subf %sub3A_336, %broadcast_in_dim3A_334 : vector<400x1xf32>
    %sign3A_338 = tpu.bitcast %sub3A_337 : vector<400x1xf32> -> vector<400x1xi32>
    %sign3A_339 = arith.constant -2147483648 : i32
    %sign3A_340 = vector.broadcast %sign3A_339 : i32 to vector<400x1xi32>
    %sign3A_341 = arith.andi %sign3A_338, %sign3A_340 : vector<400x1xi32>
    %sign3A_342 = arith.constant 1065353216 : i32
    %sign3A_343 = vector.broadcast %sign3A_342 : i32 to vector<400x1xi32>
    %sign3A_344 = arith.ori %sign3A_343, %sign3A_341 : vector<400x1xi32>
    %sign3A_345 = tpu.bitcast %sign3A_344 : vector<400x1xi32> -> vector<400x1xf32>
    %sign3A_346 = math.absf %sub3A_337 : vector<400x1xf32>
    %sign3A_347 = arith.constant 0.000000e+00 : f32
    %sign3A_348 = vector.broadcast %sign3A_347 : f32 to vector<400x1xf32>
    %sign3A_349 = arith.cmpf ogt, %sign3A_346, %sign3A_348 : vector<400x1xf32>
    %sign3A_350 = arith.select %sign3A_349, %sign3A_345, %sub3A_337 : vector<400x1xi1>, vector<400x1xf32>
    %max3A_351 = arith.constant 0.000000e+00 : f32
    %max3A_352 = vector.broadcast %max3A_351 : f32 to vector<400x1xf32>
    %max3A_353 = arith.maximumf %sign3A_350, %max3A_352 : vector<400x1xf32>
    %mul3A_354 = vector.broadcast %max3A_353 : vector<400x1xf32> to vector<400x128xf32>
    %mul3A_355 = arith.mulf %add3A_301, %mul3A_354 : vector<400x128xf32>
    %sub3A_356 = arith.constant 1.000000e+00 : f32
    %sub3A_357 = vector.broadcast %sub3A_356 : f32 to vector<400x1xf32>
    %sub3A_358 = arith.subf %sub3A_357, %max3A_353 : vector<400x1xf32>
    %mul3A_359 = arith.constant -1.000000e+09 : f32
    %mul3A_360 = vector.broadcast %mul3A_359 : f32 to vector<400x1xf32>
    %mul3A_361 = arith.mulf %sub3A_358, %mul3A_360 : vector<400x1xf32>
    %add3A_362 = vector.broadcast %mul3A_361 : vector<400x1xf32> to vector<400x128xf32>
    %add3A_363 = arith.addf %mul3A_355, %add3A_362 : vector<400x128xf32>
    %swap3A_364 = arith.constant 0 : index
    %swap3A_365 = arith.constant 0 : index
    %swap3A_366 = arith.constant 4 : index
    %swap3A_367 = arith.constant 0 : index
    %swap3A_368 = vector.load %arg11[%swap3A_364, %swap3A_365, %swap3A_366, %swap3A_367] : memref<400x2x8x128xf32, #tpu.memory_space<vmem>>, vector<400x1x1x128xf32>
    %swap3A_369 = vector.shape_cast %swap3A_368 : vector<400x1x1x128xf32> to vector<400x128xf32>
    %swap3A_370 = vector.shape_cast %add3A_363 : vector<400x128xf32> to vector<400x1x1x128xf32>
    tpu.vector_store %arg11[%swap3A_364, %swap3A_365, %swap3A_366, %swap3A_367], %swap3A_370 {strides = array<i32>} : memref<400x2x8x128xf32, #tpu.memory_space<vmem>>, vector<400x1x1x128xf32>,
    %get3A_371 = arith.constant 0 : index
    %get3A_372 = arith.constant 5 : index
    %get3A_373 = arith.constant 0 : index
    %get3A_374 = vector.load %arg9[%get3A_371, %get3A_372, %get3A_373] : memref<128x16x128xf32, #tpu.memory_space<vmem>>, vector<128x1x128xf32>
    %get3A_375 = vector.shape_cast %get3A_374 : vector<128x1x128xf32> to vector<128x128xf32>
    %dot_general3A_376 = arith.constant dense<0.000000e+00> : vector<400x128xf32>
    %dot_general3A_377 = tpu.matmul %add3A_9, %get3A_375, %dot_general3A_376 {dimension_numbers = #tpu.dot_dimension_numbers<[1], [0], [0], [1], [0, 0, 1, 1], [], []>, transpose_lhs_hint = false} : vector<400x128xf32>, vector<128x128xf32>, vector<400x128xf32> -> vector<400x128xf32>
    %get3A_378 = arith.constant 5 : index
    %get3A_379 = arith.constant 0 : index
    %get3A_380 = vector.load %arg10[%get3A_378, %get3A_379] : memref<16x128xf32, #tpu.memory_space<vmem>>, vector<1x128xf32>
    %add3A_381 = vector.broadcast %get3A_380 : vector<1x128xf32> to vector<400x128xf32>
    %add3A_382 = arith.addf %dot_general3A_377, %add3A_381 : vector<400x128xf32>
    %add3A_383 = arith.addf %add3A_382, %get3A_32 : vector<400x128xf32>
    %slice3A_384 = vector.extract_strided_slice %add3A_19 {offsets = [0, 0], sizes = [400, 5], strides = [1, 1]} : vector<400x16xf32> to vector<400x5xf32>
    %slice3A_385 = vector.extract_strided_slice %add3A_19 {offsets = [0, 5], sizes = [400, 1], strides = [1, 1]} : vector<400x16xf32> to vector<400x1xf32>
    %sub3A_386 = vector.broadcast %slice3A_385 : vector<400x1xf32> to vector<400x5xf32>
    %sub3A_387 = arith.subf %slice3A_384, %sub3A_386 : vector<400x5xf32>
    %slice3A_388 = vector.extract_strided_slice %add3A_29 {offsets = [0, 0], sizes = [400, 5], strides = [1, 1]} : vector<400x16xf32> to vector<400x5xf32>
    %slice3A_389 = vector.extract_strided_slice %add3A_29 {offsets = [0, 5], sizes = [400, 1], strides = [1, 1]} : vector<400x16xf32> to vector<400x1xf32>
    %sub3A_390 = vector.broadcast %slice3A_389 : vector<400x1xf32> to vector<400x5xf32>
    %sub3A_391 = arith.subf %slice3A_388, %sub3A_390 : vector<400x5xf32>
    %mul3A_392 = arith.mulf %sub3A_387, %sub3A_387 : vector<400x5xf32>
    %mul3A_393 = arith.mulf %sub3A_391, %sub3A_391 : vector<400x5xf32>
    %add3A_394 = arith.addf %mul3A_392, %mul3A_393 : vector<400x5xf32>
    %sub3A_395 = arith.constant 4.000000e-04 : f32
    %sub3A_396 = vector.broadcast %sub3A_395 : f32 to vector<400x5xf32>
    %sub3A_397 = arith.subf %sub3A_396, %add3A_394 : vector<400x5xf32>
    %sign3A_398 = tpu.bitcast %sub3A_397 : vector<400x5xf32> -> vector<400x5xi32>
    %sign3A_399 = arith.constant -2147483648 : i32
    %sign3A_400 = vector.broadcast %sign3A_399 : i32 to vector<400x5xi32>
    %sign3A_401 = arith.andi %sign3A_398, %sign3A_400 : vector<400x5xi32>
    %sign3A_402 = arith.constant 1065353216 : i32
    %sign3A_403 = vector.broadcast %sign3A_402 : i32 to vector<400x5xi32>
    %sign3A_404 = arith.ori %sign3A_403, %sign3A_401 : vector<400x5xi32>
    %sign3A_405 = tpu.bitcast %sign3A_404 : vector<400x5xi32> -> vector<400x5xf32>
    %sign3A_406 = math.absf %sub3A_397 : vector<400x5xf32>
    %sign3A_407 = arith.constant 0.000000e+00 : f32
    %sign3A_408 = vector.broadcast %sign3A_407 : f32 to vector<400x5xf32>
    %sign3A_409 = arith.cmpf ogt, %sign3A_406, %sign3A_408 : vector<400x5xf32>
    %sign3A_410 = arith.select %sign3A_409, %sign3A_405, %sub3A_397 : vector<400x5xi1>, vector<400x5xf32>
    %max3A_411 = arith.constant 0.000000e+00 : f32
    %max3A_412 = vector.broadcast %max3A_411 : f32 to vector<400x5xf32>
    %max3A_413 = arith.maximumf %sign3A_410, %max3A_412 : vector<400x5xf32>
    %reduce_sum3A_414 = arith.constant dense<0.000000e+00> : vector<400xf32>
    %reduce_sum3A_415 = vector.multi_reduction <add>, %max3A_413, %reduce_sum3A_414 [1] : vector<400x5xf32> to vector<400xf32>
    %broadcast_in_dim3A_416 = vector.shape_cast %reduce_sum3A_415 : vector<400xf32> to vector<400x1xf32>
    %sub3A_417 = arith.constant 5.000000e-01 : f32
    %sub3A_418 = vector.broadcast %sub3A_417 : f32 to vector<400x1xf32>
    %sub3A_419 = arith.subf %sub3A_418, %broadcast_in_dim3A_416 : vector<400x1xf32>
    %sign3A_420 = tpu.bitcast %sub3A_419 : vector<400x1xf32> -> vector<400x1xi32>
    %sign3A_421 = arith.constant -2147483648 : i32
    %sign3A_422 = vector.broadcast %sign3A_421 : i32 to vector<400x1xi32>
    %sign3A_423 = arith.andi %sign3A_420, %sign3A_422 : vector<400x1xi32>
    %sign3A_424 = arith.constant 1065353216 : i32
    %sign3A_425 = vector.broadcast %sign3A_424 : i32 to vector<400x1xi32>
    %sign3A_426 = arith.ori %sign3A_425, %sign3A_423 : vector<400x1xi32>
    %sign3A_427 = tpu.bitcast %sign3A_426 : vector<400x1xi32> -> vector<400x1xf32>
    %sign3A_428 = math.absf %sub3A_419 : vector<400x1xf32>
    %sign3A_429 = arith.constant 0.000000e+00 : f32
    %sign3A_430 = vector.broadcast %sign3A_429 : f32 to vector<400x1xf32>
    %sign3A_431 = arith.cmpf ogt, %sign3A_428, %sign3A_430 : vector<400x1xf32>
    %sign3A_432 = arith.select %sign3A_431, %sign3A_427, %sub3A_419 : vector<400x1xi1>, vector<400x1xf32>
    %max3A_433 = arith.constant 0.000000e+00 : f32
    %max3A_434 = vector.broadcast %max3A_433 : f32 to vector<400x1xf32>
    %max3A_435 = arith.maximumf %sign3A_432, %max3A_434 : vector<400x1xf32>
    %mul3A_436 = vector.broadcast %max3A_435 : vector<400x1xf32> to vector<400x128xf32>
    %mul3A_437 = arith.mulf %add3A_383, %mul3A_436 : vector<400x128xf32>
    %sub3A_438 = arith.constant 1.000000e+00 : f32
    %sub3A_439 = vector.broadcast %sub3A_438 : f32 to vector<400x1xf32>
    %sub3A_440 = arith.subf %sub3A_439, %max3A_435 : vector<400x1xf32>
    %mul3A_441 = arith.constant -1.000000e+09 : f32
    %mul3A_442 = vector.broadcast %mul3A_441 : f32 to vector<400x1xf32>
    %mul3A_443 = arith.mulf %sub3A_440, %mul3A_442 : vector<400x1xf32>
    %add3A_444 = vector.broadcast %mul3A_443 : vector<400x1xf32> to vector<400x128xf32>
    %add3A_445 = arith.addf %mul3A_437, %add3A_444 : vector<400x128xf32>
    %swap3A_446 = arith.constant 0 : index
    %swap3A_447 = arith.constant 0 : index
    %swap3A_448 = arith.constant 5 : index
    %swap3A_449 = arith.constant 0 : index
    %swap3A_450 = vector.load %arg11[%swap3A_446, %swap3A_447, %swap3A_448, %swap3A_449] : memref<400x2x8x128xf32, #tpu.memory_space<vmem>>, vector<400x1x1x128xf32>
    %swap3A_451 = vector.shape_cast %swap3A_450 : vector<400x1x1x128xf32> to vector<400x128xf32>
    %swap3A_452 = vector.shape_cast %add3A_445 : vector<400x128xf32> to vector<400x1x1x128xf32>
    tpu.vector_store %arg11[%swap3A_446, %swap3A_447, %swap3A_448, %swap3A_449], %swap3A_452 {strides = array<i32>} : memref<400x2x8x128xf32, #tpu.memory_space<vmem>>, vector<400x1x1x128xf32>,
    %get3A_453 = arith.constant 0 : index
    %get3A_454 = arith.constant 6 : index
    %get3A_455 = arith.constant 0 : index
    %get3A_456 = vector.load %arg9[%get3A_453, %get3A_454, %get3A_455] : memref<128x16x128xf32, #tpu.memory_space<vmem>>, vector<128x1x128xf32>
    %get3A_457 = vector.shape_cast %get3A_456 : vector<128x1x128xf32> to vector<128x128xf32>
    %dot_general3A_458 = arith.constant dense<0.000000e+00> : vector<400x128xf32>
    %dot_general3A_459 = tpu.matmul %add3A_9, %get3A_457, %dot_general3A_458 {dimension_numbers = #tpu.dot_dimension_numbers<[1], [0], [0], [1], [0, 0, 1, 1], [], []>, transpose_lhs_hint = false} : vector<400x128xf32>, vector<128x128xf32>, vector<400x128xf32> -> vector<400x128xf32>
    %get3A_460 = arith.constant 6 : index
    %get3A_461 = arith.constant 0 : index
    %get3A_462 = vector.load %arg10[%get3A_460, %get3A_461] : memref<16x128xf32, #tpu.memory_space<vmem>>, vector<1x128xf32>
    %add3A_463 = vector.broadcast %get3A_462 : vector<1x128xf32> to vector<400x128xf32>
    %add3A_464 = arith.addf %dot_general3A_459, %add3A_463 : vector<400x128xf32>
    %add3A_465 = arith.addf %add3A_464, %get3A_32 : vector<400x128xf32>
    %slice3A_466 = vector.extract_strided_slice %add3A_19 {offsets = [0, 0], sizes = [400, 6], strides = [1, 1]} : vector<400x16xf32> to vector<400x6xf32>
    %slice3A_467 = vector.extract_strided_slice %add3A_19 {offsets = [0, 6], sizes = [400, 1], strides = [1, 1]} : vector<400x16xf32> to vector<400x1xf32>
    %sub3A_468 = vector.broadcast %slice3A_467 : vector<400x1xf32> to vector<400x6xf32>
    %sub3A_469 = arith.subf %slice3A_466, %sub3A_468 : vector<400x6xf32>
    %slice3A_470 = vector.extract_strided_slice %add3A_29 {offsets = [0, 0], sizes = [400, 6], strides = [1, 1]} : vector<400x16xf32> to vector<400x6xf32>
    %slice3A_471 = vector.extract_strided_slice %add3A_29 {offsets = [0, 6], sizes = [400, 1], strides = [1, 1]} : vector<400x16xf32> to vector<400x1xf32>
    %sub3A_472 = vector.broadcast %slice3A_471 : vector<400x1xf32> to vector<400x6xf32>
    %sub3A_473 = arith.subf %slice3A_470, %sub3A_472 : vector<400x6xf32>
    %mul3A_474 = arith.mulf %sub3A_469, %sub3A_469 : vector<400x6xf32>
    %mul3A_475 = arith.mulf %sub3A_473, %sub3A_473 : vector<400x6xf32>
    %add3A_476 = arith.addf %mul3A_474, %mul3A_475 : vector<400x6xf32>
    %sub3A_477 = arith.constant 4.000000e-04 : f32
    %sub3A_478 = vector.broadcast %sub3A_477 : f32 to vector<400x6xf32>
    %sub3A_479 = arith.subf %sub3A_478, %add3A_476 : vector<400x6xf32>
    %sign3A_480 = tpu.bitcast %sub3A_479 : vector<400x6xf32> -> vector<400x6xi32>
    %sign3A_481 = arith.constant -2147483648 : i32
    %sign3A_482 = vector.broadcast %sign3A_481 : i32 to vector<400x6xi32>
    %sign3A_483 = arith.andi %sign3A_480, %sign3A_482 : vector<400x6xi32>
    %sign3A_484 = arith.constant 1065353216 : i32
    %sign3A_485 = vector.broadcast %sign3A_484 : i32 to vector<400x6xi32>
    %sign3A_486 = arith.ori %sign3A_485, %sign3A_483 : vector<400x6xi32>
    %sign3A_487 = tpu.bitcast %sign3A_486 : vector<400x6xi32> -> vector<400x6xf32>
    %sign3A_488 = math.absf %sub3A_479 : vector<400x6xf32>
    %sign3A_489 = arith.constant 0.000000e+00 : f32
    %sign3A_490 = vector.broadcast %sign3A_489 : f32 to vector<400x6xf32>
    %sign3A_491 = arith.cmpf ogt, %sign3A_488, %sign3A_490 : vector<400x6xf32>
    %sign3A_492 = arith.select %sign3A_491, %sign3A_487, %sub3A_479 : vector<400x6xi1>, vector<400x6xf32>
    %max3A_493 = arith.constant 0.000000e+00 : f32
    %max3A_494 = vector.broadcast %max3A_493 : f32 to vector<400x6xf32>
    %max3A_495 = arith.maximumf %sign3A_492, %max3A_494 : vector<400x6xf32>
    %reduce_sum3A_496 = arith.constant dense<0.000000e+00> : vector<400xf32>
    %reduce_sum3A_497 = vector.multi_reduction <add>, %max3A_495, %reduce_sum3A_496 [1] : vector<400x6xf32> to vector<400xf32>
    %broadcast_in_dim3A_498 = vector.shape_cast %reduce_sum3A_497 : vector<400xf32> to vector<400x1xf32>
    %sub3A_499 = arith.constant 5.000000e-01 : f32
    %sub3A_500 = vector.broadcast %sub3A_499 : f32 to vector<400x1xf32>
    %sub3A_501 = arith.subf %sub3A_500, %broadcast_in_dim3A_498 : vector<400x1xf32>
    %sign3A_502 = tpu.bitcast %sub3A_501 : vector<400x1xf32> -> vector<400x1xi32>
    %sign3A_503 = arith.constant -2147483648 : i32
    %sign3A_504 = vector.broadcast %sign3A_503 : i32 to vector<400x1xi32>
    %sign3A_505 = arith.andi %sign3A_502, %sign3A_504 : vector<400x1xi32>
    %sign3A_506 = arith.constant 1065353216 : i32
    %sign3A_507 = vector.broadcast %sign3A_506 : i32 to vector<400x1xi32>
    %sign3A_508 = arith.ori %sign3A_507, %sign3A_505 : vector<400x1xi32>
    %sign3A_509 = tpu.bitcast %sign3A_508 : vector<400x1xi32> -> vector<400x1xf32>
    %sign3A_510 = math.absf %sub3A_501 : vector<400x1xf32>
    %sign3A_511 = arith.constant 0.000000e+00 : f32
    %sign3A_512 = vector.broadcast %sign3A_511 : f32 to vector<400x1xf32>
    %sign3A_513 = arith.cmpf ogt, %sign3A_510, %sign3A_512 : vector<400x1xf32>
    %sign3A_514 = arith.select %sign3A_513, %sign3A_509, %sub3A_501 : vector<400x1xi1>, vector<400x1xf32>
    %max3A_515 = arith.constant 0.000000e+00 : f32
    %max3A_516 = vector.broadcast %max3A_515 : f32 to vector<400x1xf32>
    %max3A_517 = arith.maximumf %sign3A_514, %max3A_516 : vector<400x1xf32>
    %mul3A_518 = vector.broadcast %max3A_517 : vector<400x1xf32> to vector<400x128xf32>
    %mul3A_519 = arith.mulf %add3A_465, %mul3A_518 : vector<400x128xf32>
    %sub3A_520 = arith.constant 1.000000e+00 : f32
    %sub3A_521 = vector.broadcast %sub3A_520 : f32 to vector<400x1xf32>
    %sub3A_522 = arith.subf %sub3A_521, %max3A_517 : vector<400x1xf32>
    %mul3A_523 = arith.constant -1.000000e+09 : f32
    %mul3A_524 = vector.broadcast %mul3A_523 : f32 to vector<400x1xf32>
    %mul3A_525 = arith.mulf %sub3A_522, %mul3A_524 : vector<400x1xf32>
    %add3A_526 = vector.broadcast %mul3A_525 : vector<400x1xf32> to vector<400x128xf32>
    %add3A_527 = arith.addf %mul3A_519, %add3A_526 : vector<400x128xf32>
    %swap3A_528 = arith.constant 0 : index
    %swap3A_529 = arith.constant 0 : index
    %swap3A_530 = arith.constant 6 : index
    %swap3A_531 = arith.constant 0 : index
    %swap3A_532 = vector.load %arg11[%swap3A_528, %swap3A_529, %swap3A_530, %swap3A_531] : memref<400x2x8x128xf32, #tpu.memory_space<vmem>>, vector<400x1x1x128xf32>
    %swap3A_533 = vector.shape_cast %swap3A_532 : vector<400x1x1x128xf32> to vector<400x128xf32>
    %swap3A_534 = vector.shape_cast %add3A_527 : vector<400x128xf32> to vector<400x1x1x128xf32>
    tpu.vector_store %arg11[%swap3A_528, %swap3A_529, %swap3A_530, %swap3A_531], %swap3A_534 {strides = array<i32>} : memref<400x2x8x128xf32, #tpu.memory_space<vmem>>, vector<400x1x1x128xf32>,
    %get3A_535 = arith.constant 0 : index
    %get3A_536 = arith.constant 7 : index
    %get3A_537 = arith.constant 0 : index
    %get3A_538 = vector.load %arg9[%get3A_535, %get3A_536, %get3A_537] : memref<128x16x128xf32, #tpu.memory_space<vmem>>, vector<128x1x128xf32>
    %get3A_539 = vector.shape_cast %get3A_538 : vector<128x1x128xf32> to vector<128x128xf32>
    %dot_general3A_540 = arith.constant dense<0.000000e+00> : vector<400x128xf32>
    %dot_general3A_541 = tpu.matmul %add3A_9, %get3A_539, %dot_general3A_540 {dimension_numbers = #tpu.dot_dimension_numbers<[1], [0], [0], [1], [0, 0, 1, 1], [], []>, transpose_lhs_hint = false} : vector<400x128xf32>, vector<128x128xf32>, vector<400x128xf32> -> vector<400x128xf32>
    %get3A_542 = arith.constant 7 : index
    %get3A_543 = arith.constant 0 : index
    %get3A_544 = vector.load %arg10[%get3A_542, %get3A_543] : memref<16x128xf32, #tpu.memory_space<vmem>>, vector<1x128xf32>
    %add3A_545 = vector.broadcast %get3A_544 : vector<1x128xf32> to vector<400x128xf32>
    %add3A_546 = arith.addf %dot_general3A_541, %add3A_545 : vector<400x128xf32>
    %add3A_547 = arith.addf %add3A_546, %get3A_32 : vector<400x128xf32>
    %slice3A_548 = vector.extract_strided_slice %add3A_19 {offsets = [0, 0], sizes = [400, 7], strides = [1, 1]} : vector<400x16xf32> to vector<400x7xf32>
    %slice3A_549 = vector.extract_strided_slice %add3A_19 {offsets = [0, 7], sizes = [400, 1], strides = [1, 1]} : vector<400x16xf32> to vector<400x1xf32>
    %sub3A_550 = vector.broadcast %slice3A_549 : vector<400x1xf32> to vector<400x7xf32>
    %sub3A_551 = arith.subf %slice3A_548, %sub3A_550 : vector<400x7xf32>
    %slice3A_552 = vector.extract_strided_slice %add3A_29 {offsets = [0, 0], sizes = [400, 7], strides = [1, 1]} : vector<400x16xf32> to vector<400x7xf32>
    %slice3A_553 = vector.extract_strided_slice %add3A_29 {offsets = [0, 7], sizes = [400, 1], strides = [1, 1]} : vector<400x16xf32> to vector<400x1xf32>
    %sub3A_554 = vector.broadcast %slice3A_553 : vector<400x1xf32> to vector<400x7xf32>
    %sub3A_555 = arith.subf %slice3A_552, %sub3A_554 : vector<400x7xf32>
    %mul3A_556 = arith.mulf %sub3A_551, %sub3A_551 : vector<400x7xf32>
    %mul3A_557 = arith.mulf %sub3A_555, %sub3A_555 : vector<400x7xf32>
    %add3A_558 = arith.addf %mul3A_556, %mul3A_557 : vector<400x7xf32>
    %sub3A_559 = arith.constant 4.000000e-04 : f32
    %sub3A_560 = vector.broadcast %sub3A_559 : f32 to vector<400x7xf32>
    %sub3A_561 = arith.subf %sub3A_560, %add3A_558 : vector<400x7xf32>
    %sign3A_562 = tpu.bitcast %sub3A_561 : vector<400x7xf32> -> vector<400x7xi32>
    %sign3A_563 = arith.constant -2147483648 : i32
    %sign3A_564 = vector.broadcast %sign3A_563 : i32 to vector<400x7xi32>
    %sign3A_565 = arith.andi %sign3A_562, %sign3A_564 : vector<400x7xi32>
    %sign3A_566 = arith.constant 1065353216 : i32
    %sign3A_567 = vector.broadcast %sign3A_566 : i32 to vector<400x7xi32>
    %sign3A_568 = arith.ori %sign3A_567, %sign3A_565 : vector<400x7xi32>
    %sign3A_569 = tpu.bitcast %sign3A_568 : vector<400x7xi32> -> vector<400x7xf32>
    %sign3A_570 = math.absf %sub3A_561 : vector<400x7xf32>
    %sign3A_571 = arith.constant 0.000000e+00 : f32
    %sign3A_572 = vector.broadcast %sign3A_571 : f32 to vector<400x7xf32>
    %sign3A_573 = arith.cmpf ogt, %sign3A_570, %sign3A_572 : vector<400x7xf32>
    %sign3A_574 = arith.select %sign3A_573, %sign3A_569, %sub3A_561 : vector<400x7xi1>, vector<400x7xf32>
    %max3A_575 = arith.constant 0.000000e+00 : f32
    %max3A_576 = vector.broadcast %max3A_575 : f32 to vector<400x7xf32>
    %max3A_577 = arith.maximumf %sign3A_574, %max3A_576 : vector<400x7xf32>
    %reduce_sum3A_578 = arith.constant dense<0.000000e+00> : vector<400xf32>
    %reduce_sum3A_579 = vector.multi_reduction <add>, %max3A_577, %reduce_sum3A_578 [1] : vector<400x7xf32> to vector<400xf32>
    %broadcast_in_dim3A_580 = vector.shape_cast %reduce_sum3A_579 : vector<400xf32> to vector<400x1xf32>
    %sub3A_581 = arith.constant 5.000000e-01 : f32
    %sub3A_582 = vector.broadcast %sub3A_581 : f32 to vector<400x1xf32>
    %sub3A_583 = arith.subf %sub3A_582, %broadcast_in_dim3A_580 : vector<400x1xf32>
    %sign3A_584 = tpu.bitcast %sub3A_583 : vector<400x1xf32> -> vector<400x1xi32>
    %sign3A_585 = arith.constant -2147483648 : i32
    %sign3A_586 = vector.broadcast %sign3A_585 : i32 to vector<400x1xi32>
    %sign3A_587 = arith.andi %sign3A_584, %sign3A_586 : vector<400x1xi32>
    %sign3A_588 = arith.constant 1065353216 : i32
    %sign3A_589 = vector.broadcast %sign3A_588 : i32 to vector<400x1xi32>
    %sign3A_590 = arith.ori %sign3A_589, %sign3A_587 : vector<400x1xi32>
    %sign3A_591 = tpu.bitcast %sign3A_590 : vector<400x1xi32> -> vector<400x1xf32>
    %sign3A_592 = math.absf %sub3A_583 : vector<400x1xf32>
    %sign3A_593 = arith.constant 0.000000e+00 : f32
    %sign3A_594 = vector.broadcast %sign3A_593 : f32 to vector<400x1xf32>
    %sign3A_595 = arith.cmpf ogt, %sign3A_592, %sign3A_594 : vector<400x1xf32>
    %sign3A_596 = arith.select %sign3A_595, %sign3A_591, %sub3A_583 : vector<400x1xi1>, vector<400x1xf32>
    %max3A_597 = arith.constant 0.000000e+00 : f32
    %max3A_598 = vector.broadcast %max3A_597 : f32 to vector<400x1xf32>
    %max3A_599 = arith.maximumf %sign3A_596, %max3A_598 : vector<400x1xf32>
    %mul3A_600 = vector.broadcast %max3A_599 : vector<400x1xf32> to vector<400x128xf32>
    %mul3A_601 = arith.mulf %add3A_547, %mul3A_600 : vector<400x128xf32>
    %sub3A_602 = arith.constant 1.000000e+00 : f32
    %sub3A_603 = vector.broadcast %sub3A_602 : f32 to vector<400x1xf32>
    %sub3A_604 = arith.subf %sub3A_603, %max3A_599 : vector<400x1xf32>
    %mul3A_605 = arith.constant -1.000000e+09 : f32
    %mul3A_606 = vector.broadcast %mul3A_605 : f32 to vector<400x1xf32>
    %mul3A_607 = arith.mulf %sub3A_604, %mul3A_606 : vector<400x1xf32>
    %add3A_608 = vector.broadcast %mul3A_607 : vector<400x1xf32> to vector<400x128xf32>
    %add3A_609 = arith.addf %mul3A_601, %add3A_608 : vector<400x128xf32>
    %swap3A_610 = arith.constant 0 : index
    %swap3A_611 = arith.constant 0 : index
    %swap3A_612 = arith.constant 7 : index
    %swap3A_613 = arith.constant 0 : index
    %swap3A_614 = vector.load %arg11[%swap3A_610, %swap3A_611, %swap3A_612, %swap3A_613] : memref<400x2x8x128xf32, #tpu.memory_space<vmem>>, vector<400x1x1x128xf32>
    %swap3A_615 = vector.shape_cast %swap3A_614 : vector<400x1x1x128xf32> to vector<400x128xf32>
    %swap3A_616 = vector.shape_cast %add3A_609 : vector<400x128xf32> to vector<400x1x1x128xf32>
    tpu.vector_store %arg11[%swap3A_610, %swap3A_611, %swap3A_612, %swap3A_613], %swap3A_616 {strides = array<i32>} : memref<400x2x8x128xf32, #tpu.memory_space<vmem>>, vector<400x1x1x128xf32>,
    %get3A_617 = arith.constant 0 : index
    %get3A_618 = arith.constant 8 : index
    %get3A_619 = arith.constant 0 : index
    %get3A_620 = vector.load %arg9[%get3A_617, %get3A_618, %get3A_619] : memref<128x16x128xf32, #tpu.memory_space<vmem>>, vector<128x1x128xf32>
    %get3A_621 = vector.shape_cast %get3A_620 : vector<128x1x128xf32> to vector<128x128xf32>
    %dot_general3A_622 = arith.constant dense<0.000000e+00> : vector<400x128xf32>
    %dot_general3A_623 = tpu.matmul %add3A_9, %get3A_621, %dot_general3A_622 {dimension_numbers = #tpu.dot_dimension_numbers<[1], [0], [0], [1], [0, 0, 1, 1], [], []>, transpose_lhs_hint = false} : vector<400x128xf32>, vector<128x128xf32>, vector<400x128xf32> -> vector<400x128xf32>
    %get3A_624 = arith.constant 8 : index
    %get3A_625 = arith.constant 0 : index
    %get3A_626 = vector.load %arg10[%get3A_624, %get3A_625] : memref<16x128xf32, #tpu.memory_space<vmem>>, vector<1x128xf32>
    %add3A_627 = vector.broadcast %get3A_626 : vector<1x128xf32> to vector<400x128xf32>
    %add3A_628 = arith.addf %dot_general3A_623, %add3A_627 : vector<400x128xf32>
    %add3A_629 = arith.addf %add3A_628, %get3A_32 : vector<400x128xf32>
    %slice3A_630 = vector.extract_strided_slice %add3A_19 {offsets = [0, 0], sizes = [400, 8], strides = [1, 1]} : vector<400x16xf32> to vector<400x8xf32>
    %slice3A_631 = vector.extract_strided_slice %add3A_19 {offsets = [0, 8], sizes = [400, 1], strides = [1, 1]} : vector<400x16xf32> to vector<400x1xf32>
    %sub3A_632 = vector.broadcast %slice3A_631 : vector<400x1xf32> to vector<400x8xf32>
    %sub3A_633 = arith.subf %slice3A_630, %sub3A_632 : vector<400x8xf32>
    %slice3A_634 = vector.extract_strided_slice %add3A_29 {offsets = [0, 0], sizes = [400, 8], strides = [1, 1]} : vector<400x16xf32> to vector<400x8xf32>
    %slice3A_635 = vector.extract_strided_slice %add3A_29 {offsets = [0, 8], sizes = [400, 1], strides = [1, 1]} : vector<400x16xf32> to vector<400x1xf32>
    %sub3A_636 = vector.broadcast %slice3A_635 : vector<400x1xf32> to vector<400x8xf32>
    %sub3A_637 = arith.subf %slice3A_634, %sub3A_636 : vector<400x8xf32>
    %mul3A_638 = arith.mulf %sub3A_633, %sub3A_633 : vector<400x8xf32>
    %mul3A_639 = arith.mulf %sub3A_637, %sub3A_637 : vector<400x8xf32>
    %add3A_640 = arith.addf %mul3A_638, %mul3A_639 : vector<400x8xf32>
    %sub3A_641 = arith.constant 4.000000e-04 : f32
    %sub3A_642 = vector.broadcast %sub3A_641 : f32 to vector<400x8xf32>
    %sub3A_643 = arith.subf %sub3A_642, %add3A_640 : vector<400x8xf32>
    %sign3A_644 = tpu.bitcast %sub3A_643 : vector<400x8xf32> -> vector<400x8xi32>
    %sign3A_645 = arith.constant -2147483648 : i32
    %sign3A_646 = vector.broadcast %sign3A_645 : i32 to vector<400x8xi32>
    %sign3A_647 = arith.andi %sign3A_644, %sign3A_646 : vector<400x8xi32>
    %sign3A_648 = arith.constant 1065353216 : i32
    %sign3A_649 = vector.broadcast %sign3A_648 : i32 to vector<400x8xi32>
    %sign3A_650 = arith.ori %sign3A_649, %sign3A_647 : vector<400x8xi32>
    %sign3A_651 = tpu.bitcast %sign3A_650 : vector<400x8xi32> -> vector<400x8xf32>
    %sign3A_652 = math.absf %sub3A_643 : vector<400x8xf32>
    %sign3A_653 = arith.constant 0.000000e+00 : f32
    %sign3A_654 = vector.broadcast %sign3A_653 : f32 to vector<400x8xf32>
    %sign3A_655 = arith.cmpf ogt, %sign3A_652, %sign3A_654 : vector<400x8xf32>
    %sign3A_656 = arith.select %sign3A_655, %sign3A_651, %sub3A_643 : vector<400x8xi1>, vector<400x8xf32>
    %max3A_657 = arith.constant 0.000000e+00 : f32
    %max3A_658 = vector.broadcast %max3A_657 : f32 to vector<400x8xf32>
    %max3A_659 = arith.maximumf %sign3A_656, %max3A_658 : vector<400x8xf32>
    %reduce_sum3A_660 = arith.constant dense<0.000000e+00> : vector<400xf32>
    %reduce_sum3A_661 = vector.multi_reduction <add>, %max3A_659, %reduce_sum3A_660 [1] : vector<400x8xf32> to vector<400xf32>
    %broadcast_in_dim3A_662 = vector.shape_cast %reduce_sum3A_661 : vector<400xf32> to vector<400x1xf32>
    %sub3A_663 = arith.constant 5.000000e-01 : f32
    %sub3A_664 = vector.broadcast %sub3A_663 : f32 to vector<400x1xf32>
    %sub3A_665 = arith.subf %sub3A_664, %broadcast_in_dim3A_662 : vector<400x1xf32>
    %sign3A_666 = tpu.bitcast %sub3A_665 : vector<400x1xf32> -> vector<400x1xi32>
    %sign3A_667 = arith.constant -2147483648 : i32
    %sign3A_668 = vector.broadcast %sign3A_667 : i32 to vector<400x1xi32>
    %sign3A_669 = arith.andi %sign3A_666, %sign3A_668 : vector<400x1xi32>
    %sign3A_670 = arith.constant 1065353216 : i32
    %sign3A_671 = vector.broadcast %sign3A_670 : i32 to vector<400x1xi32>
    %sign3A_672 = arith.ori %sign3A_671, %sign3A_669 : vector<400x1xi32>
    %sign3A_673 = tpu.bitcast %sign3A_672 : vector<400x1xi32> -> vector<400x1xf32>
    %sign3A_674 = math.absf %sub3A_665 : vector<400x1xf32>
    %sign3A_675 = arith.constant 0.000000e+00 : f32
    %sign3A_676 = vector.broadcast %sign3A_675 : f32 to vector<400x1xf32>
    %sign3A_677 = arith.cmpf ogt, %sign3A_674, %sign3A_676 : vector<400x1xf32>
    %sign3A_678 = arith.select %sign3A_677, %sign3A_673, %sub3A_665 : vector<400x1xi1>, vector<400x1xf32>
    %max3A_679 = arith.constant 0.000000e+00 : f32
    %max3A_680 = vector.broadcast %max3A_679 : f32 to vector<400x1xf32>
    %max3A_681 = arith.maximumf %sign3A_678, %max3A_680 : vector<400x1xf32>
    %mul3A_682 = vector.broadcast %max3A_681 : vector<400x1xf32> to vector<400x128xf32>
    %mul3A_683 = arith.mulf %add3A_629, %mul3A_682 : vector<400x128xf32>
    %sub3A_684 = arith.constant 1.000000e+00 : f32
    %sub3A_685 = vector.broadcast %sub3A_684 : f32 to vector<400x1xf32>
    %sub3A_686 = arith.subf %sub3A_685, %max3A_681 : vector<400x1xf32>
    %mul3A_687 = arith.constant -1.000000e+09 : f32
    %mul3A_688 = vector.broadcast %mul3A_687 : f32 to vector<400x1xf32>
    %mul3A_689 = arith.mulf %sub3A_686, %mul3A_688 : vector<400x1xf32>
    %add3A_690 = vector.broadcast %mul3A_689 : vector<400x1xf32> to vector<400x128xf32>
    %add3A_691 = arith.addf %mul3A_683, %add3A_690 : vector<400x128xf32>
    %swap3A_692 = arith.constant 0 : index
    %swap3A_693 = arith.constant 1 : index
    %swap3A_694 = arith.constant 0 : index
    %swap3A_695 = arith.constant 0 : index
    %swap3A_696 = vector.load %arg11[%swap3A_692, %swap3A_693, %swap3A_694, %swap3A_695] : memref<400x2x8x128xf32, #tpu.memory_space<vmem>>, vector<400x1x1x128xf32>
    %swap3A_697 = vector.shape_cast %swap3A_696 : vector<400x1x1x128xf32> to vector<400x128xf32>
    %swap3A_698 = vector.shape_cast %add3A_691 : vector<400x128xf32> to vector<400x1x1x128xf32>
    tpu.vector_store %arg11[%swap3A_692, %swap3A_693, %swap3A_694, %swap3A_695], %swap3A_698 {strides = array<i32>} : memref<400x2x8x128xf32, #tpu.memory_space<vmem>>, vector<400x1x1x128xf32>,
    %get3A_699 = arith.constant 0 : index
    %get3A_700 = arith.constant 9 : index
    %get3A_701 = arith.constant 0 : index
    %get3A_702 = vector.load %arg9[%get3A_699, %get3A_700, %get3A_701] : memref<128x16x128xf32, #tpu.memory_space<vmem>>, vector<128x1x128xf32>
    %get3A_703 = vector.shape_cast %get3A_702 : vector<128x1x128xf32> to vector<128x128xf32>
    %dot_general3A_704 = arith.constant dense<0.000000e+00> : vector<400x128xf32>
    %dot_general3A_705 = tpu.matmul %add3A_9, %get3A_703, %dot_general3A_704 {dimension_numbers = #tpu.dot_dimension_numbers<[1], [0], [0], [1], [0, 0, 1, 1], [], []>, transpose_lhs_hint = false} : vector<400x128xf32>, vector<128x128xf32>, vector<400x128xf32> -> vector<400x128xf32>
    %get3A_706 = arith.constant 9 : index
    %get3A_707 = arith.constant 0 : index
    %get3A_708 = vector.load %arg10[%get3A_706, %get3A_707] : memref<16x128xf32, #tpu.memory_space<vmem>>, vector<1x128xf32>
    %add3A_709 = vector.broadcast %get3A_708 : vector<1x128xf32> to vector<400x128xf32>
    %add3A_710 = arith.addf %dot_general3A_705, %add3A_709 : vector<400x128xf32>
    %add3A_711 = arith.addf %add3A_710, %get3A_32 : vector<400x128xf32>
    %slice3A_712 = vector.extract_strided_slice %add3A_19 {offsets = [0, 0], sizes = [400, 9], strides = [1, 1]} : vector<400x16xf32> to vector<400x9xf32>
    %slice3A_713 = vector.extract_strided_slice %add3A_19 {offsets = [0, 9], sizes = [400, 1], strides = [1, 1]} : vector<400x16xf32> to vector<400x1xf32>
    %sub3A_714 = vector.broadcast %slice3A_713 : vector<400x1xf32> to vector<400x9xf32>
    %sub3A_715 = arith.subf %slice3A_712, %sub3A_714 : vector<400x9xf32>
    %slice3A_716 = vector.extract_strided_slice %add3A_29 {offsets = [0, 0], sizes = [400, 9], strides = [1, 1]} : vector<400x16xf32> to vector<400x9xf32>
    %slice3A_717 = vector.extract_strided_slice %add3A_29 {offsets = [0, 9], sizes = [400, 1], strides = [1, 1]} : vector<400x16xf32> to vector<400x1xf32>
    %sub3A_718 = vector.broadcast %slice3A_717 : vector<400x1xf32> to vector<400x9xf32>
    %sub3A_719 = arith.subf %slice3A_716, %sub3A_718 : vector<400x9xf32>
    %mul3A_720 = arith.mulf %sub3A_715, %sub3A_715 : vector<400x9xf32>
    %mul3A_721 = arith.mulf %sub3A_719, %sub3A_719 : vector<400x9xf32>
    %add3A_722 = arith.addf %mul3A_720, %mul3A_721 : vector<400x9xf32>
    %sub3A_723 = arith.constant 4.000000e-04 : f32
    %sub3A_724 = vector.broadcast %sub3A_723 : f32 to vector<400x9xf32>
    %sub3A_725 = arith.subf %sub3A_724, %add3A_722 : vector<400x9xf32>
    %sign3A_726 = tpu.bitcast %sub3A_725 : vector<400x9xf32> -> vector<400x9xi32>
    %sign3A_727 = arith.constant -2147483648 : i32
    %sign3A_728 = vector.broadcast %sign3A_727 : i32 to vector<400x9xi32>
    %sign3A_729 = arith.andi %sign3A_726, %sign3A_728 : vector<400x9xi32>
    %sign3A_730 = arith.constant 1065353216 : i32
    %sign3A_731 = vector.broadcast %sign3A_730 : i32 to vector<400x9xi32>
    %sign3A_732 = arith.ori %sign3A_731, %sign3A_729 : vector<400x9xi32>
    %sign3A_733 = tpu.bitcast %sign3A_732 : vector<400x9xi32> -> vector<400x9xf32>
    %sign3A_734 = math.absf %sub3A_725 : vector<400x9xf32>
    %sign3A_735 = arith.constant 0.000000e+00 : f32
    %sign3A_736 = vector.broadcast %sign3A_735 : f32 to vector<400x9xf32>
    %sign3A_737 = arith.cmpf ogt, %sign3A_734, %sign3A_736 : vector<400x9xf32>
    %sign3A_738 = arith.select %sign3A_737, %sign3A_733, %sub3A_725 : vector<400x9xi1>, vector<400x9xf32>
    %max3A_739 = arith.constant 0.000000e+00 : f32
    %max3A_740 = vector.broadcast %max3A_739 : f32 to vector<400x9xf32>
    %max3A_741 = arith.maximumf %sign3A_738, %max3A_740 : vector<400x9xf32>
    %reduce_sum3A_742 = arith.constant dense<0.000000e+00> : vector<400xf32>
    %reduce_sum3A_743 = vector.multi_reduction <add>, %max3A_741, %reduce_sum3A_742 [1] : vector<400x9xf32> to vector<400xf32>
    %broadcast_in_dim3A_744 = vector.shape_cast %reduce_sum3A_743 : vector<400xf32> to vector<400x1xf32>
    %sub3A_745 = arith.constant 5.000000e-01 : f32
    %sub3A_746 = vector.broadcast %sub3A_745 : f32 to vector<400x1xf32>
    %sub3A_747 = arith.subf %sub3A_746, %broadcast_in_dim3A_744 : vector<400x1xf32>
    %sign3A_748 = tpu.bitcast %sub3A_747 : vector<400x1xf32> -> vector<400x1xi32>
    %sign3A_749 = arith.constant -2147483648 : i32
    %sign3A_750 = vector.broadcast %sign3A_749 : i32 to vector<400x1xi32>
    %sign3A_751 = arith.andi %sign3A_748, %sign3A_750 : vector<400x1xi32>
    %sign3A_752 = arith.constant 1065353216 : i32
    %sign3A_753 = vector.broadcast %sign3A_752 : i32 to vector<400x1xi32>
    %sign3A_754 = arith.ori %sign3A_753, %sign3A_751 : vector<400x1xi32>
    %sign3A_755 = tpu.bitcast %sign3A_754 : vector<400x1xi32> -> vector<400x1xf32>
    %sign3A_756 = math.absf %sub3A_747 : vector<400x1xf32>
    %sign3A_757 = arith.constant 0.000000e+00 : f32
    %sign3A_758 = vector.broadcast %sign3A_757 : f32 to vector<400x1xf32>
    %sign3A_759 = arith.cmpf ogt, %sign3A_756, %sign3A_758 : vector<400x1xf32>
    %sign3A_760 = arith.select %sign3A_759, %sign3A_755, %sub3A_747 : vector<400x1xi1>, vector<400x1xf32>
    %max3A_761 = arith.constant 0.000000e+00 : f32
    %max3A_762 = vector.broadcast %max3A_761 : f32 to vector<400x1xf32>
    %max3A_763 = arith.maximumf %sign3A_760, %max3A_762 : vector<400x1xf32>
    %mul3A_764 = vector.broadcast %max3A_763 : vector<400x1xf32> to vector<400x128xf32>
    %mul3A_765 = arith.mulf %add3A_711, %mul3A_764 : vector<400x128xf32>
    %sub3A_766 = arith.constant 1.000000e+00 : f32
    %sub3A_767 = vector.broadcast %sub3A_766 : f32 to vector<400x1xf32>
    %sub3A_768 = arith.subf %sub3A_767, %max3A_763 : vector<400x1xf32>
    %mul3A_769 = arith.constant -1.000000e+09 : f32
    %mul3A_770 = vector.broadcast %mul3A_769 : f32 to vector<400x1xf32>
    %mul3A_771 = arith.mulf %sub3A_768, %mul3A_770 : vector<400x1xf32>
    %add3A_772 = vector.broadcast %mul3A_771 : vector<400x1xf32> to vector<400x128xf32>
    %add3A_773 = arith.addf %mul3A_765, %add3A_772 : vector<400x128xf32>
    %swap3A_774 = arith.constant 0 : index
    %swap3A_775 = arith.constant 1 : index
    %swap3A_776 = arith.constant 1 : index
    %swap3A_777 = arith.constant 0 : index
    %swap3A_778 = vector.load %arg11[%swap3A_774, %swap3A_775, %swap3A_776, %swap3A_777] : memref<400x2x8x128xf32, #tpu.memory_space<vmem>>, vector<400x1x1x128xf32>
    %swap3A_779 = vector.shape_cast %swap3A_778 : vector<400x1x1x128xf32> to vector<400x128xf32>
    %swap3A_780 = vector.shape_cast %add3A_773 : vector<400x128xf32> to vector<400x1x1x128xf32>
    tpu.vector_store %arg11[%swap3A_774, %swap3A_775, %swap3A_776, %swap3A_777], %swap3A_780 {strides = array<i32>} : memref<400x2x8x128xf32, #tpu.memory_space<vmem>>, vector<400x1x1x128xf32>,
    %get3A_781 = arith.constant 0 : index
    %get3A_782 = arith.constant 10 : index
    %get3A_783 = arith.constant 0 : index
    %get3A_784 = vector.load %arg9[%get3A_781, %get3A_782, %get3A_783] : memref<128x16x128xf32, #tpu.memory_space<vmem>>, vector<128x1x128xf32>
    %get3A_785 = vector.shape_cast %get3A_784 : vector<128x1x128xf32> to vector<128x128xf32>
    %dot_general3A_786 = arith.constant dense<0.000000e+00> : vector<400x128xf32>
    %dot_general3A_787 = tpu.matmul %add3A_9, %get3A_785, %dot_general3A_786 {dimension_numbers = #tpu.dot_dimension_numbers<[1], [0], [0], [1], [0, 0, 1, 1], [], []>, transpose_lhs_hint = false} : vector<400x128xf32>, vector<128x128xf32>, vector<400x128xf32> -> vector<400x128xf32>
    %get3A_788 = arith.constant 10 : index
    %get3A_789 = arith.constant 0 : index
    %get3A_790 = vector.load %arg10[%get3A_788, %get3A_789] : memref<16x128xf32, #tpu.memory_space<vmem>>, vector<1x128xf32>
    %add3A_791 = vector.broadcast %get3A_790 : vector<1x128xf32> to vector<400x128xf32>
    %add3A_792 = arith.addf %dot_general3A_787, %add3A_791 : vector<400x128xf32>
    %add3A_793 = arith.addf %add3A_792, %get3A_32 : vector<400x128xf32>
    %slice3A_794 = vector.extract_strided_slice %add3A_19 {offsets = [0, 0], sizes = [400, 10], strides = [1, 1]} : vector<400x16xf32> to vector<400x10xf32>
    %slice3A_795 = vector.extract_strided_slice %add3A_19 {offsets = [0, 10], sizes = [400, 1], strides = [1, 1]} : vector<400x16xf32> to vector<400x1xf32>
    %sub3A_796 = vector.broadcast %slice3A_795 : vector<400x1xf32> to vector<400x10xf32>
    %sub3A_797 = arith.subf %slice3A_794, %sub3A_796 : vector<400x10xf32>
    %slice3A_798 = vector.extract_strided_slice %add3A_29 {offsets = [0, 0], sizes = [400, 10], strides = [1, 1]} : vector<400x16xf32> to vector<400x10xf32>
    %slice3A_799 = vector.extract_strided_slice %add3A_29 {offsets = [0, 10], sizes = [400, 1], strides = [1, 1]} : vector<400x16xf32> to vector<400x1xf32>
    %sub3A_800 = vector.broadcast %slice3A_799 : vector<400x1xf32> to vector<400x10xf32>
    %sub3A_801 = arith.subf %slice3A_798, %sub3A_800 : vector<400x10xf32>
    %mul3A_802 = arith.mulf %sub3A_797, %sub3A_797 : vector<400x10xf32>
    %mul3A_803 = arith.mulf %sub3A_801, %sub3A_801 : vector<400x10xf32>
    %add3A_804 = arith.addf %mul3A_802, %mul3A_803 : vector<400x10xf32>
    %sub3A_805 = arith.constant 4.000000e-04 : f32
    %sub3A_806 = vector.broadcast %sub3A_805 : f32 to vector<400x10xf32>
    %sub3A_807 = arith.subf %sub3A_806, %add3A_804 : vector<400x10xf32>
    %sign3A_808 = tpu.bitcast %sub3A_807 : vector<400x10xf32> -> vector<400x10xi32>
    %sign3A_809 = arith.constant -2147483648 : i32
    %sign3A_810 = vector.broadcast %sign3A_809 : i32 to vector<400x10xi32>
    %sign3A_811 = arith.andi %sign3A_808, %sign3A_810 : vector<400x10xi32>
    %sign3A_812 = arith.constant 1065353216 : i32
    %sign3A_813 = vector.broadcast %sign3A_812 : i32 to vector<400x10xi32>
    %sign3A_814 = arith.ori %sign3A_813, %sign3A_811 : vector<400x10xi32>
    %sign3A_815 = tpu.bitcast %sign3A_814 : vector<400x10xi32> -> vector<400x10xf32>
    %sign3A_816 = math.absf %sub3A_807 : vector<400x10xf32>
    %sign3A_817 = arith.constant 0.000000e+00 : f32
    %sign3A_818 = vector.broadcast %sign3A_817 : f32 to vector<400x10xf32>
    %sign3A_819 = arith.cmpf ogt, %sign3A_816, %sign3A_818 : vector<400x10xf32>
    %sign3A_820 = arith.select %sign3A_819, %sign3A_815, %sub3A_807 : vector<400x10xi1>, vector<400x10xf32>
    %max3A_821 = arith.constant 0.000000e+00 : f32
    %max3A_822 = vector.broadcast %max3A_821 : f32 to vector<400x10xf32>
    %max3A_823 = arith.maximumf %sign3A_820, %max3A_822 : vector<400x10xf32>
    %reduce_sum3A_824 = arith.constant dense<0.000000e+00> : vector<400xf32>
    %reduce_sum3A_825 = vector.multi_reduction <add>, %max3A_823, %reduce_sum3A_824 [1] : vector<400x10xf32> to vector<400xf32>
    %broadcast_in_dim3A_826 = vector.shape_cast %reduce_sum3A_825 : vector<400xf32> to vector<400x1xf32>
    %sub3A_827 = arith.constant 5.000000e-01 : f32
    %sub3A_828 = vector.broadcast %sub3A_827 : f32 to vector<400x1xf32>
    %sub3A_829 = arith.subf %sub3A_828, %broadcast_in_dim3A_826 : vector<400x1xf32>
    %sign3A_830 = tpu.bitcast %sub3A_829 : vector<400x1xf32> -> vector<400x1xi32>
    %sign3A_831 = arith.constant -2147483648 : i32
    %sign3A_832 = vector.broadcast %sign3A_831 : i32 to vector<400x1xi32>
    %sign3A_833 = arith.andi %sign3A_830, %sign3A_832 : vector<400x1xi32>
    %sign3A_834 = arith.constant 1065353216 : i32
    %sign3A_835 = vector.broadcast %sign3A_834 : i32 to vector<400x1xi32>
    %sign3A_836 = arith.ori %sign3A_835, %sign3A_833 : vector<400x1xi32>
    %sign3A_837 = tpu.bitcast %sign3A_836 : vector<400x1xi32> -> vector<400x1xf32>
    %sign3A_838 = math.absf %sub3A_829 : vector<400x1xf32>
    %sign3A_839 = arith.constant 0.000000e+00 : f32
    %sign3A_840 = vector.broadcast %sign3A_839 : f32 to vector<400x1xf32>
    %sign3A_841 = arith.cmpf ogt, %sign3A_838, %sign3A_840 : vector<400x1xf32>
    %sign3A_842 = arith.select %sign3A_841, %sign3A_837, %sub3A_829 : vector<400x1xi1>, vector<400x1xf32>
    %max3A_843 = arith.constant 0.000000e+00 : f32
    %max3A_844 = vector.broadcast %max3A_843 : f32 to vector<400x1xf32>
    %max3A_845 = arith.maximumf %sign3A_842, %max3A_844 : vector<400x1xf32>
    %mul3A_846 = vector.broadcast %max3A_845 : vector<400x1xf32> to vector<400x128xf32>
    %mul3A_847 = arith.mulf %add3A_793, %mul3A_846 : vector<400x128xf32>
    %sub3A_848 = arith.constant 1.000000e+00 : f32
    %sub3A_849 = vector.broadcast %sub3A_848 : f32 to vector<400x1xf32>
    %sub3A_850 = arith.subf %sub3A_849, %max3A_845 : vector<400x1xf32>
    %mul3A_851 = arith.constant -1.000000e+09 : f32
    %mul3A_852 = vector.broadcast %mul3A_851 : f32 to vector<400x1xf32>
    %mul3A_853 = arith.mulf %sub3A_850, %mul3A_852 : vector<400x1xf32>
    %add3A_854 = vector.broadcast %mul3A_853 : vector<400x1xf32> to vector<400x128xf32>
    %add3A_855 = arith.addf %mul3A_847, %add3A_854 : vector<400x128xf32>
    %swap3A_856 = arith.constant 0 : index
    %swap3A_857 = arith.constant 1 : index
    %swap3A_858 = arith.constant 2 : index
    %swap3A_859 = arith.constant 0 : index
    %swap3A_860 = vector.load %arg11[%swap3A_856, %swap3A_857, %swap3A_858, %swap3A_859] : memref<400x2x8x128xf32, #tpu.memory_space<vmem>>, vector<400x1x1x128xf32>
    %swap3A_861 = vector.shape_cast %swap3A_860 : vector<400x1x1x128xf32> to vector<400x128xf32>
    %swap3A_862 = vector.shape_cast %add3A_855 : vector<400x128xf32> to vector<400x1x1x128xf32>
    tpu.vector_store %arg11[%swap3A_856, %swap3A_857, %swap3A_858, %swap3A_859], %swap3A_862 {strides = array<i32>} : memref<400x2x8x128xf32, #tpu.memory_space<vmem>>, vector<400x1x1x128xf32>,
    %get3A_863 = arith.constant 0 : index
    %get3A_864 = arith.constant 11 : index
    %get3A_865 = arith.constant 0 : index
    %get3A_866 = vector.load %arg9[%get3A_863, %get3A_864, %get3A_865] : memref<128x16x128xf32, #tpu.memory_space<vmem>>, vector<128x1x128xf32>
    %get3A_867 = vector.shape_cast %get3A_866 : vector<128x1x128xf32> to vector<128x128xf32>
    %dot_general3A_868 = arith.constant dense<0.000000e+00> : vector<400x128xf32>
    %dot_general3A_869 = tpu.matmul %add3A_9, %get3A_867, %dot_general3A_868 {dimension_numbers = #tpu.dot_dimension_numbers<[1], [0], [0], [1], [0, 0, 1, 1], [], []>, transpose_lhs_hint = false} : vector<400x128xf32>, vector<128x128xf32>, vector<400x128xf32> -> vector<400x128xf32>
    %get3A_870 = arith.constant 11 : index
    %get3A_871 = arith.constant 0 : index
    %get3A_872 = vector.load %arg10[%get3A_870, %get3A_871] : memref<16x128xf32, #tpu.memory_space<vmem>>, vector<1x128xf32>
    %add3A_873 = vector.broadcast %get3A_872 : vector<1x128xf32> to vector<400x128xf32>
    %add3A_874 = arith.addf %dot_general3A_869, %add3A_873 : vector<400x128xf32>
    %add3A_875 = arith.addf %add3A_874, %get3A_32 : vector<400x128xf32>
    %slice3A_876 = vector.extract_strided_slice %add3A_19 {offsets = [0, 0], sizes = [400, 11], strides = [1, 1]} : vector<400x16xf32> to vector<400x11xf32>
    %slice3A_877 = vector.extract_strided_slice %add3A_19 {offsets = [0, 11], sizes = [400, 1], strides = [1, 1]} : vector<400x16xf32> to vector<400x1xf32>
    %sub3A_878 = vector.broadcast %slice3A_877 : vector<400x1xf32> to vector<400x11xf32>
    %sub3A_879 = arith.subf %slice3A_876, %sub3A_878 : vector<400x11xf32>
    %slice3A_880 = vector.extract_strided_slice %add3A_29 {offsets = [0, 0], sizes = [400, 11], strides = [1, 1]} : vector<400x16xf32> to vector<400x11xf32>
    %slice3A_881 = vector.extract_strided_slice %add3A_29 {offsets = [0, 11], sizes = [400, 1], strides = [1, 1]} : vector<400x16xf32> to vector<400x1xf32>
    %sub3A_882 = vector.broadcast %slice3A_881 : vector<400x1xf32> to vector<400x11xf32>
    %sub3A_883 = arith.subf %slice3A_880, %sub3A_882 : vector<400x11xf32>
    %mul3A_884 = arith.mulf %sub3A_879, %sub3A_879 : vector<400x11xf32>
    %mul3A_885 = arith.mulf %sub3A_883, %sub3A_883 : vector<400x11xf32>
    %add3A_886 = arith.addf %mul3A_884, %mul3A_885 : vector<400x11xf32>
    %sub3A_887 = arith.constant 4.000000e-04 : f32
    %sub3A_888 = vector.broadcast %sub3A_887 : f32 to vector<400x11xf32>
    %sub3A_889 = arith.subf %sub3A_888, %add3A_886 : vector<400x11xf32>
    %sign3A_890 = tpu.bitcast %sub3A_889 : vector<400x11xf32> -> vector<400x11xi32>
    %sign3A_891 = arith.constant -2147483648 : i32
    %sign3A_892 = vector.broadcast %sign3A_891 : i32 to vector<400x11xi32>
    %sign3A_893 = arith.andi %sign3A_890, %sign3A_892 : vector<400x11xi32>
    %sign3A_894 = arith.constant 1065353216 : i32
    %sign3A_895 = vector.broadcast %sign3A_894 : i32 to vector<400x11xi32>
    %sign3A_896 = arith.ori %sign3A_895, %sign3A_893 : vector<400x11xi32>
    %sign3A_897 = tpu.bitcast %sign3A_896 : vector<400x11xi32> -> vector<400x11xf32>
    %sign3A_898 = math.absf %sub3A_889 : vector<400x11xf32>
    %sign3A_899 = arith.constant 0.000000e+00 : f32
    %sign3A_900 = vector.broadcast %sign3A_899 : f32 to vector<400x11xf32>
    %sign3A_901 = arith.cmpf ogt, %sign3A_898, %sign3A_900 : vector<400x11xf32>
    %sign3A_902 = arith.select %sign3A_901, %sign3A_897, %sub3A_889 : vector<400x11xi1>, vector<400x11xf32>
    %max3A_903 = arith.constant 0.000000e+00 : f32
    %max3A_904 = vector.broadcast %max3A_903 : f32 to vector<400x11xf32>
    %max3A_905 = arith.maximumf %sign3A_902, %max3A_904 : vector<400x11xf32>
    %reduce_sum3A_906 = arith.constant dense<0.000000e+00> : vector<400xf32>
    %reduce_sum3A_907 = vector.multi_reduction <add>, %max3A_905, %reduce_sum3A_906 [1] : vector<400x11xf32> to vector<400xf32>
    %broadcast_in_dim3A_908 = vector.shape_cast %reduce_sum3A_907 : vector<400xf32> to vector<400x1xf32>
    %sub3A_909 = arith.constant 5.000000e-01 : f32
    %sub3A_910 = vector.broadcast %sub3A_909 : f32 to vector<400x1xf32>
    %sub3A_911 = arith.subf %sub3A_910, %broadcast_in_dim3A_908 : vector<400x1xf32>
    %sign3A_912 = tpu.bitcast %sub3A_911 : vector<400x1xf32> -> vector<400x1xi32>
    %sign3A_913 = arith.constant -2147483648 : i32
    %sign3A_914 = vector.broadcast %sign3A_913 : i32 to vector<400x1xi32>
    %sign3A_915 = arith.andi %sign3A_912, %sign3A_914 : vector<400x1xi32>
    %sign3A_916 = arith.constant 1065353216 : i32
    %sign3A_917 = vector.broadcast %sign3A_916 : i32 to vector<400x1xi32>
    %sign3A_918 = arith.ori %sign3A_917, %sign3A_915 : vector<400x1xi32>
    %sign3A_919 = tpu.bitcast %sign3A_918 : vector<400x1xi32> -> vector<400x1xf32>
    %sign3A_920 = math.absf %sub3A_911 : vector<400x1xf32>
    %sign3A_921 = arith.constant 0.000000e+00 : f32
    %sign3A_922 = vector.broadcast %sign3A_921 : f32 to vector<400x1xf32>
    %sign3A_923 = arith.cmpf ogt, %sign3A_920, %sign3A_922 : vector<400x1xf32>
    %sign3A_924 = arith.select %sign3A_923, %sign3A_919, %sub3A_911 : vector<400x1xi1>, vector<400x1xf32>
    %max3A_925 = arith.constant 0.000000e+00 : f32
    %max3A_926 = vector.broadcast %max3A_925 : f32 to vector<400x1xf32>
    %max3A_927 = arith.maximumf %sign3A_924, %max3A_926 : vector<400x1xf32>
    %mul3A_928 = vector.broadcast %max3A_927 : vector<400x1xf32> to vector<400x128xf32>
    %mul3A_929 = arith.mulf %add3A_875, %mul3A_928 : vector<400x128xf32>
    %sub3A_930 = arith.constant 1.000000e+00 : f32
    %sub3A_931 = vector.broadcast %sub3A_930 : f32 to vector<400x1xf32>
    %sub3A_932 = arith.subf %sub3A_931, %max3A_927 : vector<400x1xf32>
    %mul3A_933 = arith.constant -1.000000e+09 : f32
    %mul3A_934 = vector.broadcast %mul3A_933 : f32 to vector<400x1xf32>
    %mul3A_935 = arith.mulf %sub3A_932, %mul3A_934 : vector<400x1xf32>
    %add3A_936 = vector.broadcast %mul3A_935 : vector<400x1xf32> to vector<400x128xf32>
    %add3A_937 = arith.addf %mul3A_929, %add3A_936 : vector<400x128xf32>
    %swap3A_938 = arith.constant 0 : index
    %swap3A_939 = arith.constant 1 : index
    %swap3A_940 = arith.constant 3 : index
    %swap3A_941 = arith.constant 0 : index
    %swap3A_942 = vector.load %arg11[%swap3A_938, %swap3A_939, %swap3A_940, %swap3A_941] : memref<400x2x8x128xf32, #tpu.memory_space<vmem>>, vector<400x1x1x128xf32>
    %swap3A_943 = vector.shape_cast %swap3A_942 : vector<400x1x1x128xf32> to vector<400x128xf32>
    %swap3A_944 = vector.shape_cast %add3A_937 : vector<400x128xf32> to vector<400x1x1x128xf32>
    tpu.vector_store %arg11[%swap3A_938, %swap3A_939, %swap3A_940, %swap3A_941], %swap3A_944 {strides = array<i32>} : memref<400x2x8x128xf32, #tpu.memory_space<vmem>>, vector<400x1x1x128xf32>,
    %get3A_945 = arith.constant 0 : index
    %get3A_946 = arith.constant 12 : index
    %get3A_947 = arith.constant 0 : index
    %get3A_948 = vector.load %arg9[%get3A_945, %get3A_946, %get3A_947] : memref<128x16x128xf32, #tpu.memory_space<vmem>>, vector<128x1x128xf32>
    %get3A_949 = vector.shape_cast %get3A_948 : vector<128x1x128xf32> to vector<128x128xf32>
    %dot_general3A_950 = arith.constant dense<0.000000e+00> : vector<400x128xf32>
    %dot_general3A_951 = tpu.matmul %add3A_9, %get3A_949, %dot_general3A_950 {dimension_numbers = #tpu.dot_dimension_numbers<[1], [0], [0], [1], [0, 0, 1, 1], [], []>, transpose_lhs_hint = false} : vector<400x128xf32>, vector<128x128xf32>, vector<400x128xf32> -> vector<400x128xf32>
    %get3A_952 = arith.constant 12 : index
    %get3A_953 = arith.constant 0 : index
    %get3A_954 = vector.load %arg10[%get3A_952, %get3A_953] : memref<16x128xf32, #tpu.memory_space<vmem>>, vector<1x128xf32>
    %add3A_955 = vector.broadcast %get3A_954 : vector<1x128xf32> to vector<400x128xf32>
    %add3A_956 = arith.addf %dot_general3A_951, %add3A_955 : vector<400x128xf32>
    %add3A_957 = arith.addf %add3A_956, %get3A_32 : vector<400x128xf32>
    %slice3A_958 = vector.extract_strided_slice %add3A_19 {offsets = [0, 0], sizes = [400, 12], strides = [1, 1]} : vector<400x16xf32> to vector<400x12xf32>
    %slice3A_959 = vector.extract_strided_slice %add3A_19 {offsets = [0, 12], sizes = [400, 1], strides = [1, 1]} : vector<400x16xf32> to vector<400x1xf32>
    %sub3A_960 = vector.broadcast %slice3A_959 : vector<400x1xf32> to vector<400x12xf32>
    %sub3A_961 = arith.subf %slice3A_958, %sub3A_960 : vector<400x12xf32>
    %slice3A_962 = vector.extract_strided_slice %add3A_29 {offsets = [0, 0], sizes = [400, 12], strides = [1, 1]} : vector<400x16xf32> to vector<400x12xf32>
    %slice3A_963 = vector.extract_strided_slice %add3A_29 {offsets = [0, 12], sizes = [400, 1], strides = [1, 1]} : vector<400x16xf32> to vector<400x1xf32>
    %sub3A_964 = vector.broadcast %slice3A_963 : vector<400x1xf32> to vector<400x12xf32>
    %sub3A_965 = arith.subf %slice3A_962, %sub3A_964 : vector<400x12xf32>
    %mul3A_966 = arith.mulf %sub3A_961, %sub3A_961 : vector<400x12xf32>
    %mul3A_967 = arith.mulf %sub3A_965, %sub3A_965 : vector<400x12xf32>
    %add3A_968 = arith.addf %mul3A_966, %mul3A_967 : vector<400x12xf32>
    %sub3A_969 = arith.constant 4.000000e-04 : f32
    %sub3A_970 = vector.broadcast %sub3A_969 : f32 to vector<400x12xf32>
    %sub3A_971 = arith.subf %sub3A_970, %add3A_968 : vector<400x12xf32>
    %sign3A_972 = tpu.bitcast %sub3A_971 : vector<400x12xf32> -> vector<400x12xi32>
    %sign3A_973 = arith.constant -2147483648 : i32
    %sign3A_974 = vector.broadcast %sign3A_973 : i32 to vector<400x12xi32>
    %sign3A_975 = arith.andi %sign3A_972, %sign3A_974 : vector<400x12xi32>
    %sign3A_976 = arith.constant 1065353216 : i32
    %sign3A_977 = vector.broadcast %sign3A_976 : i32 to vector<400x12xi32>
    %sign3A_978 = arith.ori %sign3A_977, %sign3A_975 : vector<400x12xi32>
    %sign3A_979 = tpu.bitcast %sign3A_978 : vector<400x12xi32> -> vector<400x12xf32>
    %sign3A_980 = math.absf %sub3A_971 : vector<400x12xf32>
    %sign3A_981 = arith.constant 0.000000e+00 : f32
    %sign3A_982 = vector.broadcast %sign3A_981 : f32 to vector<400x12xf32>
    %sign3A_983 = arith.cmpf ogt, %sign3A_980, %sign3A_982 : vector<400x12xf32>
    %sign3A_984 = arith.select %sign3A_983, %sign3A_979, %sub3A_971 : vector<400x12xi1>, vector<400x12xf32>
    %max3A_985 = arith.constant 0.000000e+00 : f32
    %max3A_986 = vector.broadcast %max3A_985 : f32 to vector<400x12xf32>
    %max3A_987 = arith.maximumf %sign3A_984, %max3A_986 : vector<400x12xf32>
    %reduce_sum3A_988 = arith.constant dense<0.000000e+00> : vector<400xf32>
    %reduce_sum3A_989 = vector.multi_reduction <add>, %max3A_987, %reduce_sum3A_988 [1] : vector<400x12xf32> to vector<400xf32>
    %broadcast_in_dim3A_990 = vector.shape_cast %reduce_sum3A_989 : vector<400xf32> to vector<400x1xf32>
    %sub3A_991 = arith.constant 5.000000e-01 : f32
    %sub3A_992 = vector.broadcast %sub3A_991 : f32 to vector<400x1xf32>
    %sub3A_993 = arith.subf %sub3A_992, %broadcast_in_dim3A_990 : vector<400x1xf32>
    %sign3A_994 = tpu.bitcast %sub3A_993 : vector<400x1xf32> -> vector<400x1xi32>
    %sign3A_995 = arith.constant -2147483648 : i32
    %sign3A_996 = vector.broadcast %sign3A_995 : i32 to vector<400x1xi32>
    %sign3A_997 = arith.andi %sign3A_994, %sign3A_996 : vector<400x1xi32>
    %sign3A_998 = arith.constant 1065353216 : i32
    %sign3A_999 = vector.broadcast %sign3A_998 : i32 to vector<400x1xi32>
    %sign3A_1000 = arith.ori %sign3A_999, %sign3A_997 : vector<400x1xi32>
    %sign3A_1001 = tpu.bitcast %sign3A_1000 : vector<400x1xi32> -> vector<400x1xf32>
    %sign3A_1002 = math.absf %sub3A_993 : vector<400x1xf32>
    %sign3A_1003 = arith.constant 0.000000e+00 : f32
    %sign3A_1004 = vector.broadcast %sign3A_1003 : f32 to vector<400x1xf32>
    %sign3A_1005 = arith.cmpf ogt, %sign3A_1002, %sign3A_1004 : vector<400x1xf32>
    %sign3A_1006 = arith.select %sign3A_1005, %sign3A_1001, %sub3A_993 : vector<400x1xi1>, vector<400x1xf32>
    %max3A_1007 = arith.constant 0.000000e+00 : f32
    %max3A_1008 = vector.broadcast %max3A_1007 : f32 to vector<400x1xf32>
    %max3A_1009 = arith.maximumf %sign3A_1006, %max3A_1008 : vector<400x1xf32>
    %mul3A_1010 = vector.broadcast %max3A_1009 : vector<400x1xf32> to vector<400x128xf32>
    %mul3A_1011 = arith.mulf %add3A_957, %mul3A_1010 : vector<400x128xf32>
    %sub3A_1012 = arith.constant 1.000000e+00 : f32
    %sub3A_1013 = vector.broadcast %sub3A_1012 : f32 to vector<400x1xf32>
    %sub3A_1014 = arith.subf %sub3A_1013, %max3A_1009 : vector<400x1xf32>
    %mul3A_1015 = arith.constant -1.000000e+09 : f32
    %mul3A_1016 = vector.broadcast %mul3A_1015 : f32 to vector<400x1xf32>
    %mul3A_1017 = arith.mulf %sub3A_1014, %mul3A_1016 : vector<400x1xf32>
    %add3A_1018 = vector.broadcast %mul3A_1017 : vector<400x1xf32> to vector<400x128xf32>
    %add3A_1019 = arith.addf %mul3A_1011, %add3A_1018 : vector<400x128xf32>
    %swap3A_1020 = arith.constant 0 : index
    %swap3A_1021 = arith.constant 1 : index
    %swap3A_1022 = arith.constant 4 : index
    %swap3A_1023 = arith.constant 0 : index
    %swap3A_1024 = vector.load %arg11[%swap3A_1020, %swap3A_1021, %swap3A_1022, %swap3A_1023] : memref<400x2x8x128xf32, #tpu.memory_space<vmem>>, vector<400x1x1x128xf32>
    %swap3A_1025 = vector.shape_cast %swap3A_1024 : vector<400x1x1x128xf32> to vector<400x128xf32>
    %swap3A_1026 = vector.shape_cast %add3A_1019 : vector<400x128xf32> to vector<400x1x1x128xf32>
    tpu.vector_store %arg11[%swap3A_1020, %swap3A_1021, %swap3A_1022, %swap3A_1023], %swap3A_1026 {strides = array<i32>} : memref<400x2x8x128xf32, #tpu.memory_space<vmem>>, vector<400x1x1x128xf32>,
    %get3A_1027 = arith.constant 0 : index
    %get3A_1028 = arith.constant 13 : index
    %get3A_1029 = arith.constant 0 : index
    %get3A_1030 = vector.load %arg9[%get3A_1027, %get3A_1028, %get3A_1029] : memref<128x16x128xf32, #tpu.memory_space<vmem>>, vector<128x1x128xf32>
    %get3A_1031 = vector.shape_cast %get3A_1030 : vector<128x1x128xf32> to vector<128x128xf32>
    %dot_general3A_1032 = arith.constant dense<0.000000e+00> : vector<400x128xf32>
    %dot_general3A_1033 = tpu.matmul %add3A_9, %get3A_1031, %dot_general3A_1032 {dimension_numbers = #tpu.dot_dimension_numbers<[1], [0], [0], [1], [0, 0, 1, 1], [], []>, transpose_lhs_hint = false} : vector<400x128xf32>, vector<128x128xf32>, vector<400x128xf32> -> vector<400x128xf32>
    %get3A_1034 = arith.constant 13 : index
    %get3A_1035 = arith.constant 0 : index
    %get3A_1036 = vector.load %arg10[%get3A_1034, %get3A_1035] : memref<16x128xf32, #tpu.memory_space<vmem>>, vector<1x128xf32>
    %add3A_1037 = vector.broadcast %get3A_1036 : vector<1x128xf32> to vector<400x128xf32>
    %add3A_1038 = arith.addf %dot_general3A_1033, %add3A_1037 : vector<400x128xf32>
    %add3A_1039 = arith.addf %add3A_1038, %get3A_32 : vector<400x128xf32>
    %slice3A_1040 = vector.extract_strided_slice %add3A_19 {offsets = [0, 0], sizes = [400, 13], strides = [1, 1]} : vector<400x16xf32> to vector<400x13xf32>
    %slice3A_1041 = vector.extract_strided_slice %add3A_19 {offsets = [0, 13], sizes = [400, 1], strides = [1, 1]} : vector<400x16xf32> to vector<400x1xf32>
    %sub3A_1042 = vector.broadcast %slice3A_1041 : vector<400x1xf32> to vector<400x13xf32>
    %sub3A_1043 = arith.subf %slice3A_1040, %sub3A_1042 : vector<400x13xf32>
    %slice3A_1044 = vector.extract_strided_slice %add3A_29 {offsets = [0, 0], sizes = [400, 13], strides = [1, 1]} : vector<400x16xf32> to vector<400x13xf32>
    %slice3A_1045 = vector.extract_strided_slice %add3A_29 {offsets = [0, 13], sizes = [400, 1], strides = [1, 1]} : vector<400x16xf32> to vector<400x1xf32>
    %sub3A_1046 = vector.broadcast %slice3A_1045 : vector<400x1xf32> to vector<400x13xf32>
    %sub3A_1047 = arith.subf %slice3A_1044, %sub3A_1046 : vector<400x13xf32>
    %mul3A_1048 = arith.mulf %sub3A_1043, %sub3A_1043 : vector<400x13xf32>
    %mul3A_1049 = arith.mulf %sub3A_1047, %sub3A_1047 : vector<400x13xf32>
    %add3A_1050 = arith.addf %mul3A_1048, %mul3A_1049 : vector<400x13xf32>
    %sub3A_1051 = arith.constant 4.000000e-04 : f32
    %sub3A_1052 = vector.broadcast %sub3A_1051 : f32 to vector<400x13xf32>
    %sub3A_1053 = arith.subf %sub3A_1052, %add3A_1050 : vector<400x13xf32>
    %sign3A_1054 = tpu.bitcast %sub3A_1053 : vector<400x13xf32> -> vector<400x13xi32>
    %sign3A_1055 = arith.constant -2147483648 : i32
    %sign3A_1056 = vector.broadcast %sign3A_1055 : i32 to vector<400x13xi32>
    %sign3A_1057 = arith.andi %sign3A_1054, %sign3A_1056 : vector<400x13xi32>
    %sign3A_1058 = arith.constant 1065353216 : i32
    %sign3A_1059 = vector.broadcast %sign3A_1058 : i32 to vector<400x13xi32>
    %sign3A_1060 = arith.ori %sign3A_1059, %sign3A_1057 : vector<400x13xi32>
    %sign3A_1061 = tpu.bitcast %sign3A_1060 : vector<400x13xi32> -> vector<400x13xf32>
    %sign3A_1062 = math.absf %sub3A_1053 : vector<400x13xf32>
    %sign3A_1063 = arith.constant 0.000000e+00 : f32
    %sign3A_1064 = vector.broadcast %sign3A_1063 : f32 to vector<400x13xf32>
    %sign3A_1065 = arith.cmpf ogt, %sign3A_1062, %sign3A_1064 : vector<400x13xf32>
    %sign3A_1066 = arith.select %sign3A_1065, %sign3A_1061, %sub3A_1053 : vector<400x13xi1>, vector<400x13xf32>
    %max3A_1067 = arith.constant 0.000000e+00 : f32
    %max3A_1068 = vector.broadcast %max3A_1067 : f32 to vector<400x13xf32>
    %max3A_1069 = arith.maximumf %sign3A_1066, %max3A_1068 : vector<400x13xf32>
    %reduce_sum3A_1070 = arith.constant dense<0.000000e+00> : vector<400xf32>
    %reduce_sum3A_1071 = vector.multi_reduction <add>, %max3A_1069, %reduce_sum3A_1070 [1] : vector<400x13xf32> to vector<400xf32>
    %broadcast_in_dim3A_1072 = vector.shape_cast %reduce_sum3A_1071 : vector<400xf32> to vector<400x1xf32>
    %sub3A_1073 = arith.constant 5.000000e-01 : f32
    %sub3A_1074 = vector.broadcast %sub3A_1073 : f32 to vector<400x1xf32>
    %sub3A_1075 = arith.subf %sub3A_1074, %broadcast_in_dim3A_1072 : vector<400x1xf32>
    %sign3A_1076 = tpu.bitcast %sub3A_1075 : vector<400x1xf32> -> vector<400x1xi32>
    %sign3A_1077 = arith.constant -2147483648 : i32
    %sign3A_1078 = vector.broadcast %sign3A_1077 : i32 to vector<400x1xi32>
    %sign3A_1079 = arith.andi %sign3A_1076, %sign3A_1078 : vector<400x1xi32>
    %sign3A_1080 = arith.constant 1065353216 : i32
    %sign3A_1081 = vector.broadcast %sign3A_1080 : i32 to vector<400x1xi32>
    %sign3A_1082 = arith.ori %sign3A_1081, %sign3A_1079 : vector<400x1xi32>
    %sign3A_1083 = tpu.bitcast %sign3A_1082 : vector<400x1xi32> -> vector<400x1xf32>
    %sign3A_1084 = math.absf %sub3A_1075 : vector<400x1xf32>
    %sign3A_1085 = arith.constant 0.000000e+00 : f32
    %sign3A_1086 = vector.broadcast %sign3A_1085 : f32 to vector<400x1xf32>
    %sign3A_1087 = arith.cmpf ogt, %sign3A_1084, %sign3A_1086 : vector<400x1xf32>
    %sign3A_1088 = arith.select %sign3A_1087, %sign3A_1083, %sub3A_1075 : vector<400x1xi1>, vector<400x1xf32>
    %max3A_1089 = arith.constant 0.000000e+00 : f32
    %max3A_1090 = vector.broadcast %max3A_1089 : f32 to vector<400x1xf32>
    %max3A_1091 = arith.maximumf %sign3A_1088, %max3A_1090 : vector<400x1xf32>
    %mul3A_1092 = vector.broadcast %max3A_1091 : vector<400x1xf32> to vector<400x128xf32>
    %mul3A_1093 = arith.mulf %add3A_1039, %mul3A_1092 : vector<400x128xf32>
    %sub3A_1094 = arith.constant 1.000000e+00 : f32
    %sub3A_1095 = vector.broadcast %sub3A_1094 : f32 to vector<400x1xf32>
    %sub3A_1096 = arith.subf %sub3A_1095, %max3A_1091 : vector<400x1xf32>
    %mul3A_1097 = arith.constant -1.000000e+09 : f32
    %mul3A_1098 = vector.broadcast %mul3A_1097 : f32 to vector<400x1xf32>
    %mul3A_1099 = arith.mulf %sub3A_1096, %mul3A_1098 : vector<400x1xf32>
    %add3A_1100 = vector.broadcast %mul3A_1099 : vector<400x1xf32> to vector<400x128xf32>
    %add3A_1101 = arith.addf %mul3A_1093, %add3A_1100 : vector<400x128xf32>
    %swap3A_1102 = arith.constant 0 : index
    %swap3A_1103 = arith.constant 1 : index
    %swap3A_1104 = arith.constant 5 : index
    %swap3A_1105 = arith.constant 0 : index
    %swap3A_1106 = vector.load %arg11[%swap3A_1102, %swap3A_1103, %swap3A_1104, %swap3A_1105] : memref<400x2x8x128xf32, #tpu.memory_space<vmem>>, vector<400x1x1x128xf32>
    %swap3A_1107 = vector.shape_cast %swap3A_1106 : vector<400x1x1x128xf32> to vector<400x128xf32>
    %swap3A_1108 = vector.shape_cast %add3A_1101 : vector<400x128xf32> to vector<400x1x1x128xf32>
    tpu.vector_store %arg11[%swap3A_1102, %swap3A_1103, %swap3A_1104, %swap3A_1105], %swap3A_1108 {strides = array<i32>} : memref<400x2x8x128xf32, #tpu.memory_space<vmem>>, vector<400x1x1x128xf32>,
    %get3A_1109 = arith.constant 0 : index
    %get3A_1110 = arith.constant 14 : index
    %get3A_1111 = arith.constant 0 : index
    %get3A_1112 = vector.load %arg9[%get3A_1109, %get3A_1110, %get3A_1111] : memref<128x16x128xf32, #tpu.memory_space<vmem>>, vector<128x1x128xf32>
    %get3A_1113 = vector.shape_cast %get3A_1112 : vector<128x1x128xf32> to vector<128x128xf32>
    %dot_general3A_1114 = arith.constant dense<0.000000e+00> : vector<400x128xf32>
    %dot_general3A_1115 = tpu.matmul %add3A_9, %get3A_1113, %dot_general3A_1114 {dimension_numbers = #tpu.dot_dimension_numbers<[1], [0], [0], [1], [0, 0, 1, 1], [], []>, transpose_lhs_hint = false} : vector<400x128xf32>, vector<128x128xf32>, vector<400x128xf32> -> vector<400x128xf32>
    %get3A_1116 = arith.constant 14 : index
    %get3A_1117 = arith.constant 0 : index
    %get3A_1118 = vector.load %arg10[%get3A_1116, %get3A_1117] : memref<16x128xf32, #tpu.memory_space<vmem>>, vector<1x128xf32>
    %add3A_1119 = vector.broadcast %get3A_1118 : vector<1x128xf32> to vector<400x128xf32>
    %add3A_1120 = arith.addf %dot_general3A_1115, %add3A_1119 : vector<400x128xf32>
    %add3A_1121 = arith.addf %add3A_1120, %get3A_32 : vector<400x128xf32>
    %slice3A_1122 = vector.extract_strided_slice %add3A_19 {offsets = [0, 0], sizes = [400, 14], strides = [1, 1]} : vector<400x16xf32> to vector<400x14xf32>
    %slice3A_1123 = vector.extract_strided_slice %add3A_19 {offsets = [0, 14], sizes = [400, 1], strides = [1, 1]} : vector<400x16xf32> to vector<400x1xf32>
    %sub3A_1124 = vector.broadcast %slice3A_1123 : vector<400x1xf32> to vector<400x14xf32>
    %sub3A_1125 = arith.subf %slice3A_1122, %sub3A_1124 : vector<400x14xf32>
    %slice3A_1126 = vector.extract_strided_slice %add3A_29 {offsets = [0, 0], sizes = [400, 14], strides = [1, 1]} : vector<400x16xf32> to vector<400x14xf32>
    %slice3A_1127 = vector.extract_strided_slice %add3A_29 {offsets = [0, 14], sizes = [400, 1], strides = [1, 1]} : vector<400x16xf32> to vector<400x1xf32>
    %sub3A_1128 = vector.broadcast %slice3A_1127 : vector<400x1xf32> to vector<400x14xf32>
    %sub3A_1129 = arith.subf %slice3A_1126, %sub3A_1128 : vector<400x14xf32>
    %mul3A_1130 = arith.mulf %sub3A_1125, %sub3A_1125 : vector<400x14xf32>
    %mul3A_1131 = arith.mulf %sub3A_1129, %sub3A_1129 : vector<400x14xf32>
    %add3A_1132 = arith.addf %mul3A_1130, %mul3A_1131 : vector<400x14xf32>
    %sub3A_1133 = arith.constant 4.000000e-04 : f32
    %sub3A_1134 = vector.broadcast %sub3A_1133 : f32 to vector<400x14xf32>
    %sub3A_1135 = arith.subf %sub3A_1134, %add3A_1132 : vector<400x14xf32>
    %sign3A_1136 = tpu.bitcast %sub3A_1135 : vector<400x14xf32> -> vector<400x14xi32>
    %sign3A_1137 = arith.constant -2147483648 : i32
    %sign3A_1138 = vector.broadcast %sign3A_1137 : i32 to vector<400x14xi32>
    %sign3A_1139 = arith.andi %sign3A_1136, %sign3A_1138 : vector<400x14xi32>
    %sign3A_1140 = arith.constant 1065353216 : i32
    %sign3A_1141 = vector.broadcast %sign3A_1140 : i32 to vector<400x14xi32>
    %sign3A_1142 = arith.ori %sign3A_1141, %sign3A_1139 : vector<400x14xi32>
    %sign3A_1143 = tpu.bitcast %sign3A_1142 : vector<400x14xi32> -> vector<400x14xf32>
    %sign3A_1144 = math.absf %sub3A_1135 : vector<400x14xf32>
    %sign3A_1145 = arith.constant 0.000000e+00 : f32
    %sign3A_1146 = vector.broadcast %sign3A_1145 : f32 to vector<400x14xf32>
    %sign3A_1147 = arith.cmpf ogt, %sign3A_1144, %sign3A_1146 : vector<400x14xf32>
    %sign3A_1148 = arith.select %sign3A_1147, %sign3A_1143, %sub3A_1135 : vector<400x14xi1>, vector<400x14xf32>
    %max3A_1149 = arith.constant 0.000000e+00 : f32
    %max3A_1150 = vector.broadcast %max3A_1149 : f32 to vector<400x14xf32>
    %max3A_1151 = arith.maximumf %sign3A_1148, %max3A_1150 : vector<400x14xf32>
    %reduce_sum3A_1152 = arith.constant dense<0.000000e+00> : vector<400xf32>
    %reduce_sum3A_1153 = vector.multi_reduction <add>, %max3A_1151, %reduce_sum3A_1152 [1] : vector<400x14xf32> to vector<400xf32>
    %broadcast_in_dim3A_1154 = vector.shape_cast %reduce_sum3A_1153 : vector<400xf32> to vector<400x1xf32>
    %sub3A_1155 = arith.constant 5.000000e-01 : f32
    %sub3A_1156 = vector.broadcast %sub3A_1155 : f32 to vector<400x1xf32>
    %sub3A_1157 = arith.subf %sub3A_1156, %broadcast_in_dim3A_1154 : vector<400x1xf32>
    %sign3A_1158 = tpu.bitcast %sub3A_1157 : vector<400x1xf32> -> vector<400x1xi32>
    %sign3A_1159 = arith.constant -2147483648 : i32
    %sign3A_1160 = vector.broadcast %sign3A_1159 : i32 to vector<400x1xi32>
    %sign3A_1161 = arith.andi %sign3A_1158, %sign3A_1160 : vector<400x1xi32>
    %sign3A_1162 = arith.constant 1065353216 : i32
    %sign3A_1163 = vector.broadcast %sign3A_1162 : i32 to vector<400x1xi32>
    %sign3A_1164 = arith.ori %sign3A_1163, %sign3A_1161 : vector<400x1xi32>
    %sign3A_1165 = tpu.bitcast %sign3A_1164 : vector<400x1xi32> -> vector<400x1xf32>
    %sign3A_1166 = math.absf %sub3A_1157 : vector<400x1xf32>
    %sign3A_1167 = arith.constant 0.000000e+00 : f32
    %sign3A_1168 = vector.broadcast %sign3A_1167 : f32 to vector<400x1xf32>
    %sign3A_1169 = arith.cmpf ogt, %sign3A_1166, %sign3A_1168 : vector<400x1xf32>
    %sign3A_1170 = arith.select %sign3A_1169, %sign3A_1165, %sub3A_1157 : vector<400x1xi1>, vector<400x1xf32>
    %max3A_1171 = arith.constant 0.000000e+00 : f32
    %max3A_1172 = vector.broadcast %max3A_1171 : f32 to vector<400x1xf32>
    %max3A_1173 = arith.maximumf %sign3A_1170, %max3A_1172 : vector<400x1xf32>
    %mul3A_1174 = vector.broadcast %max3A_1173 : vector<400x1xf32> to vector<400x128xf32>
    %mul3A_1175 = arith.mulf %add3A_1121, %mul3A_1174 : vector<400x128xf32>
    %sub3A_1176 = arith.constant 1.000000e+00 : f32
    %sub3A_1177 = vector.broadcast %sub3A_1176 : f32 to vector<400x1xf32>
    %sub3A_1178 = arith.subf %sub3A_1177, %max3A_1173 : vector<400x1xf32>
    %mul3A_1179 = arith.constant -1.000000e+09 : f32
    %mul3A_1180 = vector.broadcast %mul3A_1179 : f32 to vector<400x1xf32>
    %mul3A_1181 = arith.mulf %sub3A_1178, %mul3A_1180 : vector<400x1xf32>
    %add3A_1182 = vector.broadcast %mul3A_1181 : vector<400x1xf32> to vector<400x128xf32>
    %add3A_1183 = arith.addf %mul3A_1175, %add3A_1182 : vector<400x128xf32>
    %swap3A_1184 = arith.constant 0 : index
    %swap3A_1185 = arith.constant 1 : index
    %swap3A_1186 = arith.constant 6 : index
    %swap3A_1187 = arith.constant 0 : index
    %swap3A_1188 = vector.load %arg11[%swap3A_1184, %swap3A_1185, %swap3A_1186, %swap3A_1187] : memref<400x2x8x128xf32, #tpu.memory_space<vmem>>, vector<400x1x1x128xf32>
    %swap3A_1189 = vector.shape_cast %swap3A_1188 : vector<400x1x1x128xf32> to vector<400x128xf32>
    %swap3A_1190 = vector.shape_cast %add3A_1183 : vector<400x128xf32> to vector<400x1x1x128xf32>
    tpu.vector_store %arg11[%swap3A_1184, %swap3A_1185, %swap3A_1186, %swap3A_1187], %swap3A_1190 {strides = array<i32>} : memref<400x2x8x128xf32, #tpu.memory_space<vmem>>, vector<400x1x1x128xf32>,
    %get3A_1191 = arith.constant 0 : index
    %get3A_1192 = arith.constant 15 : index
    %get3A_1193 = arith.constant 0 : index
    %get3A_1194 = vector.load %arg9[%get3A_1191, %get3A_1192, %get3A_1193] : memref<128x16x128xf32, #tpu.memory_space<vmem>>, vector<128x1x128xf32>
    %get3A_1195 = vector.shape_cast %get3A_1194 : vector<128x1x128xf32> to vector<128x128xf32>
    %dot_general3A_1196 = arith.constant dense<0.000000e+00> : vector<400x128xf32>
    %dot_general3A_1197 = tpu.matmul %add3A_9, %get3A_1195, %dot_general3A_1196 {dimension_numbers = #tpu.dot_dimension_numbers<[1], [0], [0], [1], [0, 0, 1, 1], [], []>, transpose_lhs_hint = false} : vector<400x128xf32>, vector<128x128xf32>, vector<400x128xf32> -> vector<400x128xf32>
    %get3A_1198 = arith.constant 15 : index
    %get3A_1199 = arith.constant 0 : index
    %get3A_1200 = vector.load %arg10[%get3A_1198, %get3A_1199] : memref<16x128xf32, #tpu.memory_space<vmem>>, vector<1x128xf32>
    %add3A_1201 = vector.broadcast %get3A_1200 : vector<1x128xf32> to vector<400x128xf32>
    %add3A_1202 = arith.addf %dot_general3A_1197, %add3A_1201 : vector<400x128xf32>
    %add3A_1203 = arith.addf %add3A_1202, %get3A_32 : vector<400x128xf32>
    %slice3A_1204 = vector.extract_strided_slice %add3A_19 {offsets = [0, 0], sizes = [400, 15], strides = [1, 1]} : vector<400x16xf32> to vector<400x15xf32>
    %slice3A_1205 = vector.extract_strided_slice %add3A_19 {offsets = [0, 15], sizes = [400, 1], strides = [1, 1]} : vector<400x16xf32> to vector<400x1xf32>
    %sub3A_1206 = vector.broadcast %slice3A_1205 : vector<400x1xf32> to vector<400x15xf32>
    %sub3A_1207 = arith.subf %slice3A_1204, %sub3A_1206 : vector<400x15xf32>
    %slice3A_1208 = vector.extract_strided_slice %add3A_29 {offsets = [0, 0], sizes = [400, 15], strides = [1, 1]} : vector<400x16xf32> to vector<400x15xf32>
    %slice3A_1209 = vector.extract_strided_slice %add3A_29 {offsets = [0, 15], sizes = [400, 1], strides = [1, 1]} : vector<400x16xf32> to vector<400x1xf32>
    %sub3A_1210 = vector.broadcast %slice3A_1209 : vector<400x1xf32> to vector<400x15xf32>
    %sub3A_1211 = arith.subf %slice3A_1208, %sub3A_1210 : vector<400x15xf32>
    %mul3A_1212 = arith.mulf %sub3A_1207, %sub3A_1207 : vector<400x15xf32>
    %mul3A_1213 = arith.mulf %sub3A_1211, %sub3A_1211 : vector<400x15xf32>
    %add3A_1214 = arith.addf %mul3A_1212, %mul3A_1213 : vector<400x15xf32>
    %sub3A_1215 = arith.constant 4.000000e-04 : f32
    %sub3A_1216 = vector.broadcast %sub3A_1215 : f32 to vector<400x15xf32>
    %sub3A_1217 = arith.subf %sub3A_1216, %add3A_1214 : vector<400x15xf32>
    %sign3A_1218 = tpu.bitcast %sub3A_1217 : vector<400x15xf32> -> vector<400x15xi32>
    %sign3A_1219 = arith.constant -2147483648 : i32
    %sign3A_1220 = vector.broadcast %sign3A_1219 : i32 to vector<400x15xi32>
    %sign3A_1221 = arith.andi %sign3A_1218, %sign3A_1220 : vector<400x15xi32>
    %sign3A_1222 = arith.constant 1065353216 : i32
    %sign3A_1223 = vector.broadcast %sign3A_1222 : i32 to vector<400x15xi32>
    %sign3A_1224 = arith.ori %sign3A_1223, %sign3A_1221 : vector<400x15xi32>
    %sign3A_1225 = tpu.bitcast %sign3A_1224 : vector<400x15xi32> -> vector<400x15xf32>
    %sign3A_1226 = math.absf %sub3A_1217 : vector<400x15xf32>
    %sign3A_1227 = arith.constant 0.000000e+00 : f32
    %sign3A_1228 = vector.broadcast %sign3A_1227 : f32 to vector<400x15xf32>
    %sign3A_1229 = arith.cmpf ogt, %sign3A_1226, %sign3A_1228 : vector<400x15xf32>
    %sign3A_1230 = arith.select %sign3A_1229, %sign3A_1225, %sub3A_1217 : vector<400x15xi1>, vector<400x15xf32>
    %max3A_1231 = arith.constant 0.000000e+00 : f32
    %max3A_1232 = vector.broadcast %max3A_1231 : f32 to vector<400x15xf32>
    %max3A_1233 = arith.maximumf %sign3A_1230, %max3A_1232 : vector<400x15xf32>
    %reduce_sum3A_1234 = arith.constant dense<0.000000e+00> : vector<400xf32>
    %reduce_sum3A_1235 = vector.multi_reduction <add>, %max3A_1233, %reduce_sum3A_1234 [1] : vector<400x15xf32> to vector<400xf32>
    %broadcast_in_dim3A_1236 = vector.shape_cast %reduce_sum3A_1235 : vector<400xf32> to vector<400x1xf32>
    %sub3A_1237 = arith.constant 5.000000e-01 : f32
    %sub3A_1238 = vector.broadcast %sub3A_1237 : f32 to vector<400x1xf32>
    %sub3A_1239 = arith.subf %sub3A_1238, %broadcast_in_dim3A_1236 : vector<400x1xf32>
    %sign3A_1240 = tpu.bitcast %sub3A_1239 : vector<400x1xf32> -> vector<400x1xi32>
    %sign3A_1241 = arith.constant -2147483648 : i32
    %sign3A_1242 = vector.broadcast %sign3A_1241 : i32 to vector<400x1xi32>
    %sign3A_1243 = arith.andi %sign3A_1240, %sign3A_1242 : vector<400x1xi32>
    %sign3A_1244 = arith.constant 1065353216 : i32
    %sign3A_1245 = vector.broadcast %sign3A_1244 : i32 to vector<400x1xi32>
    %sign3A_1246 = arith.ori %sign3A_1245, %sign3A_1243 : vector<400x1xi32>
    %sign3A_1247 = tpu.bitcast %sign3A_1246 : vector<400x1xi32> -> vector<400x1xf32>
    %sign3A_1248 = math.absf %sub3A_1239 : vector<400x1xf32>
    %sign3A_1249 = arith.constant 0.000000e+00 : f32
    %sign3A_1250 = vector.broadcast %sign3A_1249 : f32 to vector<400x1xf32>
    %sign3A_1251 = arith.cmpf ogt, %sign3A_1248, %sign3A_1250 : vector<400x1xf32>
    %sign3A_1252 = arith.select %sign3A_1251, %sign3A_1247, %sub3A_1239 : vector<400x1xi1>, vector<400x1xf32>
    %max3A_1253 = arith.constant 0.000000e+00 : f32
    %max3A_1254 = vector.broadcast %max3A_1253 : f32 to vector<400x1xf32>
    %max3A_1255 = arith.maximumf %sign3A_1252, %max3A_1254 : vector<400x1xf32>
    %mul3A_1256 = vector.broadcast %max3A_1255 : vector<400x1xf32> to vector<400x128xf32>
    %mul3A_1257 = arith.mulf %add3A_1203, %mul3A_1256 : vector<400x128xf32>
    %sub3A_1258 = arith.constant 1.000000e+00 : f32
    %sub3A_1259 = vector.broadcast %sub3A_1258 : f32 to vector<400x1xf32>
    %sub3A_1260 = arith.subf %sub3A_1259, %max3A_1255 : vector<400x1xf32>
    %mul3A_1261 = arith.constant -1.000000e+09 : f32
    %mul3A_1262 = vector.broadcast %mul3A_1261 : f32 to vector<400x1xf32>
    %mul3A_1263 = arith.mulf %sub3A_1260, %mul3A_1262 : vector<400x1xf32>
    %add3A_1264 = vector.broadcast %mul3A_1263 : vector<400x1xf32> to vector<400x128xf32>
    %add3A_1265 = arith.addf %mul3A_1257, %add3A_1264 : vector<400x128xf32>
    %swap3A_1266 = arith.constant 0 : index
    %swap3A_1267 = arith.constant 1 : index
    %swap3A_1268 = arith.constant 7 : index
    %swap3A_1269 = arith.constant 0 : index
    %swap3A_1270 = vector.load %arg11[%swap3A_1266, %swap3A_1267, %swap3A_1268, %swap3A_1269] : memref<400x2x8x128xf32, #tpu.memory_space<vmem>>, vector<400x1x1x128xf32>
    %swap3A_1271 = vector.shape_cast %swap3A_1270 : vector<400x1x1x128xf32> to vector<400x128xf32>
    %swap3A_1272 = vector.shape_cast %add3A_1265 : vector<400x128xf32> to vector<400x1x1x128xf32>
    tpu.vector_store %arg11[%swap3A_1266, %swap3A_1267, %swap3A_1268, %swap3A_1269], %swap3A_1272 {strides = array<i32>} : memref<400x2x8x128xf32, #tpu.memory_space<vmem>>, vector<400x1x1x128xf32>,
    return
  }
  func.func @transform_0(%arg0: i32) -> (i32, i32) {
    %c0_i32 = arith.constant 0 : i32
    %c0_i32_0 = arith.constant 0 : i32
    return %arg0, %c0_i32 : i32, i32
  }
  func.func @transform_1(%arg0: i32) -> (i32, i32) {
    %c0_i32 = arith.constant 0 : i32
    %c0_i32_0 = arith.constant 0 : i32
    return %arg0, %c0_i32 : i32, i32
  }
  func.func @transform_2(%arg0: i32) -> (i32, i32) {
    %c0_i32 = arith.constant 0 : i32
    %c0_i32_0 = arith.constant 0 : i32
    %c0_i32_1 = arith.constant 0 : i32
    return %c0_i32, %c0_i32_0 : i32, i32
  }
  func.func @transform_3(%arg0: i32) -> (i32, i32) {
    %c0_i32 = arith.constant 0 : i32
    %c0_i32_0 = arith.constant 0 : i32
    %c0_i32_1 = arith.constant 0 : i32
    return %c0_i32, %c0_i32_0 : i32, i32
  }
  func.func @transform_4(%arg0: i32) -> (i32, i32) {
    %c0_i32 = arith.constant 0 : i32
    %c0_i32_0 = arith.constant 0 : i32
    %c0_i32_1 = arith.constant 0 : i32
    return %c0_i32, %c0_i32_0 : i32, i32
  }
  func.func @transform_5(%arg0: i32) -> (i32, i32) {
    %c0_i32 = arith.constant 0 : i32
    %c0_i32_0 = arith.constant 0 : i32
    %c0_i32_1 = arith.constant 0 : i32
    return %c0_i32, %c0_i32_0 : i32, i32
  }
  func.func @transform_6(%arg0: i32) -> (i32, i32) {
    %c0_i32 = arith.constant 0 : i32
    %c0_i32_0 = arith.constant 0 : i32
    %c0_i32_1 = arith.constant 0 : i32
    return %c0_i32, %c0_i32_0 : i32, i32
  }
  func.func @transform_7(%arg0: i32) -> (i32, i32) {
    %c0_i32 = arith.constant 0 : i32
    %c0_i32_0 = arith.constant 0 : i32
    %c0_i32_1 = arith.constant 0 : i32
    return %c0_i32, %c0_i32_0 : i32, i32
  }
  func.func @transform_8(%arg0: i32) -> (i32, i32, i32) {
    %c0_i32 = arith.constant 0 : i32
    %c0_i32_0 = arith.constant 0 : i32
    %c0_i32_1 = arith.constant 0 : i32
    %c0_i32_2 = arith.constant 0 : i32
    return %c0_i32, %c0_i32_0, %c0_i32_1 : i32, i32, i32
  }
  func.func @transform_9(%arg0: i32) -> (i32, i32) {
    %c0_i32 = arith.constant 0 : i32
    %c0_i32_0 = arith.constant 0 : i32
    %c0_i32_1 = arith.constant 0 : i32
    return %c0_i32, %c0_i32_0 : i32, i32
  }
  func.func @transform_10(%arg0: i32) -> (i32, i32, i32, i32) {
    %c0_i32 = arith.constant 0 : i32
    %c0_i32_0 = arith.constant 0 : i32
    %c0_i32_1 = arith.constant 0 : i32
    %c0_i32_2 = arith.constant 0 : i32
    return %arg0, %c0_i32, %c0_i32_0, %c0_i32_1 : i32, i32, i32, i32
  }
}

module attributes {stable_mosaic.version = 14 : i64} {
  func.func @_stage_d_body(%arg0: i32, %arg1: memref<2x400x128xf32, #tpu.memory_space<vmem>>, %arg2: memref<128x128xf32, #tpu.memory_space<vmem>>, %arg3: memref<1x128xf32, #tpu.memory_space<vmem>>, %arg4: memref<128x288xf32, #tpu.memory_space<vmem>>, %arg5: memref<1x288xf32, #tpu.memory_space<vmem>>, %arg6: memref<400x288xf32, #tpu.memory_space<vmem>>, %arg7: memref<400x16xi32, #tpu.memory_space<vmem>>) attributes {dimension_semantics = [#tpu.dimension_semantics<arbitrary>], iteration_bounds = array<i64: 25>, scalar_prefetch = 0 : i64, scratch_operands = 0 : i64, tpu.core_type = #tpu.core_type<tc>, window_params = [{transform_indices = @transform_0, window_bounds = array<i64: 2, 400, 128>}, {pipeline_mode = #tpu.pipeline_mode<synchronous>, transform_indices = @transform_1, window_bounds = array<i64: 128, 128>}, {pipeline_mode = #tpu.pipeline_mode<synchronous>, transform_indices = @transform_2, window_bounds = array<i64: 1, 128>}, {pipeline_mode = #tpu.pipeline_mode<synchronous>, transform_indices = @transform_3, window_bounds = array<i64: 128, 288>}, {pipeline_mode = #tpu.pipeline_mode<synchronous>, transform_indices = @transform_4, window_bounds = array<i64: 1, 288>}, {transform_indices = @transform_5, window_bounds = array<i64: 400, 288>}, {transform_indices = @transform_6, window_bounds = array<i64: 400, 16>}]} {
    %get3A = arith.constant 0 : index
    %get3A_0 = arith.constant 0 : index
    %get3A_1 = arith.constant 0 : index
    %get3A_2 = vector.load %arg1[%get3A, %get3A_0, %get3A_1] : memref<2x400x128xf32, #tpu.memory_space<vmem>>, vector<1x400x128xf32>
    %get3A_3 = vector.shape_cast %get3A_2 : vector<1x400x128xf32> to vector<400x128xf32>
    %get3A_4 = arith.constant 1 : index
    %get3A_5 = arith.constant 0 : index
    %get3A_6 = arith.constant 0 : index
    %get3A_7 = vector.load %arg1[%get3A_4, %get3A_5, %get3A_6] : memref<2x400x128xf32, #tpu.memory_space<vmem>>, vector<1x400x128xf32>
    %get3A_8 = vector.shape_cast %get3A_7 : vector<1x400x128xf32> to vector<400x128xf32>
    %add3A = arith.addf %get3A_3, %get3A_8 : vector<400x128xf32>
    %get3A_9 = arith.constant 0 : index
    %get3A_10 = arith.constant 0 : index
    %get3A_11 = vector.load %arg2[%get3A_9, %get3A_10] : memref<128x128xf32, #tpu.memory_space<vmem>>, vector<128x128xf32>
    %dot_general3A = arith.constant dense<0.000000e+00> : vector<400x128xf32>
    %dot_general3A_12 = tpu.matmul %add3A, %get3A_11, %dot_general3A {dimension_numbers = #tpu.dot_dimension_numbers<[1], [0], [0], [1], [0, 0, 1, 1], [], []>, transpose_lhs_hint = false} : vector<400x128xf32>, vector<128x128xf32>, vector<400x128xf32> -> vector<400x128xf32>
    %get3A_13 = arith.constant 0 : index
    %get3A_14 = arith.constant 0 : index
    %get3A_15 = vector.load %arg3[%get3A_13, %get3A_14] : memref<1x128xf32, #tpu.memory_space<vmem>>, vector<1x128xf32>
    %add3A_16 = vector.broadcast %get3A_15 : vector<1x128xf32> to vector<400x128xf32>
    %add3A_17 = arith.addf %dot_general3A_12, %add3A_16 : vector<400x128xf32>
    %get3A_18 = arith.constant 0 : index
    %get3A_19 = arith.constant 0 : index
    %get3A_20 = vector.load %arg4[%get3A_18, %get3A_19] : memref<128x288xf32, #tpu.memory_space<vmem>>, vector<128x288xf32>
    %dot_general3A_21 = arith.constant dense<0.000000e+00> : vector<400x288xf32>
    %dot_general3A_22 = tpu.matmul %add3A_17, %get3A_20, %dot_general3A_21 {dimension_numbers = #tpu.dot_dimension_numbers<[1], [0], [0], [1], [0, 0, 1, 1], [], []>, transpose_lhs_hint = false} : vector<400x128xf32>, vector<128x288xf32>, vector<400x288xf32> -> vector<400x288xf32>
    %get3A_23 = arith.constant 0 : index
    %get3A_24 = arith.constant 0 : index
    %get3A_25 = vector.load %arg5[%get3A_23, %get3A_24] : memref<1x288xf32, #tpu.memory_space<vmem>>, vector<1x288xf32>
    %add3A_26 = vector.broadcast %get3A_25 : vector<1x288xf32> to vector<400x288xf32>
    %add3A_27 = arith.addf %dot_general3A_22, %add3A_26 : vector<400x288xf32>
    %swap3A = arith.constant 0 : index
    %swap3A_28 = arith.constant 0 : index
    %swap3A_29 = vector.load %arg6[%swap3A, %swap3A_28] : memref<400x288xf32, #tpu.memory_space<vmem>>, vector<400x288xf32>
    tpu.vector_store %arg6[%swap3A, %swap3A_28], %add3A_27 {strides = array<i32>} : memref<400x288xf32, #tpu.memory_space<vmem>>, vector<400x288xf32>,
    %iota3A = tpu.iota {dimensions = array<i32: 0>} : vector<400x16xi32>
    %mul3A = arith.constant 400 : i32
    %mul3A_30 = arith.muli %arg0, %mul3A : i32
    %add3A_31 = vector.broadcast %mul3A_30 : i32 to vector<400x16xi32>
    %add3A_32 = arith.addi %iota3A, %add3A_31 : vector<400x16xi32>
    %swap3A_33 = arith.constant 0 : index
    %swap3A_34 = arith.constant 0 : index
    %swap3A_35 = vector.load %arg7[%swap3A_33, %swap3A_34] : memref<400x16xi32, #tpu.memory_space<vmem>>, vector<400x16xi32>
    tpu.vector_store %arg7[%swap3A_33, %swap3A_34], %add3A_32 {strides = array<i32>} : memref<400x16xi32, #tpu.memory_space<vmem>>, vector<400x16xi32>,
    return
  }
  func.func @transform_0(%arg0: i32) -> (i32, i32, i32) {
    %c0_i32 = arith.constant 0 : i32
    %c0_i32_0 = arith.constant 0 : i32
    %c0_i32_1 = arith.constant 0 : i32
    return %c0_i32, %arg0, %c0_i32_0 : i32, i32, i32
  }
  func.func @transform_1(%arg0: i32) -> (i32, i32) {
    %c0_i32 = arith.constant 0 : i32
    %c0_i32_0 = arith.constant 0 : i32
    %c0_i32_1 = arith.constant 0 : i32
    return %c0_i32, %c0_i32_0 : i32, i32
  }
  func.func @transform_2(%arg0: i32) -> (i32, i32) {
    %c0_i32 = arith.constant 0 : i32
    %c0_i32_0 = arith.constant 0 : i32
    %c0_i32_1 = arith.constant 0 : i32
    return %c0_i32, %c0_i32_0 : i32, i32
  }
  func.func @transform_3(%arg0: i32) -> (i32, i32) {
    %c0_i32 = arith.constant 0 : i32
    %c0_i32_0 = arith.constant 0 : i32
    %c0_i32_1 = arith.constant 0 : i32
    return %c0_i32, %c0_i32_0 : i32, i32
  }
  func.func @transform_4(%arg0: i32) -> (i32, i32) {
    %c0_i32 = arith.constant 0 : i32
    %c0_i32_0 = arith.constant 0 : i32
    %c0_i32_1 = arith.constant 0 : i32
    return %c0_i32, %c0_i32_0 : i32, i32
  }
  func.func @transform_5(%arg0: i32) -> (i32, i32) {
    %c0_i32 = arith.constant 0 : i32
    %c0_i32_0 = arith.constant 0 : i32
    return %arg0, %c0_i32 : i32, i32
  }
  func.func @transform_6(%arg0: i32) -> (i32, i32) {
    %c0_i32 = arith.constant 0 : i32
    %c0_i32_0 = arith.constant 0 : i32
    return %arg0, %c0_i32 : i32, i32
  }
}

</mosaic_0001>

<sc_bundles>
// kernel: kernel.12.cloned.1.call-start
scs
__scs_entry_jumppad:
0x0: {  	(pc) =	sbr.rel $0x88, $3  }
0x1: {  	(tag) =	ssettag $0x0;
	lr =	simm.s32 $0x1  }
0x2: {  	[smem:$0x3F90] =	sst lr;
	_ =	strace $0xD0000000  }
0x3: {  	_ = 	snop  }
0x4: {  	_ = 	snop  }
0x5: {  	_ = 	snop  }
0x6: {  	_ = 	snop  }
0x7: {  	_ = 	snop  }
__scs_overlays_trampoline_lowered:
0x8: {  	[smem:$0x3F9F] =	sst s0  }
0x9: {  	[smem:$0x3FA0] =	sst s1  }
0xa: {  	[smem:$0x3FA1] =	sst s2  }
0xb: {  	[smem:$0x3FA2] =	sst s3  }
0xc: {  	[smem:$0x3FA3] =	sst s4  }
0xd: {  	[smem:$0x3FA4] =	sst s5  }
0xe: {  	[smem:$0x3FA5] =	sst s6  }
0xf: {  	[smem:$0x3FA6] =	sst s7  }
0x10: {  	[smem:$0x3FA7] =	sst s8  }
0x11: {  	[smem:$0x3FA8] =	sst s9;
	s0 =	simm.s32 @!p0 $0x0  }
0x12: {  	s1 =	sld [smem:$0x3F8E];
	s0 =	simm.s32 @p0 $0x1  }
0x13: {  	[smem:$0x3FA9] =	sst s0;
	s0 =	simm.s32 @!p1 $0x0  }
0x14: {  	s2 =	sld [smem:$0x3F8D];
	s0 =	simm.s32 @p1 $0x1  }
0x15: {  	[smem:$0x3FAA] =	sst s0;
	s0 =	simm.s32 @!p2 $0x0  }
0x16: {  	s3 =	sld [smem:$0x3FDB];
	s0 =	simm.s32 @p2 $0x1  }
0x17: {  	s4 =	simm.s32 $0x1BF5;
	[smem:$0x3FAC] =	sst s0  }
0x18: {  	s0 =	sld [smem:$0x3F8F];
	_ =	swait.ge [sflag:s4], $0x0  }
0x19: {  	s7 =	sld [smem:$0x3F90]  }
0x1a: {  	s8 =	sadd.s32 $0xFFFFE003, lr  }
0x1b: {  	s9 =	sadd.s32 $0xFFFFFEF7, lr;
	s5 =	simm.s32 $0xFFFFFFFF;
	p2 =	slt.u32 s8, $0xFFFFF086  }
0x1c: {  	p1 =	slt.u32 s9, $0xF7A;
	s5 =	simm.s32 @!p2 $0x0  }
0x1d: {  	s5 =	simm.s32 @p1 $0x1;
	p0 =	seq.s32 s7, s2  }
0x1e: {  	s7 =	smul.u32 @!p0 $0xF7A, s2;
	p2 =	seq.s32 @!p0 s5, $0x0  }
0x1f: {  	s9 =	smul.u32 $0xF7A, s1;
	s8 =	simm.s32 @!p0 $0x1BF5;
	p2 =	por !p2, p0  }
0x20: {  	[sflag:s8] =	ssyncset.s32 @!p0 $0xFFFFF086;
	s6 =	sadd.s32 @!p0 s3, s7;
	s7 =	simm.s32 @!p0 $0x108  }
0x21: {  	s3 =	sadd.s32 s3, s9;
	s6 =	sadd.s32 @!p0 $0x88, s6;
	s7 =	simm.s32 @p2 $0x1082  }
0x22: {  	[simem:s7], [sflag:s8] =	dma.local @!p0 [hbm:s6], $0xF7A  }
0x23: {  	s9 =	sor.u32 $0xD0000000, s2;
	s6 =	simm.s32 $0x108;
	_ =	swait.ge @!p0 [sflag:s8], $0x0  }
0x24: {  	s3 =	sadd.s32 $0x88, s3;
	s6 =	simm.s32 @!p1 $0x1082;
	[sflag:s4] =	ssyncset.s32 $0xFFFFF086  }
0x25: {  	[simem:s6], [sflag:s4] =	dma.local [hbm:s3], $0xF7A  }
0x26: {  	[smem:$0x3F90] =	sst s1;
	(tag) =	ssettag s2;
	_ =	strace s9  }
0x27: {  	s1 =	sld [smem:$0x3FA0]  }
0x28: {  	s2 =	sld [smem:$0x3FA1]  }
0x29: {  	s4 =	sld [smem:$0x3FA3]  }
0x2a: {  	p0 =	seq.s32 s5, $0x0;
	s5 =	sld [smem:$0x3FA4]  }
0x2b: {  	s6 =	sld [smem:$0x3FA5]  }
0x2c: {  	s7 =	sld [smem:$0x3FA6]  }
0x2d: {  	s3 =	simm.s32 $0x108;
	s8 =	sld [smem:$0x3FA7]  }
0x2e: {  	s3 =	simm.s32 @!p0 $0x1082;
	s9 =	sld [smem:$0x3FA8]  }
0x2f: {  	lr =	sadd.s32 s0, s3;
	s0 =	sld [smem:$0x3F9F]  }
0x30: {  	s3 =	sld [smem:$0x3FA2]  }
0x31: {  	[smem:$0x3FAB] =	sst s10  }
0x32: {  	s10 =	sld [smem:$0x3FA9];
	_ =	sdelay $0x3  }
0x33: {  	p0 =	seq.s32 s10, $0x1;
	s10 =	sld [smem:$0x3FAB];
	_ =	sdelay $0x3  }
0x34: {  	[smem:$0x3FAB] =	sst s10  }
0x35: {  	s10 =	sld [smem:$0x3FAA];
	_ =	sdelay $0x3  }
0x36: {  	p1 =	seq.s32 s10, $0x1;
	s10 =	sld [smem:$0x3FAB];
	_ =	sdelay $0x3  }
0x37: {  	[smem:$0x3FAB] =	sst s10  }
0x38: {  	s10 =	sld [smem:$0x3FAC]  }
0x39: {  	_ = 	snop;
	(pc) =	sbr.ind lr, $3  }
0x3a: {  	_ = 	snop  }
0x3b: {  	_ = 	snop  }
0x3c: {  	p2 =	seq.s32 s10, $0x1;
	s10 =	sld [smem:$0x3FAB]  }
0x3d: {  	_ =	shalt  }
0x3e: {  	_ =	shalt  }
0x3f: {  	_ =	shalt  }
0x40: {  	_ =	shalt  }
0x41: {  	_ =	shalt  }
0x42: {  	_ =	shalt  }
0x43: {  	_ =	shalt  }
0x44: {  	_ =	shalt  }
0x45: {  	_ =	shalt  }
0x46: {  	_ =	shalt  }
0x47: {  	_ =	shalt  }
0x48: {  	_ =	shalt  }
0x49: {  	_ =	shalt  }
0x4a: {  	_ =	shalt  }
0x4b: {  	_ =	shalt  }
0x4c: {  	_ =	shalt  }
0x4d: {  	_ =	shalt  }
0x4e: {  	_ =	shalt  }
0x4f: {  	_ =	shalt  }
0x50: {  	_ =	shalt  }
0x51: {  	_ =	shalt  }
0x52: {  	_ =	shalt  }
0x53: {  	_ =	shalt  }
0x54: {  	_ =	shalt  }
0x55: {  	_ =	shalt  }
0x56: {  	_ =	shalt  }
0x57: {  	_ =	shalt  }
0x58: {  	_ =	shalt  }
0x59: {  	_ =	shalt  }
0x5a: {  	_ =	shalt  }
0x5b: {  	_ =	shalt  }
0x5c: {  	_ =	shalt  }
0x5d: {  	_ =	shalt  }
0x5e: {  	_ =	shalt  }
0x5f: {  	_ =	shalt  }
0x60: {  	_ =	shalt  }
0x61: {  	_ =	shalt  }
0x62: {  	_ =	shalt  }
0x63: {  	_ =	shalt  }
0x64: {  	_ =	shalt  }
0x65: {  	_ =	shalt  }
0x66: {  	_ =	shalt  }
0x67: {  	_ =	shalt  }
0x68: {  	_ =	shalt  }
0x69: {  	_ =	shalt  }
0x6a: {  	_ =	shalt  }
0x6b: {  	_ =	shalt  }
0x6c: {  	_ =	shalt  }
0x6d: {  	_ =	shalt  }
0x6e: {  	_ =	shalt  }
0x6f: {  	_ =	shalt  }
0x70: {  	_ =	shalt  }
0x71: {  	_ =	shalt  }
0x72: {  	_ =	shalt  }
0x73: {  	_ =	shalt  }
0x74: {  	_ =	shalt  }
0x75: {  	_ =	shalt  }
0x76: {  	_ =	shalt  }
0x77: {  	_ =	shalt  }
0x78: {  	_ =	shalt  }
0x79: {  	_ =	shalt  }
0x7a: {  	_ =	shalt  }
0x7b: {  	_ =	shalt  }
0x7c: {  	_ =	shalt  }
0x7d: {  	_ =	shalt  }
0x7e: {  	_ =	shalt  }
0x7f: {  	_ =	shalt  }
0x80: {  	_ =	shalt  }
0x81: {  	_ =	shalt  }
0x82: {  	_ =	shalt  }
0x83: {  	_ =	shalt  }
0x84: {  	_ =	shalt  }
0x85: {  	_ =	shalt  }
0x86: {  	_ =	shalt  }
0x87: {  	_ =	shalt  }
.Lfunc_end0:
.L_simem_size_0:
called_computation.2_lowered:
.L_overlay_start_0:
0x88: {  	s2 =	sld [smem:$0x3FD9]  }
0x89: {  	s3 =	sld [smem:$0x3FFE];
	_ =	sdelay $0x1  }
0x8a: {  	s1 =	srdreg.scid  }
0x8b: {  	s0 =	sand.u32 $0x1, s1  }
0x8c: {  	s14 =	sshll.u32 s0, $0xA;
	s2 =	sadd.s32 s3, s2  }
0x8d: {  	s2 =	sadd.s32 s2, s14  }
0x8e: {  	[smem:$0x3FB7] =	sst s2  }
0x8f: {  	_ = 	snop  }
0x90: {  	s2 =	sld [smem:$0x3FD0];
	_ =	sdelay $0x2  }
0x91: {  	s15 =	simm.s32 $0xA;
	s4 =	simm.s32 $0x10  }
0x92: {  	[smem:s4], [sflag:s15] =	dma.local [hbm:s2], $0x1  }
0x93: {  	_ =	swait.eq [sflag:s15], $0x1  }
0x94: {  	[sflag:s15] =	ssyncset.done $0x0  }
0x95: {  	s16 =	sld [smem:$0x10];
	[sflag:s15] =	ssyncadd.s32 $0xFFFFFFFF  }
0x96: {  	s17 =	sld [smem:$0x11];
	(tm) =	ssettm $0x1  }
0x97: {  	s18 =	sld [smem:$0x3FFB];
	_ =	sdelay $0x3  }
0x98: {  	_ =	strace s18  }
0x99: {  	s4 =	sld [smem:$0x3FFC];
	_ =	sdelay $0x3  }
0x9a: {  	_ =	strace s4  }
0x9b: {  	s4 =	sld [smem:$0x3FFD];
	_ =	sdelay $0x3  }
0x9c: {  	_ =	strace s4  }
0x9d: {  	_ =	strace $0x8FFFFFFF  }
0x9e: {  	s19 =	sld [smem:$0x3FDB];
	_ =	sdelay $0x1  }
0x9f: {  	s5 =	simm.s32 $_scs_section_size  }
0xa0: {  	s6 =	simm.s32 $_size__tile_overlayer_lowered;
	s7 =	simm.s32 $_tile_overlayer_lowered  }
0xa1: {  	s22 =	simm.s32 $0x1BFF;
	s21 =	sshll.u32 s7, $0x1;
	s4 =	sadd.s32 s5, s19  }
0xa2: {  	s8 =	simm.s32 $0x0;
	s20 =	sshll.u32 s6, $0x1;
	s6 =	sadd.s32 s21, s4  }
0xa3: {  	[timem:s8], [sflag:s22] =	dma.local [hbm:s6], s20  }
0xa4: {  	_ =	swait.ge [sflag:s22], s20  }
0xa5: {  	s5 =	ssub.s32 $0x0, s20;
	[sflag:s22] =	ssyncset.done $0x0  }
0xa6: {  	[sflag:s22] =	ssyncadd.s32 s5;
	_ =	sdelay $0x1  }
0xa7: {  	s23 =	simm.s32 $0x1B8B  }
0xa8: {  	_ =	swait.ge [sflag:s23], $0x1  }
0xa9: {  	[sflag:s23] =	ssyncset.done $0x0  }
0xaa: {  	s25 =	simm.s32 $0x1B8E;
	s24 =	sld [smem:$0x3FFE];
	[sflag:s23] =	ssyncadd.s32 $0xFFFFFFFF  }
0xab: {  	s26 =	simm.s32 $execute0_lowered;
	[smem:$0x3FD2] =	sst s25  }
0xac: {  	s6 =	sshll.u32 s26, $0x1;
	_ =	strace $0x8000004C;
	[dreg:$0x1] =	wrdreg $0xFFFFFFFF  }
0xad: {  	s28 =	simm.s32 $_size_execute0_lowered;
	s4 =	sadd.s32 s4, s6;
	[dreg:$0x0] =	wrdreg $0x0  }
0xae: {  	s6 =	sshll.u32 s28, $0x1;
	[dreg:$0x2] =	wrdreg s4  }
0xaf: {  	[dreg:$0x3] =	wrdreg s6  }
0xb0: {  	[dreg:$0x4] =	wrdreg $0xC0  }
0xb1: {  	_ =	task [dreg:s8], $0x5FFFF  }
0xb2: {  	[dreg:$0x1] =	wrdreg $0xFFFFFFFF  }
0xb3: {  	[dreg:$0x0] =	wrdreg $0x60  }
0xb4: {  	[dreg:$0x2] =	wrdreg s24  }
0xb5: {  	[dreg:$0x3] =	wrdreg s17  }
0xb6: {  	[dreg:$0x4] =	wrdreg s16  }
0xb7: {  	[dreg:$0x5] =	wrdreg $0xA5800  }
0xb8: {  	[dreg:$0x6] =	wrdreg $0x9  }
0xb9: {  	_ =	task.clear_ibuf [dreg:s8], $0x7FFFF;
	_ =	strace $0x9000004C  }
0xba: {  	s29 =	simm.s32 $0x9;
	_ =	strace $0x8000004E  }
0xbb: {  	_ =	swait.ge [sflag:s29], $0x1  }
0xbc: {  	[sflag:s29] =	ssyncadd.s32 $0xFFFFFFFF  }
0xbd: {  	_ =	strace $0x9000004E  }
0xbe: {  	_ =	sfence  }
0xbf: {  	s30 =	sld [smem:$0x0];
	_ =	sdelay $0x2  }
0xc0: {  	s31 =	sshll.u32 s1, $0xD;
	s1 =	sshrl.u32 s1, $0x2  }
0xc1: {  	s3 =	sand.u32 $0x4000, s31;
	s1 =	sadd.s32 s1, s30  }
0xc2: {  	s0 =	sor.u32 s3, s0;
	s1 =	sshll.u32 s1, $0x11  }
0xc3: {  	s0 =	sor.u32 s1, s0  }
0xc4: {  	s0 =	sadd.s32 $0x8F2B, s0  }
0xc5: {  	[sflag:s0] =	ssyncadd.remote.s32 $0x1  }
0xc6: {  	_ =	sfence.sel $0xFFFF  }
0xc7: {  	[dreg:$0x0] =	wrdreg $0xFFFFFFFF;
	(pc) =	sbr.abs _section_cstart, $3  }
0xc8: {  	[dreg:$0x1] =	wrdreg $0xFFFFFFFF  }
0xc9: {  	_ =	task.clear_ibuf [dreg:s8], $0x2FFFF;
	_ =	strace $0x9FFFFFFF  }
0xca: {  	(tm) =	ssettm $0x7FFFFFFF  }
0xcb: {  	_ =	shalt  }
tec
execute0_lowered:
.L_overlay_start_1:
0x0: {  	(tag) =	ssettag $0x1  }
0x1: {  	s0 =	rddreg [dreg:$0x0]  }
0x2: {  	s1 =	rddreg [dreg:$0x2]  }
0x3: {  	s9 =	rddreg [dreg:$0x3];
	s19 =	simm.s32 $0x0;
	s2 =	srdreg.scid  }
0x4: {  	s12 =	stileid.u32;
	s15 =	simm.s32 $0xA180;
	s16 =	simm.s32 $0x3  }
0x5: {  	s17 =	simm.s32 $0x80;
	s29 =	simm.s32 $0x5180;
	s30 =	simm.s32 $0x5980  }
0x6: {  	s31 =	simm.s32 $0x6180;
	s13 =	simm.s32 $0x7980;
	s14 =	simm.s32 $0x20  }
0x7: {  	s18 =	simm.s32 $0x9180;
	[smem:$0x7FF] =	sst s19;
	s3 =	smul.u32 $0x4F000, s12  }
0x8: {  	s2 =	sand.u32 $0x1, s2;
	s5 =	sadd.s32 $0x42B800, s0;
	s6 =	sadd.s32 $0x192800, s0  }
0x9: {  	s11 =	smul.u32 $0x13C00, s12;
	s7 =	sadd.s32 $0x1C00, s0;
	s4 =	ssub.s32 $0x2, s2  }
0xa: {  	s10 =	smul.u32 $0x13C000, s2;
	s8 =	sshrl.u32 s4, $0x1;
	s3 =	sshrl.u32 s3, $0x2  }
0xb: {  	_ =	strace $0x8000004D;
	s4 =	ssub.s32 s4, s8;
	s8 =	sadd.s32 s3, s9  }
0xc: {  	s9 =	smul.u32 $0x2740, s12;
	s25 =	sadd.s32 s11, s10;
	s10 =	sadd.s32 $0x42B900, s0  }
0xd: {  	v0 =	vmov s2;
	s2 =	simm.s32 $0x2;
	s11 =	sadd.s32 $0x42BA00, s0;
	s12 =	sadd.s32 $0x42BB00, s0  }
0xe: {  	v4 =	vlaneseq.u32;
	s0 =	simm.s32 $0x6980;
	s3 =	sshrl.u32 s25, $0x3;
	s28 =	smax.u32 s4, $0x1  }
0xf: {  	v1 =	vimm.f32 $0.0e+00;
	vm0 =	vmmov $0xffff;
	v3 =	vshrl.u32 v4, $0x3;
	s4 =	simm.s32 $0x8180;
	s26 =	sadd.s32 s1, s3;
	[dreg:$0x7] =	wrdreg s28  }
0x10: {  	v2 =	vand.u32 $0x7, v4;
	v4 =	vor.u32 $0x8, v4;
	v3 =	vmul.u32 $0x8, v3;
	s3 =	simm.s32 $0x7180;
	s1 =	simm.s32 $0x1;
	[dreg:$0x6] =	wrdreg s26  }
.LBB2_1:
0x11: {  	[tilespmem:$0xA180] =	vst v1  }
0x12: {  	[tilespmem:$0xA190] =	vst v1  }
0x13: {  	[tilespmem:$0xA1A0] =	vst v1  }
0x14: {  	[tilespmem:$0xA1B0] =	vst v1  }
0x15: {  	[tilespmem:$0xA1C0] =	vst v1  }
0x16: {  	[tilespmem:$0xA1D0] =	vst v1  }
0x17: {  	[tilespmem:$0xA1E0] =	vst v1  }
0x18: {  	[tilespmem:$0xA1F0] =	vst v1  }
0x19: {  	[tilespmem:$0xA200] =	vst v1  }
0x1a: {  	[tilespmem:$0xA210] =	vst v1  }
0x1b: {  	[tilespmem:$0xA220] =	vst v1  }
0x1c: {  	[tilespmem:$0xA230] =	vst v1  }
0x1d: {  	[tilespmem:$0xA240] =	vst v1  }
0x1e: {  	[tilespmem:$0xA250] =	vst v1  }
0x1f: {  	[tilespmem:$0xA260] =	vst v1  }
0x20: {  	[tilespmem:$0xA270] =	vst v1  }
0x21: {  	[tilespmem:$0xA280] =	vst v1  }
0x22: {  	[tilespmem:$0xA290] =	vst v1  }
0x23: {  	[tilespmem:$0xA2A0] =	vst v1  }
0x24: {  	[tilespmem:$0xA2B0] =	vst v1  }
0x25: {  	[tilespmem:$0xA2C0] =	vst v1  }
0x26: {  	[tilespmem:$0xA2D0] =	vst v1  }
0x27: {  	[tilespmem:$0xA2E0] =	vst v1  }
0x28: {  	[tilespmem:$0xA2F0] =	vst v1  }
0x29: {  	[tilespmem:$0xA300] =	vst v1  }
0x2a: {  	[tilespmem:$0xA310] =	vst v1  }
0x2b: {  	[tilespmem:$0xA320] =	vst v1  }
0x2c: {  	[tilespmem:$0xA330] =	vst v1  }
0x2d: {  	[tilespmem:$0xA340] =	vst v1  }
0x2e: {  	[tilespmem:$0xA350] =	vst v1  }
0x2f: {  	[tilespmem:$0xA360] =	vst v1  }
0x30: {  	[tilespmem:$0xA370] =	vst v1  }
0x31: {  	[tilespmem:$0xA380] =	vst v1  }
0x32: {  	[tilespmem:$0xA390] =	vst v1  }
0x33: {  	[tilespmem:$0xA3A0] =	vst v1  }
0x34: {  	[tilespmem:$0xA3B0] =	vst v1  }
0x35: {  	[tilespmem:$0xA3C0] =	vst v1  }
0x36: {  	[tilespmem:$0xA3D0] =	vst v1  }
0x37: {  	[tilespmem:$0xA3E0] =	vst v1  }
0x38: {  	[tilespmem:$0xA3F0] =	vst v1  }
0x39: {  	[tilespmem:$0xA400] =	vst v1  }
0x3a: {  	[tilespmem:$0xA410] =	vst v1  }
0x3b: {  	[tilespmem:$0xA420] =	vst v1  }
0x3c: {  	[tilespmem:$0xA430] =	vst v1  }
0x3d: {  	[tilespmem:$0xA440] =	vst v1  }
0x3e: {  	[tilespmem:$0xA450] =	vst v1  }
0x3f: {  	[tilespmem:$0xA460] =	vst v1  }
0x40: {  	[tilespmem:$0xA470] =	vst v1  }
0x41: {  	[tilespmem:$0xA480] =	vst v1  }
0x42: {  	[tilespmem:$0xA490] =	vst v1  }
0x43: {  	[tilespmem:$0xA4A0] =	vst v1  }
0x44: {  	[tilespmem:$0xA4B0] =	vst v1  }
0x45: {  	[tilespmem:$0xA4C0] =	vst v1  }
0x46: {  	[tilespmem:$0xA4D0] =	vst v1  }
0x47: {  	[tilespmem:$0xA4E0] =	vst v1  }
0x48: {  	[tilespmem:$0xA4F0] =	vst v1  }
0x49: {  	[tilespmem:$0xA500] =	vst v1  }
0x4a: {  	[tilespmem:$0xA510] =	vst v1  }
0x4b: {  	[tilespmem:$0xA520] =	vst v1  }
0x4c: {  	[tilespmem:$0xA530] =	vst v1  }
0x4d: {  	[tilespmem:$0xA540] =	vst v1  }
0x4e: {  	[tilespmem:$0xA550] =	vst v1  }
0x4f: {  	[tilespmem:$0xA560] =	vst v1  }
0x50: {  	[dreg:$0x5] =	wrdreg s19;
	[tilespmem:$0xA570] =	vst v1;
	s28 =	sadd.s32 $0x0, s8  }
0x51: {  	[spmem:s28] =	stream.linear.scatter [tilespmem:s15], [sflag:$0x3], $0x400, $0x38;
	[tilespmem:$0x1E180] =	vst v63  }
0x52: {  	s19 =	simm.s32 $0x1000;
	_ =	swait.ge [sflag:s16], $0x400  }
.LBB2_2:
0x53: {  	s20 =	sshra.s32 s19, $0x2;
	[sflag:s16] =	ssyncset.done $0x0;
	p0 =	sne.s32 s19, $0x4E000  }
.Ltmp0:
0x54: {  	s20 =	sadd.s32 s20, s8;
	[sflag:s16] =	ssyncadd.s32 $0xFFFFFC00;
	(pc) =	sbr.rel @p0 .LBB2_2-.Ltmp0, $3  }
0x55: {  	[spmem:s20] =	stream.linear.scatter [tilespmem:s15], [sflag:$0x3], $0x400, $0x38;
	[tilespmem:$0x1E180] =	vst v63  }
0x56: {  	s19 =	sadd.s32 $0x1000, s19;
	_ =	sdelay $0x1  }
0x57: {  	_ =	swait.ge [sflag:s16], $0x400  }
0x58: {  	[sflag:s16] =	ssyncset.done $0x0  }
0x59: {  	[sflag:s16] =	ssyncadd.s32 $0xFFFFFC00  }
0x5a: {  	s19 =	simm.s32 $0x0;
	s20 =	simm.s32 $0x0;
	[bflag:$0x0] =	sbarrier.arrive $0xFFFF  }
.LBB2_4:
0x5b: {  	s21 =	sshll.u32 s20, $0x5  }
0x5c: {  	s21 =	sadd.s32 s9, s21  }
0x5d: {  	s22 =	rddreg [dreg:$0x1];
	s21 =	sshrl.u32 s21, $0x3  }
0x5e: {  	s22 =	sadd.s32 s22, s21  }
0x5f: {  	[tilespmem:s19], [sflag:$0x3] =	stream.linear.gather [hbm4b:s22+s19], $0x20, $0x38;
	[tilespmem:$0x1E180] =	vst v63  }
0x60: {  	_ =	swait.ge [sflag:s16], $0x20  }
0x61: {  	[sflag:s16] =	ssyncset.done $0x0  }
0x62: {  	s21 =	sadd.s32 s7, s21;
	[sflag:s16] =	ssyncadd.s32 $0xFFFFFFE0  }
0x63: {  	[tilespmem:s17], [sflag:$0x3] =	stream.linear.gather [hbm4b:s21+s19], $0x20, $0x38;
	[tilespmem:$0x1E180] =	vst v63  }
0x64: {  	_ =	swait.ge [sflag:s16], $0x20  }
0x65: {  	[sflag:s16] =	ssyncset.done $0x0  }
0x66: {  	[sflag:s16] =	ssyncadd.s32 $0xFFFFFFE0  }
0x67: {  	v5 =	vld [tilespmem:$0x0];
	_ =	sdelay $0x4  }
0x68: {  	v6 =	vshll.u32 v5, $0x1  }
0x69: {  	v5 =	vshll.u32 v5, $0x4;
	v6 =	vor.u32 v0, v6  }
0x6a: {  	v5 =	vand.u32 $0xFFFFFFC0, v5;
	v7 =	vand.u32 $0x7, v6  }
0x6b: {  	v8 =	vld [tilespmem:$0x10];
	v5 =	vor.u32 v5, v7  }
0x6c: {  	v7 =	vperm.xlane v5, v2;
	_ =	sdelay $0x1  }
0x6d: {  	v7 =	vadd.s32 v3, v7;
	_ =	sdelay $0x1  }
0x6e: {  	v8 =	vshll.u32 v8, $0x1  }
0x6f: {  	[tilespmem:$0x100] =	vst v6;
	v6 =	vor.u32 v0, v8  }
0x70: {  	s24 =	simm.s32 $0x180;
	[tilespmem:$0x110] =	vst v6  }
0x71: {  	[tilespmem:s24], [sflag:$0x1] =	stream.indirect_vreg.gather [hbm4b:s5+s19], $0x80, v7, vm0, $0xb8;
	[tilespmem:$0x1E180] =	vst v63  }
0x72: {  	s25 =	simm.s32 $0x980;
	v5 =	vperm.xlane v5, v4  }
0x73: {  	[tilespmem:s25], [sflag:$0x1] =	stream.indirect_vreg.gather [hbm4b:s10+s19], $0x80, v7, vm0, $0xb8;
	[tilespmem:$0x1E180] =	vst v63  }
0x74: {  	s26 =	simm.s32 $0x1180;
	v5 =	vadd.s32 v3, v5  }
0x75: {  	[tilespmem:s26], [sflag:$0x1] =	stream.indirect_vreg.gather [hbm4b:s11+s19], $0x80, v7, vm0, $0xb8;
	[tilespmem:$0x1E180] =	vst v63  }
0x76: {  	s28 =	simm.s32 $0x1980  }
0x77: {  	[tilespmem:s28], [sflag:$0x1] =	stream.indirect_vreg.gather [hbm4b:s12+s19], $0x80, v7, vm0, $0xb8;
	[tilespmem:$0x1E180] =	vst v63  }
0x78: {  	s22 =	simm.s32 $0x2180  }
0x79: {  	[tilespmem:s22], [sflag:$0x1] =	stream.indirect_vreg.gather [hbm4b:s5+s19], $0x80, v5, vm0, $0xb8;
	[tilespmem:$0x1E180] =	vst v63  }
0x7a: {  	s23 =	simm.s32 $0x2980  }
0x7b: {  	[tilespmem:s23], [sflag:$0x1] =	stream.indirect_vreg.gather [hbm4b:s10+s19], $0x80, v5, vm0, $0xb8;
	[tilespmem:$0x1E180] =	vst v63  }
0x7c: {  	s24 =	simm.s32 $0x3180  }
0x7d: {  	[tilespmem:s24], [sflag:$0x1] =	stream.indirect_vreg.gather [hbm4b:s11+s19], $0x80, v5, vm0, $0xb8;
	[tilespmem:$0x1E180] =	vst v63  }
0x7e: {  	s25 =	simm.s32 $0x3980  }
0x7f: {  	[tilespmem:s25], [sflag:$0x1] =	stream.indirect_vreg.gather [hbm4b:s12+s19], $0x80, v5, vm0, $0xb8;
	[tilespmem:$0x1E180] =	vst v63  }
0x80: {  	v5 =	vld [tilespmem:$0x110];
	_ =	sdelay $0x4  }
0x81: {  	v6 =	vshll.u32 v5, $0x3  }
0x82: {  	v5 =	vand.u32 $0x7, v5;
	v6 =	vand.u32 $0xFFFFFFC0, v6  }
0x83: {  	v5 =	vor.u32 v5, v6  }
0x84: {  	v6 =	vperm.xlane v5, v2;
	_ =	sdelay $0x1  }
0x85: {  	v6 =	vadd.s32 v3, v6;
	_ =	sdelay $0x3  }
0x86: {  	s26 =	simm.s32 $0x4180  }
0x87: {  	[tilespmem:s26], [sflag:$0x1] =	stream.indirect_vreg.gather [hbm4b:s5+s19], $0x80, v6, vm0, $0xb8;
	[tilespmem:$0x1E180] =	vst v63  }
0x88: {  	s28 =	simm.s32 $0x4980;
	v5 =	vperm.xlane v5, v4  }
0x89: {  	[tilespmem:s28], [sflag:$0x1] =	stream.indirect_vreg.gather [hbm4b:s10+s19], $0x80, v6, vm0, $0xb8;
	[tilespmem:$0x1E180] =	vst v63  }
0x8a: {  	v5 =	vadd.s32 v3, v5  }
0x8b: {  	[tilespmem:s29], [sflag:$0x1] =	stream.indirect_vreg.gather [hbm4b:s11+s19], $0x80, v6, vm0, $0xb8;
	[tilespmem:$0x1E180] =	vst v63  }
0x8c: {  	_ = 	snop  }
0x8d: {  	[tilespmem:s30], [sflag:$0x1] =	stream.indirect_vreg.gather [hbm4b:s12+s19], $0x80, v6, vm0, $0xb8;
	[tilespmem:$0x1E180] =	vst v63  }
0x8e: {  	_ = 	snop  }
0x8f: {  	[tilespmem:s31], [sflag:$0x1] =	stream.indirect_vreg.gather [hbm4b:s5+s19], $0x80, v5, vm0, $0xb8;
	[tilespmem:$0x1E180] =	vst v63  }
0x90: {  	_ = 	snop  }
0x91: {  	[tilespmem:s0], [sflag:$0x1] =	stream.indirect_vreg.gather [hbm4b:s10+s19], $0x80, v5, vm0, $0xb8;
	[tilespmem:$0x1E180] =	vst v63  }
0x92: {  	_ = 	snop  }
0x93: {  	[tilespmem:s3], [sflag:$0x1] =	stream.indirect_vreg.gather [hbm4b:s11+s19], $0x80, v5, vm0, $0xb8;
	[tilespmem:$0x1E180] =	vst v63  }
0x94: {  	_ = 	snop  }
0x95: {  	[tilespmem:s13], [sflag:$0x1] =	stream.indirect_vreg.gather [hbm4b:s12+s19], $0x80, v5, vm0, $0xb8;
	[tilespmem:$0x1E180] =	vst v63  }
0x96: {  	_ = 	snop  }
0x97: {  	[tilespmem:s4], [sflag:$0x2] =	stream.indirect.gather [hbm4b:s6+s14], $0x80, s17, s14, $0xb8;
	[tilespmem:$0x1E180] =	vst v63  }
0x98: {  	_ =	swait.ge [sflag:s1], $0x8000  }
0x99: {  	[sflag:s1] =	ssyncset.done $0x0  }
0x9a: {  	[sflag:s1] =	ssyncadd.s32 $0xFFFF8000  }
0x9b: {  	s21 =	simm.s32 $0x81C0;
	_ =	swait.ge [sflag:s2], $0x1000  }
0x9c: {  	s22 =	simm.s32 $0x91C0;
	s23 =	simm.s32 $0x0;
	[sflag:s2] =	ssyncset.done $0x0  }
0x9d: {  	s24 =	simm.s32 $0x0;
	s25 =	simm.s32 $0x0;
	[sflag:s2] =	ssyncadd.s32 $0xFFFFF000  }
.LBB2_5:
0x9e: {  	v12 =	vld [tilespmem:s21+$0xFFFFFFC0]  }
0x9f: {  	v11 =	vld [tilespmem:s21+$0xFFFFFFD0]  }
0xa0: {  	v10 =	vld [tilespmem:s21+$0xFFFFFFE0]  }
0xa1: {  	v9 =	vld [tilespmem:s21+$0xFFFFFFF0]  }
0xa2: {  	v8 =	vld [tilespmem:s21+$0x0]  }
0xa3: {  	v7 =	vld [tilespmem:s21+$0x10]  }
0xa4: {  	v6 =	vld [tilespmem:s21+$0x20];
	s26 =	sand.u32 $0x6000, s24;
	s28 =	sand.u32 $0x380, s25  }
0xa5: {  	v5 =	vld [tilespmem:s21+$0x30];
	s26 =	sor.u32 s28, s26  }
0xa6: {  	v13 =	vld [tilespmem:s26+$0x180]  }
0xa7: {  	v14 =	vld [tilespmem:s26+$0x190]  }
0xa8: {  	v15 =	vld [tilespmem:s26+$0x1A0]  }
0xa9: {  	v16 =	vld [tilespmem:s26+$0x1B0]  }
0xaa: {  	v17 =	vld [tilespmem:s26+$0x1C0]  }
0xab: {  	v18 =	vld [tilespmem:s26+$0x1D0]  }
0xac: {  	v19 =	vld [tilespmem:s26+$0x1E0]  }
0xad: {  	v20 =	vld [tilespmem:s26+$0x1F0]  }
0xae: {  	v21 =	vld [tilespmem:s26+$0x580]  }
0xaf: {  	v22 =	vld [tilespmem:s26+$0x590]  }
0xb0: {  	v23 =	vld [tilespmem:s26+$0x5A0]  }
0xb1: {  	v24 =	vld [tilespmem:s26+$0x5B0]  }
0xb2: {  	v25 =	vld [tilespmem:s26+$0x5C0]  }
0xb3: {  	v26 =	vld [tilespmem:s26+$0x5D0]  }
0xb4: {  	v27 =	vld [tilespmem:s26+$0x5E0]  }
0xb5: {  	v28 =	vld [tilespmem:s26+$0x5F0]  }
0xb6: {  	v29 =	vld [tilespmem:s26+$0x980]  }
0xb7: {  	v30 =	vld [tilespmem:s26+$0x990]  }
0xb8: {  	v31 =	vld [tilespmem:s26+$0x9A0]  }
0xb9: {  	v32 =	vld [tilespmem:s26+$0x9B0]  }
0xba: {  	v33 =	vld [tilespmem:s26+$0x9C0]  }
0xbb: {  	v34 =	vld [tilespmem:s26+$0x9D0]  }
0xbc: {  	v35 =	vld [tilespmem:s26+$0x9E0]  }
0xbd: {  	v36 =	vld [tilespmem:s26+$0x9F0]  }
0xbe: {  	v37 =	vld [tilespmem:s26+$0xD80];
	v13 =	vmax.f32 v13, v12  }
0xbf: {  	v38 =	vld [tilespmem:s26+$0xD90];
	v14 =	vmax.f32 v14, v11;
	v15 =	vmax.f32 v15, v10;
	v16 =	vmax.f32 v16, v9  }
0xc0: {  	v39 =	vld [tilespmem:s26+$0xDA0];
	v17 =	vmax.f32 v17, v8;
	v21 =	vmax.f32 v21, v12;
	v18 =	vmax.f32 v18, v7  }
0xc1: {  	v40 =	vld [tilespmem:s26+$0xDB0];
	v61 =	vmax.f32 v22, v11;
	v62 =	vmax.f32 v23, v10;
	v19 =	vmax.f32 v19, v6  }
0xc2: {  	v41 =	vld [tilespmem:s26+$0xDC0];
	v63 =	vmax.f32 v24, v9;
	v43 =	vmax.f32 v25, v8;
	v20 =	vmax.f32 v20, v5  }
0xc3: {  	v42 =	vld [tilespmem:s26+$0xDF0];
	v45 =	vmax.f32 v26, v7;
	v46 =	vmax.f32 v27, v6;
	v47 =	vmax.f32 v28, v5  }
0xc4: {  	v44 =	vld [tilespmem:s26+$0x1180];
	v48 =	vmax.f32 v29, v12;
	v49 =	vmax.f32 v30, v11;
	v50 =	vmax.f32 v31, v10  }
0xc5: {  	v52 =	vld [tilespmem:s26+$0x11D0];
	v51 =	vmax.f32 v32, v9;
	v53 =	vmax.f32 v33, v8;
	v54 =	vmax.f32 v34, v7  }
0xc6: {  	v59 =	vld [tilespmem:s26+$0x1590];
	v55 =	vmax.f32 v35, v6;
	v13 =	vadd.f32 $0.0e+00, v13;
	v14 =	vadd.f32 $0.0e+00, v14  }
0xc7: {  	v22 =	vld [tilespmem:s26+$0xDD0];
	v56 =	vmax.f32 v36, v5;
	v15 =	vadd.f32 $0.0e+00, v15;
	v16 =	vadd.f32 $0.0e+00, v16  }
0xc8: {  	v23 =	vld [tilespmem:s26+$0xDE0];
	v57 =	vmax.f32 v37, v12;
	v17 =	vadd.f32 $0.0e+00, v17;
	v18 =	vadd.f32 $0.0e+00, v18  }
0xc9: {  	v26 =	vld [tilespmem:s26+$0x1190];
	v58 =	vmax.f32 v38, v11;
	v19 =	vadd.f32 $0.0e+00, v19;
	v20 =	vadd.f32 $0.0e+00, v20  }
0xca: {  	v27 =	vld [tilespmem:s26+$0x11A0];
	v60 =	vmax.f32 v39, v10;
	v13 =	vadd.f32 v21, v13;
	v14 =	vadd.f32 v61, v14  }
0xcb: {  	v29 =	vld [tilespmem:s26+$0x11B0];
	v42 =	vmax.f32 v42, v5;
	v15 =	vadd.f32 v62, v15;
	v16 =	vadd.f32 v63, v16  }
0xcc: {  	v28 =	vld [tilespmem:s26+$0x11C0];
	v44 =	vmax.f32 v44, v12;
	v17 =	vadd.f32 v43, v17;
	v18 =	vadd.f32 v45, v18  }
0xcd: {  	v30 =	vld [tilespmem:s26+$0x11E0];
	v52 =	vmax.f32 v52, v7;
	v19 =	vadd.f32 v46, v19;
	v20 =	vadd.f32 v47, v20  }
0xce: {  	v33 =	vld [tilespmem:s26+$0x11F0];
	v59 =	vmax.f32 v59, v11;
	v13 =	vadd.f32 v48, v13;
	v14 =	vadd.f32 v49, v14  }
0xcf: {  	v32 =	vld [tilespmem:s26+$0x1580];
	v61 =	vmax.f32 v40, v9;
	v15 =	vadd.f32 v50, v15;
	v16 =	vadd.f32 v51, v16  }
0xd0: {  	v34 =	vld [tilespmem:s26+$0x15A0];
	v62 =	vmax.f32 v41, v8;
	v17 =	vadd.f32 v53, v17;
	v18 =	vadd.f32 v54, v18  }
0xd1: {  	v36 =	vld [tilespmem:s26+$0x19F0];
	v19 =	vadd.f32 v55, v19;
	v20 =	vadd.f32 v56, v20;
	v39 =	vmax.f32 v22, v7  }
0xd2: {  	v63 =	vld [tilespmem:s26+$0x15B0];
	v41 =	vmax.f32 v23, v6;
	v46 =	vmax.f32 v26, v11;
	v47 =	vmax.f32 v27, v10  }
0xd3: {  	v40 =	vld [tilespmem:s26+$0x15C0];
	v49 =	vmax.f32 v29, v9;
	v13 =	vadd.f32 v57, v13;
	v14 =	vadd.f32 v58, v14  }
0xd4: {  	v43 =	vld [tilespmem:s26+$0x15D0];
	v51 =	vmax.f32 v28, v8;
	v15 =	vadd.f32 v60, v15;
	v16 =	vadd.f32 v61, v16  }
0xd5: {  	v45 =	vld [tilespmem:s26+$0x15E0];
	v54 =	vmax.f32 v30, v6;
	v17 =	vadd.f32 v62, v17;
	v18 =	vadd.f32 v39, v18  }
0xd6: {  	v48 =	vld [tilespmem:s26+$0x15F0];
	v56 =	vmax.f32 v33, v5;
	v19 =	vadd.f32 v41, v19;
	v20 =	vadd.f32 v42, v20  }
0xd7: {  	v50 =	vld [tilespmem:s26+$0x1980];
	v57 =	vmax.f32 v32, v12;
	v61 =	vmax.f32 v34, v10;
	v62 =	vmax.f32 v63, v9  }
0xd8: {  	v53 =	vld [tilespmem:s26+$0x1990];
	v33 =	vmax.f32 v40, v8;
	v13 =	vadd.f32 v44, v13;
	v14 =	vadd.f32 v46, v14  }
0xd9: {  	v55 =	vld [tilespmem:s26+$0x19A0];
	v35 =	vmax.f32 v43, v7;
	v15 =	vadd.f32 v47, v15;
	v16 =	vadd.f32 v49, v16  }
0xda: {  	s28 =	sand.u32 $0x7, s23;
	v58 =	vld [tilespmem:s26+$0x19B0];
	v23 =	vmax.f32 v45, v6;
	v17 =	vadd.f32 v51, v17;
	v18 =	vadd.f32 v52, v18  }
0xdb: {  	s28 =	sshll.u32 s28, $0x7;
	v60 =	vld [tilespmem:s26+$0x19C0];
	v19 =	vadd.f32 v54, v19;
	v20 =	vadd.f32 v56, v20;
	v37 =	vmax.f32 v48, v5  }
0xdc: {  	s28 =	sadd.s32 s28, s24;
	v34 =	vld [tilespmem:s26+$0x19E0];
	v39 =	vmax.f32 v50, v12;
	v13 =	vadd.f32 v57, v13;
	v14 =	vadd.f32 v59, v14  }
0xdd: {  	v63 =	vld [tilespmem:s26+$0x19D0];
	s26 =	sor.u32 $0x1C00, s28;
	v40 =	vmax.f32 v53, v11;
	v15 =	vadd.f32 v61, v15;
	v16 =	vadd.f32 v62, v16  }
0xde: {  	v38 =	vld [tilespmem:s26+$0x180];
	s26 =	sor.u32 $0x1C10, s28;
	v42 =	vmax.f32 v55, v10;
	v17 =	vadd.f32 v33, v17;
	v18 =	vadd.f32 v35, v18  }
0xdf: {  	v41 =	vld [tilespmem:s26+$0x180];
	s26 =	sor.u32 $0x1C20, s28;
	v50 =	vmax.f32 v36, v5;
	v19 =	vadd.f32 v23, v19;
	v20 =	vadd.f32 v37, v20  }
0xe0: {  	v43 =	vld [tilespmem:s26+$0x180];
	v44 =	vmax.f32 v58, v9;
	v45 =	vmax.f32 v60, v8;
	v13 =	vadd.f32 v39, v13  }
0xe1: {  	s26 =	sor.u32 $0x1C30, s28;
	v49 =	vmax.f32 v34, v6;
	v14 =	vadd.f32 v40, v14;
	v15 =	vadd.f32 v42, v15  }
0xe2: {  	v46 =	vld [tilespmem:s26+$0x180];
	s26 =	sor.u32 $0x1C40, s28;
	v16 =	vadd.f32 v44, v16;
	v17 =	vadd.f32 v45, v17;
	v47 =	vmax.f32 v63, v7  }
0xe3: {  	v48 =	vld [tilespmem:s26+$0x180];
	s26 =	sor.u32 $0x1C50, s28;
	v19 =	vadd.f32 v49, v19;
	v20 =	vadd.f32 v50, v20;
	v51 =	vmax.f32 v38, v12  }
0xe4: {  	v18 =	vadd.f32 v47, v18;
	v52 =	vld [tilespmem:s26+$0x180];
	s26 =	sor.u32 $0x1C60, s28;
	v12 =	vmul.f32 $8.000000000e+00, v12;
	v13 =	vadd.f32 v51, v13  }
0xe5: {  	s28 =	sor.u32 $0x1C70, s28;
	v53 =	vmax.f32 v41, v11;
	v55 =	vld [tilespmem:s26+$0x180];
	v11 =	vmul.f32 $8.000000000e+00, v11;
	v54 =	vmax.f32 v43, v10  }
0xe6: {  	v58 =	vld [tilespmem:s28+$0x180];
	v14 =	vadd.f32 v53, v14;
	v10 =	vmul.f32 $8.000000000e+00, v10;
	v15 =	vadd.f32 v54, v15  }
0xe7: {  	v56 =	vmax.f32 v46, v9;
	v12 =	vsub.f32 v13, v12;
	v9 =	vmul.f32 $8.000000000e+00, v9  }
0xe8: {  	v57 =	vmax.f32 v48, v8;
	v16 =	vadd.f32 v56, v16;
	v11 =	vsub.f32 v14, v11  }
0xe9: {  	v8 =	vmul.f32 $8.000000000e+00, v8;
	v17 =	vadd.f32 v57, v17;
	v59 =	vmax.f32 v52, v7  }
0xea: {  	[tilespmem:s22+$0xFFFFFFC0] =	vst v12;
	v10 =	vsub.f32 v15, v10;
	v7 =	vmul.f32 $8.000000000e+00, v7;
	v13 =	vadd.f32 v59, v18  }
0xeb: {  	v60 =	vmax.f32 v55, v6;
	[tilespmem:s22+$0xFFFFFFD0] =	vst v11;
	v9 =	vsub.f32 v16, v9;
	v62 =	vmax.f32 v58, v5  }
0xec: {  	p0 =	sne.s32 s25, $0xF80;
	v6 =	vmul.f32 $8.000000000e+00, v6;
	v61 =	vadd.f32 v60, v19;
	[tilespmem:s22+$0xFFFFFFE0] =	vst v10;
	v8 =	vsub.f32 v17, v8  }
.Ltmp1:
0xed: {  	v5 =	vmul.f32 $8.000000000e+00, v5;
	v63 =	vadd.f32 v62, v20;
	[tilespmem:s22+$0xFFFFFFF0] =	vst v9;
	v7 =	vsub.f32 v13, v7;
	(pc) =	sbr.rel @p0 .LBB2_5-.Ltmp1, $4  }
0xee: {  	[tilespmem:s22+$0x0] =	vst v8;
	v6 =	vsub.f32 v61, v6  }
0xef: {  	v5 =	vsub.f32 v63, v5;
	[tilespmem:s22+$0x10] =	vst v7  }
0xf0: {  	s21 =	sadd.s32 $0x80, s21;
	s25 =	sadd.s32 $0x80, s25;
	[tilespmem:s22+$0x20] =	vst v6  }
0xf1: {  	s23 =	sadd.s32 $0x1, s23;
	s24 =	sadd.s32 $0x400, s24;
	[tilespmem:s22+$0x30] =	vst v5;
	s22 =	sadd.s32 $0x80, s22  }
0xf2: {  	s20 =	sadd.s32 $0x1, s20  }
0xf3: {  	p0 =	sne.s32 s20, $0x13A  }
.Ltmp2:
0xf4: {  	s21 =	rddreg [dreg:$0x3];
	(pc) =	sbr.rel @p0 .LBB2_4-.Ltmp2, $4  }
0xf5: {  	[spmem:s21] =	stream.indirect.scatter.add.f32 [tilespmem:s18], [sflag:$0x3], $0x80, s17, s14, $0xb8;
	[tilespmem:$0x1E180] =	vst v63  }
0xf6: {  	_ =	swait.ge [sflag:s16], $0x1000  }
0xf7: {  	[sflag:s16] =	ssyncset.done $0x0  }
0xf8: {  	[sflag:s16] =	ssyncadd.s32 $0xFFFFF000  }
0xf9: {  	s19 =	stileid.u32  }
0xfa: {  	[bflag:$0x0] =	sbarrier.arrive $0xFFFF;
	s19 =	sshll.u32 s19, $0x6  }
0xfb: {  	s20 =	sshrl.u32 s8, $0x3;
	s21 =	rddreg [dreg:$0x6];
	s19 =	sor.u32 $0x1C03, s19  }
0xfc: {  	[hbm:s21], [sflag:s19] =	dma.local [spmem:s20], $0x2780  }
0xfd: {  	_ =	swait.ge [sflag:s16], $0x2780  }
0xfe: {  	s26 =	rddreg [dreg:$0x5]  }
0xff: {  	s28 =	rddreg [dreg:$0x7];
	s19 =	sadd.s32 $0x1, s26  }
0x100: {  	p0 =	sne.s32 s19, s28  }
.Ltmp3:
0x101: {  	_ = 	snop;
	(pc) =	sbr.rel @p0 .LBB2_1-.Ltmp3, $3  }
0x102: {  	_ =	sdelay $0x1  }
0x103: {  	[sflag:s16] =	ssyncset.done $0x0  }
0x104: {  	[sflag:s16] =	ssyncadd.s32 $0xFFFFD880  }
0x105: {  	_ =	sfence.sel $0x180000  }
0x106: {  	[bflag:$0x0] =	sbarrier.arrive $0xFFFF  }
0x107: {  	_ =	strace $0x9000004D  }
0x108: {  	s0 =	stileid.u32;
	[bflag:$0x2] =	sbarrier.arrive $0xFFFF  }
0x109: {  	p0 =	sne.s32 s0, $0x0;
	s0 =	rddreg [dreg:$0x4]  }
0x10a: {  	s0 =	sadd.s32 @!p0 $0x100000, s0  }
0x10b: {  	[sflag:s0] =	ssyncadd.tile.s32 @!p0 $0x1;
	_ =	shalt  }
.Lfunc_end2:
_tile_overlayer_lowered:
.L_overlay_start_2:
0x10c: {  	(tag) =	ssettag $0x2  }
0x10d: {  	s0 =	rddreg [dreg:$0x0];
	s2 =	stileid.u32  }
0x10e: {  	s1 =	rddreg [dreg:$0x1];
	p0 =	sne.s32 s2, $0x0  }
0x10f: {  	s3 =	rddreg [dreg:$0x2];
	[bflag:$0x3] =	sbarrier.arrive $0xFFFF;
	s2 =	simm.s32 @!p0 $0x1C03  }
0x110: {  	[timem:s3], [sflag:s2] =	dma.local @!p0 [hbm:s0], s1  }
0x111: {  	s0 =	simm.s32 @!p0 $0x3  }
0x112: {  	_ =	swait.ge @!p0 [sflag:s0], s1  }
0x113: {  	s1 =	ssub.s32 @!p0 $0x0, s1;
	[sflag:s0] =	ssyncset.done @!p0 $0x0  }
0x114: {  	[sflag:s0] =	ssyncadd.s32 @!p0 s1  }
0x115: {  	[bflag:$0x3] =	sbarrier.arrive $0xFFFF  }
0x116: {  	_ =	shalt  }

// kernel: kernel.9.cloned.1.call-start
scs
__scs_entry_jumppad:
0x0: {  	(pc) =	sbr.rel $0x88, $3  }
0x1: {  	(tag) =	ssettag $0x0;
	lr =	simm.s32 $0x1  }
0x2: {  	[smem:$0x3F90] =	sst lr;
	_ =	strace $0xD0000000  }
0x3: {  	_ = 	snop  }
0x4: {  	_ = 	snop  }
0x5: {  	_ = 	snop  }
0x6: {  	_ = 	snop  }
0x7: {  	_ = 	snop  }
__scs_overlays_trampoline_lowered:
0x8: {  	[smem:$0x3F9F] =	sst s0  }
0x9: {  	[smem:$0x3FA0] =	sst s1  }
0xa: {  	[smem:$0x3FA1] =	sst s2  }
0xb: {  	[smem:$0x3FA2] =	sst s3  }
0xc: {  	[smem:$0x3FA3] =	sst s4  }
0xd: {  	[smem:$0x3FA4] =	sst s5  }
0xe: {  	[smem:$0x3FA5] =	sst s6  }
0xf: {  	[smem:$0x3FA6] =	sst s7  }
0x10: {  	[smem:$0x3FA7] =	sst s8  }
0x11: {  	[smem:$0x3FA8] =	sst s9;
	s0 =	simm.s32 @!p0 $0x0  }
0x12: {  	s1 =	sld [smem:$0x3F8E];
	s0 =	simm.s32 @p0 $0x1  }
0x13: {  	[smem:$0x3FA9] =	sst s0;
	s0 =	simm.s32 @!p1 $0x0  }
0x14: {  	s2 =	sld [smem:$0x3F8D];
	s0 =	simm.s32 @p1 $0x1  }
0x15: {  	[smem:$0x3FAA] =	sst s0;
	s0 =	simm.s32 @!p2 $0x0  }
0x16: {  	s3 =	sld [smem:$0x3FDB];
	s0 =	simm.s32 @p2 $0x1  }
0x17: {  	s4 =	simm.s32 $0x1BF5;
	[smem:$0x3FAC] =	sst s0  }
0x18: {  	s0 =	sld [smem:$0x3F8F];
	_ =	swait.ge [sflag:s4], $0x0  }
0x19: {  	s7 =	sld [smem:$0x3F90]  }
0x1a: {  	s8 =	sadd.s32 $0xFFFFE003, lr  }
0x1b: {  	s9 =	sadd.s32 $0xFFFFFEF7, lr;
	s5 =	simm.s32 $0xFFFFFFFF;
	p2 =	slt.u32 s8, $0xFFFFF086  }
0x1c: {  	p1 =	slt.u32 s9, $0xF7A;
	s5 =	simm.s32 @!p2 $0x0  }
0x1d: {  	s5 =	simm.s32 @p1 $0x1;
	p0 =	seq.s32 s7, s2  }
0x1e: {  	s7 =	smul.u32 @!p0 $0xF7A, s2;
	p2 =	seq.s32 @!p0 s5, $0x0  }
0x1f: {  	s9 =	smul.u32 $0xF7A, s1;
	s8 =	simm.s32 @!p0 $0x1BF5;
	p2 =	por !p2, p0  }
0x20: {  	[sflag:s8] =	ssyncset.s32 @!p0 $0xFFFFF086;
	s6 =	sadd.s32 @!p0 s3, s7;
	s7 =	simm.s32 @!p0 $0x108  }
0x21: {  	s3 =	sadd.s32 s3, s9;
	s6 =	sadd.s32 @!p0 $0x88, s6;
	s7 =	simm.s32 @p2 $0x1082  }
0x22: {  	[simem:s7], [sflag:s8] =	dma.local @!p0 [hbm:s6], $0xF7A  }
0x23: {  	s9 =	sor.u32 $0xD0000000, s2;
	s6 =	simm.s32 $0x108;
	_ =	swait.ge @!p0 [sflag:s8], $0x0  }
0x24: {  	s3 =	sadd.s32 $0x88, s3;
	s6 =	simm.s32 @!p1 $0x1082;
	[sflag:s4] =	ssyncset.s32 $0xFFFFF086  }
0x25: {  	[simem:s6], [sflag:s4] =	dma.local [hbm:s3], $0xF7A  }
0x26: {  	[smem:$0x3F90] =	sst s1;
	(tag) =	ssettag s2;
	_ =	strace s9  }
0x27: {  	s1 =	sld [smem:$0x3FA0]  }
0x28: {  	s2 =	sld [smem:$0x3FA1]  }
0x29: {  	s4 =	sld [smem:$0x3FA3]  }
0x2a: {  	p0 =	seq.s32 s5, $0x0;
	s5 =	sld [smem:$0x3FA4]  }
0x2b: {  	s6 =	sld [smem:$0x3FA5]  }
0x2c: {  	s7 =	sld [smem:$0x3FA6]  }
0x2d: {  	s3 =	simm.s32 $0x108;
	s8 =	sld [smem:$0x3FA7]  }
0x2e: {  	s3 =	simm.s32 @!p0 $0x1082;
	s9 =	sld [smem:$0x3FA8]  }
0x2f: {  	lr =	sadd.s32 s0, s3;
	s0 =	sld [smem:$0x3F9F]  }
0x30: {  	s3 =	sld [smem:$0x3FA2]  }
0x31: {  	[smem:$0x3FAB] =	sst s10  }
0x32: {  	s10 =	sld [smem:$0x3FA9];
	_ =	sdelay $0x3  }
0x33: {  	p0 =	seq.s32 s10, $0x1;
	s10 =	sld [smem:$0x3FAB];
	_ =	sdelay $0x3  }
0x34: {  	[smem:$0x3FAB] =	sst s10  }
0x35: {  	s10 =	sld [smem:$0x3FAA];
	_ =	sdelay $0x3  }
0x36: {  	p1 =	seq.s32 s10, $0x1;
	s10 =	sld [smem:$0x3FAB];
	_ =	sdelay $0x3  }
0x37: {  	[smem:$0x3FAB] =	sst s10  }
0x38: {  	s10 =	sld [smem:$0x3FAC]  }
0x39: {  	_ = 	snop;
	(pc) =	sbr.ind lr, $3  }
0x3a: {  	_ = 	snop  }
0x3b: {  	_ = 	snop  }
0x3c: {  	p2 =	seq.s32 s10, $0x1;
	s10 =	sld [smem:$0x3FAB]  }
0x3d: {  	_ =	shalt  }
0x3e: {  	_ =	shalt  }
0x3f: {  	_ =	shalt  }
0x40: {  	_ =	shalt  }
0x41: {  	_ =	shalt  }
0x42: {  	_ =	shalt  }
0x43: {  	_ =	shalt  }
0x44: {  	_ =	shalt  }
0x45: {  	_ =	shalt  }
0x46: {  	_ =	shalt  }
0x47: {  	_ =	shalt  }
0x48: {  	_ =	shalt  }
0x49: {  	_ =	shalt  }
0x4a: {  	_ =	shalt  }
0x4b: {  	_ =	shalt  }
0x4c: {  	_ =	shalt  }
0x4d: {  	_ =	shalt  }
0x4e: {  	_ =	shalt  }
0x4f: {  	_ =	shalt  }
0x50: {  	_ =	shalt  }
0x51: {  	_ =	shalt  }
0x52: {  	_ =	shalt  }
0x53: {  	_ =	shalt  }
0x54: {  	_ =	shalt  }
0x55: {  	_ =	shalt  }
0x56: {  	_ =	shalt  }
0x57: {  	_ =	shalt  }
0x58: {  	_ =	shalt  }
0x59: {  	_ =	shalt  }
0x5a: {  	_ =	shalt  }
0x5b: {  	_ =	shalt  }
0x5c: {  	_ =	shalt  }
0x5d: {  	_ =	shalt  }
0x5e: {  	_ =	shalt  }
0x5f: {  	_ =	shalt  }
0x60: {  	_ =	shalt  }
0x61: {  	_ =	shalt  }
0x62: {  	_ =	shalt  }
0x63: {  	_ =	shalt  }
0x64: {  	_ =	shalt  }
0x65: {  	_ =	shalt  }
0x66: {  	_ =	shalt  }
0x67: {  	_ =	shalt  }
0x68: {  	_ =	shalt  }
0x69: {  	_ =	shalt  }
0x6a: {  	_ =	shalt  }
0x6b: {  	_ =	shalt  }
0x6c: {  	_ =	shalt  }
0x6d: {  	_ =	shalt  }
0x6e: {  	_ =	shalt  }
0x6f: {  	_ =	shalt  }
0x70: {  	_ =	shalt  }
0x71: {  	_ =	shalt  }
0x72: {  	_ =	shalt  }
0x73: {  	_ =	shalt  }
0x74: {  	_ =	shalt  }
0x75: {  	_ =	shalt  }
0x76: {  	_ =	shalt  }
0x77: {  	_ =	shalt  }
0x78: {  	_ =	shalt  }
0x79: {  	_ =	shalt  }
0x7a: {  	_ =	shalt  }
0x7b: {  	_ =	shalt  }
0x7c: {  	_ =	shalt  }
0x7d: {  	_ =	shalt  }
0x7e: {  	_ =	shalt  }
0x7f: {  	_ =	shalt  }
0x80: {  	_ =	shalt  }
0x81: {  	_ =	shalt  }
0x82: {  	_ =	shalt  }
0x83: {  	_ =	shalt  }
0x84: {  	_ =	shalt  }
0x85: {  	_ =	shalt  }
0x86: {  	_ =	shalt  }
0x87: {  	_ =	shalt  }
.Lfunc_end0:
.L_simem_size_0:
called_computation.1_lowered:
.L_overlay_start_0:
0x88: {  	s2 =	sld [smem:$0x3FD9]  }
0x89: {  	s3 =	sld [smem:$0x3FFE];
	_ =	sdelay $0x1  }
0x8a: {  	s1 =	srdreg.scid  }
0x8b: {  	s0 =	sand.u32 $0x1, s1  }
0x8c: {  	s14 =	sshll.u32 s0, $0xA;
	s2 =	sadd.s32 s3, s2  }
0x8d: {  	s2 =	sadd.s32 s2, s14  }
0x8e: {  	[smem:$0x3FB7] =	sst s2  }
0x8f: {  	_ = 	snop  }
0x90: {  	s2 =	sld [smem:$0x3FD0];
	_ =	sdelay $0x2  }
0x91: {  	s15 =	simm.s32 $0xA;
	s4 =	simm.s32 $0x10  }
0x92: {  	[smem:s4], [sflag:s15] =	dma.local [hbm:s2], $0x1  }
0x93: {  	_ =	swait.eq [sflag:s15], $0x1  }
0x94: {  	[sflag:s15] =	ssyncset.done $0x0  }
0x95: {  	[sflag:s15] =	ssyncadd.s32 $0xFFFFFFFF  }
0x96: {  	s16 =	sld [smem:$0x10];
	(tm) =	ssettm $0x1  }
0x97: {  	s17 =	sld [smem:$0x3FFB];
	_ =	sdelay $0x3  }
0x98: {  	_ =	strace s17  }
0x99: {  	s3 =	sld [smem:$0x3FFC];
	_ =	sdelay $0x3  }
0x9a: {  	_ =	strace s3  }
0x9b: {  	s3 =	sld [smem:$0x3FFD];
	_ =	sdelay $0x3  }
0x9c: {  	_ =	strace s3  }
0x9d: {  	_ =	strace $0x8FFFFFFF  }
0x9e: {  	s18 =	sld [smem:$0x3FDB];
	_ =	sdelay $0x1  }
0x9f: {  	s19 =	simm.s32 $_scs_section_size  }
0xa0: {  	s5 =	simm.s32 $_size__tile_overlayer_lowered;
	s6 =	simm.s32 $_tile_overlayer_lowered  }
0xa1: {  	s22 =	simm.s32 $0x1BFF;
	s21 =	sshll.u32 s6, $0x1;
	s3 =	sadd.s32 s19, s18  }
0xa2: {  	s7 =	simm.s32 $0x0;
	s20 =	sshll.u32 s5, $0x1;
	s5 =	sadd.s32 s21, s3  }
0xa3: {  	[timem:s7], [sflag:s22] =	dma.local [hbm:s5], s20  }
0xa4: {  	_ =	swait.ge [sflag:s22], s20  }
0xa5: {  	s4 =	ssub.s32 $0x0, s20;
	[sflag:s22] =	ssyncset.done $0x0  }
0xa6: {  	[sflag:s22] =	ssyncadd.s32 s4;
	_ =	sdelay $0x1  }
0xa7: {  	s23 =	simm.s32 $0x1B8B  }
0xa8: {  	_ =	swait.ge [sflag:s23], $0x1  }
0xa9: {  	[sflag:s23] =	ssyncset.done $0x0  }
0xaa: {  	s25 =	simm.s32 $0x1B8E;
	s24 =	sld [smem:$0x3FFE];
	[sflag:s23] =	ssyncadd.s32 $0xFFFFFFFF  }
0xab: {  	s26 =	simm.s32 $execute0_lowered;
	[smem:$0x3FD2] =	sst s25  }
0xac: {  	s5 =	sshll.u32 s26, $0x1;
	_ =	strace $0x80000046;
	[dreg:$0x1] =	wrdreg $0xFFFFFFFF  }
0xad: {  	s28 =	simm.s32 $_size_execute0_lowered;
	s3 =	sadd.s32 s3, s5;
	[dreg:$0x0] =	wrdreg $0x0  }
0xae: {  	s5 =	sshll.u32 s28, $0x1;
	[dreg:$0x2] =	wrdreg s3  }
0xaf: {  	[dreg:$0x3] =	wrdreg s5  }
0xb0: {  	[dreg:$0x4] =	wrdreg $0xC0  }
0xb1: {  	_ =	task [dreg:s7], $0x5FFFF  }
0xb2: {  	[dreg:$0x1] =	wrdreg $0xFFFFFFFF  }
0xb3: {  	[dreg:$0x0] =	wrdreg $0x60  }
0xb4: {  	[dreg:$0x2] =	wrdreg s24  }
0xb5: {  	[dreg:$0x3] =	wrdreg s16  }
0xb6: {  	[dreg:$0x4] =	wrdreg $0x9D000  }
0xb7: {  	[dreg:$0x5] =	wrdreg $0x9  }
0xb8: {  	_ =	task.clear_ibuf [dreg:s7], $0x6FFFF;
	_ =	strace $0x90000046  }
0xb9: {  	s29 =	simm.s32 $0x9;
	_ =	strace $0x80000048  }
0xba: {  	_ =	swait.ge [sflag:s29], $0x1  }
0xbb: {  	[sflag:s29] =	ssyncadd.s32 $0xFFFFFFFF  }
0xbc: {  	_ =	strace $0x90000048  }
0xbd: {  	_ =	sfence  }
0xbe: {  	s30 =	sld [smem:$0x0];
	_ =	sdelay $0x2  }
0xbf: {  	s31 =	sshll.u32 s1, $0xD;
	s1 =	sshrl.u32 s1, $0x2  }
0xc0: {  	s3 =	sand.u32 $0x4000, s31;
	s1 =	sadd.s32 s1, s30  }
0xc1: {  	s0 =	sor.u32 s3, s0;
	s1 =	sshll.u32 s1, $0x11  }
0xc2: {  	s0 =	sor.u32 s1, s0  }
0xc3: {  	s0 =	sadd.s32 $0x8F2B, s0  }
0xc4: {  	[sflag:s0] =	ssyncadd.remote.s32 $0x1  }
0xc5: {  	_ =	sfence.sel $0xFFFF  }
0xc6: {  	[dreg:$0x0] =	wrdreg $0xFFFFFFFF;
	(pc) =	sbr.abs _section_cstart, $3  }
0xc7: {  	[dreg:$0x1] =	wrdreg $0xFFFFFFFF  }
0xc8: {  	_ =	task.clear_ibuf [dreg:s7], $0x2FFFF;
	_ =	strace $0x9FFFFFFF  }
0xc9: {  	(tm) =	ssettm $0x7FFFFFFF  }
tec
execute0_lowered:
.L_overlay_start_1:
0x0: {  	(tag) =	ssettag $0x1  }
0x1: {  	s8 =	rddreg [dreg:$0x0]  }
0x2: {  	s1 =	rddreg [dreg:$0x1]  }
0x3: {  	s2 =	rddreg [dreg:$0x2];
	s3 =	srdreg.scid  }
0x4: {  	s0 =	rddreg [dreg:$0x3];
	s4 =	simm.s32 $0x0;
	s17 =	simm.s32 $0x8100  }
0x5: {  	s18 =	simm.s32 $0x3;
	s19 =	simm.s32 $0x80;
	s20 =	simm.s32 $0x100  }
0x6: {  	s21 =	simm.s32 $0x4100;
	s23 =	simm.s32 $0x2;
	s7 =	sand.u32 $0x1, s3  }
0x7: {  	s3 =	stileid.u32;
	s5 =	sadd.s32 $0x1BA800, s8;
	s22 =	smul.u32 $0x1400, s7  }
0x8: {  	[smem:$0x7FF] =	sst s4;
	s6 =	sadd.s32 $0x188800, s8;
	s9 =	smul.u32 $0x140, s3  }
0x9: {  	_ =	strace $0x80000047;
	s10 =	smul.u32 $0x28000, s3;
	s11 =	ssub.s32 $0x2, s7  }
0xa: {  	s12 =	smul.u32 $0x28800, s3;
	s7 =	sadd.s32 $0x18D800, s8;
	s29 =	sshrl.u32 s11, $0x1  }
0xb: {  	s9 =	sadd.s32 s9, s22;
	s11 =	ssub.s32 s11, s29;
	s30 =	sshrl.u32 s10, $0x2  }
0xc: {  	s31 =	sshrl.u32 s12, $0x2;
	v0 =	vmov s22;
	s22 =	simm.s32 $0x1;
	s9 =	sshll.u32 s9, $0x4  }
0xd: {  	s24 =	sadd.s32 s30, s2;
	s11 =	smax.u32 s11, $0x1;
	s13 =	sadd.s32 s9, s8  }
0xe: {  	s8 =	smul.u32 $0x50, s3;
	s9 =	sadd.s32 s31, s2;
	s24 =	sshrl.u32 s24, $0x3  }
0xf: {  	s10 =	sadd.s32 $0x1C00, s13;
	s12 =	sadd.s32 $0x1B00, s9;
	s13 =	sadd.s32 $0x3600, s9  }
0x10: {  	v1 =	vimm.f32 $0.0e+00;
	s14 =	sadd.s32 $0x5100, s9;
	s15 =	sadd.s32 $0x6C00, s9;
	s16 =	sadd.s32 $0x8700, s9  }
.LBB2_1:
0x11: {  	s25 =	simm.s32 $0x0;
	s26 =	simm.s32 $0x200  }
.LBB2_2:
0x12: {  	p0 =	sne.s32 s26, $0x6A00;
	[tilespmem:s25+$0x8170] =	vst v1  }
0x13: {  	[tilespmem:s25+$0x8100] =	vst v1  }
0x14: {  	[tilespmem:s25+$0x8110] =	vst v1  }
.Ltmp0:
0x15: {  	[tilespmem:s25+$0x8120] =	vst v1;
	(pc) =	sbr.rel @p0 .LBB2_2-.Ltmp0, $4  }
0x16: {  	[tilespmem:s25+$0x8130] =	vst v1  }
0x17: {  	[tilespmem:s25+$0x8140] =	vst v1  }
0x18: {  	[tilespmem:s25+$0x8150] =	vst v1  }
0x19: {  	[tilespmem:s25+$0x8160] =	vst v1;
	s25 =	sshra.s32 s26, $0x2;
	s26 =	sadd.s32 $0x200, s26  }
0x1a: {  	[tilespmem:s25+$0x8170] =	vst v1  }
0x1b: {  	[tilespmem:s25+$0x8100] =	vst v1  }
0x1c: {  	[tilespmem:s25+$0x8110] =	vst v1  }
0x1d: {  	[tilespmem:s25+$0x8120] =	vst v1  }
0x1e: {  	[tilespmem:s25+$0x8130] =	vst v1  }
0x1f: {  	[tilespmem:s25+$0x8140] =	vst v1  }
0x20: {  	[tilespmem:s25+$0x8150] =	vst v1  }
0x21: {  	[tilespmem:s25+$0x8160] =	vst v1  }
0x22: {  	[spmem:s9] =	stream.linear.scatter [tilespmem:s17], [sflag:$0x3], $0x1B00, $0x38;
	[tilespmem:$0x13F00] =	vst v63  }
0x23: {  	_ =	swait.ge [sflag:s18], $0x1B00  }
0x24: {  	[sflag:s18] =	ssyncset.done $0x0  }
0x25: {  	[sflag:s18] =	ssyncadd.s32 $0xFFFFE500  }
0x26: {  	[spmem:s12] =	stream.linear.scatter [tilespmem:s17], [sflag:$0x3], $0x1B00, $0x38;
	[tilespmem:$0x13F00] =	vst v63  }
0x27: {  	_ =	swait.ge [sflag:s18], $0x1B00  }
0x28: {  	[sflag:s18] =	ssyncset.done $0x0  }
0x29: {  	[sflag:s18] =	ssyncadd.s32 $0xFFFFE500  }
0x2a: {  	[spmem:s13] =	stream.linear.scatter [tilespmem:s17], [sflag:$0x3], $0x1B00, $0x38;
	[tilespmem:$0x13F00] =	vst v63  }
0x2b: {  	_ =	swait.ge [sflag:s18], $0x1B00  }
0x2c: {  	[sflag:s18] =	ssyncset.done $0x0  }
0x2d: {  	[sflag:s18] =	ssyncadd.s32 $0xFFFFE500  }
0x2e: {  	[spmem:s14] =	stream.linear.scatter [tilespmem:s17], [sflag:$0x3], $0x1B00, $0x38;
	[tilespmem:$0x13F00] =	vst v63  }
0x2f: {  	_ =	swait.ge [sflag:s18], $0x1B00  }
0x30: {  	[sflag:s18] =	ssyncset.done $0x0  }
0x31: {  	[sflag:s18] =	ssyncadd.s32 $0xFFFFE500  }
0x32: {  	[spmem:s15] =	stream.linear.scatter [tilespmem:s17], [sflag:$0x3], $0x1B00, $0x38;
	[tilespmem:$0x13F00] =	vst v63  }
0x33: {  	_ =	swait.ge [sflag:s18], $0x1B00  }
0x34: {  	[sflag:s18] =	ssyncset.done $0x0  }
0x35: {  	[sflag:s18] =	ssyncadd.s32 $0xFFFFE500  }
0x36: {  	[spmem:s16] =	stream.linear.scatter [tilespmem:s17], [sflag:$0x3], $0x1B00, $0x38;
	[tilespmem:$0x13F00] =	vst v63  }
0x37: {  	_ =	swait.ge [sflag:s18], $0x1B00  }
0x38: {  	[sflag:s18] =	ssyncset.done $0x0  }
0x39: {  	[sflag:s18] =	ssyncadd.s32 $0xFFFFE500  }
0x3a: {  	s25 =	simm.s32 $0x0;
	s26 =	simm.s32 $0x0;
	[bflag:$0x0] =	sbarrier.arrive $0xFFFF  }
.LBB2_4:
0x3b: {  	s28 =	sadd.s32 s8, s26  }
0x3c: {  	s28 =	sshll.u32 s28, $0x4  }
0x3d: {  	s29 =	sadd.s32 s6, s28  }
0x3e: {  	[tilespmem:s25], [sflag:$0x3] =	stream.linear.gather [hbm4b:s29+s25], $0x80, $0x38;
	[tilespmem:$0x13F00] =	vst v63  }
0x3f: {  	_ =	swait.ge [sflag:s18], $0x80  }
0x40: {  	[sflag:s18] =	ssyncset.done $0x0  }
0x41: {  	s28 =	sadd.s32 s7, s28;
	[sflag:s18] =	ssyncadd.s32 $0xFFFFFF80  }
0x42: {  	[tilespmem:s19], [sflag:$0x3] =	stream.linear.gather [hbm4b:s28+s25], $0x80, $0x38;
	[tilespmem:$0x13F00] =	vst v63  }
0x43: {  	_ =	swait.ge [sflag:s18], $0x80  }
0x44: {  	[sflag:s18] =	ssyncset.done $0x0  }
0x45: {  	[sflag:s18] =	ssyncadd.s32 $0xFFFFFF80  }
0x46: {  	[tilespmem:s20], [sflag:$0x1] =	stream.indirect.gather [hbm4b:s5+s19], $0x80, s25, s19, $0xb8;
	[tilespmem:$0x13F00] =	vst v63  }
0x47: {  	_ = 	snop  }
0x48: {  	[tilespmem:s21], [sflag:$0x2] =	stream.indirect.gather [hbm4b:s1+s19], $0x80, s19, s19, $0xb8;
	[tilespmem:$0x13F00] =	vst v63  }
0x49: {  	_ =	swait.ge [sflag:s22], $0x4000  }
0x4a: {  	[sflag:s22] =	ssyncset.done $0x0  }
0x4b: {  	[sflag:s22] =	ssyncadd.s32 $0xFFFFC000  }
0x4c: {  	_ =	swait.ge [sflag:s23], $0x4000  }
0x4d: {  	[sflag:s23] =	ssyncset.done $0x0  }
0x4e: {  	s28 =	simm.s32 $0x0;
	[sflag:s23] =	ssyncadd.s32 $0xFFFFC000  }
0x4f: {  	v8 =	vld [tilespmem:s28+$0x4100]  }
0x50: {  	v13 =	vld [tilespmem:s28+$0x4110]  }
0x51: {  	v7 =	vld [tilespmem:s28+$0x4120]  }
0x52: {  	v6 =	vld [tilespmem:s28+$0x4130]  }
0x53: {  	v5 =	vld [tilespmem:s28+$0x4140]  }
0x54: {  	v4 =	vld [tilespmem:s28+$0x4150]  }
0x55: {  	v3 =	vld [tilespmem:s28+$0x4160]  }
0x56: {  	v2 =	vld [tilespmem:s28+$0x4170]  }
0x57: {  	v14 =	vld [tilespmem:s28+$0x100]  }
0x58: {  	v15 =	vld [tilespmem:s28+$0x110]  }
0x59: {  	v12 =	vld [tilespmem:s28+$0x120]  }
0x5a: {  	v11 =	vld [tilespmem:s28+$0x130]  }
0x5b: {  	v10 =	vld [tilespmem:s28+$0x140]  }
0x5c: {  	v9 =	vld [tilespmem:s28+$0x150];
	v14 =	vsub.f32 v14, v8  }
0x5d: {  	s29 =	simm.s32 $0x200;
	v13 =	vsub.f32 v15, v13;
	v8 =	vld [tilespmem:s28+$0x160]  }
.LBB2_5:
0x5e: {  	s30 =	sshra.s32 s29, $0x2;
	p0 =	sne.s32 s29, $0xFE00;
	v14 =	vmax.f32 v14, $0.0e+00;
	v7 =	vsub.f32 v12, v7;
	v12 =	vld [tilespmem:s28+$0x170]  }
0x5f: {  	v15 =	vld [tilespmem:s30+$0x4100];
	[tilespmem:s28+$0x100] =	vst v14;
	v13 =	vmax.f32 v13, $0.0e+00;
	v6 =	vsub.f32 v11, v6  }
0x60: {  	v16 =	vld [tilespmem:s30+$0x4110];
	[tilespmem:s28+$0x110] =	vst v13;
	v11 =	vmax.f32 v7, $0.0e+00;
	v5 =	vsub.f32 v10, v5  }
0x61: {  	v7 =	vld [tilespmem:s30+$0x4120];
	[tilespmem:s28+$0x120] =	vst v11;
	v10 =	vmax.f32 v6, $0.0e+00;
	v4 =	vsub.f32 v9, v4  }
0x62: {  	v6 =	vld [tilespmem:s30+$0x4130];
	[tilespmem:s28+$0x130] =	vst v10;
	v9 =	vmax.f32 v5, $0.0e+00;
	v3 =	vsub.f32 v8, v3  }
0x63: {  	v5 =	vld [tilespmem:s30+$0x4140];
	[tilespmem:s28+$0x140] =	vst v9;
	v8 =	vmax.f32 v4, $0.0e+00;
	v2 =	vsub.f32 v12, v2  }
0x64: {  	v4 =	vld [tilespmem:s30+$0x4150];
	[tilespmem:s28+$0x150] =	vst v8;
	v8 =	vmax.f32 v3, $0.0e+00  }
0x65: {  	v3 =	vld [tilespmem:s30+$0x4160];
	[tilespmem:s28+$0x160] =	vst v8;
	v8 =	vmax.f32 v2, $0.0e+00  }
0x66: {  	v2 =	vld [tilespmem:s30+$0x4170];
	[tilespmem:s28+$0x170] =	vst v8;
	s28 =	smov.u32 s30  }
0x67: {  	v8 =	vld [tilespmem:s28+$0x100]  }
0x68: {  	v13 =	vld [tilespmem:s28+$0x110]  }
.Ltmp1:
0x69: {  	v12 =	vld [tilespmem:s28+$0x120];
	(pc) =	sbr.rel @p0 .LBB2_5-.Ltmp1, $4  }
0x6a: {  	v11 =	vld [tilespmem:s28+$0x130]  }
0x6b: {  	v10 =	vld [tilespmem:s28+$0x140]  }
0x6c: {  	v14 =	vsub.f32 v8, v15;
	v9 =	vld [tilespmem:s28+$0x150]  }
0x6d: {  	s29 =	sadd.s32 $0x200, s29;
	v13 =	vsub.f32 v13, v16;
	v8 =	vld [tilespmem:s28+$0x160]  }
0x6e: {  	v14 =	vmax.f32 v14, $0.0e+00;
	v7 =	vsub.f32 v12, v7;
	v61 =	vld [tilespmem:s28+$0x170]  }
0x6f: {  	[tilespmem:s28+$0x100] =	vst v14;
	v13 =	vmax.f32 v13, $0.0e+00;
	v6 =	vsub.f32 v11, v6  }
0x70: {  	[tilespmem:s28+$0x110] =	vst v13;
	v7 =	vmax.f32 v7, $0.0e+00;
	v5 =	vsub.f32 v10, v5  }
0x71: {  	[tilespmem:s28+$0x120] =	vst v7;
	v6 =	vmax.f32 v6, $0.0e+00;
	v4 =	vsub.f32 v9, v4  }
0x72: {  	[tilespmem:s28+$0x130] =	vst v6;
	v5 =	vmax.f32 v5, $0.0e+00;
	v3 =	vsub.f32 v8, v3  }
0x73: {  	[tilespmem:s28+$0x140] =	vst v5;
	v4 =	vmax.f32 v4, $0.0e+00;
	v2 =	vsub.f32 v61, v2  }
0x74: {  	[tilespmem:s28+$0x150] =	vst v4;
	v3 =	vmax.f32 v3, $0.0e+00  }
0x75: {  	[tilespmem:s28+$0x160] =	vst v3;
	v2 =	vmax.f32 v2, $0.0e+00  }
0x76: {  	[tilespmem:s28+$0x170] =	vst v2  }
0x77: {  	v2 =	vld [tilespmem:$0x80]  }
0x78: {  	v3 =	vld [tilespmem:$0x90]  }
0x79: {  	v4 =	vld [tilespmem:$0xA0]  }
0x7a: {  	v5 =	vld [tilespmem:$0xB0]  }
0x7b: {  	v6 =	vld [tilespmem:$0xC0]  }
0x7c: {  	v7 =	vld [tilespmem:$0xD0];
	v2 =	vsub.s32 v2, v0  }
0x7d: {  	v62 =	vld [tilespmem:$0xE0];
	v3 =	vsub.s32 v3, v0;
	v2 =	vmin.u32 v2, $0x1400  }
0x7e: {  	v63 =	vld [tilespmem:$0xF0];
	[tilespmem:$0x80] =	vst v2;
	v2 =	vmin.u32 v3, $0x1400;
	v3 =	vsub.s32 v4, v0  }
0x7f: {  	[tilespmem:$0x90] =	vst v2;
	v2 =	vmin.u32 v3, $0x1400;
	v3 =	vsub.s32 v5, v0  }
0x80: {  	[tilespmem:$0xA0] =	vst v2;
	v2 =	vmin.u32 v3, $0x1400;
	v3 =	vsub.s32 v6, v0  }
0x81: {  	[tilespmem:$0xB0] =	vst v2;
	v2 =	vmin.u32 v3, $0x1400;
	v3 =	vsub.s32 v7, v0  }
0x82: {  	[tilespmem:$0xC0] =	vst v2;
	v2 =	vmin.u32 v3, $0x1400;
	v3 =	vsub.s32 v62, v0  }
0x83: {  	s26 =	sadd.s32 $0x1, s26;
	[tilespmem:$0xD0] =	vst v2;
	v2 =	vmin.u32 v3, $0x1400;
	v3 =	vsub.s32 v63, v0  }
0x84: {  	p0 =	sne.s32 s26, $0x50;
	[tilespmem:$0xE0] =	vst v2;
	v2 =	vmin.u32 v3, $0x1400  }
.Ltmp2:
0x85: {  	[tilespmem:$0xF0] =	vst v2;
	(pc) =	sbr.rel @p0 .LBB2_4-.Ltmp2, $4  }
0x86: {  	[spmem:s2] =	stream.indirect.scatter.add.f32 [tilespmem:s20], [sflag:$0x3], $0x80, s19, s19, $0xb8;
	[tilespmem:$0x13F00] =	vst v63  }
0x87: {  	_ =	swait.ge [sflag:s18], $0x4000  }
0x88: {  	[sflag:s18] =	ssyncset.done $0x0  }
0x89: {  	[sflag:s18] =	ssyncadd.s32 $0xFFFFC000  }
0x8a: {  	s4 =	sadd.s32 $0x1, s4  }
0x8b: {  	s25 =	sshll.u32 s3, $0x6;
	p0 =	sne.s32 s4, s11  }
.Ltmp3:
0x8c: {  	[bflag:$0x0] =	sbarrier.arrive $0xFFFF;
	s25 =	sor.u32 $0x1C03, s25;
	(pc) =	sbr.rel @p0 .LBB2_1-.Ltmp3, $4  }
0x8d: {  	[hbm:s10], [sflag:s25] =	dma.local [spmem:s24], $0x1400  }
0x8e: {  	_ =	swait.ge [sflag:s18], $0x1400  }
0x8f: {  	[sflag:s18] =	ssyncset.done $0x0  }
0x90: {  	[sflag:s18] =	ssyncadd.s32 $0xFFFFEC00  }
0x91: {  	_ =	sfence.sel $0x180000  }
0x92: {  	[bflag:$0x0] =	sbarrier.arrive $0xFFFF  }
0x93: {  	p0 =	sne.s32 s3, $0x0;
	_ =	strace $0x90000047  }
0x94: {  	s0 =	sadd.s32 @!p0 $0x100000, s0;
	[bflag:$0x2] =	sbarrier.arrive $0xFFFF  }
0x95: {  	[sflag:s0] =	ssyncadd.tile.s32 @!p0 $0x1;
	_ =	shalt  }
.Lfunc_end2:
_tile_overlayer_lowered:
.L_overlay_start_2:
0x96: {  	(tag) =	ssettag $0x2  }
0x97: {  	s0 =	rddreg [dreg:$0x0];
	s2 =	stileid.u32  }
0x98: {  	s1 =	rddreg [dreg:$0x1];
	p0 =	sne.s32 s2, $0x0  }
0x99: {  	s3 =	rddreg [dreg:$0x2];
	[bflag:$0x3] =	sbarrier.arrive $0xFFFF;
	s2 =	simm.s32 @!p0 $0x1C03  }
0x9a: {  	[timem:s3], [sflag:s2] =	dma.local @!p0 [hbm:s0], s1  }
0x9b: {  	s0 =	simm.s32 @!p0 $0x3  }
0x9c: {  	_ =	swait.ge @!p0 [sflag:s0], s1  }
0x9d: {  	s1 =	ssub.s32 @!p0 $0x0, s1;
	[sflag:s0] =	ssyncset.done @!p0 $0x0  }
0x9e: {  	[sflag:s0] =	ssyncadd.s32 @!p0 s1  }
0x9f: {  	[bflag:$0x3] =	sbarrier.arrive $0xFFFF  }
0xa0: {  	_ =	shalt  }

// kernel: sparse-core-data-format-call.cloned.1.call-start
scs
called_computation_lowered:
.L_overlay_start_0:
0x0: {  	s1 =	sld [smem:$0x3FD9]  }
0x1: {  	s2 =	sld [smem:$0x3FFE];
	_ =	sdelay $0x1  }
0x2: {  	s3 =	srdreg.scid  }
0x3: {  	s0 =	sand.u32 $0x1, s3  }
0x4: {  	s17 =	sshll.u32 s0, $0xA;
	s1 =	sadd.s32 s2, s1  }
0x5: {  	s1 =	sadd.s32 s1, s17  }
0x6: {  	[smem:$0x3FB7] =	sst s1  }
0x7: {  	_ = 	snop  }
0x8: {  	(tm) =	ssettm $0x1  }
0x9: {  	s18 =	sld [smem:$0x3FFB];
	_ =	sdelay $0x3  }
0xa: {  	_ =	strace s18  }
0xb: {  	s1 =	sld [smem:$0x3FFC];
	_ =	sdelay $0x3  }
0xc: {  	_ =	strace s1  }
0xd: {  	s1 =	sld [smem:$0x3FFD];
	_ =	sdelay $0x3  }
0xe: {  	_ =	strace s1  }
0xf: {  	_ =	strace $0x8FFFFFFF  }
0x10: {  	s19 =	sld [smem:$0x3FDB];
	_ =	sdelay $0x1  }
0x11: {  	s20 =	simm.s32 $_scs_section_size  }
0x12: {  	s4 =	simm.s32 $_size__tile_overlayer_lowered;
	s5 =	simm.s32 $_tile_overlayer_lowered  }
0x13: {  	s23 =	simm.s32 $0x1BFF;
	s22 =	sshll.u32 s5, $0x1;
	s1 =	sadd.s32 s20, s19  }
0x14: {  	s6 =	simm.s32 $0x0;
	s21 =	sshll.u32 s4, $0x1;
	s4 =	sadd.s32 s22, s1  }
0x15: {  	[timem:s6], [sflag:s23] =	dma.local [hbm:s4], s21  }
0x16: {  	_ =	swait.ge [sflag:s23], s21  }
0x17: {  	s2 =	ssub.s32 $0x0, s21;
	[sflag:s23] =	ssyncset.done $0x0  }
0x18: {  	[sflag:s23] =	ssyncadd.s32 s2;
	_ =	sdelay $0x1  }
0x19: {  	s24 =	simm.s32 $0x1B8B  }
0x1a: {  	_ =	swait.ge [sflag:s24], $0x1  }
0x1b: {  	[sflag:s24] =	ssyncset.done $0x0  }
0x1c: {  	s26 =	simm.s32 $0x1B8E;
	s25 =	sld [smem:$0x3FFE];
	[sflag:s24] =	ssyncadd.s32 $0xFFFFFFFF  }
0x1d: {  	s27 =	simm.s32 $execute0_lowered;
	[smem:$0x3FD2] =	sst s26  }
0x1e: {  	s4 =	sshll.u32 s27, $0x1;
	_ =	strace $0x80000049;
	[dreg:$0x1] =	wrdreg $0xFFFFFFFF  }
0x1f: {  	s28 =	simm.s32 $_size_execute0_lowered;
	s1 =	sadd.s32 s1, s4;
	[dreg:$0x0] =	wrdreg $0x0  }
0x20: {  	s4 =	sshll.u32 s28, $0x1;
	[dreg:$0x2] =	wrdreg s1  }
0x21: {  	[dreg:$0x3] =	wrdreg s4  }
0x22: {  	[dreg:$0x4] =	wrdreg $0xC0  }
0x23: {  	_ =	task [dreg:s6], $0x5FFFF  }
0x24: {  	[dreg:$0x1] =	wrdreg $0xFFFFFFFF  }
0x25: {  	[dreg:$0x0] =	wrdreg $0x60  }
0x26: {  	[dreg:$0x2] =	wrdreg s25  }
0x27: {  	[dreg:$0x3] =	wrdreg $0x9  }
0x28: {  	_ =	task.clear_ibuf [dreg:s6], $0x4FFFF;
	_ =	strace $0x90000049  }
0x29: {  	s29 =	simm.s32 $0x9;
	_ =	strace $0x8000004B  }
0x2a: {  	_ =	swait.ge [sflag:s29], $0x1  }
0x2b: {  	[sflag:s29] =	ssyncadd.s32 $0xFFFFFFFF  }
0x2c: {  	_ =	strace $0x9000004B  }
0x2d: {  	_ =	sfence  }
0x2e: {  	s30 =	sld [smem:$0x0];
	_ =	sdelay $0x2  }
0x2f: {  	s31 =	sshll.u32 s3, $0xD;
	s3 =	sshrl.u32 s3, $0x2  }
0x30: {  	s2 =	sand.u32 $0x4000, s31;
	s1 =	sadd.s32 s3, s30  }
0x31: {  	s0 =	sor.u32 s2, s0;
	s1 =	sshll.u32 s1, $0x11  }
0x32: {  	s0 =	sor.u32 s1, s0  }
0x33: {  	s0 =	sadd.s32 $0x8F2B, s0  }
0x34: {  	[sflag:s0] =	ssyncadd.remote.s32 $0x1  }
0x35: {  	_ =	sfence.sel $0xFFFF  }
0x36: {  	[dreg:$0x0] =	wrdreg $0xFFFFFFFF;
	(pc) =	sbr.abs _section_cstart, $3  }
0x37: {  	[dreg:$0x1] =	wrdreg $0xFFFFFFFF  }
0x38: {  	_ =	task.clear_ibuf [dreg:s6], $0x2FFFF;
	_ =	strace $0x9FFFFFFF  }
0x39: {  	(tm) =	ssettm $0x7FFFFFFF  }
tec
execute0_lowered:
.L_overlay_start_1:
0x0: {  	(tag) =	ssettag $0x1  }
0x1: {  	s0 =	srdreg.scid  }
0x2: {  	s1 =	sshll.u32 s0, $0x4  }
0x3: {  	s4 =	rddreg [dreg:$0x0];
	s0 =	stileid.u32;
	s1 =	sand.u32 $0x10, s1  }
0x4: {  	s7 =	simm.s32 $0x1;
	s8 =	simm.s32 $0x2;
	s2 =	sor.u32 s0, s1  }
0x5: {  	s9 =	simm.s32 $0x0;
	s12 =	simm.s32 $0x0;
	s2 =	sshll.u32 s2, $0x1  }
0x6: {  	s11 =	simm.s32 $0x0;
	s3 =	sadd.s32 $0x1BA800, s4;
	s6 =	ssub.s32 $0x9C4, s2  }
.Ltmp0:
0x7: {  	s4 =	sadd.s32 $0x42B800, s4;
	s5 =	sand.u32 $0x3E, s6;
	(pc) =	sbr.rel .LBB1_1-.Ltmp0, $4  }
0x8: {  	s1 =	rddreg [dreg:$0x1];
	_ =	strace $0x8000004A;
	p0 =	sne.s32 s5, $0x0  }
0x9: {  	s6 =	sshrl.u32 s6, $0x6;
	s5 =	simm.s32 $0x1;
	s7 =	simm.s32 @!p0 $0x0  }
0xa: {  	s10 =	smov.u32 s2;
	[sflag:s5] =	ssyncpa.u1 $0x0;
	s6 =	sadd.s32 s7, s6  }
0xb: {  	[sflag:s8] =	ssyncpa.u1 $0x0;
	s8 =	simm.s32 $0x0;
	s7 =	sadd.s32 $0x1, s6  }
.LBB1_9:
0xc: {  	s14 =	sadd.s32 $0x40, s10  }
0xd: {  	p1 =	sgt.s32 s14, $0x9C3  }
0xe: {  	s14 =	smov.u32 @p1 s2;
	p1 =	sne.s32 s11, s7  }
.Ltmp1:
0xf: {  	p0 =	slt.u32 s11, $0x2;
	(pc) =	sbr.rel @!p1 .LBB1_10-.Ltmp1, $4  }
0x10: {  	s13 =	simm.s32 @!p0 $0x2  }
0x11: {  	s15 =	sadd.s32 $0x1, s11;
	_ =	swait.ge @!p0 [sflag:s13], $0x4000  }
0x12: {  	s12 =	smov.u32 s10;
	s9 =	sadd.s32 $0x4000, s9;
	[sflag:s13] =	ssyncset.done @!p0 $0x0  }
0x13: {  	s11 =	smov.u32 s15;
	s10 =	smov.u32 s14;
	[sflag:s13] =	ssyncadd.s32 @!p0 $0xFFFFC000  }
.LBB1_1:
0x14: {  	p0 =	sge.u32 s11, s6  }
0x15: {  	s13 =	sxor.u32 @!p0 $0xFFFFFFFF, s11  }
0x16: {  	s31 =	sadd.s32 $0xFFFFFFFF, s11;
	s14 =	sshll.u32 @!p0 s10, $0xA;
	s13 =	sshll.u32 @!p0 s13, $0xE  }
0x17: {  	s15 =	simm.s32 @!p0 $0x0;
	s14 =	sadd.s32 @!p0 s3, s14;
	s13 =	sand.u32 @!p0 $0x4000, s13  }
0x18: {  	[tilespmem:s13], [sflag:$0x1] =	stream.linear.gather @!p0 [hbm4b:s14+s15], $0x4000, $0x38;
	[tilespmem:$0x10000] =	vst v63  }
0x19: {  	p0 =	sge.u32 s31, s6  }
.Ltmp2:
0x1a: {  	_ = 	snop;
	(pc) =	sbr.rel @p0 .LBB1_9-.Ltmp2, $1  }
0x1b: {  	_ =	sdelay $0x3  }
0x1c: {  	s13 =	sshll.u32 s9, $0x2  }
0x1d: {  	_ =	swait.ge [sflag:s5], $0x4000;
	s14 =	sshll.u32 s11, $0xE;
	s16 =	simm.s32 $0x0  }
0x1e: {  	p1 =	por $0x1, $0x1;
	s13 =	sand.u32 $0x10000, s13;
	[sflag:s5] =	ssyncset.done $0x0  }
0x1f: {  	s14 =	sand.u32 $0x4000, s14;
	s15 =	sshrl.u32 s13, $0x2;
	[sflag:s5] =	ssyncadd.s32 $0xFFFFC000  }
0x20: {  	s13 =	sor.u32 $0x8000, s14;
	s14 =	sadd.s32 $0x8040, s15;
	s15 =	sadd.s32 $0x40, s15  }
.LBB1_3:
0x21: {  	s16 =	sshll.u32 s16, $0x2  }
0x22: {  	p0 =	por p1, p1;
	s17 =	sshra.s32 s16, $0x2  }
0x23: {  	s18 =	simm.s32 $0x0;
	s16 =	sadd.s32 s17, s14;
	s17 =	sadd.s32 s17, s15  }
.LBB1_4:
0x24: {  	v0 =	vmov s17;
	_ =	sdelay $0x3  }
0x25: {  	s20 =	simm.s32 $0x0  }
0x26: {  	v6 =	vld.idx.msk [tilespmem:v0+s20+$0x30 ss:$0x1], $0xffff  }
0x27: {  	v7 =	vld.idx.msk [tilespmem:v0+s20+$0xFFFFFFC0 ss:$0x1], $0xffff  }
0x28: {  	v5 =	vld.idx.msk [tilespmem:v0+s20+$0xFFFFFFD0 ss:$0x1], $0xffff  }
0x29: {  	v4 =	vld.idx.msk [tilespmem:v0+s20+$0xFFFFFFE0 ss:$0x1], $0xffff  }
0x2a: {  	v3 =	vld.idx.msk [tilespmem:v0+s20+$0xFFFFFFF0 ss:$0x1], $0xffff  }
0x2b: {  	v1 =	vld.idx.msk [tilespmem:v0+s20+$0x0 ss:$0x1], $0xffff  }
0x2c: {  	v2 =	vld.idx.msk [tilespmem:v0+s20+$0x10 ss:$0x1], $0xffff;
	[tilespmem:s16+$0x30] =	vst v6  }
0x2d: {  	s19 =	simm.s32 $0x80;
	s21 =	simm.s32 $0x400;
	[tilespmem:s16+$0xFFFFFFC0] =	vst v7;
	v6 =	vld.idx.msk [tilespmem:v0+s20+$0x20 ss:$0x1], $0xffff;
	s20 =	smov.u32 s16  }
.LBB1_5:
0x2e: {  	p1 =	sne.s32 s21, $0xE00;
	v7 =	vld.idx.msk [tilespmem:v0+s19+$0x30 ss:$0x1], $0xffff;
	[tilespmem:s20+$0xFFFFFFD0] =	vst v5  }
0x2f: {  	v8 =	vld.idx.msk [tilespmem:v0+s19+$0xFFFFFFC0 ss:$0x1], $0xffff;
	[tilespmem:s20+$0xFFFFFFE0] =	vst v4  }
0x30: {  	v5 =	vld.idx.msk [tilespmem:v0+s19+$0xFFFFFFD0 ss:$0x1], $0xffff;
	[tilespmem:s20+$0xFFFFFFF0] =	vst v3  }
.Ltmp3:
0x31: {  	v4 =	vld.idx.msk [tilespmem:v0+s19+$0xFFFFFFE0 ss:$0x1], $0xffff;
	[tilespmem:s20+$0x0] =	vst v1;
	(pc) =	sbr.rel @p1 .LBB1_5-.Ltmp3, $4  }
0x32: {  	v3 =	vld.idx.msk [tilespmem:v0+s19+$0xFFFFFFF0 ss:$0x1], $0xffff;
	[tilespmem:s20+$0x10] =	vst v2  }
0x33: {  	v1 =	vld.idx.msk [tilespmem:v0+s19+$0x0 ss:$0x1], $0xffff;
	[tilespmem:s20+$0x20] =	vst v6;
	s20 =	sadd.s32 $0x400, s20  }
0x34: {  	v2 =	vld.idx.msk [tilespmem:v0+s19+$0x10 ss:$0x1], $0xffff;
	[tilespmem:s20+$0x30] =	vst v7  }
0x35: {  	[tilespmem:s20+$0xFFFFFFC0] =	vst v8;
	v6 =	vld.idx.msk [tilespmem:v0+s19+$0x20 ss:$0x1], $0xffff;
	s19 =	sshra.s32 s21, $0x2;
	s21 =	sadd.s32 $0x200, s21  }
0x36: {  	_ =	sdelay $0x2  }
0x37: {  	[tilespmem:s20+$0xFFFFFFD0] =	vst v5  }
0x38: {  	v56 =	vld.idx.msk [tilespmem:v0+s19+$0x30 ss:$0x1], $0xffff;
	[tilespmem:s20+$0xFFFFFFE0] =	vst v4  }
0x39: {  	v57 =	vld.idx.msk [tilespmem:v0+s19+$0xFFFFFFC0 ss:$0x1], $0xffff;
	[tilespmem:s20+$0xFFFFFFF0] =	vst v3  }
0x3a: {  	v58 =	vld.idx.msk [tilespmem:v0+s19+$0xFFFFFFD0 ss:$0x1], $0xffff;
	[tilespmem:s20+$0x0] =	vst v1  }
0x3b: {  	v59 =	vld.idx.msk [tilespmem:v0+s19+$0xFFFFFFE0 ss:$0x1], $0xffff;
	[tilespmem:s20+$0x10] =	vst v2  }
0x3c: {  	v60 =	vld.idx.msk [tilespmem:v0+s19+$0xFFFFFFF0 ss:$0x1], $0xffff;
	s31 =	sadd.s32 $0x400, s20;
	[tilespmem:s20+$0x20] =	vst v6  }
0x3d: {  	v61 =	vld.idx.msk [tilespmem:v0+s19+$0x0 ss:$0x1], $0xffff;
	[tilespmem:s31+$0x30] =	vst v56  }
0x3e: {  	v62 =	vld.idx.msk [tilespmem:v0+s19+$0x10 ss:$0x1], $0xffff;
	s18 =	sadd.s32 $0x1, s18;
	[tilespmem:s31+$0xFFFFFFC0] =	vst v57  }
0x3f: {  	v63 =	vld.idx.msk [tilespmem:v0+s19+$0x20 ss:$0x1], $0xffff;
	p1 =	sne.s32 s18, $0x8;
	[tilespmem:s31+$0xFFFFFFD0] =	vst v58  }
.Ltmp4:
0x40: {  	[tilespmem:s31+$0xFFFFFFE0] =	vst v59;
	(pc) =	sbr.rel @p1 .LBB1_4-.Ltmp4, $4  }
0x41: {  	[tilespmem:s31+$0xFFFFFFF0] =	vst v60  }
0x42: {  	[tilespmem:s31+$0x0] =	vst v61  }
0x43: {  	[tilespmem:s31+$0x10] =	vst v62  }
0x44: {  	s16 =	sadd.s32 $0x80, s16;
	s17 =	sadd.s32 $0x400, s17;
	[tilespmem:s31+$0x20] =	vst v63  }
.Ltmp5:
0x45: {  	(pc) =	sbr.rel @p0 .LBB1_3-.Ltmp5, $2  }
0x46: {  	_ =	sdelay $0x2  }
0x47: {  	s16 =	simm.s32 $0x2000;
	p1 =	por $0x0, $0x0  }
.Ltmp6:
0x48: {  	(pc) =	sbr.rel .LBB1_9-.Ltmp6, $4  }
0x49: {  	_ = 	snop  }
0x4a: {  	s12 =	sshll.u32 s12, $0xA  }
0x4b: {  	s12 =	sadd.s32 s4, s12  }
0x4c: {  	[hbm4b:s12+s8] =	stream.linear.scatter [tilespmem:s13], [sflag:$0x2], $0x4000, $0x38;
	[tilespmem:$0x10000] =	vst v63  }
.LBB1_10:
0x4d: {  	_ =	sfence.sel $0x180000  }
0x4e: {  	s2 =	simm.s32 $0x1;
	[bflag:$0x0] =	sbarrier.arrive $0xFFFF  }
0x4f: {  	s31 =	simm.s32 $0x2;
	[sflag:s2] =	ssyncpa.u1 $0x1  }
0x50: {  	[sflag:s31] =	ssyncpa.u1 $0x1  }
0x51: {  	p0 =	sne.s32 s0, $0x0;
	_ =	strace $0x9000004A  }
0x52: {  	s0 =	sadd.s32 @!p0 $0x100000, s1;
	[bflag:$0x2] =	sbarrier.arrive $0xFFFF  }
0x53: {  	[sflag:s0] =	ssyncadd.tile.s32 @!p0 $0x1;
	_ =	shalt  }
.Lfunc_end1:
_tile_overlayer_lowered:
.L_overlay_start_2:
0x54: {  	(tag) =	ssettag $0x2  }
0x55: {  	s0 =	rddreg [dreg:$0x0];
	s2 =	stileid.u32  }
0x56: {  	s1 =	rddreg [dreg:$0x1];
	p0 =	sne.s32 s2, $0x0  }
0x57: {  	s3 =	rddreg [dreg:$0x2];
	[bflag:$0x3] =	sbarrier.arrive $0xFFFF;
	s2 =	simm.s32 @!p0 $0x1C01  }
0x58: {  	[timem:s3], [sflag:s2] =	dma.local @!p0 [hbm:s0], s1  }
0x59: {  	s0 =	simm.s32 @!p0 $0x1  }
0x5a: {  	_ =	swait.ge @!p0 [sflag:s0], s1  }
0x5b: {  	s1 =	ssub.s32 @!p0 $0x0, s1;
	[sflag:s0] =	ssyncset.done @!p0 $0x0  }
0x5c: {  	[sflag:s0] =	ssyncadd.s32 @!p0 s1  }
0x5d: {  	[bflag:$0x3] =	sbarrier.arrive $0xFFFF  }
0x5e: {  	_ =	shalt  }

</sc_bundles>
